<compile_context>
chip_gen: v7x
topology: tpu7x:2x2x1
jax: 0.10.2.dev20260603
libtpu: 0.0.44.dev20260713+nightly
codegen_flags: <defaults>
</compile_context>

<pallas_src>
import functools

import jax
import jax.numpy as jnp
from jax import lax
from jax.experimental import pallas as pl
from jax.experimental.pallas import tpu as pltpu
from jax.experimental.pallas import tpu_sc as plsc

N = 10000
E = 320000
NHID = 128
NCLASS = 40
D2P = 128
BN_EPS = 1e-5

NC = 2
NS = 16
NW = NC * NS
L = 16
NP = 10240
STRIPE = NP // NS
K = 128
CH = 80
CHB = 8
NB = CH // CHB
PER_W = CH * K
E_PAD = NW * PER_W

_SC_MESH = dict(
    mesh=plsc.VectorSubcoreMesh(core_axis_name="c", subcore_axis_name="s"),
)


def _make_prop(D):
    def body(hs_hbm, srcp_hbm, dstp_hbm, zero_hbm, out_hbm,
             sA, dA, sB, dB, b0, b1, acc, g0, g1, iA, iB):
        c = lax.axis_index("c")
        s = lax.axis_index("s")
        w = s * NC + c
        for z in range(STRIPE // K):
            pltpu.async_copy(zero_hbm, acc.at[pl.ds(s * STRIPE + z * K, K)], iA)
        for z in range(STRIPE // K):
            pltpu.make_async_copy(zero_hbm,
                                  acc.at[pl.ds(s * STRIPE + z * K, K)],
                                  iA).wait()
        plsc.subcore_barrier()

        def idx_issue(bi, sv, dv, isem):
            pltpu.async_copy(srcp_hbm.at[w].at[pl.ds(bi * CHB, CHB)], sv, isem)
            pltpu.async_copy(dstp_hbm.at[w].at[pl.ds(bi * CHB, CHB)], dv, isem)

        def idx_wait(bi, sv, dv, isem):
            pltpu.make_async_copy(srcp_hbm.at[w].at[pl.ds(bi * CHB, CHB)],
                                  sv, isem).wait()
            pltpu.make_async_copy(dstp_hbm.at[w].at[pl.ds(bi * CHB, CHB)],
                                  dv, isem).wait()

        pltpu.sync_copy(srcp_hbm.at[w].at[pl.ds(0, CHB)], sA)
        pltpu.sync_copy(dstp_hbm.at[w].at[pl.ds(0, CHB)], dA)
        pltpu.async_copy(hs_hbm.at[sA.at[0]], b0, g0)
        pltpu.async_copy(hs_hbm.at[sA.at[1]], b1, g1)

        def do_block(bi, srcv, dstv, nsv, ndv, nisem):
            @pl.when(bi + 1 < NB)
            def _():
                idx_issue(bi + 1, nsv, ndv, nisem)

            for ci in range(CHB):
                buf, sem = (b0, g0) if ci % 2 == 0 else (b1, g1)
                pltpu.make_async_copy(hs_hbm.at[srcv.at[ci]], buf, sem).wait()
                pltpu.sync_copy(buf, acc.at[dstv.at[ci]], add=True)
                if ci + 2 < CHB:
                    pltpu.async_copy(hs_hbm.at[srcv.at[ci + 2]], buf, sem)
                elif ci == CHB - 2:
                    @pl.when(bi + 1 < NB)
                    def _(buf=buf, sem=sem):
                        idx_wait(bi + 1, nsv, ndv, nisem)
                        pltpu.async_copy(hs_hbm.at[nsv.at[0]], buf, sem)
                else:
                    @pl.when(bi + 1 < NB)
                    def _(buf=buf, sem=sem):
                        pltpu.async_copy(hs_hbm.at[nsv.at[1]], buf, sem)

        def pair_body(pi, carry):
            do_block(pi * 2, sA, dA, sB, dB, iB)
            do_block(pi * 2 + 1, sB, dB, sA, dA, iA)
            return carry

        lax.fori_loop(0, NB // 2, pair_body, 0)
        plsc.subcore_barrier()
        pltpu.sync_copy(acc.at[pl.ds(s * STRIPE, STRIPE)],
                        out_hbm.at[c].at[pl.ds(s * STRIPE, STRIPE)])

    return pl.kernel(
        body,
        out_type=jax.ShapeDtypeStruct((NC, NP, D), jnp.float32),
        scratch_types=[
            pltpu.VMEM((CHB, K), jnp.int32),
            pltpu.VMEM((CHB, K), jnp.int32),
            pltpu.VMEM((CHB, K), jnp.int32),
            pltpu.VMEM((CHB, K), jnp.int32),
            pltpu.VMEM((K, D), jnp.float32),
            pltpu.VMEM((K, D), jnp.float32),
            pltpu.VMEM_SHARED((NP, D), jnp.float32),
            pltpu.SemaphoreType.DMA,
            pltpu.SemaphoreType.DMA,
            pltpu.SemaphoreType.DMA,
            pltpu.SemaphoreType.DMA,
        ],
        **_SC_MESH,
    )


_sc_prop128 = _make_prop(NHID)

DEGW = 128


def _deg_body(dstp_hbm, ones_hbm, zero_hbm, out_hbm, dA, dB, onesv, acc,
              iA, iB):
    c = lax.axis_index("c")
    s = lax.axis_index("s")
    w = s * NC + c
    pltpu.sync_copy(ones_hbm, onesv)
    for z in range(STRIPE // K):
        pltpu.async_copy(zero_hbm, acc.at[pl.ds(s * STRIPE + z * K, K)], iA)
    for z in range(STRIPE // K):
        pltpu.make_async_copy(zero_hbm,
                              acc.at[pl.ds(s * STRIPE + z * K, K)], iA).wait()
    plsc.subcore_barrier()

    def idx_issue(bi, dv, isem):
        pltpu.async_copy(dstp_hbm.at[w].at[pl.ds(bi * CHB, CHB)], dv, isem)

    def idx_wait(bi, dv, isem):
        pltpu.make_async_copy(dstp_hbm.at[w].at[pl.ds(bi * CHB, CHB)],
                              dv, isem).wait()

    pltpu.sync_copy(dstp_hbm.at[w].at[pl.ds(0, CHB)], dA)

    def do_block(bi, dstv, nd, nisem):
        @pl.when(bi + 1 < NB)
        def _():
            idx_issue(bi + 1, nd, nisem)

        for ci in range(CHB):
            if ci == CHB - 1:
                @pl.when(bi + 1 < NB)
                def _():
                    idx_wait(bi + 1, nd, nisem)
            pltpu.sync_copy(onesv, acc.at[dstv.at[ci]], add=True)

    def pair_body(pi, carry):
        do_block(pi * 2, dA, dB, iB)
        do_block(pi * 2 + 1, dB, dA, iA)
        return carry

    lax.fori_loop(0, NB // 2, pair_body, 0)
    plsc.subcore_barrier()
    pltpu.sync_copy(acc.at[pl.ds(s * STRIPE, STRIPE)],
                    out_hbm.at[c].at[pl.ds(s * STRIPE, STRIPE)])


_sc_deg = pl.kernel(
    _deg_body,
    out_type=jax.ShapeDtypeStruct((NC, NP, DEGW), jnp.float32),
    scratch_types=[
        pltpu.VMEM((CHB, K), jnp.int32),
        pltpu.VMEM((CHB, K), jnp.int32),
        pltpu.VMEM((K, DEGW), jnp.float32),
        pltpu.VMEM_SHARED((NP, DEGW), jnp.float32),
        pltpu.SemaphoreType.DMA,
        pltpu.SemaphoreType.DMA,
    ],
    **_SC_MESH,
)


RB = 1000
GRID = N // RB


def _dinv_body(dp_ref, o_ref):
    deg = dp_ref[0] + dp_ref[1]
    o_ref[...] = lax.rsqrt(deg[:, 0:1] + 1.0)


def _tc_dinv(deg_parts):
    return pl.pallas_call(
        _dinv_body,
        out_shape=jax.ShapeDtypeStruct((NP, 1), jnp.float32),
    )(deg_parts)


def _mm_body(x_ref, w_ref, dv_ref, o_ref):
    h = jnp.dot(x_ref[...], w_ref[...], preferred_element_type=jnp.float32)
    o_ref[...] = h * dv_ref[...]


def _tc_mm_scale(x, W, dinv):
    F, D = W.shape
    return pl.pallas_call(
        _mm_body,
        grid=(GRID,),
        in_specs=[
            pl.BlockSpec((RB, F), lambda i: (i, 0)),
            pl.BlockSpec((F, D), lambda i: (0, 0)),
            pl.BlockSpec((RB, 1), lambda i: (i, 0)),
        ],
        out_specs=pl.BlockSpec((RB, D), lambda i: (i, 0)),
        out_shape=jax.ShapeDtypeStruct((N, D), jnp.float32),
    )(x, W, dinv)


def _comb_body(p0_ref, p1_ref, hs_ref, dv_ref, b_ref, t_ref, st_ref):
    i = pl.program_id(0)
    t = (p0_ref[0] + p1_ref[0] + hs_ref[...]) * dv_ref[...] + b_ref[...]
    t_ref[...] = t
    s1 = jnp.sum(t, axis=0, keepdims=True)
    s2 = jnp.sum(t * t, axis=0, keepdims=True)
    st = jnp.concatenate([s1, s2], axis=0)

    @pl.when(i == 0)
    def _():
        st_ref[...] = st

    @pl.when(i > 0)
    def _():
        st_ref[...] += st


def _tc_combine(p, hs, dinv, b):
    D = hs.shape[1]
    return pl.pallas_call(
        _comb_body,
        grid=(GRID,),
        in_specs=[
            pl.BlockSpec((1, RB, D), lambda i: (0, i, 0)),
            pl.BlockSpec((1, RB, D), lambda i: (1, i, 0)),
            pl.BlockSpec((RB, D), lambda i: (i, 0)),
            pl.BlockSpec((RB, 1), lambda i: (i, 0)),
            pl.BlockSpec((1, D), lambda i: (0, 0)),
        ],
        out_specs=[
            pl.BlockSpec((RB, D), lambda i: (i, 0)),
            pl.BlockSpec((2, D), lambda i: (0, 0)),
        ],
        out_shape=[
            jax.ShapeDtypeStruct((N, D), jnp.float32),
            jax.ShapeDtypeStruct((2, D), jnp.float32),
        ],
    )(p, p, hs, dinv, b)


def _comb_final_body(p0_ref, p1_ref, hs_ref, dv_ref, b_ref, t_ref):
    t_ref[...] = (p0_ref[0] + p1_ref[0] + hs_ref[...]) * dv_ref[...] + b_ref[...]


def _tc_combine_final(p, hs, dinv, b):
    D = hs.shape[1]
    return pl.pallas_call(
        _comb_final_body,
        grid=(GRID,),
        in_specs=[
            pl.BlockSpec((1, RB, D), lambda i: (0, i, 0)),
            pl.BlockSpec((1, RB, D), lambda i: (1, i, 0)),
            pl.BlockSpec((RB, D), lambda i: (i, 0)),
            pl.BlockSpec((RB, 1), lambda i: (i, 0)),
            pl.BlockSpec((1, D), lambda i: (0, 0)),
        ],
        out_specs=pl.BlockSpec((RB, D), lambda i: (i, 0)),
        out_shape=jax.ShapeDtypeStruct((N, D), jnp.float32),
    )(p, p, hs, dinv, b)


def _bn_mm_body(st_ref, t_ref, g_ref, be_ref, w_ref, dv_ref, o_ref):
    s1 = st_ref[0:1, :]
    s2 = st_ref[1:2, :]
    mean = s1 * (1.0 / N)
    var = s2 * (1.0 / N) - mean * mean
    inv = lax.rsqrt(var + BN_EPS)
    a = g_ref[...] * inv
    cc = be_ref[...] - mean * a
    h = jnp.maximum(t_ref[...] * a + cc, 0.0)
    o_ref[...] = jnp.dot(h, w_ref[...], preferred_element_type=jnp.float32) * dv_ref[...]


def _tc_bn_mm(st, t, g, be, W, dinv):
    F, D = W.shape
    return pl.pallas_call(
        _bn_mm_body,
        grid=(GRID,),
        in_specs=[
            pl.BlockSpec((2, F), lambda i: (0, 0)),
            pl.BlockSpec((RB, F), lambda i: (i, 0)),
            pl.BlockSpec((1, F), lambda i: (0, 0)),
            pl.BlockSpec((1, F), lambda i: (0, 0)),
            pl.BlockSpec((F, D), lambda i: (0, 0)),
            pl.BlockSpec((RB, 1), lambda i: (i, 0)),
        ],
        out_specs=pl.BlockSpec((RB, D), lambda i: (i, 0)),
        out_shape=jax.ShapeDtypeStruct((N, D), jnp.float32),
    )(st, t, g, be, W, dinv)


def kernel(x, edge_idx, W0, b0, g0, be0, W1, b1, g1, be1, W2, b2):
    src = edge_idx[0]
    dst = edge_idx[1]
    pad = E_PAD - E
    srcp = jnp.concatenate([src, jnp.zeros((pad,), jnp.int32)]).reshape(NW, CH, K)
    dstp = jnp.concatenate([dst, jnp.full((pad,), NP - 1, jnp.int32)]).reshape(NW, CH, K)
    zero128 = jnp.zeros((K, NHID), jnp.float32)
    ones_blk = jnp.ones((K, DEGW), jnp.float32)
    zero_blk = jnp.zeros((K, DEGW), jnp.float32)

    deg_parts = _sc_deg(dstp, ones_blk, zero_blk)
    dinv = _tc_dinv(deg_parts)

    hs0 = _tc_mm_scale(x, W0, dinv)
    p0 = _sc_prop128(hs0, srcp, dstp, zero128)
    t0, st0 = _tc_combine(p0, hs0, dinv, b0.reshape(1, -1))

    hs1 = _tc_bn_mm(st0, t0, g0.reshape(1, -1), be0.reshape(1, -1), W1, dinv)
    p1 = _sc_prop128(hs1, srcp, dstp, zero128)
    t1, st1 = _tc_combine(p1, hs1, dinv, b1.reshape(1, -1))

    W2p = jnp.pad(W2, ((0, 0), (0, D2P - NCLASS)))
    b2p = jnp.pad(b2, (0, D2P - NCLASS)).reshape(1, -1)
    hs2 = _tc_bn_mm(st1, t1, g1.reshape(1, -1), be1.reshape(1, -1), W2p, dinv)
    p2 = _sc_prop128(hs2, srcp, dstp, zero128)
    out = _tc_combine_final(p2, hs2, dinv, b2p)

    return out[:, :NCLASS]

# --- scband reference (transcript-rebuilt; emitter-appended) ---
"""Pipeline reference for scband-gnnthr-90151363543773 (READ-ONLY COPY).

The authoritative reference and input builder live on the scoring server;
editing this copy changes nothing except your own understanding.
"""

import jax, jax.numpy as jnp
import numpy as np

N = 10000
E = 320000
NFEAT = 128
NHID = 128
NCLASS = 40
BN_EPS = 1e-5


def setup_inputs(seed: int = 0) -> dict:
    key = jax.random.key(seed)
    ks = jax.random.split(key, 14)
    x = jax.random.normal(ks[0], (N, NFEAT), dtype=jnp.float32)
    edge_idx = jax.random.randint(ks[1], (2, E), 0, N, dtype=jnp.int32)
    def glorot(k, fi, fo):
        lim = np.sqrt(6.0 / (fi + fo)).astype(np.float32)
        return jax.random.uniform(k, (fi, fo), dtype=jnp.float32, minval=-lim, maxval=lim)
    W0 = glorot(ks[2], NFEAT, NHID)
    b0 = jnp.zeros((NHID,), dtype=jnp.float32)
    g0 = jnp.ones((NHID,), dtype=jnp.float32)
    be0 = jnp.zeros((NHID,), dtype=jnp.float32)
    W1 = glorot(ks[3], NHID, NHID)
    b1 = jnp.zeros((NHID,), dtype=jnp.float32)
    g1 = jnp.ones((NHID,), dtype=jnp.float32)
    be1 = jnp.zeros((NHID,), dtype=jnp.float32)
    W2 = glorot(ks[4], NHID, NCLASS)
    b2 = jnp.zeros((NCLASS,), dtype=jnp.float32)
    return {"x": x, "edge_idx": edge_idx, "W0": W0, "b0": b0, "g0": g0, "be0": be0,
            "W1": W1, "b1": b1, "g1": g1, "be1": be1, "W2": W2, "b2": b2}


def _gcn_norm(edge_idx, n):
    # add self loops (diag=1.0) and compute symmetric normalization (rnorm=0.5)
    loops = jnp.arange(n, dtype=edge_idx.dtype)
    src = jnp.concatenate([edge_idx[0], loops])
    dst = jnp.concatenate([edge_idx[1], loops])
    ones = jnp.ones_like(dst, dtype=jnp.float32)
    deg = jax.ops.segment_sum(ones, dst, num_segments=n)
    dinv = jnp.where(deg > 0, deg ** -0.5, 0.0)
    norm = dinv[src] * dinv[dst]
    return src, dst, norm


def _gcn_conv(x, W, b, src, dst, norm, n):
    h = x @ W
    msg = h[src] * norm[:, None]
    out = jax.ops.segment_sum(msg, dst, num_segments=n)
    return out + b


def _batchnorm(h, g, be):
    mean = jnp.mean(h, axis=0)
    var = jnp.mean((h - mean) ** 2, axis=0)
    return g * (h - mean) / jnp.sqrt(var + BN_EPS) + be


def reference(x, edge_idx, W0, b0, g0, be0, W1, b1, g1, be1, W2, b2):
    n = x.shape[0]
    src, dst, norm = _gcn_norm(edge_idx, n)
    h = _gcn_conv(x, W0, b0, src, dst, norm, n)
    h = _batchnorm(h, g0, be0)
    h = jax.nn.relu(h)
    h = _gcn_conv(h, W1, b1, src, dst, norm, n)
    h = _batchnorm(h, g1, be1)
    h = jax.nn.relu(h)
    out = _gcn_conv(h, W2, b2, src, dst, norm, n)
    return out

if __name__ == "__main__":
    import jax
    _d = setup_inputs()
    print(jax.jit(kernel)(*tuple(_d.values())))

</pallas_src>

<mosaic_0001>
#map = affine_map<(d0, d1) -> (0, 0)>
#map1 = affine_map<(d0, d1) -> (0, 0, 0)>
module attributes {stable_mosaic.version = 14 : i64} {
  func.func @body(%arg0: i32, %arg1: i32, %arg2: memref<10000x128xf32, #tpu.memory_space<hbm>>, %arg3: memref<32x80x128xi32, #tpu.memory_space<hbm>>, %arg4: memref<32x80x128xi32, #tpu.memory_space<hbm>>, %arg5: memref<128x128xf32, #tpu.memory_space<hbm>>, %arg6: memref<2x10240x128xf32, #tpu.memory_space<hbm>>, %arg7: memref<8x128xi32, #tpu.memory_space<vmem>>, %arg8: memref<8x128xi32, #tpu.memory_space<vmem>>, %arg9: memref<8x128xi32, #tpu.memory_space<vmem>>, %arg10: memref<8x128xi32, #tpu.memory_space<vmem>>, %arg11: memref<128x128xf32, #tpu.memory_space<vmem>>, %arg12: memref<128x128xf32, #tpu.memory_space<vmem>>, %arg13: memref<10240x128xf32, #tpu.memory_space<vmem_shared>>, %arg14: memref<!tpu.dma_semaphore, #tpu.memory_space<semaphore_mem>>, %arg15: memref<!tpu.dma_semaphore, #tpu.memory_space<semaphore_mem>>, %arg16: memref<!tpu.dma_semaphore, #tpu.memory_space<semaphore_mem>>, %arg17: memref<!tpu.dma_semaphore, #tpu.memory_space<semaphore_mem>>) attributes {dimension_semantics = [#tpu.dimension_semantics<core_parallel>, #tpu.dimension_semantics<subcore_parallel>], iteration_bounds = array<i64: 2, 16>, scalar_prefetch = 0 : i64, scratch_operands = 11 : i64, tpu.core_type = #tpu.core_type<sc_vector_subcore>, window_params = [{transform_indices = #map}, {transform_indices = #map1}, {transform_indices = #map1}, {transform_indices = #map}, {transform_indices = #map1}]} {
    %mul3A = arith.constant 2 : i32
    %mul3A_0 = arith.muli %arg1, %mul3A : i32
    %add3A = arith.addi %mul3A_0, %arg0 : i32
    %mul3A_1 = arith.constant 640 : i32
    %mul3A_2 = arith.muli %arg1, %mul3A_1 : i32
    %add3A_3 = arith.constant 0 : i32
    %add3A_4 = arith.addi %mul3A_2, %add3A_3 : i32
    %dma_start3A = arith.constant 0 : i32
    %dma_start3A_5 = tpu.memref_slice %arg13[%add3A_4, %dma_start3A] : memref<10240x128xf32, #tpu.memory_space<vmem_shared>> -> memref<128x128xf32, #tpu.memory_space<vmem_shared>>
    tpu.enqueue_dma source(%arg5 : memref<128x128xf32, #tpu.memory_space<hbm>>) target(%dma_start3A_5 : memref<128x128xf32, #tpu.memory_space<vmem_shared>>) target_semaphore(%arg16 : memref<!tpu.dma_semaphore, #tpu.memory_space<semaphore_mem>>)
    %mul3A_6 = arith.constant 640 : i32
    %mul3A_7 = arith.muli %arg1, %mul3A_6 : i32
    %add3A_8 = arith.constant 128 : i32
    %add3A_9 = arith.addi %mul3A_7, %add3A_8 : i32
    %dma_start3A_10 = arith.constant 0 : i32
    %dma_start3A_11 = tpu.memref_slice %arg13[%add3A_9, %dma_start3A_10] : memref<10240x128xf32, #tpu.memory_space<vmem_shared>> -> memref<128x128xf32, #tpu.memory_space<vmem_shared>>
    tpu.enqueue_dma source(%arg5 : memref<128x128xf32, #tpu.memory_space<hbm>>) target(%dma_start3A_11 : memref<128x128xf32, #tpu.memory_space<vmem_shared>>) target_semaphore(%arg16 : memref<!tpu.dma_semaphore, #tpu.memory_space<semaphore_mem>>)
    %mul3A_12 = arith.constant 640 : i32
    %mul3A_13 = arith.muli %arg1, %mul3A_12 : i32
    %add3A_14 = arith.constant 256 : i32
    %add3A_15 = arith.addi %mul3A_13, %add3A_14 : i32
    %dma_start3A_16 = arith.constant 0 : i32
    %dma_start3A_17 = tpu.memref_slice %arg13[%add3A_15, %dma_start3A_16] : memref<10240x128xf32, #tpu.memory_space<vmem_shared>> -> memref<128x128xf32, #tpu.memory_space<vmem_shared>>
    tpu.enqueue_dma source(%arg5 : memref<128x128xf32, #tpu.memory_space<hbm>>) target(%dma_start3A_17 : memref<128x128xf32, #tpu.memory_space<vmem_shared>>) target_semaphore(%arg16 : memref<!tpu.dma_semaphore, #tpu.memory_space<semaphore_mem>>)
    %mul3A_18 = arith.constant 640 : i32
    %mul3A_19 = arith.muli %arg1, %mul3A_18 : i32
    %add3A_20 = arith.constant 384 : i32
    %add3A_21 = arith.addi %mul3A_19, %add3A_20 : i32
    %dma_start3A_22 = arith.constant 0 : i32
    %dma_start3A_23 = tpu.memref_slice %arg13[%add3A_21, %dma_start3A_22] : memref<10240x128xf32, #tpu.memory_space<vmem_shared>> -> memref<128x128xf32, #tpu.memory_space<vmem_shared>>
    tpu.enqueue_dma source(%arg5 : memref<128x128xf32, #tpu.memory_space<hbm>>) target(%dma_start3A_23 : memref<128x128xf32, #tpu.memory_space<vmem_shared>>) target_semaphore(%arg16 : memref<!tpu.dma_semaphore, #tpu.memory_space<semaphore_mem>>)
    %mul3A_24 = arith.constant 640 : i32
    %mul3A_25 = arith.muli %arg1, %mul3A_24 : i32
    %add3A_26 = arith.constant 512 : i32
    %add3A_27 = arith.addi %mul3A_25, %add3A_26 : i32
    %dma_start3A_28 = arith.constant 0 : i32
    %dma_start3A_29 = tpu.memref_slice %arg13[%add3A_27, %dma_start3A_28] : memref<10240x128xf32, #tpu.memory_space<vmem_shared>> -> memref<128x128xf32, #tpu.memory_space<vmem_shared>>
    tpu.enqueue_dma source(%arg5 : memref<128x128xf32, #tpu.memory_space<hbm>>) target(%dma_start3A_29 : memref<128x128xf32, #tpu.memory_space<vmem_shared>>) target_semaphore(%arg16 : memref<!tpu.dma_semaphore, #tpu.memory_space<semaphore_mem>>)
    %mul3A_30 = arith.constant 640 : i32
    %mul3A_31 = arith.muli %arg1, %mul3A_30 : i32
    %add3A_32 = arith.constant 0 : i32
    %add3A_33 = arith.addi %mul3A_31, %add3A_32 : i32
    %dma_wait3A = arith.constant 0 : i32
    %dma_wait3A_34 = tpu.memref_slice %arg13[%add3A_33, %dma_wait3A] : memref<10240x128xf32, #tpu.memory_space<vmem_shared>> -> memref<128x128xf32, #tpu.memory_space<vmem_shared>>
    tpu.wait_dma2 semaphore(%arg16 : memref<!tpu.dma_semaphore, #tpu.memory_space<semaphore_mem>>) src(%arg5 : memref<128x128xf32, #tpu.memory_space<hbm>>) dst(%dma_wait3A_34 : memref<128x128xf32, #tpu.memory_space<vmem_shared>>)
    %mul3A_35 = arith.constant 640 : i32
    %mul3A_36 = arith.muli %arg1, %mul3A_35 : i32
    %add3A_37 = arith.constant 128 : i32
    %add3A_38 = arith.addi %mul3A_36, %add3A_37 : i32
    %dma_wait3A_39 = arith.constant 0 : i32
    %dma_wait3A_40 = tpu.memref_slice %arg13[%add3A_38, %dma_wait3A_39] : memref<10240x128xf32, #tpu.memory_space<vmem_shared>> -> memref<128x128xf32, #tpu.memory_space<vmem_shared>>
    tpu.wait_dma2 semaphore(%arg16 : memref<!tpu.dma_semaphore, #tpu.memory_space<semaphore_mem>>) src(%arg5 : memref<128x128xf32, #tpu.memory_space<hbm>>) dst(%dma_wait3A_40 : memref<128x128xf32, #tpu.memory_space<vmem_shared>>)
    %mul3A_41 = arith.constant 640 : i32
    %mul3A_42 = arith.muli %arg1, %mul3A_41 : i32
    %add3A_43 = arith.constant 256 : i32
    %add3A_44 = arith.addi %mul3A_42, %add3A_43 : i32
    %dma_wait3A_45 = arith.constant 0 : i32
    %dma_wait3A_46 = tpu.memref_slice %arg13[%add3A_44, %dma_wait3A_45] : memref<10240x128xf32, #tpu.memory_space<vmem_shared>> -> memref<128x128xf32, #tpu.memory_space<vmem_shared>>
    tpu.wait_dma2 semaphore(%arg16 : memref<!tpu.dma_semaphore, #tpu.memory_space<semaphore_mem>>) src(%arg5 : memref<128x128xf32, #tpu.memory_space<hbm>>) dst(%dma_wait3A_46 : memref<128x128xf32, #tpu.memory_space<vmem_shared>>)
    %mul3A_47 = arith.constant 640 : i32
    %mul3A_48 = arith.muli %arg1, %mul3A_47 : i32
    %add3A_49 = arith.constant 384 : i32
    %add3A_50 = arith.addi %mul3A_48, %add3A_49 : i32
    %dma_wait3A_51 = arith.constant 0 : i32
    %dma_wait3A_52 = tpu.memref_slice %arg13[%add3A_50, %dma_wait3A_51] : memref<10240x128xf32, #tpu.memory_space<vmem_shared>> -> memref<128x128xf32, #tpu.memory_space<vmem_shared>>
    tpu.wait_dma2 semaphore(%arg16 : memref<!tpu.dma_semaphore, #tpu.memory_space<semaphore_mem>>) src(%arg5 : memref<128x128xf32, #tpu.memory_space<hbm>>) dst(%dma_wait3A_52 : memref<128x128xf32, #tpu.memory_space<vmem_shared>>)
    %mul3A_53 = arith.constant 640 : i32
    %mul3A_54 = arith.muli %arg1, %mul3A_53 : i32
    %add3A_55 = arith.constant 512 : i32
    %add3A_56 = arith.addi %mul3A_54, %add3A_55 : i32
    %dma_wait3A_57 = arith.constant 0 : i32
    %dma_wait3A_58 = tpu.memref_slice %arg13[%add3A_56, %dma_wait3A_57] : memref<10240x128xf32, #tpu.memory_space<vmem_shared>> -> memref<128x128xf32, #tpu.memory_space<vmem_shared>>
    tpu.wait_dma2 semaphore(%arg16 : memref<!tpu.dma_semaphore, #tpu.memory_space<semaphore_mem>>) src(%arg5 : memref<128x128xf32, #tpu.memory_space<hbm>>) dst(%dma_wait3A_58 : memref<128x128xf32, #tpu.memory_space<vmem_shared>>)
    %barrier3A = arith.constant 0 : index
    tpu.barrier barrier_id(%barrier3A)
    "tpu.region"() ({
      %run_scoped3A = tpu.sem_alloc : memref<!tpu.dma_semaphore, #tpu.memory_space<semaphore_mem>>
      %dma_start3A_83 = arith.constant 0 : i32
      %dma_start3A_84 = arith.constant 0 : i32
      %dma_start3A_85 = tpu.memref_slice %arg3[%add3A, %dma_start3A_83, %dma_start3A_84] : memref<32x80x128xi32, #tpu.memory_space<hbm>> -> memref<1x80x128xi32, #tpu.memory_space<hbm>>
      %dma_start3A_86 = tpu.memref_squeeze %dma_start3A_85 : memref<1x80x128xi32, #tpu.memory_space<hbm>> -> memref<80x128xi32, #tpu.memory_space<hbm>>
      %dma_start3A_87 = arith.constant 0 : i32
      %dma_start3A_88 = arith.constant 0 : i32
      %dma_start3A_89 = tpu.memref_slice %dma_start3A_86[%dma_start3A_87, %dma_start3A_88] : memref<80x128xi32, #tpu.memory_space<hbm>> -> memref<8x128xi32, #tpu.memory_space<hbm>>
      %dma_start3A_90 = arith.constant 0 : i32
      %dma_start3A_91 = arith.constant 0 : i32
      %dma_start3A_92 = tpu.memref_slice %arg3[%add3A, %dma_start3A_90, %dma_start3A_91] : memref<32x80x128xi32, #tpu.memory_space<hbm>> -> memref<1x80x128xi32, #tpu.memory_space<hbm>>
      %dma_start3A_93 = tpu.memref_squeeze %dma_start3A_92 : memref<1x80x128xi32, #tpu.memory_space<hbm>> -> memref<80x128xi32, #tpu.memory_space<hbm>>
      %dma_start3A_94 = arith.constant 0 : i32
      %dma_start3A_95 = arith.constant 0 : i32
      %dma_start3A_96 = tpu.memref_slice %dma_start3A_93[%dma_start3A_94, %dma_start3A_95] : memref<80x128xi32, #tpu.memory_space<hbm>> -> memref<8x128xi32, #tpu.memory_space<hbm>>
      tpu.enqueue_dma source(%dma_start3A_96 : memref<8x128xi32, #tpu.memory_space<hbm>>) target(%arg7 : memref<8x128xi32, #tpu.memory_space<vmem>>) target_semaphore(%run_scoped3A : memref<!tpu.dma_semaphore, #tpu.memory_space<semaphore_mem>>)
      %dma_wait3A_97 = arith.constant 0 : i32
      %dma_wait3A_98 = arith.constant 0 : i32
      %dma_wait3A_99 = tpu.memref_slice %arg3[%add3A, %dma_wait3A_97, %dma_wait3A_98] : memref<32x80x128xi32, #tpu.memory_space<hbm>> -> memref<1x80x128xi32, #tpu.memory_space<hbm>>
      %dma_wait3A_100 = tpu.memref_squeeze %dma_wait3A_99 : memref<1x80x128xi32, #tpu.memory_space<hbm>> -> memref<80x128xi32, #tpu.memory_space<hbm>>
      %dma_wait3A_101 = arith.constant 0 : i32
      %dma_wait3A_102 = arith.constant 0 : i32
      %dma_wait3A_103 = tpu.memref_slice %dma_wait3A_100[%dma_wait3A_101, %dma_wait3A_102] : memref<80x128xi32, #tpu.memory_space<hbm>> -> memref<8x128xi32, #tpu.memory_space<hbm>>
      %dma_wait3A_104 = arith.constant 0 : i32
      %dma_wait3A_105 = arith.constant 0 : i32
      %dma_wait3A_106 = tpu.memref_slice %arg3[%add3A, %dma_wait3A_104, %dma_wait3A_105] : memref<32x80x128xi32, #tpu.memory_space<hbm>> -> memref<1x80x128xi32, #tpu.memory_space<hbm>>
      %dma_wait3A_107 = tpu.memref_squeeze %dma_wait3A_106 : memref<1x80x128xi32, #tpu.memory_space<hbm>> -> memref<80x128xi32, #tpu.memory_space<hbm>>
      %dma_wait3A_108 = arith.constant 0 : i32
      %dma_wait3A_109 = arith.constant 0 : i32
      %dma_wait3A_110 = tpu.memref_slice %dma_wait3A_107[%dma_wait3A_108, %dma_wait3A_109] : memref<80x128xi32, #tpu.memory_space<hbm>> -> memref<8x128xi32, #tpu.memory_space<hbm>>
      tpu.wait_dma2 semaphore(%run_scoped3A : memref<!tpu.dma_semaphore, #tpu.memory_space<semaphore_mem>>) src(%dma_wait3A_110 : memref<8x128xi32, #tpu.memory_space<hbm>>) dst(%arg7 : memref<8x128xi32, #tpu.memory_space<vmem>>)
      tpu.yield
    }) : () -> ()
    "tpu.region"() ({
      %run_scoped3A = tpu.sem_alloc : memref<!tpu.dma_semaphore, #tpu.memory_space<semaphore_mem>>
      %dma_start3A_83 = arith.constant 0 : i32
      %dma_start3A_84 = arith.constant 0 : i32
      %dma_start3A_85 = tpu.memref_slice %arg4[%add3A, %dma_start3A_83, %dma_start3A_84] : memref<32x80x128xi32, #tpu.memory_space<hbm>> -> memref<1x80x128xi32, #tpu.memory_space<hbm>>
      %dma_start3A_86 = tpu.memref_squeeze %dma_start3A_85 : memref<1x80x128xi32, #tpu.memory_space<hbm>> -> memref<80x128xi32, #tpu.memory_space<hbm>>
      %dma_start3A_87 = arith.constant 0 : i32
      %dma_start3A_88 = arith.constant 0 : i32
      %dma_start3A_89 = tpu.memref_slice %dma_start3A_86[%dma_start3A_87, %dma_start3A_88] : memref<80x128xi32, #tpu.memory_space<hbm>> -> memref<8x128xi32, #tpu.memory_space<hbm>>
      %dma_start3A_90 = arith.constant 0 : i32
      %dma_start3A_91 = arith.constant 0 : i32
      %dma_start3A_92 = tpu.memref_slice %arg4[%add3A, %dma_start3A_90, %dma_start3A_91] : memref<32x80x128xi32, #tpu.memory_space<hbm>> -> memref<1x80x128xi32, #tpu.memory_space<hbm>>
      %dma_start3A_93 = tpu.memref_squeeze %dma_start3A_92 : memref<1x80x128xi32, #tpu.memory_space<hbm>> -> memref<80x128xi32, #tpu.memory_space<hbm>>
      %dma_start3A_94 = arith.constant 0 : i32
      %dma_start3A_95 = arith.constant 0 : i32
      %dma_start3A_96 = tpu.memref_slice %dma_start3A_93[%dma_start3A_94, %dma_start3A_95] : memref<80x128xi32, #tpu.memory_space<hbm>> -> memref<8x128xi32, #tpu.memory_space<hbm>>
      tpu.enqueue_dma source(%dma_start3A_96 : memref<8x128xi32, #tpu.memory_space<hbm>>) target(%arg8 : memref<8x128xi32, #tpu.memory_space<vmem>>) target_semaphore(%run_scoped3A : memref<!tpu.dma_semaphore, #tpu.memory_space<semaphore_mem>>)
      %dma_wait3A_97 = arith.constant 0 : i32
      %dma_wait3A_98 = arith.constant 0 : i32
      %dma_wait3A_99 = tpu.memref_slice %arg4[%add3A, %dma_wait3A_97, %dma_wait3A_98] : memref<32x80x128xi32, #tpu.memory_space<hbm>> -> memref<1x80x128xi32, #tpu.memory_space<hbm>>
      %dma_wait3A_100 = tpu.memref_squeeze %dma_wait3A_99 : memref<1x80x128xi32, #tpu.memory_space<hbm>> -> memref<80x128xi32, #tpu.memory_space<hbm>>
      %dma_wait3A_101 = arith.constant 0 : i32
      %dma_wait3A_102 = arith.constant 0 : i32
      %dma_wait3A_103 = tpu.memref_slice %dma_wait3A_100[%dma_wait3A_101, %dma_wait3A_102] : memref<80x128xi32, #tpu.memory_space<hbm>> -> memref<8x128xi32, #tpu.memory_space<hbm>>
      %dma_wait3A_104 = arith.constant 0 : i32
      %dma_wait3A_105 = arith.constant 0 : i32
      %dma_wait3A_106 = tpu.memref_slice %arg4[%add3A, %dma_wait3A_104, %dma_wait3A_105] : memref<32x80x128xi32, #tpu.memory_space<hbm>> -> memref<1x80x128xi32, #tpu.memory_space<hbm>>
      %dma_wait3A_107 = tpu.memref_squeeze %dma_wait3A_106 : memref<1x80x128xi32, #tpu.memory_space<hbm>> -> memref<80x128xi32, #tpu.memory_space<hbm>>
      %dma_wait3A_108 = arith.constant 0 : i32
      %dma_wait3A_109 = arith.constant 0 : i32
      %dma_wait3A_110 = tpu.memref_slice %dma_wait3A_107[%dma_wait3A_108, %dma_wait3A_109] : memref<80x128xi32, #tpu.memory_space<hbm>> -> memref<8x128xi32, #tpu.memory_space<hbm>>
      tpu.wait_dma2 semaphore(%run_scoped3A : memref<!tpu.dma_semaphore, #tpu.memory_space<semaphore_mem>>) src(%dma_wait3A_110 : memref<8x128xi32, #tpu.memory_space<hbm>>) dst(%arg8 : memref<8x128xi32, #tpu.memory_space<vmem>>)
      tpu.yield
    }) : () -> ()
    %dma_start3A_59 = arith.constant 0 : i32
    %dma_start3A_60 = arith.constant 0 : i32
    %dma_start3A_61 = tpu.memref_slice %arg7[%dma_start3A_59, %dma_start3A_60] : memref<8x128xi32, #tpu.memory_space<vmem>> -> memref<1x128xi32, #tpu.memory_space<vmem>>
    %dma_start3A_62 = tpu.memref_squeeze %dma_start3A_61 : memref<1x128xi32, #tpu.memory_space<vmem>> -> memref<128xi32, #tpu.memory_space<vmem>>
    %dma_start3A_63 = arith.constant 0 : i32
    %dma_start3A_64 = arith.constant 0 : i32
    %dma_start3A_65 = tpu.memref_slice %arg2[%dma_start3A_63, %dma_start3A_64] : memref<10000x128xf32, #tpu.memory_space<hbm>> -> memref<10000x128xf32, #tpu.memory_space<hbm>>
    tpu.enqueue_indirect_dma source(%dma_start3A_65 : memref<10000x128xf32, #tpu.memory_space<hbm>>) target(%arg11 : memref<128x128xf32, #tpu.memory_space<vmem>>) offsets(%dma_start3A_62 : memref<128xi32, #tpu.memory_space<vmem>>) semaphore(%arg14 : memref<!tpu.dma_semaphore, #tpu.memory_space<semaphore_mem>>)
    %dma_start3A_66 = arith.constant 1 : i32
    %dma_start3A_67 = arith.constant 0 : i32
    %dma_start3A_68 = tpu.memref_slice %arg7[%dma_start3A_66, %dma_start3A_67] : memref<8x128xi32, #tpu.memory_space<vmem>> -> memref<1x128xi32, #tpu.memory_space<vmem>>
    %dma_start3A_69 = tpu.memref_squeeze %dma_start3A_68 : memref<1x128xi32, #tpu.memory_space<vmem>> -> memref<128xi32, #tpu.memory_space<vmem>>
    %dma_start3A_70 = arith.constant 0 : i32
    %dma_start3A_71 = arith.constant 0 : i32
    %dma_start3A_72 = tpu.memref_slice %arg2[%dma_start3A_70, %dma_start3A_71] : memref<10000x128xf32, #tpu.memory_space<hbm>> -> memref<10000x128xf32, #tpu.memory_space<hbm>>
    tpu.enqueue_indirect_dma source(%dma_start3A_72 : memref<10000x128xf32, #tpu.memory_space<hbm>>) target(%arg12 : memref<128x128xf32, #tpu.memory_space<vmem>>) offsets(%dma_start3A_69 : memref<128xi32, #tpu.memory_space<vmem>>) semaphore(%arg15 : memref<!tpu.dma_semaphore, #tpu.memory_space<semaphore_mem>>)
    %scan3A = arith.constant 0 : i32
    %scan3A_73 = arith.constant 0 : i32
    %scan3A_74 = arith.constant 5 : i32
    %scan3A_75 = arith.addi %scan3A_73, %scan3A_74 : i32
    %scan3A_76 = arith.constant 1 : i32
    scf.for %scan3A_83 = %scan3A_73 to %scan3A_75 step %scan3A_76  : i32 {
      %mul3A_84 = arith.constant 2 : i32
      %mul3A_85 = arith.muli %scan3A_83, %mul3A_84 : i32
      %add3A_86 = arith.constant 1 : i32
      %add3A_87 = arith.addi %mul3A_85, %add3A_86 : i32
      %lt3A = arith.constant 10 : i32
      %lt3A_88 = arith.cmpi slt, %add3A_87, %lt3A : i32
      %convert_element_type3A = arith.extui %lt3A_88 : i1 to i32
      %cond3A = arith.constant 0 : i32
      %cond3A_89 = arith.cmpi ne, %convert_element_type3A, %cond3A : i32
      scf.if %cond3A_89 {
        %add3A_340 = arith.constant 1 : i32
        %add3A_341 = arith.addi %mul3A_85, %add3A_340 : i32
        %mul3A_342 = arith.constant 8 : i32
        %mul3A_343 = arith.muli %add3A_341, %mul3A_342 : i32
        %dma_start3A_344 = arith.constant 0 : i32
        %dma_start3A_345 = arith.constant 0 : i32
        %dma_start3A_346 = tpu.memref_slice %arg3[%add3A, %dma_start3A_344, %dma_start3A_345] : memref<32x80x128xi32, #tpu.memory_space<hbm>> -> memref<1x80x128xi32, #tpu.memory_space<hbm>>
        %dma_start3A_347 = tpu.memref_squeeze %dma_start3A_346 : memref<1x80x128xi32, #tpu.memory_space<hbm>> -> memref<80x128xi32, #tpu.memory_space<hbm>>
        %dma_start3A_348 = arith.constant 0 : i32
        %dma_start3A_349 = tpu.memref_slice %dma_start3A_347[%mul3A_343, %dma_start3A_348] : memref<80x128xi32, #tpu.memory_space<hbm>> -> memref<8x128xi32, #tpu.memory_space<hbm>>
        %dma_start3A_350 = arith.constant 0 : i32
        %dma_start3A_351 = arith.constant 0 : i32
        %dma_start3A_352 = tpu.memref_slice %arg3[%add3A, %dma_start3A_350, %dma_start3A_351] : memref<32x80x128xi32, #tpu.memory_space<hbm>> -> memref<1x80x128xi32, #tpu.memory_space<hbm>>
        %dma_start3A_353 = tpu.memref_squeeze %dma_start3A_352 : memref<1x80x128xi32, #tpu.memory_space<hbm>> -> memref<80x128xi32, #tpu.memory_space<hbm>>
        %dma_start3A_354 = arith.constant 0 : i32
        %dma_start3A_355 = tpu.memref_slice %dma_start3A_353[%mul3A_343, %dma_start3A_354] : memref<80x128xi32, #tpu.memory_space<hbm>> -> memref<8x128xi32, #tpu.memory_space<hbm>>
        tpu.enqueue_dma source(%dma_start3A_355 : memref<8x128xi32, #tpu.memory_space<hbm>>) target(%arg9 : memref<8x128xi32, #tpu.memory_space<vmem>>) target_semaphore(%arg17 : memref<!tpu.dma_semaphore, #tpu.memory_space<semaphore_mem>>)
        %mul3A_356 = arith.constant 8 : i32
        %mul3A_357 = arith.muli %add3A_341, %mul3A_356 : i32
        %dma_start3A_358 = arith.constant 0 : i32
        %dma_start3A_359 = arith.constant 0 : i32
        %dma_start3A_360 = tpu.memref_slice %arg4[%add3A, %dma_start3A_358, %dma_start3A_359] : memref<32x80x128xi32, #tpu.memory_space<hbm>> -> memref<1x80x128xi32, #tpu.memory_space<hbm>>
        %dma_start3A_361 = tpu.memref_squeeze %dma_start3A_360 : memref<1x80x128xi32, #tpu.memory_space<hbm>> -> memref<80x128xi32, #tpu.memory_space<hbm>>
        %dma_start3A_362 = arith.constant 0 : i32
        %dma_start3A_363 = tpu.memref_slice %dma_start3A_361[%mul3A_357, %dma_start3A_362] : memref<80x128xi32, #tpu.memory_space<hbm>> -> memref<8x128xi32, #tpu.memory_space<hbm>>
        %dma_start3A_364 = arith.constant 0 : i32
        %dma_start3A_365 = arith.constant 0 : i32
        %dma_start3A_366 = tpu.memref_slice %arg4[%add3A, %dma_start3A_364, %dma_start3A_365] : memref<32x80x128xi32, #tpu.memory_space<hbm>> -> memref<1x80x128xi32, #tpu.memory_space<hbm>>
        %dma_start3A_367 = tpu.memref_squeeze %dma_start3A_366 : memref<1x80x128xi32, #tpu.memory_space<hbm>> -> memref<80x128xi32, #tpu.memory_space<hbm>>
        %dma_start3A_368 = arith.constant 0 : i32
        %dma_start3A_369 = tpu.memref_slice %dma_start3A_367[%mul3A_357, %dma_start3A_368] : memref<80x128xi32, #tpu.memory_space<hbm>> -> memref<8x128xi32, #tpu.memory_space<hbm>>
        tpu.enqueue_dma source(%dma_start3A_369 : memref<8x128xi32, #tpu.memory_space<hbm>>) target(%arg10 : memref<8x128xi32, #tpu.memory_space<vmem>>) target_semaphore(%arg17 : memref<!tpu.dma_semaphore, #tpu.memory_space<semaphore_mem>>)
      } else {
      }
      %dma_wait3A_90 = arith.constant 0 : i32
      %dma_wait3A_91 = arith.constant 0 : i32
      %dma_wait3A_92 = tpu.memref_slice %arg7[%dma_wait3A_90, %dma_wait3A_91] : memref<8x128xi32, #tpu.memory_space<vmem>> -> memref<1x128xi32, #tpu.memory_space<vmem>>
      %dma_wait3A_93 = tpu.memref_squeeze %dma_wait3A_92 : memref<1x128xi32, #tpu.memory_space<vmem>> -> memref<128xi32, #tpu.memory_space<vmem>>
      %dma_wait3A_94 = arith.constant 0 : i32
      %dma_wait3A_95 = arith.constant 0 : i32
      %dma_wait3A_96 = tpu.memref_slice %arg2[%dma_wait3A_94, %dma_wait3A_95] : memref<10000x128xf32, #tpu.memory_space<hbm>> -> memref<10000x128xf32, #tpu.memory_space<hbm>>
      tpu.wait_indirect_dma semaphore(%arg14 : memref<!tpu.dma_semaphore, #tpu.memory_space<semaphore_mem>>) src(%dma_wait3A_96 : memref<10000x128xf32, #tpu.memory_space<hbm>>) dst(%arg11 : memref<128x128xf32, #tpu.memory_space<vmem>>)
      %run_scoped3A = arith.constant 0 : i32
      "tpu.region"() ({
        %run_scoped3A_340 = tpu.sem_alloc : memref<!tpu.dma_semaphore, #tpu.memory_space<semaphore_mem>>
        %dma_start3A_341 = arith.constant 0 : i32
        %dma_start3A_342 = tpu.memref_slice %arg8[%run_scoped3A, %dma_start3A_341] : memref<8x128xi32, #tpu.memory_space<vmem>> -> memref<1x128xi32, #tpu.memory_space<vmem>>
        %dma_start3A_343 = tpu.memref_squeeze %dma_start3A_342 : memref<1x128xi32, #tpu.memory_space<vmem>> -> memref<128xi32, #tpu.memory_space<vmem>>
        %dma_start3A_344 = arith.constant 0 : i32
        %dma_start3A_345 = arith.constant 0 : i32
        %dma_start3A_346 = tpu.memref_slice %arg13[%dma_start3A_344, %dma_start3A_345] : memref<10240x128xf32, #tpu.memory_space<vmem_shared>> -> memref<10240x128xf32, #tpu.memory_space<vmem_shared>>
        tpu.enqueue_indirect_dma source(%arg11 : memref<128x128xf32, #tpu.memory_space<vmem>>) target(%dma_start3A_346 : memref<10240x128xf32, #tpu.memory_space<vmem_shared>>) offsets(%dma_start3A_343 : memref<128xi32, #tpu.memory_space<vmem>>) semaphore(%run_scoped3A_340 : memref<!tpu.dma_semaphore, #tpu.memory_space<semaphore_mem>>) {add = true}
        %dma_wait3A_347 = arith.constant 0 : i32
        %dma_wait3A_348 = tpu.memref_slice %arg8[%run_scoped3A, %dma_wait3A_347] : memref<8x128xi32, #tpu.memory_space<vmem>> -> memref<1x128xi32, #tpu.memory_space<vmem>>
        %dma_wait3A_349 = tpu.memref_squeeze %dma_wait3A_348 : memref<1x128xi32, #tpu.memory_space<vmem>> -> memref<128xi32, #tpu.memory_space<vmem>>
        %dma_wait3A_350 = arith.constant 0 : i32
        %dma_wait3A_351 = arith.constant 0 : i32
        %dma_wait3A_352 = tpu.memref_slice %arg13[%dma_wait3A_350, %dma_wait3A_351] : memref<10240x128xf32, #tpu.memory_space<vmem_shared>> -> memref<10240x128xf32, #tpu.memory_space<vmem_shared>>
        tpu.wait_indirect_dma semaphore(%run_scoped3A_340 : memref<!tpu.dma_semaphore, #tpu.memory_space<semaphore_mem>>) src(%arg11 : memref<128x128xf32, #tpu.memory_space<vmem>>) dst(%dma_wait3A_352 : memref<10240x128xf32, #tpu.memory_space<vmem_shared>>)
        tpu.yield
      }) : () -> ()
      %dma_start3A_97 = arith.constant 2 : i32
      %dma_start3A_98 = arith.constant 0 : i32
      %dma_start3A_99 = tpu.memref_slice %arg7[%dma_start3A_97, %dma_start3A_98] : memref<8x128xi32, #tpu.memory_space<vmem>> -> memref<1x128xi32, #tpu.memory_space<vmem>>
      %dma_start3A_100 = tpu.memref_squeeze %dma_start3A_99 : memref<1x128xi32, #tpu.memory_space<vmem>> -> memref<128xi32, #tpu.memory_space<vmem>>
      %dma_start3A_101 = arith.constant 0 : i32
      %dma_start3A_102 = arith.constant 0 : i32
      %dma_start3A_103 = tpu.memref_slice %arg2[%dma_start3A_101, %dma_start3A_102] : memref<10000x128xf32, #tpu.memory_space<hbm>> -> memref<10000x128xf32, #tpu.memory_space<hbm>>
      tpu.enqueue_indirect_dma source(%dma_start3A_103 : memref<10000x128xf32, #tpu.memory_space<hbm>>) target(%arg11 : memref<128x128xf32, #tpu.memory_space<vmem>>) offsets(%dma_start3A_100 : memref<128xi32, #tpu.memory_space<vmem>>) semaphore(%arg14 : memref<!tpu.dma_semaphore, #tpu.memory_space<semaphore_mem>>)
      %dma_wait3A_104 = arith.constant 1 : i32
      %dma_wait3A_105 = arith.constant 0 : i32
      %dma_wait3A_106 = tpu.memref_slice %arg7[%dma_wait3A_104, %dma_wait3A_105] : memref<8x128xi32, #tpu.memory_space<vmem>> -> memref<1x128xi32, #tpu.memory_space<vmem>>
      %dma_wait3A_107 = tpu.memref_squeeze %dma_wait3A_106 : memref<1x128xi32, #tpu.memory_space<vmem>> -> memref<128xi32, #tpu.memory_space<vmem>>
      %dma_wait3A_108 = arith.constant 0 : i32
      %dma_wait3A_109 = arith.constant 0 : i32
      %dma_wait3A_110 = tpu.memref_slice %arg2[%dma_wait3A_108, %dma_wait3A_109] : memref<10000x128xf32, #tpu.memory_space<hbm>> -> memref<10000x128xf32, #tpu.memory_space<hbm>>
      tpu.wait_indirect_dma semaphore(%arg15 : memref<!tpu.dma_semaphore, #tpu.memory_space<semaphore_mem>>) src(%dma_wait3A_110 : memref<10000x128xf32, #tpu.memory_space<hbm>>) dst(%arg12 : memref<128x128xf32, #tpu.memory_space<vmem>>)
      %run_scoped3A_111 = arith.constant 1 : i32
      "tpu.region"() ({
        %run_scoped3A_340 = tpu.sem_alloc : memref<!tpu.dma_semaphore, #tpu.memory_space<semaphore_mem>>
        %dma_start3A_341 = arith.constant 0 : i32
        %dma_start3A_342 = tpu.memref_slice %arg8[%run_scoped3A_111, %dma_start3A_341] : memref<8x128xi32, #tpu.memory_space<vmem>> -> memref<1x128xi32, #tpu.memory_space<vmem>>
        %dma_start3A_343 = tpu.memref_squeeze %dma_start3A_342 : memref<1x128xi32, #tpu.memory_space<vmem>> -> memref<128xi32, #tpu.memory_space<vmem>>
        %dma_start3A_344 = arith.constant 0 : i32
        %dma_start3A_345 = arith.constant 0 : i32
        %dma_start3A_346 = tpu.memref_slice %arg13[%dma_start3A_344, %dma_start3A_345] : memref<10240x128xf32, #tpu.memory_space<vmem_shared>> -> memref<10240x128xf32, #tpu.memory_space<vmem_shared>>
        tpu.enqueue_indirect_dma source(%arg12 : memref<128x128xf32, #tpu.memory_space<vmem>>) target(%dma_start3A_346 : memref<10240x128xf32, #tpu.memory_space<vmem_shared>>) offsets(%dma_start3A_343 : memref<128xi32, #tpu.memory_space<vmem>>) semaphore(%run_scoped3A_340 : memref<!tpu.dma_semaphore, #tpu.memory_space<semaphore_mem>>) {add = true}
        %dma_wait3A_347 = arith.constant 0 : i32
        %dma_wait3A_348 = tpu.memref_slice %arg8[%run_scoped3A_111, %dma_wait3A_347] : memref<8x128xi32, #tpu.memory_space<vmem>> -> memref<1x128xi32, #tpu.memory_space<vmem>>
        %dma_wait3A_349 = tpu.memref_squeeze %dma_wait3A_348 : memref<1x128xi32, #tpu.memory_space<vmem>> -> memref<128xi32, #tpu.memory_space<vmem>>
        %dma_wait3A_350 = arith.constant 0 : i32
        %dma_wait3A_351 = arith.constant 0 : i32
        %dma_wait3A_352 = tpu.memref_slice %arg13[%dma_wait3A_350, %dma_wait3A_351] : memref<10240x128xf32, #tpu.memory_space<vmem_shared>> -> memref<10240x128xf32, #tpu.memory_space<vmem_shared>>
        tpu.wait_indirect_dma semaphore(%run_scoped3A_340 : memref<!tpu.dma_semaphore, #tpu.memory_space<semaphore_mem>>) src(%arg12 : memref<128x128xf32, #tpu.memory_space<vmem>>) dst(%dma_wait3A_352 : memref<10240x128xf32, #tpu.memory_space<vmem_shared>>)
        tpu.yield
      }) : () -> ()
      %dma_start3A_112 = arith.constant 3 : i32
      %dma_start3A_113 = arith.constant 0 : i32
      %dma_start3A_114 = tpu.memref_slice %arg7[%dma_start3A_112, %dma_start3A_113] : memref<8x128xi32, #tpu.memory_space<vmem>> -> memref<1x128xi32, #tpu.memory_space<vmem>>
      %dma_start3A_115 = tpu.memref_squeeze %dma_start3A_114 : memref<1x128xi32, #tpu.memory_space<vmem>> -> memref<128xi32, #tpu.memory_space<vmem>>
      %dma_start3A_116 = arith.constant 0 : i32
      %dma_start3A_117 = arith.constant 0 : i32
      %dma_start3A_118 = tpu.memref_slice %arg2[%dma_start3A_116, %dma_start3A_117] : memref<10000x128xf32, #tpu.memory_space<hbm>> -> memref<10000x128xf32, #tpu.memory_space<hbm>>
      tpu.enqueue_indirect_dma source(%dma_start3A_118 : memref<10000x128xf32, #tpu.memory_space<hbm>>) target(%arg12 : memref<128x128xf32, #tpu.memory_space<vmem>>) offsets(%dma_start3A_115 : memref<128xi32, #tpu.memory_space<vmem>>) semaphore(%arg15 : memref<!tpu.dma_semaphore, #tpu.memory_space<semaphore_mem>>)
      %dma_wait3A_119 = arith.constant 2 : i32
      %dma_wait3A_120 = arith.constant 0 : i32
      %dma_wait3A_121 = tpu.memref_slice %arg7[%dma_wait3A_119, %dma_wait3A_120] : memref<8x128xi32, #tpu.memory_space<vmem>> -> memref<1x128xi32, #tpu.memory_space<vmem>>
      %dma_wait3A_122 = tpu.memref_squeeze %dma_wait3A_121 : memref<1x128xi32, #tpu.memory_space<vmem>> -> memref<128xi32, #tpu.memory_space<vmem>>
      %dma_wait3A_123 = arith.constant 0 : i32
      %dma_wait3A_124 = arith.constant 0 : i32
      %dma_wait3A_125 = tpu.memref_slice %arg2[%dma_wait3A_123, %dma_wait3A_124] : memref<10000x128xf32, #tpu.memory_space<hbm>> -> memref<10000x128xf32, #tpu.memory_space<hbm>>
      tpu.wait_indirect_dma semaphore(%arg14 : memref<!tpu.dma_semaphore, #tpu.memory_space<semaphore_mem>>) src(%dma_wait3A_125 : memref<10000x128xf32, #tpu.memory_space<hbm>>) dst(%arg11 : memref<128x128xf32, #tpu.memory_space<vmem>>)
      %run_scoped3A_126 = arith.constant 2 : i32
      "tpu.region"() ({
        %run_scoped3A_340 = tpu.sem_alloc : memref<!tpu.dma_semaphore, #tpu.memory_space<semaphore_mem>>
        %dma_start3A_341 = arith.constant 0 : i32
        %dma_start3A_342 = tpu.memref_slice %arg8[%run_scoped3A_126, %dma_start3A_341] : memref<8x128xi32, #tpu.memory_space<vmem>> -> memref<1x128xi32, #tpu.memory_space<vmem>>
        %dma_start3A_343 = tpu.memref_squeeze %dma_start3A_342 : memref<1x128xi32, #tpu.memory_space<vmem>> -> memref<128xi32, #tpu.memory_space<vmem>>
        %dma_start3A_344 = arith.constant 0 : i32
        %dma_start3A_345 = arith.constant 0 : i32
        %dma_start3A_346 = tpu.memref_slice %arg13[%dma_start3A_344, %dma_start3A_345] : memref<10240x128xf32, #tpu.memory_space<vmem_shared>> -> memref<10240x128xf32, #tpu.memory_space<vmem_shared>>
        tpu.enqueue_indirect_dma source(%arg11 : memref<128x128xf32, #tpu.memory_space<vmem>>) target(%dma_start3A_346 : memref<10240x128xf32, #tpu.memory_space<vmem_shared>>) offsets(%dma_start3A_343 : memref<128xi32, #tpu.memory_space<vmem>>) semaphore(%run_scoped3A_340 : memref<!tpu.dma_semaphore, #tpu.memory_space<semaphore_mem>>) {add = true}
        %dma_wait3A_347 = arith.constant 0 : i32
        %dma_wait3A_348 = tpu.memref_slice %arg8[%run_scoped3A_126, %dma_wait3A_347] : memref<8x128xi32, #tpu.memory_space<vmem>> -> memref<1x128xi32, #tpu.memory_space<vmem>>
        %dma_wait3A_349 = tpu.memref_squeeze %dma_wait3A_348 : memref<1x128xi32, #tpu.memory_space<vmem>> -> memref<128xi32, #tpu.memory_space<vmem>>
        %dma_wait3A_350 = arith.constant 0 : i32
        %dma_wait3A_351 = arith.constant 0 : i32
        %dma_wait3A_352 = tpu.memref_slice %arg13[%dma_wait3A_350, %dma_wait3A_351] : memref<10240x128xf32, #tpu.memory_space<vmem_shared>> -> memref<10240x128xf32, #tpu.memory_space<vmem_shared>>
        tpu.wait_indirect_dma semaphore(%run_scoped3A_340 : memref<!tpu.dma_semaphore, #tpu.memory_space<semaphore_mem>>) src(%arg11 : memref<128x128xf32, #tpu.memory_space<vmem>>) dst(%dma_wait3A_352 : memref<10240x128xf32, #tpu.memory_space<vmem_shared>>)
        tpu.yield
      }) : () -> ()
      %dma_start3A_127 = arith.constant 4 : i32
      %dma_start3A_128 = arith.constant 0 : i32
      %dma_start3A_129 = tpu.memref_slice %arg7[%dma_start3A_127, %dma_start3A_128] : memref<8x128xi32, #tpu.memory_space<vmem>> -> memref<1x128xi32, #tpu.memory_space<vmem>>
      %dma_start3A_130 = tpu.memref_squeeze %dma_start3A_129 : memref<1x128xi32, #tpu.memory_space<vmem>> -> memref<128xi32, #tpu.memory_space<vmem>>
      %dma_start3A_131 = arith.constant 0 : i32
      %dma_start3A_132 = arith.constant 0 : i32
      %dma_start3A_133 = tpu.memref_slice %arg2[%dma_start3A_131, %dma_start3A_132] : memref<10000x128xf32, #tpu.memory_space<hbm>> -> memref<10000x128xf32, #tpu.memory_space<hbm>>
      tpu.enqueue_indirect_dma source(%dma_start3A_133 : memref<10000x128xf32, #tpu.memory_space<hbm>>) target(%arg11 : memref<128x128xf32, #tpu.memory_space<vmem>>) offsets(%dma_start3A_130 : memref<128xi32, #tpu.memory_space<vmem>>) semaphore(%arg14 : memref<!tpu.dma_semaphore, #tpu.memory_space<semaphore_mem>>)
      %dma_wait3A_134 = arith.constant 3 : i32
      %dma_wait3A_135 = arith.constant 0 : i32
      %dma_wait3A_136 = tpu.memref_slice %arg7[%dma_wait3A_134, %dma_wait3A_135] : memref<8x128xi32, #tpu.memory_space<vmem>> -> memref<1x128xi32, #tpu.memory_space<vmem>>
      %dma_wait3A_137 = tpu.memref_squeeze %dma_wait3A_136 : memref<1x128xi32, #tpu.memory_space<vmem>> -> memref<128xi32, #tpu.memory_space<vmem>>
      %dma_wait3A_138 = arith.constant 0 : i32
      %dma_wait3A_139 = arith.constant 0 : i32
      %dma_wait3A_140 = tpu.memref_slice %arg2[%dma_wait3A_138, %dma_wait3A_139] : memref<10000x128xf32, #tpu.memory_space<hbm>> -> memref<10000x128xf32, #tpu.memory_space<hbm>>
      tpu.wait_indirect_dma semaphore(%arg15 : memref<!tpu.dma_semaphore, #tpu.memory_space<semaphore_mem>>) src(%dma_wait3A_140 : memref<10000x128xf32, #tpu.memory_space<hbm>>) dst(%arg12 : memref<128x128xf32, #tpu.memory_space<vmem>>)
      %run_scoped3A_141 = arith.constant 3 : i32
      "tpu.region"() ({
        %run_scoped3A_340 = tpu.sem_alloc : memref<!tpu.dma_semaphore, #tpu.memory_space<semaphore_mem>>
        %dma_start3A_341 = arith.constant 0 : i32
        %dma_start3A_342 = tpu.memref_slice %arg8[%run_scoped3A_141, %dma_start3A_341] : memref<8x128xi32, #tpu.memory_space<vmem>> -> memref<1x128xi32, #tpu.memory_space<vmem>>
        %dma_start3A_343 = tpu.memref_squeeze %dma_start3A_342 : memref<1x128xi32, #tpu.memory_space<vmem>> -> memref<128xi32, #tpu.memory_space<vmem>>
        %dma_start3A_344 = arith.constant 0 : i32
        %dma_start3A_345 = arith.constant 0 : i32
        %dma_start3A_346 = tpu.memref_slice %arg13[%dma_start3A_344, %dma_start3A_345] : memref<10240x128xf32, #tpu.memory_space<vmem_shared>> -> memref<10240x128xf32, #tpu.memory_space<vmem_shared>>
        tpu.enqueue_indirect_dma source(%arg12 : memref<128x128xf32, #tpu.memory_space<vmem>>) target(%dma_start3A_346 : memref<10240x128xf32, #tpu.memory_space<vmem_shared>>) offsets(%dma_start3A_343 : memref<128xi32, #tpu.memory_space<vmem>>) semaphore(%run_scoped3A_340 : memref<!tpu.dma_semaphore, #tpu.memory_space<semaphore_mem>>) {add = true}
        %dma_wait3A_347 = arith.constant 0 : i32
        %dma_wait3A_348 = tpu.memref_slice %arg8[%run_scoped3A_141, %dma_wait3A_347] : memref<8x128xi32, #tpu.memory_space<vmem>> -> memref<1x128xi32, #tpu.memory_space<vmem>>
        %dma_wait3A_349 = tpu.memref_squeeze %dma_wait3A_348 : memref<1x128xi32, #tpu.memory_space<vmem>> -> memref<128xi32, #tpu.memory_space<vmem>>
        %dma_wait3A_350 = arith.constant 0 : i32
        %dma_wait3A_351 = arith.constant 0 : i32
        %dma_wait3A_352 = tpu.memref_slice %arg13[%dma_wait3A_350, %dma_wait3A_351] : memref<10240x128xf32, #tpu.memory_space<vmem_shared>> -> memref<10240x128xf32, #tpu.memory_space<vmem_shared>>
        tpu.wait_indirect_dma semaphore(%run_scoped3A_340 : memref<!tpu.dma_semaphore, #tpu.memory_space<semaphore_mem>>) src(%arg12 : memref<128x128xf32, #tpu.memory_space<vmem>>) dst(%dma_wait3A_352 : memref<10240x128xf32, #tpu.memory_space<vmem_shared>>)
        tpu.yield
      }) : () -> ()
      %dma_start3A_142 = arith.constant 5 : i32
      %dma_start3A_143 = arith.constant 0 : i32
      %dma_start3A_144 = tpu.memref_slice %arg7[%dma_start3A_142, %dma_start3A_143] : memref<8x128xi32, #tpu.memory_space<vmem>> -> memref<1x128xi32, #tpu.memory_space<vmem>>
      %dma_start3A_145 = tpu.memref_squeeze %dma_start3A_144 : memref<1x128xi32, #tpu.memory_space<vmem>> -> memref<128xi32, #tpu.memory_space<vmem>>
      %dma_start3A_146 = arith.constant 0 : i32
      %dma_start3A_147 = arith.constant 0 : i32
      %dma_start3A_148 = tpu.memref_slice %arg2[%dma_start3A_146, %dma_start3A_147] : memref<10000x128xf32, #tpu.memory_space<hbm>> -> memref<10000x128xf32, #tpu.memory_space<hbm>>
      tpu.enqueue_indirect_dma source(%dma_start3A_148 : memref<10000x128xf32, #tpu.memory_space<hbm>>) target(%arg12 : memref<128x128xf32, #tpu.memory_space<vmem>>) offsets(%dma_start3A_145 : memref<128xi32, #tpu.memory_space<vmem>>) semaphore(%arg15 : memref<!tpu.dma_semaphore, #tpu.memory_space<semaphore_mem>>)
      %dma_wait3A_149 = arith.constant 4 : i32
      %dma_wait3A_150 = arith.constant 0 : i32
      %dma_wait3A_151 = tpu.memref_slice %arg7[%dma_wait3A_149, %dma_wait3A_150] : memref<8x128xi32, #tpu.memory_space<vmem>> -> memref<1x128xi32, #tpu.memory_space<vmem>>
      %dma_wait3A_152 = tpu.memref_squeeze %dma_wait3A_151 : memref<1x128xi32, #tpu.memory_space<vmem>> -> memref<128xi32, #tpu.memory_space<vmem>>
      %dma_wait3A_153 = arith.constant 0 : i32
      %dma_wait3A_154 = arith.constant 0 : i32
      %dma_wait3A_155 = tpu.memref_slice %arg2[%dma_wait3A_153, %dma_wait3A_154] : memref<10000x128xf32, #tpu.memory_space<hbm>> -> memref<10000x128xf32, #tpu.memory_space<hbm>>
      tpu.wait_indirect_dma semaphore(%arg14 : memref<!tpu.dma_semaphore, #tpu.memory_space<semaphore_mem>>) src(%dma_wait3A_155 : memref<10000x128xf32, #tpu.memory_space<hbm>>) dst(%arg11 : memref<128x128xf32, #tpu.memory_space<vmem>>)
      %run_scoped3A_156 = arith.constant 4 : i32
      "tpu.region"() ({
        %run_scoped3A_340 = tpu.sem_alloc : memref<!tpu.dma_semaphore, #tpu.memory_space<semaphore_mem>>
        %dma_start3A_341 = arith.constant 0 : i32
        %dma_start3A_342 = tpu.memref_slice %arg8[%run_scoped3A_156, %dma_start3A_341] : memref<8x128xi32, #tpu.memory_space<vmem>> -> memref<1x128xi32, #tpu.memory_space<vmem>>
        %dma_start3A_343 = tpu.memref_squeeze %dma_start3A_342 : memref<1x128xi32, #tpu.memory_space<vmem>> -> memref<128xi32, #tpu.memory_space<vmem>>
        %dma_start3A_344 = arith.constant 0 : i32
        %dma_start3A_345 = arith.constant 0 : i32
        %dma_start3A_346 = tpu.memref_slice %arg13[%dma_start3A_344, %dma_start3A_345] : memref<10240x128xf32, #tpu.memory_space<vmem_shared>> -> memref<10240x128xf32, #tpu.memory_space<vmem_shared>>
        tpu.enqueue_indirect_dma source(%arg11 : memref<128x128xf32, #tpu.memory_space<vmem>>) target(%dma_start3A_346 : memref<10240x128xf32, #tpu.memory_space<vmem_shared>>) offsets(%dma_start3A_343 : memref<128xi32, #tpu.memory_space<vmem>>) semaphore(%run_scoped3A_340 : memref<!tpu.dma_semaphore, #tpu.memory_space<semaphore_mem>>) {add = true}
        %dma_wait3A_347 = arith.constant 0 : i32
        %dma_wait3A_348 = tpu.memref_slice %arg8[%run_scoped3A_156, %dma_wait3A_347] : memref<8x128xi32, #tpu.memory_space<vmem>> -> memref<1x128xi32, #tpu.memory_space<vmem>>
        %dma_wait3A_349 = tpu.memref_squeeze %dma_wait3A_348 : memref<1x128xi32, #tpu.memory_space<vmem>> -> memref<128xi32, #tpu.memory_space<vmem>>
        %dma_wait3A_350 = arith.constant 0 : i32
        %dma_wait3A_351 = arith.constant 0 : i32
        %dma_wait3A_352 = tpu.memref_slice %arg13[%dma_wait3A_350, %dma_wait3A_351] : memref<10240x128xf32, #tpu.memory_space<vmem_shared>> -> memref<10240x128xf32, #tpu.memory_space<vmem_shared>>
        tpu.wait_indirect_dma semaphore(%run_scoped3A_340 : memref<!tpu.dma_semaphore, #tpu.memory_space<semaphore_mem>>) src(%arg11 : memref<128x128xf32, #tpu.memory_space<vmem>>) dst(%dma_wait3A_352 : memref<10240x128xf32, #tpu.memory_space<vmem_shared>>)
        tpu.yield
      }) : () -> ()
      %dma_start3A_157 = arith.constant 6 : i32
      %dma_start3A_158 = arith.constant 0 : i32
      %dma_start3A_159 = tpu.memref_slice %arg7[%dma_start3A_157, %dma_start3A_158] : memref<8x128xi32, #tpu.memory_space<vmem>> -> memref<1x128xi32, #tpu.memory_space<vmem>>
      %dma_start3A_160 = tpu.memref_squeeze %dma_start3A_159 : memref<1x128xi32, #tpu.memory_space<vmem>> -> memref<128xi32, #tpu.memory_space<vmem>>
      %dma_start3A_161 = arith.constant 0 : i32
      %dma_start3A_162 = arith.constant 0 : i32
      %dma_start3A_163 = tpu.memref_slice %arg2[%dma_start3A_161, %dma_start3A_162] : memref<10000x128xf32, #tpu.memory_space<hbm>> -> memref<10000x128xf32, #tpu.memory_space<hbm>>
      tpu.enqueue_indirect_dma source(%dma_start3A_163 : memref<10000x128xf32, #tpu.memory_space<hbm>>) target(%arg11 : memref<128x128xf32, #tpu.memory_space<vmem>>) offsets(%dma_start3A_160 : memref<128xi32, #tpu.memory_space<vmem>>) semaphore(%arg14 : memref<!tpu.dma_semaphore, #tpu.memory_space<semaphore_mem>>)
      %dma_wait3A_164 = arith.constant 5 : i32
      %dma_wait3A_165 = arith.constant 0 : i32
      %dma_wait3A_166 = tpu.memref_slice %arg7[%dma_wait3A_164, %dma_wait3A_165] : memref<8x128xi32, #tpu.memory_space<vmem>> -> memref<1x128xi32, #tpu.memory_space<vmem>>
      %dma_wait3A_167 = tpu.memref_squeeze %dma_wait3A_166 : memref<1x128xi32, #tpu.memory_space<vmem>> -> memref<128xi32, #tpu.memory_space<vmem>>
      %dma_wait3A_168 = arith.constant 0 : i32
      %dma_wait3A_169 = arith.constant 0 : i32
      %dma_wait3A_170 = tpu.memref_slice %arg2[%dma_wait3A_168, %dma_wait3A_169] : memref<10000x128xf32, #tpu.memory_space<hbm>> -> memref<10000x128xf32, #tpu.memory_space<hbm>>
      tpu.wait_indirect_dma semaphore(%arg15 : memref<!tpu.dma_semaphore, #tpu.memory_space<semaphore_mem>>) src(%dma_wait3A_170 : memref<10000x128xf32, #tpu.memory_space<hbm>>) dst(%arg12 : memref<128x128xf32, #tpu.memory_space<vmem>>)
      %run_scoped3A_171 = arith.constant 5 : i32
      "tpu.region"() ({
        %run_scoped3A_340 = tpu.sem_alloc : memref<!tpu.dma_semaphore, #tpu.memory_space<semaphore_mem>>
        %dma_start3A_341 = arith.constant 0 : i32
        %dma_start3A_342 = tpu.memref_slice %arg8[%run_scoped3A_171, %dma_start3A_341] : memref<8x128xi32, #tpu.memory_space<vmem>> -> memref<1x128xi32, #tpu.memory_space<vmem>>
        %dma_start3A_343 = tpu.memref_squeeze %dma_start3A_342 : memref<1x128xi32, #tpu.memory_space<vmem>> -> memref<128xi32, #tpu.memory_space<vmem>>
        %dma_start3A_344 = arith.constant 0 : i32
        %dma_start3A_345 = arith.constant 0 : i32
        %dma_start3A_346 = tpu.memref_slice %arg13[%dma_start3A_344, %dma_start3A_345] : memref<10240x128xf32, #tpu.memory_space<vmem_shared>> -> memref<10240x128xf32, #tpu.memory_space<vmem_shared>>
        tpu.enqueue_indirect_dma source(%arg12 : memref<128x128xf32, #tpu.memory_space<vmem>>) target(%dma_start3A_346 : memref<10240x128xf32, #tpu.memory_space<vmem_shared>>) offsets(%dma_start3A_343 : memref<128xi32, #tpu.memory_space<vmem>>) semaphore(%run_scoped3A_340 : memref<!tpu.dma_semaphore, #tpu.memory_space<semaphore_mem>>) {add = true}
        %dma_wait3A_347 = arith.constant 0 : i32
        %dma_wait3A_348 = tpu.memref_slice %arg8[%run_scoped3A_171, %dma_wait3A_347] : memref<8x128xi32, #tpu.memory_space<vmem>> -> memref<1x128xi32, #tpu.memory_space<vmem>>
        %dma_wait3A_349 = tpu.memref_squeeze %dma_wait3A_348 : memref<1x128xi32, #tpu.memory_space<vmem>> -> memref<128xi32, #tpu.memory_space<vmem>>
        %dma_wait3A_350 = arith.constant 0 : i32
        %dma_wait3A_351 = arith.constant 0 : i32
        %dma_wait3A_352 = tpu.memref_slice %arg13[%dma_wait3A_350, %dma_wait3A_351] : memref<10240x128xf32, #tpu.memory_space<vmem_shared>> -> memref<10240x128xf32, #tpu.memory_space<vmem_shared>>
        tpu.wait_indirect_dma semaphore(%run_scoped3A_340 : memref<!tpu.dma_semaphore, #tpu.memory_space<semaphore_mem>>) src(%arg12 : memref<128x128xf32, #tpu.memory_space<vmem>>) dst(%dma_wait3A_352 : memref<10240x128xf32, #tpu.memory_space<vmem_shared>>)
        tpu.yield
      }) : () -> ()
      %dma_start3A_172 = arith.constant 7 : i32
      %dma_start3A_173 = arith.constant 0 : i32
      %dma_start3A_174 = tpu.memref_slice %arg7[%dma_start3A_172, %dma_start3A_173] : memref<8x128xi32, #tpu.memory_space<vmem>> -> memref<1x128xi32, #tpu.memory_space<vmem>>
      %dma_start3A_175 = tpu.memref_squeeze %dma_start3A_174 : memref<1x128xi32, #tpu.memory_space<vmem>> -> memref<128xi32, #tpu.memory_space<vmem>>
      %dma_start3A_176 = arith.constant 0 : i32
      %dma_start3A_177 = arith.constant 0 : i32
      %dma_start3A_178 = tpu.memref_slice %arg2[%dma_start3A_176, %dma_start3A_177] : memref<10000x128xf32, #tpu.memory_space<hbm>> -> memref<10000x128xf32, #tpu.memory_space<hbm>>
      tpu.enqueue_indirect_dma source(%dma_start3A_178 : memref<10000x128xf32, #tpu.memory_space<hbm>>) target(%arg12 : memref<128x128xf32, #tpu.memory_space<vmem>>) offsets(%dma_start3A_175 : memref<128xi32, #tpu.memory_space<vmem>>) semaphore(%arg15 : memref<!tpu.dma_semaphore, #tpu.memory_space<semaphore_mem>>)
      %dma_wait3A_179 = arith.constant 6 : i32
      %dma_wait3A_180 = arith.constant 0 : i32
      %dma_wait3A_181 = tpu.memref_slice %arg7[%dma_wait3A_179, %dma_wait3A_180] : memref<8x128xi32, #tpu.memory_space<vmem>> -> memref<1x128xi32, #tpu.memory_space<vmem>>
      %dma_wait3A_182 = tpu.memref_squeeze %dma_wait3A_181 : memref<1x128xi32, #tpu.memory_space<vmem>> -> memref<128xi32, #tpu.memory_space<vmem>>
      %dma_wait3A_183 = arith.constant 0 : i32
      %dma_wait3A_184 = arith.constant 0 : i32
      %dma_wait3A_185 = tpu.memref_slice %arg2[%dma_wait3A_183, %dma_wait3A_184] : memref<10000x128xf32, #tpu.memory_space<hbm>> -> memref<10000x128xf32, #tpu.memory_space<hbm>>
      tpu.wait_indirect_dma semaphore(%arg14 : memref<!tpu.dma_semaphore, #tpu.memory_space<semaphore_mem>>) src(%dma_wait3A_185 : memref<10000x128xf32, #tpu.memory_space<hbm>>) dst(%arg11 : memref<128x128xf32, #tpu.memory_space<vmem>>)
      %run_scoped3A_186 = arith.constant 6 : i32
      "tpu.region"() ({
        %run_scoped3A_340 = tpu.sem_alloc : memref<!tpu.dma_semaphore, #tpu.memory_space<semaphore_mem>>
        %dma_start3A_341 = arith.constant 0 : i32
        %dma_start3A_342 = tpu.memref_slice %arg8[%run_scoped3A_186, %dma_start3A_341] : memref<8x128xi32, #tpu.memory_space<vmem>> -> memref<1x128xi32, #tpu.memory_space<vmem>>
        %dma_start3A_343 = tpu.memref_squeeze %dma_start3A_342 : memref<1x128xi32, #tpu.memory_space<vmem>> -> memref<128xi32, #tpu.memory_space<vmem>>
        %dma_start3A_344 = arith.constant 0 : i32
        %dma_start3A_345 = arith.constant 0 : i32
        %dma_start3A_346 = tpu.memref_slice %arg13[%dma_start3A_344, %dma_start3A_345] : memref<10240x128xf32, #tpu.memory_space<vmem_shared>> -> memref<10240x128xf32, #tpu.memory_space<vmem_shared>>
        tpu.enqueue_indirect_dma source(%arg11 : memref<128x128xf32, #tpu.memory_space<vmem>>) target(%dma_start3A_346 : memref<10240x128xf32, #tpu.memory_space<vmem_shared>>) offsets(%dma_start3A_343 : memref<128xi32, #tpu.memory_space<vmem>>) semaphore(%run_scoped3A_340 : memref<!tpu.dma_semaphore, #tpu.memory_space<semaphore_mem>>) {add = true}
        %dma_wait3A_347 = arith.constant 0 : i32
        %dma_wait3A_348 = tpu.memref_slice %arg8[%run_scoped3A_186, %dma_wait3A_347] : memref<8x128xi32, #tpu.memory_space<vmem>> -> memref<1x128xi32, #tpu.memory_space<vmem>>
        %dma_wait3A_349 = tpu.memref_squeeze %dma_wait3A_348 : memref<1x128xi32, #tpu.memory_space<vmem>> -> memref<128xi32, #tpu.memory_space<vmem>>
        %dma_wait3A_350 = arith.constant 0 : i32
        %dma_wait3A_351 = arith.constant 0 : i32
        %dma_wait3A_352 = tpu.memref_slice %arg13[%dma_wait3A_350, %dma_wait3A_351] : memref<10240x128xf32, #tpu.memory_space<vmem_shared>> -> memref<10240x128xf32, #tpu.memory_space<vmem_shared>>
        tpu.wait_indirect_dma semaphore(%run_scoped3A_340 : memref<!tpu.dma_semaphore, #tpu.memory_space<semaphore_mem>>) src(%arg11 : memref<128x128xf32, #tpu.memory_space<vmem>>) dst(%dma_wait3A_352 : memref<10240x128xf32, #tpu.memory_space<vmem_shared>>)
        tpu.yield
      }) : () -> ()
      %add3A_187 = arith.constant 1 : i32
      %add3A_188 = arith.addi %mul3A_85, %add3A_187 : i32
      %lt3A_189 = arith.constant 10 : i32
      %lt3A_190 = arith.cmpi slt, %add3A_188, %lt3A_189 : i32
      %convert_element_type3A_191 = arith.extui %lt3A_190 : i1 to i32
      %cond3A_192 = arith.constant 0 : i32
      %cond3A_193 = arith.cmpi ne, %convert_element_type3A_191, %cond3A_192 : i32
      scf.if %cond3A_193 {
        %add3A_340 = arith.constant 1 : i32
        %add3A_341 = arith.addi %mul3A_85, %add3A_340 : i32
        %mul3A_342 = arith.constant 8 : i32
        %mul3A_343 = arith.muli %add3A_341, %mul3A_342 : i32
        %dma_wait3A_344 = arith.constant 0 : i32
        %dma_wait3A_345 = arith.constant 0 : i32
        %dma_wait3A_346 = tpu.memref_slice %arg3[%add3A, %dma_wait3A_344, %dma_wait3A_345] : memref<32x80x128xi32, #tpu.memory_space<hbm>> -> memref<1x80x128xi32, #tpu.memory_space<hbm>>
        %dma_wait3A_347 = tpu.memref_squeeze %dma_wait3A_346 : memref<1x80x128xi32, #tpu.memory_space<hbm>> -> memref<80x128xi32, #tpu.memory_space<hbm>>
        %dma_wait3A_348 = arith.constant 0 : i32
        %dma_wait3A_349 = tpu.memref_slice %dma_wait3A_347[%mul3A_343, %dma_wait3A_348] : memref<80x128xi32, #tpu.memory_space<hbm>> -> memref<8x128xi32, #tpu.memory_space<hbm>>
        %dma_wait3A_350 = arith.constant 0 : i32
        %dma_wait3A_351 = arith.constant 0 : i32
        %dma_wait3A_352 = tpu.memref_slice %arg3[%add3A, %dma_wait3A_350, %dma_wait3A_351] : memref<32x80x128xi32, #tpu.memory_space<hbm>> -> memref<1x80x128xi32, #tpu.memory_space<hbm>>
        %dma_wait3A_353 = tpu.memref_squeeze %dma_wait3A_352 : memref<1x80x128xi32, #tpu.memory_space<hbm>> -> memref<80x128xi32, #tpu.memory_space<hbm>>
        %dma_wait3A_354 = arith.constant 0 : i32
        %dma_wait3A_355 = tpu.memref_slice %dma_wait3A_353[%mul3A_343, %dma_wait3A_354] : memref<80x128xi32, #tpu.memory_space<hbm>> -> memref<8x128xi32, #tpu.memory_space<hbm>>
        tpu.wait_dma2 semaphore(%arg17 : memref<!tpu.dma_semaphore, #tpu.memory_space<semaphore_mem>>) src(%dma_wait3A_355 : memref<8x128xi32, #tpu.memory_space<hbm>>) dst(%arg9 : memref<8x128xi32, #tpu.memory_space<vmem>>)
        %mul3A_356 = arith.constant 8 : i32
        %mul3A_357 = arith.muli %add3A_341, %mul3A_356 : i32
        %dma_wait3A_358 = arith.constant 0 : i32
        %dma_wait3A_359 = arith.constant 0 : i32
        %dma_wait3A_360 = tpu.memref_slice %arg4[%add3A, %dma_wait3A_358, %dma_wait3A_359] : memref<32x80x128xi32, #tpu.memory_space<hbm>> -> memref<1x80x128xi32, #tpu.memory_space<hbm>>
        %dma_wait3A_361 = tpu.memref_squeeze %dma_wait3A_360 : memref<1x80x128xi32, #tpu.memory_space<hbm>> -> memref<80x128xi32, #tpu.memory_space<hbm>>
        %dma_wait3A_362 = arith.constant 0 : i32
        %dma_wait3A_363 = tpu.memref_slice %dma_wait3A_361[%mul3A_357, %dma_wait3A_362] : memref<80x128xi32, #tpu.memory_space<hbm>> -> memref<8x128xi32, #tpu.memory_space<hbm>>
        %dma_wait3A_364 = arith.constant 0 : i32
        %dma_wait3A_365 = arith.constant 0 : i32
        %dma_wait3A_366 = tpu.memref_slice %arg4[%add3A, %dma_wait3A_364, %dma_wait3A_365] : memref<32x80x128xi32, #tpu.memory_space<hbm>> -> memref<1x80x128xi32, #tpu.memory_space<hbm>>
        %dma_wait3A_367 = tpu.memref_squeeze %dma_wait3A_366 : memref<1x80x128xi32, #tpu.memory_space<hbm>> -> memref<80x128xi32, #tpu.memory_space<hbm>>
        %dma_wait3A_368 = arith.constant 0 : i32
        %dma_wait3A_369 = tpu.memref_slice %dma_wait3A_367[%mul3A_357, %dma_wait3A_368] : memref<80x128xi32, #tpu.memory_space<hbm>> -> memref<8x128xi32, #tpu.memory_space<hbm>>
        tpu.wait_dma2 semaphore(%arg17 : memref<!tpu.dma_semaphore, #tpu.memory_space<semaphore_mem>>) src(%dma_wait3A_369 : memref<8x128xi32, #tpu.memory_space<hbm>>) dst(%arg10 : memref<8x128xi32, #tpu.memory_space<vmem>>)
        %dma_start3A_370 = arith.constant 0 : i32
        %dma_start3A_371 = arith.constant 0 : i32
        %dma_start3A_372 = tpu.memref_slice %arg9[%dma_start3A_370, %dma_start3A_371] : memref<8x128xi32, #tpu.memory_space<vmem>> -> memref<1x128xi32, #tpu.memory_space<vmem>>
        %dma_start3A_373 = tpu.memref_squeeze %dma_start3A_372 : memref<1x128xi32, #tpu.memory_space<vmem>> -> memref<128xi32, #tpu.memory_space<vmem>>
        %dma_start3A_374 = arith.constant 0 : i32
        %dma_start3A_375 = arith.constant 0 : i32
        %dma_start3A_376 = tpu.memref_slice %arg2[%dma_start3A_374, %dma_start3A_375] : memref<10000x128xf32, #tpu.memory_space<hbm>> -> memref<10000x128xf32, #tpu.memory_space<hbm>>
        tpu.enqueue_indirect_dma source(%dma_start3A_376 : memref<10000x128xf32, #tpu.memory_space<hbm>>) target(%arg11 : memref<128x128xf32, #tpu.memory_space<vmem>>) offsets(%dma_start3A_373 : memref<128xi32, #tpu.memory_space<vmem>>) semaphore(%arg14 : memref<!tpu.dma_semaphore, #tpu.memory_space<semaphore_mem>>)
      } else {
      }
      %dma_wait3A_194 = arith.constant 7 : i32
      %dma_wait3A_195 = arith.constant 0 : i32
      %dma_wait3A_196 = tpu.memref_slice %arg7[%dma_wait3A_194, %dma_wait3A_195] : memref<8x128xi32, #tpu.memory_space<vmem>> -> memref<1x128xi32, #tpu.memory_space<vmem>>
      %dma_wait3A_197 = tpu.memref_squeeze %dma_wait3A_196 : memref<1x128xi32, #tpu.memory_space<vmem>> -> memref<128xi32, #tpu.memory_space<vmem>>
      %dma_wait3A_198 = arith.constant 0 : i32
      %dma_wait3A_199 = arith.constant 0 : i32
      %dma_wait3A_200 = tpu.memref_slice %arg2[%dma_wait3A_198, %dma_wait3A_199] : memref<10000x128xf32, #tpu.memory_space<hbm>> -> memref<10000x128xf32, #tpu.memory_space<hbm>>
      tpu.wait_indirect_dma semaphore(%arg15 : memref<!tpu.dma_semaphore, #tpu.memory_space<semaphore_mem>>) src(%dma_wait3A_200 : memref<10000x128xf32, #tpu.memory_space<hbm>>) dst(%arg12 : memref<128x128xf32, #tpu.memory_space<vmem>>)
      %run_scoped3A_201 = arith.constant 7 : i32
      "tpu.region"() ({
        %run_scoped3A_340 = tpu.sem_alloc : memref<!tpu.dma_semaphore, #tpu.memory_space<semaphore_mem>>
        %dma_start3A_341 = arith.constant 0 : i32
        %dma_start3A_342 = tpu.memref_slice %arg8[%run_scoped3A_201, %dma_start3A_341] : memref<8x128xi32, #tpu.memory_space<vmem>> -> memref<1x128xi32, #tpu.memory_space<vmem>>
        %dma_start3A_343 = tpu.memref_squeeze %dma_start3A_342 : memref<1x128xi32, #tpu.memory_space<vmem>> -> memref<128xi32, #tpu.memory_space<vmem>>
        %dma_start3A_344 = arith.constant 0 : i32
        %dma_start3A_345 = arith.constant 0 : i32
        %dma_start3A_346 = tpu.memref_slice %arg13[%dma_start3A_344, %dma_start3A_345] : memref<10240x128xf32, #tpu.memory_space<vmem_shared>> -> memref<10240x128xf32, #tpu.memory_space<vmem_shared>>
        tpu.enqueue_indirect_dma source(%arg12 : memref<128x128xf32, #tpu.memory_space<vmem>>) target(%dma_start3A_346 : memref<10240x128xf32, #tpu.memory_space<vmem_shared>>) offsets(%dma_start3A_343 : memref<128xi32, #tpu.memory_space<vmem>>) semaphore(%run_scoped3A_340 : memref<!tpu.dma_semaphore, #tpu.memory_space<semaphore_mem>>) {add = true}
        %dma_wait3A_347 = arith.constant 0 : i32
        %dma_wait3A_348 = tpu.memref_slice %arg8[%run_scoped3A_201, %dma_wait3A_347] : memref<8x128xi32, #tpu.memory_space<vmem>> -> memref<1x128xi32, #tpu.memory_space<vmem>>
        %dma_wait3A_349 = tpu.memref_squeeze %dma_wait3A_348 : memref<1x128xi32, #tpu.memory_space<vmem>> -> memref<128xi32, #tpu.memory_space<vmem>>
        %dma_wait3A_350 = arith.constant 0 : i32
        %dma_wait3A_351 = arith.constant 0 : i32
        %dma_wait3A_352 = tpu.memref_slice %arg13[%dma_wait3A_350, %dma_wait3A_351] : memref<10240x128xf32, #tpu.memory_space<vmem_shared>> -> memref<10240x128xf32, #tpu.memory_space<vmem_shared>>
        tpu.wait_indirect_dma semaphore(%run_scoped3A_340 : memref<!tpu.dma_semaphore, #tpu.memory_space<semaphore_mem>>) src(%arg12 : memref<128x128xf32, #tpu.memory_space<vmem>>) dst(%dma_wait3A_352 : memref<10240x128xf32, #tpu.memory_space<vmem_shared>>)
        tpu.yield
      }) : () -> ()
      %add3A_202 = arith.constant 1 : i32
      %add3A_203 = arith.addi %mul3A_85, %add3A_202 : i32
      %lt3A_204 = arith.constant 10 : i32
      %lt3A_205 = arith.cmpi slt, %add3A_203, %lt3A_204 : i32
      %convert_element_type3A_206 = arith.extui %lt3A_205 : i1 to i32
      %cond3A_207 = arith.constant 0 : i32
      %cond3A_208 = arith.cmpi ne, %convert_element_type3A_206, %cond3A_207 : i32
      scf.if %cond3A_208 {
        %dma_start3A_340 = arith.constant 1 : i32
        %dma_start3A_341 = arith.constant 0 : i32
        %dma_start3A_342 = tpu.memref_slice %arg9[%dma_start3A_340, %dma_start3A_341] : memref<8x128xi32, #tpu.memory_space<vmem>> -> memref<1x128xi32, #tpu.memory_space<vmem>>
        %dma_start3A_343 = tpu.memref_squeeze %dma_start3A_342 : memref<1x128xi32, #tpu.memory_space<vmem>> -> memref<128xi32, #tpu.memory_space<vmem>>
        %dma_start3A_344 = arith.constant 0 : i32
        %dma_start3A_345 = arith.constant 0 : i32
        %dma_start3A_346 = tpu.memref_slice %arg2[%dma_start3A_344, %dma_start3A_345] : memref<10000x128xf32, #tpu.memory_space<hbm>> -> memref<10000x128xf32, #tpu.memory_space<hbm>>
        tpu.enqueue_indirect_dma source(%dma_start3A_346 : memref<10000x128xf32, #tpu.memory_space<hbm>>) target(%arg12 : memref<128x128xf32, #tpu.memory_space<vmem>>) offsets(%dma_start3A_343 : memref<128xi32, #tpu.memory_space<vmem>>) semaphore(%arg15 : memref<!tpu.dma_semaphore, #tpu.memory_space<semaphore_mem>>)
      } else {
      }
      %mul3A_209 = arith.constant 2 : i32
      %mul3A_210 = arith.muli %scan3A_83, %mul3A_209 : i32
      %add3A_211 = arith.constant 1 : i32
      %add3A_212 = arith.addi %mul3A_210, %add3A_211 : i32
      %add3A_213 = arith.constant 1 : i32
      %add3A_214 = arith.addi %add3A_212, %add3A_213 : i32
      %lt3A_215 = arith.constant 10 : i32
      %lt3A_216 = arith.cmpi slt, %add3A_214, %lt3A_215 : i32
      %convert_element_type3A_217 = arith.extui %lt3A_216 : i1 to i32
      %cond3A_218 = arith.constant 0 : i32
      %cond3A_219 = arith.cmpi ne, %convert_element_type3A_217, %cond3A_218 : i32
      scf.if %cond3A_219 {
        %add3A_340 = arith.constant 1 : i32
        %add3A_341 = arith.addi %add3A_212, %add3A_340 : i32
        %mul3A_342 = arith.constant 8 : i32
        %mul3A_343 = arith.muli %add3A_341, %mul3A_342 : i32
        %dma_start3A_344 = arith.constant 0 : i32
        %dma_start3A_345 = arith.constant 0 : i32
        %dma_start3A_346 = tpu.memref_slice %arg3[%add3A, %dma_start3A_344, %dma_start3A_345] : memref<32x80x128xi32, #tpu.memory_space<hbm>> -> memref<1x80x128xi32, #tpu.memory_space<hbm>>
        %dma_start3A_347 = tpu.memref_squeeze %dma_start3A_346 : memref<1x80x128xi32, #tpu.memory_space<hbm>> -> memref<80x128xi32, #tpu.memory_space<hbm>>
        %dma_start3A_348 = arith.constant 0 : i32
        %dma_start3A_349 = tpu.memref_slice %dma_start3A_347[%mul3A_343, %dma_start3A_348] : memref<80x128xi32, #tpu.memory_space<hbm>> -> memref<8x128xi32, #tpu.memory_space<hbm>>
        %dma_start3A_350 = arith.constant 0 : i32
        %dma_start3A_351 = arith.constant 0 : i32
        %dma_start3A_352 = tpu.memref_slice %arg3[%add3A, %dma_start3A_350, %dma_start3A_351] : memref<32x80x128xi32, #tpu.memory_space<hbm>> -> memref<1x80x128xi32, #tpu.memory_space<hbm>>
        %dma_start3A_353 = tpu.memref_squeeze %dma_start3A_352 : memref<1x80x128xi32, #tpu.memory_space<hbm>> -> memref<80x128xi32, #tpu.memory_space<hbm>>
        %dma_start3A_354 = arith.constant 0 : i32
        %dma_start3A_355 = tpu.memref_slice %dma_start3A_353[%mul3A_343, %dma_start3A_354] : memref<80x128xi32, #tpu.memory_space<hbm>> -> memref<8x128xi32, #tpu.memory_space<hbm>>
        tpu.enqueue_dma source(%dma_start3A_355 : memref<8x128xi32, #tpu.memory_space<hbm>>) target(%arg7 : memref<8x128xi32, #tpu.memory_space<vmem>>) target_semaphore(%arg16 : memref<!tpu.dma_semaphore, #tpu.memory_space<semaphore_mem>>)
        %mul3A_356 = arith.constant 8 : i32
        %mul3A_357 = arith.muli %add3A_341, %mul3A_356 : i32
        %dma_start3A_358 = arith.constant 0 : i32
        %dma_start3A_359 = arith.constant 0 : i32
        %dma_start3A_360 = tpu.memref_slice %arg4[%add3A, %dma_start3A_358, %dma_start3A_359] : memref<32x80x128xi32, #tpu.memory_space<hbm>> -> memref<1x80x128xi32, #tpu.memory_space<hbm>>
        %dma_start3A_361 = tpu.memref_squeeze %dma_start3A_360 : memref<1x80x128xi32, #tpu.memory_space<hbm>> -> memref<80x128xi32, #tpu.memory_space<hbm>>
        %dma_start3A_362 = arith.constant 0 : i32
        %dma_start3A_363 = tpu.memref_slice %dma_start3A_361[%mul3A_357, %dma_start3A_362] : memref<80x128xi32, #tpu.memory_space<hbm>> -> memref<8x128xi32, #tpu.memory_space<hbm>>
        %dma_start3A_364 = arith.constant 0 : i32
        %dma_start3A_365 = arith.constant 0 : i32
        %dma_start3A_366 = tpu.memref_slice %arg4[%add3A, %dma_start3A_364, %dma_start3A_365] : memref<32x80x128xi32, #tpu.memory_space<hbm>> -> memref<1x80x128xi32, #tpu.memory_space<hbm>>
        %dma_start3A_367 = tpu.memref_squeeze %dma_start3A_366 : memref<1x80x128xi32, #tpu.memory_space<hbm>> -> memref<80x128xi32, #tpu.memory_space<hbm>>
        %dma_start3A_368 = arith.constant 0 : i32
        %dma_start3A_369 = tpu.memref_slice %dma_start3A_367[%mul3A_357, %dma_start3A_368] : memref<80x128xi32, #tpu.memory_space<hbm>> -> memref<8x128xi32, #tpu.memory_space<hbm>>
        tpu.enqueue_dma source(%dma_start3A_369 : memref<8x128xi32, #tpu.memory_space<hbm>>) target(%arg8 : memref<8x128xi32, #tpu.memory_space<vmem>>) target_semaphore(%arg16 : memref<!tpu.dma_semaphore, #tpu.memory_space<semaphore_mem>>)
      } else {
      }
      %dma_wait3A_220 = arith.constant 0 : i32
      %dma_wait3A_221 = arith.constant 0 : i32
      %dma_wait3A_222 = tpu.memref_slice %arg9[%dma_wait3A_220, %dma_wait3A_221] : memref<8x128xi32, #tpu.memory_space<vmem>> -> memref<1x128xi32, #tpu.memory_space<vmem>>
      %dma_wait3A_223 = tpu.memref_squeeze %dma_wait3A_222 : memref<1x128xi32, #tpu.memory_space<vmem>> -> memref<128xi32, #tpu.memory_space<vmem>>
      %dma_wait3A_224 = arith.constant 0 : i32
      %dma_wait3A_225 = arith.constant 0 : i32
      %dma_wait3A_226 = tpu.memref_slice %arg2[%dma_wait3A_224, %dma_wait3A_225] : memref<10000x128xf32, #tpu.memory_space<hbm>> -> memref<10000x128xf32, #tpu.memory_space<hbm>>
      tpu.wait_indirect_dma semaphore(%arg14 : memref<!tpu.dma_semaphore, #tpu.memory_space<semaphore_mem>>) src(%dma_wait3A_226 : memref<10000x128xf32, #tpu.memory_space<hbm>>) dst(%arg11 : memref<128x128xf32, #tpu.memory_space<vmem>>)
      %run_scoped3A_227 = arith.constant 0 : i32
      "tpu.region"() ({
        %run_scoped3A_340 = tpu.sem_alloc : memref<!tpu.dma_semaphore, #tpu.memory_space<semaphore_mem>>
        %dma_start3A_341 = arith.constant 0 : i32
        %dma_start3A_342 = tpu.memref_slice %arg10[%run_scoped3A_227, %dma_start3A_341] : memref<8x128xi32, #tpu.memory_space<vmem>> -> memref<1x128xi32, #tpu.memory_space<vmem>>
        %dma_start3A_343 = tpu.memref_squeeze %dma_start3A_342 : memref<1x128xi32, #tpu.memory_space<vmem>> -> memref<128xi32, #tpu.memory_space<vmem>>
        %dma_start3A_344 = arith.constant 0 : i32
        %dma_start3A_345 = arith.constant 0 : i32
        %dma_start3A_346 = tpu.memref_slice %arg13[%dma_start3A_344, %dma_start3A_345] : memref<10240x128xf32, #tpu.memory_space<vmem_shared>> -> memref<10240x128xf32, #tpu.memory_space<vmem_shared>>
        tpu.enqueue_indirect_dma source(%arg11 : memref<128x128xf32, #tpu.memory_space<vmem>>) target(%dma_start3A_346 : memref<10240x128xf32, #tpu.memory_space<vmem_shared>>) offsets(%dma_start3A_343 : memref<128xi32, #tpu.memory_space<vmem>>) semaphore(%run_scoped3A_340 : memref<!tpu.dma_semaphore, #tpu.memory_space<semaphore_mem>>) {add = true}
        %dma_wait3A_347 = arith.constant 0 : i32
        %dma_wait3A_348 = tpu.memref_slice %arg10[%run_scoped3A_227, %dma_wait3A_347] : memref<8x128xi32, #tpu.memory_space<vmem>> -> memref<1x128xi32, #tpu.memory_space<vmem>>
        %dma_wait3A_349 = tpu.memref_squeeze %dma_wait3A_348 : memref<1x128xi32, #tpu.memory_space<vmem>> -> memref<128xi32, #tpu.memory_space<vmem>>
        %dma_wait3A_350 = arith.constant 0 : i32
        %dma_wait3A_351 = arith.constant 0 : i32
        %dma_wait3A_352 = tpu.memref_slice %arg13[%dma_wait3A_350, %dma_wait3A_351] : memref<10240x128xf32, #tpu.memory_space<vmem_shared>> -> memref<10240x128xf32, #tpu.memory_space<vmem_shared>>
        tpu.wait_indirect_dma semaphore(%run_scoped3A_340 : memref<!tpu.dma_semaphore, #tpu.memory_space<semaphore_mem>>) src(%arg11 : memref<128x128xf32, #tpu.memory_space<vmem>>) dst(%dma_wait3A_352 : memref<10240x128xf32, #tpu.memory_space<vmem_shared>>)
        tpu.yield
      }) : () -> ()
      %dma_start3A_228 = arith.constant 2 : i32
      %dma_start3A_229 = arith.constant 0 : i32
      %dma_start3A_230 = tpu.memref_slice %arg9[%dma_start3A_228, %dma_start3A_229] : memref<8x128xi32, #tpu.memory_space<vmem>> -> memref<1x128xi32, #tpu.memory_space<vmem>>
      %dma_start3A_231 = tpu.memref_squeeze %dma_start3A_230 : memref<1x128xi32, #tpu.memory_space<vmem>> -> memref<128xi32, #tpu.memory_space<vmem>>
      %dma_start3A_232 = arith.constant 0 : i32
      %dma_start3A_233 = arith.constant 0 : i32
      %dma_start3A_234 = tpu.memref_slice %arg2[%dma_start3A_232, %dma_start3A_233] : memref<10000x128xf32, #tpu.memory_space<hbm>> -> memref<10000x128xf32, #tpu.memory_space<hbm>>
      tpu.enqueue_indirect_dma source(%dma_start3A_234 : memref<10000x128xf32, #tpu.memory_space<hbm>>) target(%arg11 : memref<128x128xf32, #tpu.memory_space<vmem>>) offsets(%dma_start3A_231 : memref<128xi32, #tpu.memory_space<vmem>>) semaphore(%arg14 : memref<!tpu.dma_semaphore, #tpu.memory_space<semaphore_mem>>)
      %dma_wait3A_235 = arith.constant 1 : i32
      %dma_wait3A_236 = arith.constant 0 : i32
      %dma_wait3A_237 = tpu.memref_slice %arg9[%dma_wait3A_235, %dma_wait3A_236] : memref<8x128xi32, #tpu.memory_space<vmem>> -> memref<1x128xi32, #tpu.memory_space<vmem>>
      %dma_wait3A_238 = tpu.memref_squeeze %dma_wait3A_237 : memref<1x128xi32, #tpu.memory_space<vmem>> -> memref<128xi32, #tpu.memory_space<vmem>>
      %dma_wait3A_239 = arith.constant 0 : i32
      %dma_wait3A_240 = arith.constant 0 : i32
      %dma_wait3A_241 = tpu.memref_slice %arg2[%dma_wait3A_239, %dma_wait3A_240] : memref<10000x128xf32, #tpu.memory_space<hbm>> -> memref<10000x128xf32, #tpu.memory_space<hbm>>
      tpu.wait_indirect_dma semaphore(%arg15 : memref<!tpu.dma_semaphore, #tpu.memory_space<semaphore_mem>>) src(%dma_wait3A_241 : memref<10000x128xf32, #tpu.memory_space<hbm>>) dst(%arg12 : memref<128x128xf32, #tpu.memory_space<vmem>>)
      %run_scoped3A_242 = arith.constant 1 : i32
      "tpu.region"() ({
        %run_scoped3A_340 = tpu.sem_alloc : memref<!tpu.dma_semaphore, #tpu.memory_space<semaphore_mem>>
        %dma_start3A_341 = arith.constant 0 : i32
        %dma_start3A_342 = tpu.memref_slice %arg10[%run_scoped3A_242, %dma_start3A_341] : memref<8x128xi32, #tpu.memory_space<vmem>> -> memref<1x128xi32, #tpu.memory_space<vmem>>
        %dma_start3A_343 = tpu.memref_squeeze %dma_start3A_342 : memref<1x128xi32, #tpu.memory_space<vmem>> -> memref<128xi32, #tpu.memory_space<vmem>>
        %dma_start3A_344 = arith.constant 0 : i32
        %dma_start3A_345 = arith.constant 0 : i32
        %dma_start3A_346 = tpu.memref_slice %arg13[%dma_start3A_344, %dma_start3A_345] : memref<10240x128xf32, #tpu.memory_space<vmem_shared>> -> memref<10240x128xf32, #tpu.memory_space<vmem_shared>>
        tpu.enqueue_indirect_dma source(%arg12 : memref<128x128xf32, #tpu.memory_space<vmem>>) target(%dma_start3A_346 : memref<10240x128xf32, #tpu.memory_space<vmem_shared>>) offsets(%dma_start3A_343 : memref<128xi32, #tpu.memory_space<vmem>>) semaphore(%run_scoped3A_340 : memref<!tpu.dma_semaphore, #tpu.memory_space<semaphore_mem>>) {add = true}
        %dma_wait3A_347 = arith.constant 0 : i32
        %dma_wait3A_348 = tpu.memref_slice %arg10[%run_scoped3A_242, %dma_wait3A_347] : memref<8x128xi32, #tpu.memory_space<vmem>> -> memref<1x128xi32, #tpu.memory_space<vmem>>
        %dma_wait3A_349 = tpu.memref_squeeze %dma_wait3A_348 : memref<1x128xi32, #tpu.memory_space<vmem>> -> memref<128xi32, #tpu.memory_space<vmem>>
        %dma_wait3A_350 = arith.constant 0 : i32
        %dma_wait3A_351 = arith.constant 0 : i32
        %dma_wait3A_352 = tpu.memref_slice %arg13[%dma_wait3A_350, %dma_wait3A_351] : memref<10240x128xf32, #tpu.memory_space<vmem_shared>> -> memref<10240x128xf32, #tpu.memory_space<vmem_shared>>
        tpu.wait_indirect_dma semaphore(%run_scoped3A_340 : memref<!tpu.dma_semaphore, #tpu.memory_space<semaphore_mem>>) src(%arg12 : memref<128x128xf32, #tpu.memory_space<vmem>>) dst(%dma_wait3A_352 : memref<10240x128xf32, #tpu.memory_space<vmem_shared>>)
        tpu.yield
      }) : () -> ()
      %dma_start3A_243 = arith.constant 3 : i32
      %dma_start3A_244 = arith.constant 0 : i32
      %dma_start3A_245 = tpu.memref_slice %arg9[%dma_start3A_243, %dma_start3A_244] : memref<8x128xi32, #tpu.memory_space<vmem>> -> memref<1x128xi32, #tpu.memory_space<vmem>>
      %dma_start3A_246 = tpu.memref_squeeze %dma_start3A_245 : memref<1x128xi32, #tpu.memory_space<vmem>> -> memref<128xi32, #tpu.memory_space<vmem>>
      %dma_start3A_247 = arith.constant 0 : i32
      %dma_start3A_248 = arith.constant 0 : i32
      %dma_start3A_249 = tpu.memref_slice %arg2[%dma_start3A_247, %dma_start3A_248] : memref<10000x128xf32, #tpu.memory_space<hbm>> -> memref<10000x128xf32, #tpu.memory_space<hbm>>
      tpu.enqueue_indirect_dma source(%dma_start3A_249 : memref<10000x128xf32, #tpu.memory_space<hbm>>) target(%arg12 : memref<128x128xf32, #tpu.memory_space<vmem>>) offsets(%dma_start3A_246 : memref<128xi32, #tpu.memory_space<vmem>>) semaphore(%arg15 : memref<!tpu.dma_semaphore, #tpu.memory_space<semaphore_mem>>)
      %dma_wait3A_250 = arith.constant 2 : i32
      %dma_wait3A_251 = arith.constant 0 : i32
      %dma_wait3A_252 = tpu.memref_slice %arg9[%dma_wait3A_250, %dma_wait3A_251] : memref<8x128xi32, #tpu.memory_space<vmem>> -> memref<1x128xi32, #tpu.memory_space<vmem>>
      %dma_wait3A_253 = tpu.memref_squeeze %dma_wait3A_252 : memref<1x128xi32, #tpu.memory_space<vmem>> -> memref<128xi32, #tpu.memory_space<vmem>>
      %dma_wait3A_254 = arith.constant 0 : i32
      %dma_wait3A_255 = arith.constant 0 : i32
      %dma_wait3A_256 = tpu.memref_slice %arg2[%dma_wait3A_254, %dma_wait3A_255] : memref<10000x128xf32, #tpu.memory_space<hbm>> -> memref<10000x128xf32, #tpu.memory_space<hbm>>
      tpu.wait_indirect_dma semaphore(%arg14 : memref<!tpu.dma_semaphore, #tpu.memory_space<semaphore_mem>>) src(%dma_wait3A_256 : memref<10000x128xf32, #tpu.memory_space<hbm>>) dst(%arg11 : memref<128x128xf32, #tpu.memory_space<vmem>>)
      %run_scoped3A_257 = arith.constant 2 : i32
      "tpu.region"() ({
        %run_scoped3A_340 = tpu.sem_alloc : memref<!tpu.dma_semaphore, #tpu.memory_space<semaphore_mem>>
        %dma_start3A_341 = arith.constant 0 : i32
        %dma_start3A_342 = tpu.memref_slice %arg10[%run_scoped3A_257, %dma_start3A_341] : memref<8x128xi32, #tpu.memory_space<vmem>> -> memref<1x128xi32, #tpu.memory_space<vmem>>
        %dma_start3A_343 = tpu.memref_squeeze %dma_start3A_342 : memref<1x128xi32, #tpu.memory_space<vmem>> -> memref<128xi32, #tpu.memory_space<vmem>>
        %dma_start3A_344 = arith.constant 0 : i32
        %dma_start3A_345 = arith.constant 0 : i32
        %dma_start3A_346 = tpu.memref_slice %arg13[%dma_start3A_344, %dma_start3A_345] : memref<10240x128xf32, #tpu.memory_space<vmem_shared>> -> memref<10240x128xf32, #tpu.memory_space<vmem_shared>>
        tpu.enqueue_indirect_dma source(%arg11 : memref<128x128xf32, #tpu.memory_space<vmem>>) target(%dma_start3A_346 : memref<10240x128xf32, #tpu.memory_space<vmem_shared>>) offsets(%dma_start3A_343 : memref<128xi32, #tpu.memory_space<vmem>>) semaphore(%run_scoped3A_340 : memref<!tpu.dma_semaphore, #tpu.memory_space<semaphore_mem>>) {add = true}
        %dma_wait3A_347 = arith.constant 0 : i32
        %dma_wait3A_348 = tpu.memref_slice %arg10[%run_scoped3A_257, %dma_wait3A_347] : memref<8x128xi32, #tpu.memory_space<vmem>> -> memref<1x128xi32, #tpu.memory_space<vmem>>
        %dma_wait3A_349 = tpu.memref_squeeze %dma_wait3A_348 : memref<1x128xi32, #tpu.memory_space<vmem>> -> memref<128xi32, #tpu.memory_space<vmem>>
        %dma_wait3A_350 = arith.constant 0 : i32
        %dma_wait3A_351 = arith.constant 0 : i32
        %dma_wait3A_352 = tpu.memref_slice %arg13[%dma_wait3A_350, %dma_wait3A_351] : memref<10240x128xf32, #tpu.memory_space<vmem_shared>> -> memref<10240x128xf32, #tpu.memory_space<vmem_shared>>
        tpu.wait_indirect_dma semaphore(%run_scoped3A_340 : memref<!tpu.dma_semaphore, #tpu.memory_space<semaphore_mem>>) src(%arg11 : memref<128x128xf32, #tpu.memory_space<vmem>>) dst(%dma_wait3A_352 : memref<10240x128xf32, #tpu.memory_space<vmem_shared>>)
        tpu.yield
      }) : () -> ()
      %dma_start3A_258 = arith.constant 4 : i32
      %dma_start3A_259 = arith.constant 0 : i32
      %dma_start3A_260 = tpu.memref_slice %arg9[%dma_start3A_258, %dma_start3A_259] : memref<8x128xi32, #tpu.memory_space<vmem>> -> memref<1x128xi32, #tpu.memory_space<vmem>>
      %dma_start3A_261 = tpu.memref_squeeze %dma_start3A_260 : memref<1x128xi32, #tpu.memory_space<vmem>> -> memref<128xi32, #tpu.memory_space<vmem>>
      %dma_start3A_262 = arith.constant 0 : i32
      %dma_start3A_263 = arith.constant 0 : i32
      %dma_start3A_264 = tpu.memref_slice %arg2[%dma_start3A_262, %dma_start3A_263] : memref<10000x128xf32, #tpu.memory_space<hbm>> -> memref<10000x128xf32, #tpu.memory_space<hbm>>
      tpu.enqueue_indirect_dma source(%dma_start3A_264 : memref<10000x128xf32, #tpu.memory_space<hbm>>) target(%arg11 : memref<128x128xf32, #tpu.memory_space<vmem>>) offsets(%dma_start3A_261 : memref<128xi32, #tpu.memory_space<vmem>>) semaphore(%arg14 : memref<!tpu.dma_semaphore, #tpu.memory_space<semaphore_mem>>)
      %dma_wait3A_265 = arith.constant 3 : i32
      %dma_wait3A_266 = arith.constant 0 : i32
      %dma_wait3A_267 = tpu.memref_slice %arg9[%dma_wait3A_265, %dma_wait3A_266] : memref<8x128xi32, #tpu.memory_space<vmem>> -> memref<1x128xi32, #tpu.memory_space<vmem>>
      %dma_wait3A_268 = tpu.memref_squeeze %dma_wait3A_267 : memref<1x128xi32, #tpu.memory_space<vmem>> -> memref<128xi32, #tpu.memory_space<vmem>>
      %dma_wait3A_269 = arith.constant 0 : i32
      %dma_wait3A_270 = arith.constant 0 : i32
      %dma_wait3A_271 = tpu.memref_slice %arg2[%dma_wait3A_269, %dma_wait3A_270] : memref<10000x128xf32, #tpu.memory_space<hbm>> -> memref<10000x128xf32, #tpu.memory_space<hbm>>
      tpu.wait_indirect_dma semaphore(%arg15 : memref<!tpu.dma_semaphore, #tpu.memory_space<semaphore_mem>>) src(%dma_wait3A_271 : memref<10000x128xf32, #tpu.memory_space<hbm>>) dst(%arg12 : memref<128x128xf32, #tpu.memory_space<vmem>>)
      %run_scoped3A_272 = arith.constant 3 : i32
      "tpu.region"() ({
        %run_scoped3A_340 = tpu.sem_alloc : memref<!tpu.dma_semaphore, #tpu.memory_space<semaphore_mem>>
        %dma_start3A_341 = arith.constant 0 : i32
        %dma_start3A_342 = tpu.memref_slice %arg10[%run_scoped3A_272, %dma_start3A_341] : memref<8x128xi32, #tpu.memory_space<vmem>> -> memref<1x128xi32, #tpu.memory_space<vmem>>
        %dma_start3A_343 = tpu.memref_squeeze %dma_start3A_342 : memref<1x128xi32, #tpu.memory_space<vmem>> -> memref<128xi32, #tpu.memory_space<vmem>>
        %dma_start3A_344 = arith.constant 0 : i32
        %dma_start3A_345 = arith.constant 0 : i32
        %dma_start3A_346 = tpu.memref_slice %arg13[%dma_start3A_344, %dma_start3A_345] : memref<10240x128xf32, #tpu.memory_space<vmem_shared>> -> memref<10240x128xf32, #tpu.memory_space<vmem_shared>>
        tpu.enqueue_indirect_dma source(%arg12 : memref<128x128xf32, #tpu.memory_space<vmem>>) target(%dma_start3A_346 : memref<10240x128xf32, #tpu.memory_space<vmem_shared>>) offsets(%dma_start3A_343 : memref<128xi32, #tpu.memory_space<vmem>>) semaphore(%run_scoped3A_340 : memref<!tpu.dma_semaphore, #tpu.memory_space<semaphore_mem>>) {add = true}
        %dma_wait3A_347 = arith.constant 0 : i32
        %dma_wait3A_348 = tpu.memref_slice %arg10[%run_scoped3A_272, %dma_wait3A_347] : memref<8x128xi32, #tpu.memory_space<vmem>> -> memref<1x128xi32, #tpu.memory_space<vmem>>
        %dma_wait3A_349 = tpu.memref_squeeze %dma_wait3A_348 : memref<1x128xi32, #tpu.memory_space<vmem>> -> memref<128xi32, #tpu.memory_space<vmem>>
        %dma_wait3A_350 = arith.constant 0 : i32
        %dma_wait3A_351 = arith.constant 0 : i32
        %dma_wait3A_352 = tpu.memref_slice %arg13[%dma_wait3A_350, %dma_wait3A_351] : memref<10240x128xf32, #tpu.memory_space<vmem_shared>> -> memref<10240x128xf32, #tpu.memory_space<vmem_shared>>
        tpu.wait_indirect_dma semaphore(%run_scoped3A_340 : memref<!tpu.dma_semaphore, #tpu.memory_space<semaphore_mem>>) src(%arg12 : memref<128x128xf32, #tpu.memory_space<vmem>>) dst(%dma_wait3A_352 : memref<10240x128xf32, #tpu.memory_space<vmem_shared>>)
        tpu.yield
      }) : () -> ()
      %dma_start3A_273 = arith.constant 5 : i32
      %dma_start3A_274 = arith.constant 0 : i32
      %dma_start3A_275 = tpu.memref_slice %arg9[%dma_start3A_273, %dma_start3A_274] : memref<8x128xi32, #tpu.memory_space<vmem>> -> memref<1x128xi32, #tpu.memory_space<vmem>>
      %dma_start3A_276 = tpu.memref_squeeze %dma_start3A_275 : memref<1x128xi32, #tpu.memory_space<vmem>> -> memref<128xi32, #tpu.memory_space<vmem>>
      %dma_start3A_277 = arith.constant 0 : i32
      %dma_start3A_278 = arith.constant 0 : i32
      %dma_start3A_279 = tpu.memref_slice %arg2[%dma_start3A_277, %dma_start3A_278] : memref<10000x128xf32, #tpu.memory_space<hbm>> -> memref<10000x128xf32, #tpu.memory_space<hbm>>
      tpu.enqueue_indirect_dma source(%dma_start3A_279 : memref<10000x128xf32, #tpu.memory_space<hbm>>) target(%arg12 : memref<128x128xf32, #tpu.memory_space<vmem>>) offsets(%dma_start3A_276 : memref<128xi32, #tpu.memory_space<vmem>>) semaphore(%arg15 : memref<!tpu.dma_semaphore, #tpu.memory_space<semaphore_mem>>)
      %dma_wait3A_280 = arith.constant 4 : i32
      %dma_wait3A_281 = arith.constant 0 : i32
      %dma_wait3A_282 = tpu.memref_slice %arg9[%dma_wait3A_280, %dma_wait3A_281] : memref<8x128xi32, #tpu.memory_space<vmem>> -> memref<1x128xi32, #tpu.memory_space<vmem>>
      %dma_wait3A_283 = tpu.memref_squeeze %dma_wait3A_282 : memref<1x128xi32, #tpu.memory_space<vmem>> -> memref<128xi32, #tpu.memory_space<vmem>>
      %dma_wait3A_284 = arith.constant 0 : i32
      %dma_wait3A_285 = arith.constant 0 : i32
      %dma_wait3A_286 = tpu.memref_slice %arg2[%dma_wait3A_284, %dma_wait3A_285] : memref<10000x128xf32, #tpu.memory_space<hbm>> -> memref<10000x128xf32, #tpu.memory_space<hbm>>
      tpu.wait_indirect_dma semaphore(%arg14 : memref<!tpu.dma_semaphore, #tpu.memory_space<semaphore_mem>>) src(%dma_wait3A_286 : memref<10000x128xf32, #tpu.memory_space<hbm>>) dst(%arg11 : memref<128x128xf32, #tpu.memory_space<vmem>>)
      %run_scoped3A_287 = arith.constant 4 : i32
      "tpu.region"() ({
        %run_scoped3A_340 = tpu.sem_alloc : memref<!tpu.dma_semaphore, #tpu.memory_space<semaphore_mem>>
        %dma_start3A_341 = arith.constant 0 : i32
        %dma_start3A_342 = tpu.memref_slice %arg10[%run_scoped3A_287, %dma_start3A_341] : memref<8x128xi32, #tpu.memory_space<vmem>> -> memref<1x128xi32, #tpu.memory_space<vmem>>
        %dma_start3A_343 = tpu.memref_squeeze %dma_start3A_342 : memref<1x128xi32, #tpu.memory_space<vmem>> -> memref<128xi32, #tpu.memory_space<vmem>>
        %dma_start3A_344 = arith.constant 0 : i32
        %dma_start3A_345 = arith.constant 0 : i32
        %dma_start3A_346 = tpu.memref_slice %arg13[%dma_start3A_344, %dma_start3A_345] : memref<10240x128xf32, #tpu.memory_space<vmem_shared>> -> memref<10240x128xf32, #tpu.memory_space<vmem_shared>>
        tpu.enqueue_indirect_dma source(%arg11 : memref<128x128xf32, #tpu.memory_space<vmem>>) target(%dma_start3A_346 : memref<10240x128xf32, #tpu.memory_space<vmem_shared>>) offsets(%dma_start3A_343 : memref<128xi32, #tpu.memory_space<vmem>>) semaphore(%run_scoped3A_340 : memref<!tpu.dma_semaphore, #tpu.memory_space<semaphore_mem>>) {add = true}
        %dma_wait3A_347 = arith.constant 0 : i32
        %dma_wait3A_348 = tpu.memref_slice %arg10[%run_scoped3A_287, %dma_wait3A_347] : memref<8x128xi32, #tpu.memory_space<vmem>> -> memref<1x128xi32, #tpu.memory_space<vmem>>
        %dma_wait3A_349 = tpu.memref_squeeze %dma_wait3A_348 : memref<1x128xi32, #tpu.memory_space<vmem>> -> memref<128xi32, #tpu.memory_space<vmem>>
        %dma_wait3A_350 = arith.constant 0 : i32
        %dma_wait3A_351 = arith.constant 0 : i32
        %dma_wait3A_352 = tpu.memref_slice %arg13[%dma_wait3A_350, %dma_wait3A_351] : memref<10240x128xf32, #tpu.memory_space<vmem_shared>> -> memref<10240x128xf32, #tpu.memory_space<vmem_shared>>
        tpu.wait_indirect_dma semaphore(%run_scoped3A_340 : memref<!tpu.dma_semaphore, #tpu.memory_space<semaphore_mem>>) src(%arg11 : memref<128x128xf32, #tpu.memory_space<vmem>>) dst(%dma_wait3A_352 : memref<10240x128xf32, #tpu.memory_space<vmem_shared>>)
        tpu.yield
      }) : () -> ()
      %dma_start3A_288 = arith.constant 6 : i32
      %dma_start3A_289 = arith.constant 0 : i32
      %dma_start3A_290 = tpu.memref_slice %arg9[%dma_start3A_288, %dma_start3A_289] : memref<8x128xi32, #tpu.memory_space<vmem>> -> memref<1x128xi32, #tpu.memory_space<vmem>>
      %dma_start3A_291 = tpu.memref_squeeze %dma_start3A_290 : memref<1x128xi32, #tpu.memory_space<vmem>> -> memref<128xi32, #tpu.memory_space<vmem>>
      %dma_start3A_292 = arith.constant 0 : i32
      %dma_start3A_293 = arith.constant 0 : i32
      %dma_start3A_294 = tpu.memref_slice %arg2[%dma_start3A_292, %dma_start3A_293] : memref<10000x128xf32, #tpu.memory_space<hbm>> -> memref<10000x128xf32, #tpu.memory_space<hbm>>
      tpu.enqueue_indirect_dma source(%dma_start3A_294 : memref<10000x128xf32, #tpu.memory_space<hbm>>) target(%arg11 : memref<128x128xf32, #tpu.memory_space<vmem>>) offsets(%dma_start3A_291 : memref<128xi32, #tpu.memory_space<vmem>>) semaphore(%arg14 : memref<!tpu.dma_semaphore, #tpu.memory_space<semaphore_mem>>)
      %dma_wait3A_295 = arith.constant 5 : i32
      %dma_wait3A_296 = arith.constant 0 : i32
      %dma_wait3A_297 = tpu.memref_slice %arg9[%dma_wait3A_295, %dma_wait3A_296] : memref<8x128xi32, #tpu.memory_space<vmem>> -> memref<1x128xi32, #tpu.memory_space<vmem>>
      %dma_wait3A_298 = tpu.memref_squeeze %dma_wait3A_297 : memref<1x128xi32, #tpu.memory_space<vmem>> -> memref<128xi32, #tpu.memory_space<vmem>>
      %dma_wait3A_299 = arith.constant 0 : i32
      %dma_wait3A_300 = arith.constant 0 : i32
      %dma_wait3A_301 = tpu.memref_slice %arg2[%dma_wait3A_299, %dma_wait3A_300] : memref<10000x128xf32, #tpu.memory_space<hbm>> -> memref<10000x128xf32, #tpu.memory_space<hbm>>
      tpu.wait_indirect_dma semaphore(%arg15 : memref<!tpu.dma_semaphore, #tpu.memory_space<semaphore_mem>>) src(%dma_wait3A_301 : memref<10000x128xf32, #tpu.memory_space<hbm>>) dst(%arg12 : memref<128x128xf32, #tpu.memory_space<vmem>>)
      %run_scoped3A_302 = arith.constant 5 : i32
      "tpu.region"() ({
        %run_scoped3A_340 = tpu.sem_alloc : memref<!tpu.dma_semaphore, #tpu.memory_space<semaphore_mem>>
        %dma_start3A_341 = arith.constant 0 : i32
        %dma_start3A_342 = tpu.memref_slice %arg10[%run_scoped3A_302, %dma_start3A_341] : memref<8x128xi32, #tpu.memory_space<vmem>> -> memref<1x128xi32, #tpu.memory_space<vmem>>
        %dma_start3A_343 = tpu.memref_squeeze %dma_start3A_342 : memref<1x128xi32, #tpu.memory_space<vmem>> -> memref<128xi32, #tpu.memory_space<vmem>>
        %dma_start3A_344 = arith.constant 0 : i32
        %dma_start3A_345 = arith.constant 0 : i32
        %dma_start3A_346 = tpu.memref_slice %arg13[%dma_start3A_344, %dma_start3A_345] : memref<10240x128xf32, #tpu.memory_space<vmem_shared>> -> memref<10240x128xf32, #tpu.memory_space<vmem_shared>>
        tpu.enqueue_indirect_dma source(%arg12 : memref<128x128xf32, #tpu.memory_space<vmem>>) target(%dma_start3A_346 : memref<10240x128xf32, #tpu.memory_space<vmem_shared>>) offsets(%dma_start3A_343 : memref<128xi32, #tpu.memory_space<vmem>>) semaphore(%run_scoped3A_340 : memref<!tpu.dma_semaphore, #tpu.memory_space<semaphore_mem>>) {add = true}
        %dma_wait3A_347 = arith.constant 0 : i32
        %dma_wait3A_348 = tpu.memref_slice %arg10[%run_scoped3A_302, %dma_wait3A_347] : memref<8x128xi32, #tpu.memory_space<vmem>> -> memref<1x128xi32, #tpu.memory_space<vmem>>
        %dma_wait3A_349 = tpu.memref_squeeze %dma_wait3A_348 : memref<1x128xi32, #tpu.memory_space<vmem>> -> memref<128xi32, #tpu.memory_space<vmem>>
        %dma_wait3A_350 = arith.constant 0 : i32
        %dma_wait3A_351 = arith.constant 0 : i32
        %dma_wait3A_352 = tpu.memref_slice %arg13[%dma_wait3A_350, %dma_wait3A_351] : memref<10240x128xf32, #tpu.memory_space<vmem_shared>> -> memref<10240x128xf32, #tpu.memory_space<vmem_shared>>
        tpu.wait_indirect_dma semaphore(%run_scoped3A_340 : memref<!tpu.dma_semaphore, #tpu.memory_space<semaphore_mem>>) src(%arg12 : memref<128x128xf32, #tpu.memory_space<vmem>>) dst(%dma_wait3A_352 : memref<10240x128xf32, #tpu.memory_space<vmem_shared>>)
        tpu.yield
      }) : () -> ()
      %dma_start3A_303 = arith.constant 7 : i32
      %dma_start3A_304 = arith.constant 0 : i32
      %dma_start3A_305 = tpu.memref_slice %arg9[%dma_start3A_303, %dma_start3A_304] : memref<8x128xi32, #tpu.memory_space<vmem>> -> memref<1x128xi32, #tpu.memory_space<vmem>>
      %dma_start3A_306 = tpu.memref_squeeze %dma_start3A_305 : memref<1x128xi32, #tpu.memory_space<vmem>> -> memref<128xi32, #tpu.memory_space<vmem>>
      %dma_start3A_307 = arith.constant 0 : i32
      %dma_start3A_308 = arith.constant 0 : i32
      %dma_start3A_309 = tpu.memref_slice %arg2[%dma_start3A_307, %dma_start3A_308] : memref<10000x128xf32, #tpu.memory_space<hbm>> -> memref<10000x128xf32, #tpu.memory_space<hbm>>
      tpu.enqueue_indirect_dma source(%dma_start3A_309 : memref<10000x128xf32, #tpu.memory_space<hbm>>) target(%arg12 : memref<128x128xf32, #tpu.memory_space<vmem>>) offsets(%dma_start3A_306 : memref<128xi32, #tpu.memory_space<vmem>>) semaphore(%arg15 : memref<!tpu.dma_semaphore, #tpu.memory_space<semaphore_mem>>)
      %dma_wait3A_310 = arith.constant 6 : i32
      %dma_wait3A_311 = arith.constant 0 : i32
      %dma_wait3A_312 = tpu.memref_slice %arg9[%dma_wait3A_310, %dma_wait3A_311] : memref<8x128xi32, #tpu.memory_space<vmem>> -> memref<1x128xi32, #tpu.memory_space<vmem>>
      %dma_wait3A_313 = tpu.memref_squeeze %dma_wait3A_312 : memref<1x128xi32, #tpu.memory_space<vmem>> -> memref<128xi32, #tpu.memory_space<vmem>>
      %dma_wait3A_314 = arith.constant 0 : i32
      %dma_wait3A_315 = arith.constant 0 : i32
      %dma_wait3A_316 = tpu.memref_slice %arg2[%dma_wait3A_314, %dma_wait3A_315] : memref<10000x128xf32, #tpu.memory_space<hbm>> -> memref<10000x128xf32, #tpu.memory_space<hbm>>
      tpu.wait_indirect_dma semaphore(%arg14 : memref<!tpu.dma_semaphore, #tpu.memory_space<semaphore_mem>>) src(%dma_wait3A_316 : memref<10000x128xf32, #tpu.memory_space<hbm>>) dst(%arg11 : memref<128x128xf32, #tpu.memory_space<vmem>>)
      %run_scoped3A_317 = arith.constant 6 : i32
      "tpu.region"() ({
        %run_scoped3A_340 = tpu.sem_alloc : memref<!tpu.dma_semaphore, #tpu.memory_space<semaphore_mem>>
        %dma_start3A_341 = arith.constant 0 : i32
        %dma_start3A_342 = tpu.memref_slice %arg10[%run_scoped3A_317, %dma_start3A_341] : memref<8x128xi32, #tpu.memory_space<vmem>> -> memref<1x128xi32, #tpu.memory_space<vmem>>
        %dma_start3A_343 = tpu.memref_squeeze %dma_start3A_342 : memref<1x128xi32, #tpu.memory_space<vmem>> -> memref<128xi32, #tpu.memory_space<vmem>>
        %dma_start3A_344 = arith.constant 0 : i32
        %dma_start3A_345 = arith.constant 0 : i32
        %dma_start3A_346 = tpu.memref_slice %arg13[%dma_start3A_344, %dma_start3A_345] : memref<10240x128xf32, #tpu.memory_space<vmem_shared>> -> memref<10240x128xf32, #tpu.memory_space<vmem_shared>>
        tpu.enqueue_indirect_dma source(%arg11 : memref<128x128xf32, #tpu.memory_space<vmem>>) target(%dma_start3A_346 : memref<10240x128xf32, #tpu.memory_space<vmem_shared>>) offsets(%dma_start3A_343 : memref<128xi32, #tpu.memory_space<vmem>>) semaphore(%run_scoped3A_340 : memref<!tpu.dma_semaphore, #tpu.memory_space<semaphore_mem>>) {add = true}
        %dma_wait3A_347 = arith.constant 0 : i32
        %dma_wait3A_348 = tpu.memref_slice %arg10[%run_scoped3A_317, %dma_wait3A_347] : memref<8x128xi32, #tpu.memory_space<vmem>> -> memref<1x128xi32, #tpu.memory_space<vmem>>
        %dma_wait3A_349 = tpu.memref_squeeze %dma_wait3A_348 : memref<1x128xi32, #tpu.memory_space<vmem>> -> memref<128xi32, #tpu.memory_space<vmem>>
        %dma_wait3A_350 = arith.constant 0 : i32
        %dma_wait3A_351 = arith.constant 0 : i32
        %dma_wait3A_352 = tpu.memref_slice %arg13[%dma_wait3A_350, %dma_wait3A_351] : memref<10240x128xf32, #tpu.memory_space<vmem_shared>> -> memref<10240x128xf32, #tpu.memory_space<vmem_shared>>
        tpu.wait_indirect_dma semaphore(%run_scoped3A_340 : memref<!tpu.dma_semaphore, #tpu.memory_space<semaphore_mem>>) src(%arg11 : memref<128x128xf32, #tpu.memory_space<vmem>>) dst(%dma_wait3A_352 : memref<10240x128xf32, #tpu.memory_space<vmem_shared>>)
        tpu.yield
      }) : () -> ()
      %add3A_318 = arith.constant 1 : i32
      %add3A_319 = arith.addi %add3A_212, %add3A_318 : i32
      %lt3A_320 = arith.constant 10 : i32
      %lt3A_321 = arith.cmpi slt, %add3A_319, %lt3A_320 : i32
      %convert_element_type3A_322 = arith.extui %lt3A_321 : i1 to i32
      %cond3A_323 = arith.constant 0 : i32
      %cond3A_324 = arith.cmpi ne, %convert_element_type3A_322, %cond3A_323 : i32
      scf.if %cond3A_324 {
        %add3A_340 = arith.constant 1 : i32
        %add3A_341 = arith.addi %add3A_212, %add3A_340 : i32
        %mul3A_342 = arith.constant 8 : i32
        %mul3A_343 = arith.muli %add3A_341, %mul3A_342 : i32
        %dma_wait3A_344 = arith.constant 0 : i32
        %dma_wait3A_345 = arith.constant 0 : i32
        %dma_wait3A_346 = tpu.memref_slice %arg3[%add3A, %dma_wait3A_344, %dma_wait3A_345] : memref<32x80x128xi32, #tpu.memory_space<hbm>> -> memref<1x80x128xi32, #tpu.memory_space<hbm>>
        %dma_wait3A_347 = tpu.memref_squeeze %dma_wait3A_346 : memref<1x80x128xi32, #tpu.memory_space<hbm>> -> memref<80x128xi32, #tpu.memory_space<hbm>>
        %dma_wait3A_348 = arith.constant 0 : i32
        %dma_wait3A_349 = tpu.memref_slice %dma_wait3A_347[%mul3A_343, %dma_wait3A_348] : memref<80x128xi32, #tpu.memory_space<hbm>> -> memref<8x128xi32, #tpu.memory_space<hbm>>
        %dma_wait3A_350 = arith.constant 0 : i32
        %dma_wait3A_351 = arith.constant 0 : i32
        %dma_wait3A_352 = tpu.memref_slice %arg3[%add3A, %dma_wait3A_350, %dma_wait3A_351] : memref<32x80x128xi32, #tpu.memory_space<hbm>> -> memref<1x80x128xi32, #tpu.memory_space<hbm>>
        %dma_wait3A_353 = tpu.memref_squeeze %dma_wait3A_352 : memref<1x80x128xi32, #tpu.memory_space<hbm>> -> memref<80x128xi32, #tpu.memory_space<hbm>>
        %dma_wait3A_354 = arith.constant 0 : i32
        %dma_wait3A_355 = tpu.memref_slice %dma_wait3A_353[%mul3A_343, %dma_wait3A_354] : memref<80x128xi32, #tpu.memory_space<hbm>> -> memref<8x128xi32, #tpu.memory_space<hbm>>
        tpu.wait_dma2 semaphore(%arg16 : memref<!tpu.dma_semaphore, #tpu.memory_space<semaphore_mem>>) src(%dma_wait3A_355 : memref<8x128xi32, #tpu.memory_space<hbm>>) dst(%arg7 : memref<8x128xi32, #tpu.memory_space<vmem>>)
        %mul3A_356 = arith.constant 8 : i32
        %mul3A_357 = arith.muli %add3A_341, %mul3A_356 : i32
        %dma_wait3A_358 = arith.constant 0 : i32
        %dma_wait3A_359 = arith.constant 0 : i32
        %dma_wait3A_360 = tpu.memref_slice %arg4[%add3A, %dma_wait3A_358, %dma_wait3A_359] : memref<32x80x128xi32, #tpu.memory_space<hbm>> -> memref<1x80x128xi32, #tpu.memory_space<hbm>>
        %dma_wait3A_361 = tpu.memref_squeeze %dma_wait3A_360 : memref<1x80x128xi32, #tpu.memory_space<hbm>> -> memref<80x128xi32, #tpu.memory_space<hbm>>
        %dma_wait3A_362 = arith.constant 0 : i32
        %dma_wait3A_363 = tpu.memref_slice %dma_wait3A_361[%mul3A_357, %dma_wait3A_362] : memref<80x128xi32, #tpu.memory_space<hbm>> -> memref<8x128xi32, #tpu.memory_space<hbm>>
        %dma_wait3A_364 = arith.constant 0 : i32
        %dma_wait3A_365 = arith.constant 0 : i32
        %dma_wait3A_366 = tpu.memref_slice %arg4[%add3A, %dma_wait3A_364, %dma_wait3A_365] : memref<32x80x128xi32, #tpu.memory_space<hbm>> -> memref<1x80x128xi32, #tpu.memory_space<hbm>>
        %dma_wait3A_367 = tpu.memref_squeeze %dma_wait3A_366 : memref<1x80x128xi32, #tpu.memory_space<hbm>> -> memref<80x128xi32, #tpu.memory_space<hbm>>
        %dma_wait3A_368 = arith.constant 0 : i32
        %dma_wait3A_369 = tpu.memref_slice %dma_wait3A_367[%mul3A_357, %dma_wait3A_368] : memref<80x128xi32, #tpu.memory_space<hbm>> -> memref<8x128xi32, #tpu.memory_space<hbm>>
        tpu.wait_dma2 semaphore(%arg16 : memref<!tpu.dma_semaphore, #tpu.memory_space<semaphore_mem>>) src(%dma_wait3A_369 : memref<8x128xi32, #tpu.memory_space<hbm>>) dst(%arg8 : memref<8x128xi32, #tpu.memory_space<vmem>>)
        %dma_start3A_370 = arith.constant 0 : i32
        %dma_start3A_371 = arith.constant 0 : i32
        %dma_start3A_372 = tpu.memref_slice %arg7[%dma_start3A_370, %dma_start3A_371] : memref<8x128xi32, #tpu.memory_space<vmem>> -> memref<1x128xi32, #tpu.memory_space<vmem>>
        %dma_start3A_373 = tpu.memref_squeeze %dma_start3A_372 : memref<1x128xi32, #tpu.memory_space<vmem>> -> memref<128xi32, #tpu.memory_space<vmem>>
        %dma_start3A_374 = arith.constant 0 : i32
        %dma_start3A_375 = arith.constant 0 : i32
        %dma_start3A_376 = tpu.memref_slice %arg2[%dma_start3A_374, %dma_start3A_375] : memref<10000x128xf32, #tpu.memory_space<hbm>> -> memref<10000x128xf32, #tpu.memory_space<hbm>>
        tpu.enqueue_indirect_dma source(%dma_start3A_376 : memref<10000x128xf32, #tpu.memory_space<hbm>>) target(%arg11 : memref<128x128xf32, #tpu.memory_space<vmem>>) offsets(%dma_start3A_373 : memref<128xi32, #tpu.memory_space<vmem>>) semaphore(%arg14 : memref<!tpu.dma_semaphore, #tpu.memory_space<semaphore_mem>>)
      } else {
      }
      %dma_wait3A_325 = arith.constant 7 : i32
      %dma_wait3A_326 = arith.constant 0 : i32
      %dma_wait3A_327 = tpu.memref_slice %arg9[%dma_wait3A_325, %dma_wait3A_326] : memref<8x128xi32, #tpu.memory_space<vmem>> -> memref<1x128xi32, #tpu.memory_space<vmem>>
      %dma_wait3A_328 = tpu.memref_squeeze %dma_wait3A_327 : memref<1x128xi32, #tpu.memory_space<vmem>> -> memref<128xi32, #tpu.memory_space<vmem>>
      %dma_wait3A_329 = arith.constant 0 : i32
      %dma_wait3A_330 = arith.constant 0 : i32
      %dma_wait3A_331 = tpu.memref_slice %arg2[%dma_wait3A_329, %dma_wait3A_330] : memref<10000x128xf32, #tpu.memory_space<hbm>> -> memref<10000x128xf32, #tpu.memory_space<hbm>>
      tpu.wait_indirect_dma semaphore(%arg15 : memref<!tpu.dma_semaphore, #tpu.memory_space<semaphore_mem>>) src(%dma_wait3A_331 : memref<10000x128xf32, #tpu.memory_space<hbm>>) dst(%arg12 : memref<128x128xf32, #tpu.memory_space<vmem>>)
      %run_scoped3A_332 = arith.constant 7 : i32
      "tpu.region"() ({
        %run_scoped3A_340 = tpu.sem_alloc : memref<!tpu.dma_semaphore, #tpu.memory_space<semaphore_mem>>
        %dma_start3A_341 = arith.constant 0 : i32
        %dma_start3A_342 = tpu.memref_slice %arg10[%run_scoped3A_332, %dma_start3A_341] : memref<8x128xi32, #tpu.memory_space<vmem>> -> memref<1x128xi32, #tpu.memory_space<vmem>>
        %dma_start3A_343 = tpu.memref_squeeze %dma_start3A_342 : memref<1x128xi32, #tpu.memory_space<vmem>> -> memref<128xi32, #tpu.memory_space<vmem>>
        %dma_start3A_344 = arith.constant 0 : i32
        %dma_start3A_345 = arith.constant 0 : i32
        %dma_start3A_346 = tpu.memref_slice %arg13[%dma_start3A_344, %dma_start3A_345] : memref<10240x128xf32, #tpu.memory_space<vmem_shared>> -> memref<10240x128xf32, #tpu.memory_space<vmem_shared>>
        tpu.enqueue_indirect_dma source(%arg12 : memref<128x128xf32, #tpu.memory_space<vmem>>) target(%dma_start3A_346 : memref<10240x128xf32, #tpu.memory_space<vmem_shared>>) offsets(%dma_start3A_343 : memref<128xi32, #tpu.memory_space<vmem>>) semaphore(%run_scoped3A_340 : memref<!tpu.dma_semaphore, #tpu.memory_space<semaphore_mem>>) {add = true}
        %dma_wait3A_347 = arith.constant 0 : i32
        %dma_wait3A_348 = tpu.memref_slice %arg10[%run_scoped3A_332, %dma_wait3A_347] : memref<8x128xi32, #tpu.memory_space<vmem>> -> memref<1x128xi32, #tpu.memory_space<vmem>>
        %dma_wait3A_349 = tpu.memref_squeeze %dma_wait3A_348 : memref<1x128xi32, #tpu.memory_space<vmem>> -> memref<128xi32, #tpu.memory_space<vmem>>
        %dma_wait3A_350 = arith.constant 0 : i32
        %dma_wait3A_351 = arith.constant 0 : i32
        %dma_wait3A_352 = tpu.memref_slice %arg13[%dma_wait3A_350, %dma_wait3A_351] : memref<10240x128xf32, #tpu.memory_space<vmem_shared>> -> memref<10240x128xf32, #tpu.memory_space<vmem_shared>>
        tpu.wait_indirect_dma semaphore(%run_scoped3A_340 : memref<!tpu.dma_semaphore, #tpu.memory_space<semaphore_mem>>) src(%arg12 : memref<128x128xf32, #tpu.memory_space<vmem>>) dst(%dma_wait3A_352 : memref<10240x128xf32, #tpu.memory_space<vmem_shared>>)
        tpu.yield
      }) : () -> ()
      %add3A_333 = arith.constant 1 : i32
      %add3A_334 = arith.addi %add3A_212, %add3A_333 : i32
      %lt3A_335 = arith.constant 10 : i32
      %lt3A_336 = arith.cmpi slt, %add3A_334, %lt3A_335 : i32
      %convert_element_type3A_337 = arith.extui %lt3A_336 : i1 to i32
      %cond3A_338 = arith.constant 0 : i32
      %cond3A_339 = arith.cmpi ne, %convert_element_type3A_337, %cond3A_338 : i32
      scf.if %cond3A_339 {
        %dma_start3A_340 = arith.constant 1 : i32
        %dma_start3A_341 = arith.constant 0 : i32
        %dma_start3A_342 = tpu.memref_slice %arg7[%dma_start3A_340, %dma_start3A_341] : memref<8x128xi32, #tpu.memory_space<vmem>> -> memref<1x128xi32, #tpu.memory_space<vmem>>
        %dma_start3A_343 = tpu.memref_squeeze %dma_start3A_342 : memref<1x128xi32, #tpu.memory_space<vmem>> -> memref<128xi32, #tpu.memory_space<vmem>>
        %dma_start3A_344 = arith.constant 0 : i32
        %dma_start3A_345 = arith.constant 0 : i32
        %dma_start3A_346 = tpu.memref_slice %arg2[%dma_start3A_344, %dma_start3A_345] : memref<10000x128xf32, #tpu.memory_space<hbm>> -> memref<10000x128xf32, #tpu.memory_space<hbm>>
        tpu.enqueue_indirect_dma source(%dma_start3A_346 : memref<10000x128xf32, #tpu.memory_space<hbm>>) target(%arg12 : memref<128x128xf32, #tpu.memory_space<vmem>>) offsets(%dma_start3A_343 : memref<128xi32, #tpu.memory_space<vmem>>) semaphore(%arg15 : memref<!tpu.dma_semaphore, #tpu.memory_space<semaphore_mem>>)
      } else {
      }
    }
    %scan3A_77 = arith.constant 5 : i32
    %barrier3A_78 = arith.constant 0 : index
    tpu.barrier barrier_id(%barrier3A_78)
    %mul3A_79 = arith.constant 640 : i32
    %mul3A_80 = arith.muli %arg1, %mul3A_79 : i32
    %mul3A_81 = arith.constant 640 : i32
    %mul3A_82 = arith.muli %arg1, %mul3A_81 : i32
    "tpu.region"() ({
      %run_scoped3A = tpu.sem_alloc : memref<!tpu.dma_semaphore, #tpu.memory_space<semaphore_mem>>
      %dma_start3A_83 = arith.constant 0 : i32
      %dma_start3A_84 = arith.constant 0 : i32
      %dma_start3A_85 = tpu.memref_slice %arg6[%arg0, %dma_start3A_83, %dma_start3A_84] : memref<2x10240x128xf32, #tpu.memory_space<hbm>> -> memref<1x10240x128xf32, #tpu.memory_space<hbm>>
      %dma_start3A_86 = tpu.memref_squeeze %dma_start3A_85 : memref<1x10240x128xf32, #tpu.memory_space<hbm>> -> memref<10240x128xf32, #tpu.memory_space<hbm>>
      %dma_start3A_87 = arith.constant 0 : i32
      %dma_start3A_88 = tpu.memref_slice %dma_start3A_86[%mul3A_82, %dma_start3A_87] : memref<10240x128xf32, #tpu.memory_space<hbm>> -> memref<640x128xf32, #tpu.memory_space<hbm>>
      %dma_start3A_89 = arith.constant 0 : i32
      %dma_start3A_90 = tpu.memref_slice %arg13[%mul3A_80, %dma_start3A_89] : memref<10240x128xf32, #tpu.memory_space<vmem_shared>> -> memref<640x128xf32, #tpu.memory_space<vmem_shared>>
      tpu.enqueue_dma source(%dma_start3A_90 : memref<640x128xf32, #tpu.memory_space<vmem_shared>>) target(%dma_start3A_88 : memref<640x128xf32, #tpu.memory_space<hbm>>) target_semaphore(%run_scoped3A : memref<!tpu.dma_semaphore, #tpu.memory_space<semaphore_mem>>)
      %dma_wait3A_91 = arith.constant 0 : i32
      %dma_wait3A_92 = arith.constant 0 : i32
      %dma_wait3A_93 = tpu.memref_slice %arg6[%arg0, %dma_wait3A_91, %dma_wait3A_92] : memref<2x10240x128xf32, #tpu.memory_space<hbm>> -> memref<1x10240x128xf32, #tpu.memory_space<hbm>>
      %dma_wait3A_94 = tpu.memref_squeeze %dma_wait3A_93 : memref<1x10240x128xf32, #tpu.memory_space<hbm>> -> memref<10240x128xf32, #tpu.memory_space<hbm>>
      %dma_wait3A_95 = arith.constant 0 : i32
      %dma_wait3A_96 = tpu.memref_slice %dma_wait3A_94[%mul3A_82, %dma_wait3A_95] : memref<10240x128xf32, #tpu.memory_space<hbm>> -> memref<640x128xf32, #tpu.memory_space<hbm>>
      %dma_wait3A_97 = arith.constant 0 : i32
      %dma_wait3A_98 = tpu.memref_slice %arg13[%mul3A_80, %dma_wait3A_97] : memref<10240x128xf32, #tpu.memory_space<vmem_shared>> -> memref<640x128xf32, #tpu.memory_space<vmem_shared>>
      tpu.wait_dma2 semaphore(%run_scoped3A : memref<!tpu.dma_semaphore, #tpu.memory_space<semaphore_mem>>) src(%dma_wait3A_98 : memref<640x128xf32, #tpu.memory_space<vmem_shared>>) dst(%dma_wait3A_96 : memref<640x128xf32, #tpu.memory_space<hbm>>)
      tpu.yield
    }) : () -> ()
    return
  }
}

#map = affine_map<(d0, d1) -> (0, 0, 0)>
#map1 = affine_map<(d0, d1) -> (0, 0)>
module attributes {stable_mosaic.version = 14 : i64} {
  func.func @_deg_body(%arg0: i32, %arg1: i32, %arg2: memref<32x80x128xi32, #tpu.memory_space<hbm>>, %arg3: memref<128x128xf32, #tpu.memory_space<hbm>>, %arg4: memref<128x128xf32, #tpu.memory_space<hbm>>, %arg5: memref<2x10240x128xf32, #tpu.memory_space<hbm>>, %arg6: memref<8x128xi32, #tpu.memory_space<vmem>>, %arg7: memref<8x128xi32, #tpu.memory_space<vmem>>, %arg8: memref<128x128xf32, #tpu.memory_space<vmem>>, %arg9: memref<10240x128xf32, #tpu.memory_space<vmem_shared>>, %arg10: memref<!tpu.dma_semaphore, #tpu.memory_space<semaphore_mem>>, %arg11: memref<!tpu.dma_semaphore, #tpu.memory_space<semaphore_mem>>) attributes {dimension_semantics = [#tpu.dimension_semantics<core_parallel>, #tpu.dimension_semantics<subcore_parallel>], iteration_bounds = array<i64: 2, 16>, scalar_prefetch = 0 : i64, scratch_operands = 6 : i64, tpu.core_type = #tpu.core_type<sc_vector_subcore>, window_params = [{transform_indices = #map}, {transform_indices = #map1}, {transform_indices = #map1}, {transform_indices = #map}]} {
    %mul3A = arith.constant 2 : i32
    %mul3A_0 = arith.muli %arg1, %mul3A : i32
    %add3A = arith.addi %mul3A_0, %arg0 : i32
    "tpu.region"() ({
      %run_scoped3A = tpu.sem_alloc : memref<!tpu.dma_semaphore, #tpu.memory_space<semaphore_mem>>
      tpu.enqueue_dma source(%arg3 : memref<128x128xf32, #tpu.memory_space<hbm>>) target(%arg8 : memref<128x128xf32, #tpu.memory_space<vmem>>) target_semaphore(%run_scoped3A : memref<!tpu.dma_semaphore, #tpu.memory_space<semaphore_mem>>)
      tpu.wait_dma2 semaphore(%run_scoped3A : memref<!tpu.dma_semaphore, #tpu.memory_space<semaphore_mem>>) src(%arg3 : memref<128x128xf32, #tpu.memory_space<hbm>>) dst(%arg8 : memref<128x128xf32, #tpu.memory_space<vmem>>)
      tpu.yield
    }) : () -> ()
    %mul3A_1 = arith.constant 640 : i32
    %mul3A_2 = arith.muli %arg1, %mul3A_1 : i32
    %add3A_3 = arith.constant 0 : i32
    %add3A_4 = arith.addi %mul3A_2, %add3A_3 : i32
    %dma_start3A = arith.constant 0 : i32
    %dma_start3A_5 = tpu.memref_slice %arg9[%add3A_4, %dma_start3A] : memref<10240x128xf32, #tpu.memory_space<vmem_shared>> -> memref<128x128xf32, #tpu.memory_space<vmem_shared>>
    tpu.enqueue_dma source(%arg4 : memref<128x128xf32, #tpu.memory_space<hbm>>) target(%dma_start3A_5 : memref<128x128xf32, #tpu.memory_space<vmem_shared>>) target_semaphore(%arg10 : memref<!tpu.dma_semaphore, #tpu.memory_space<semaphore_mem>>)
    %mul3A_6 = arith.constant 640 : i32
    %mul3A_7 = arith.muli %arg1, %mul3A_6 : i32
    %add3A_8 = arith.constant 128 : i32
    %add3A_9 = arith.addi %mul3A_7, %add3A_8 : i32
    %dma_start3A_10 = arith.constant 0 : i32
    %dma_start3A_11 = tpu.memref_slice %arg9[%add3A_9, %dma_start3A_10] : memref<10240x128xf32, #tpu.memory_space<vmem_shared>> -> memref<128x128xf32, #tpu.memory_space<vmem_shared>>
    tpu.enqueue_dma source(%arg4 : memref<128x128xf32, #tpu.memory_space<hbm>>) target(%dma_start3A_11 : memref<128x128xf32, #tpu.memory_space<vmem_shared>>) target_semaphore(%arg10 : memref<!tpu.dma_semaphore, #tpu.memory_space<semaphore_mem>>)
    %mul3A_12 = arith.constant 640 : i32
    %mul3A_13 = arith.muli %arg1, %mul3A_12 : i32
    %add3A_14 = arith.constant 256 : i32
    %add3A_15 = arith.addi %mul3A_13, %add3A_14 : i32
    %dma_start3A_16 = arith.constant 0 : i32
    %dma_start3A_17 = tpu.memref_slice %arg9[%add3A_15, %dma_start3A_16] : memref<10240x128xf32, #tpu.memory_space<vmem_shared>> -> memref<128x128xf32, #tpu.memory_space<vmem_shared>>
    tpu.enqueue_dma source(%arg4 : memref<128x128xf32, #tpu.memory_space<hbm>>) target(%dma_start3A_17 : memref<128x128xf32, #tpu.memory_space<vmem_shared>>) target_semaphore(%arg10 : memref<!tpu.dma_semaphore, #tpu.memory_space<semaphore_mem>>)
    %mul3A_18 = arith.constant 640 : i32
    %mul3A_19 = arith.muli %arg1, %mul3A_18 : i32
    %add3A_20 = arith.constant 384 : i32
    %add3A_21 = arith.addi %mul3A_19, %add3A_20 : i32
    %dma_start3A_22 = arith.constant 0 : i32
    %dma_start3A_23 = tpu.memref_slice %arg9[%add3A_21, %dma_start3A_22] : memref<10240x128xf32, #tpu.memory_space<vmem_shared>> -> memref<128x128xf32, #tpu.memory_space<vmem_shared>>
    tpu.enqueue_dma source(%arg4 : memref<128x128xf32, #tpu.memory_space<hbm>>) target(%dma_start3A_23 : memref<128x128xf32, #tpu.memory_space<vmem_shared>>) target_semaphore(%arg10 : memref<!tpu.dma_semaphore, #tpu.memory_space<semaphore_mem>>)
    %mul3A_24 = arith.constant 640 : i32
    %mul3A_25 = arith.muli %arg1, %mul3A_24 : i32
    %add3A_26 = arith.constant 512 : i32
    %add3A_27 = arith.addi %mul3A_25, %add3A_26 : i32
    %dma_start3A_28 = arith.constant 0 : i32
    %dma_start3A_29 = tpu.memref_slice %arg9[%add3A_27, %dma_start3A_28] : memref<10240x128xf32, #tpu.memory_space<vmem_shared>> -> memref<128x128xf32, #tpu.memory_space<vmem_shared>>
    tpu.enqueue_dma source(%arg4 : memref<128x128xf32, #tpu.memory_space<hbm>>) target(%dma_start3A_29 : memref<128x128xf32, #tpu.memory_space<vmem_shared>>) target_semaphore(%arg10 : memref<!tpu.dma_semaphore, #tpu.memory_space<semaphore_mem>>)
    %mul3A_30 = arith.constant 640 : i32
    %mul3A_31 = arith.muli %arg1, %mul3A_30 : i32
    %add3A_32 = arith.constant 0 : i32
    %add3A_33 = arith.addi %mul3A_31, %add3A_32 : i32
    %dma_wait3A = arith.constant 0 : i32
    %dma_wait3A_34 = tpu.memref_slice %arg9[%add3A_33, %dma_wait3A] : memref<10240x128xf32, #tpu.memory_space<vmem_shared>> -> memref<128x128xf32, #tpu.memory_space<vmem_shared>>
    tpu.wait_dma2 semaphore(%arg10 : memref<!tpu.dma_semaphore, #tpu.memory_space<semaphore_mem>>) src(%arg4 : memref<128x128xf32, #tpu.memory_space<hbm>>) dst(%dma_wait3A_34 : memref<128x128xf32, #tpu.memory_space<vmem_shared>>)
    %mul3A_35 = arith.constant 640 : i32
    %mul3A_36 = arith.muli %arg1, %mul3A_35 : i32
    %add3A_37 = arith.constant 128 : i32
    %add3A_38 = arith.addi %mul3A_36, %add3A_37 : i32
    %dma_wait3A_39 = arith.constant 0 : i32
    %dma_wait3A_40 = tpu.memref_slice %arg9[%add3A_38, %dma_wait3A_39] : memref<10240x128xf32, #tpu.memory_space<vmem_shared>> -> memref<128x128xf32, #tpu.memory_space<vmem_shared>>
    tpu.wait_dma2 semaphore(%arg10 : memref<!tpu.dma_semaphore, #tpu.memory_space<semaphore_mem>>) src(%arg4 : memref<128x128xf32, #tpu.memory_space<hbm>>) dst(%dma_wait3A_40 : memref<128x128xf32, #tpu.memory_space<vmem_shared>>)
    %mul3A_41 = arith.constant 640 : i32
    %mul3A_42 = arith.muli %arg1, %mul3A_41 : i32
    %add3A_43 = arith.constant 256 : i32
    %add3A_44 = arith.addi %mul3A_42, %add3A_43 : i32
    %dma_wait3A_45 = arith.constant 0 : i32
    %dma_wait3A_46 = tpu.memref_slice %arg9[%add3A_44, %dma_wait3A_45] : memref<10240x128xf32, #tpu.memory_space<vmem_shared>> -> memref<128x128xf32, #tpu.memory_space<vmem_shared>>
    tpu.wait_dma2 semaphore(%arg10 : memref<!tpu.dma_semaphore, #tpu.memory_space<semaphore_mem>>) src(%arg4 : memref<128x128xf32, #tpu.memory_space<hbm>>) dst(%dma_wait3A_46 : memref<128x128xf32, #tpu.memory_space<vmem_shared>>)
    %mul3A_47 = arith.constant 640 : i32
    %mul3A_48 = arith.muli %arg1, %mul3A_47 : i32
    %add3A_49 = arith.constant 384 : i32
    %add3A_50 = arith.addi %mul3A_48, %add3A_49 : i32
    %dma_wait3A_51 = arith.constant 0 : i32
    %dma_wait3A_52 = tpu.memref_slice %arg9[%add3A_50, %dma_wait3A_51] : memref<10240x128xf32, #tpu.memory_space<vmem_shared>> -> memref<128x128xf32, #tpu.memory_space<vmem_shared>>
    tpu.wait_dma2 semaphore(%arg10 : memref<!tpu.dma_semaphore, #tpu.memory_space<semaphore_mem>>) src(%arg4 : memref<128x128xf32, #tpu.memory_space<hbm>>) dst(%dma_wait3A_52 : memref<128x128xf32, #tpu.memory_space<vmem_shared>>)
    %mul3A_53 = arith.constant 640 : i32
    %mul3A_54 = arith.muli %arg1, %mul3A_53 : i32
    %add3A_55 = arith.constant 512 : i32
    %add3A_56 = arith.addi %mul3A_54, %add3A_55 : i32
    %dma_wait3A_57 = arith.constant 0 : i32
    %dma_wait3A_58 = tpu.memref_slice %arg9[%add3A_56, %dma_wait3A_57] : memref<10240x128xf32, #tpu.memory_space<vmem_shared>> -> memref<128x128xf32, #tpu.memory_space<vmem_shared>>
    tpu.wait_dma2 semaphore(%arg10 : memref<!tpu.dma_semaphore, #tpu.memory_space<semaphore_mem>>) src(%arg4 : memref<128x128xf32, #tpu.memory_space<hbm>>) dst(%dma_wait3A_58 : memref<128x128xf32, #tpu.memory_space<vmem_shared>>)
    %barrier3A = arith.constant 0 : index
    tpu.barrier barrier_id(%barrier3A)
    "tpu.region"() ({
      %run_scoped3A = tpu.sem_alloc : memref<!tpu.dma_semaphore, #tpu.memory_space<semaphore_mem>>
      %dma_start3A_69 = arith.constant 0 : i32
      %dma_start3A_70 = arith.constant 0 : i32
      %dma_start3A_71 = tpu.memref_slice %arg2[%add3A, %dma_start3A_69, %dma_start3A_70] : memref<32x80x128xi32, #tpu.memory_space<hbm>> -> memref<1x80x128xi32, #tpu.memory_space<hbm>>
      %dma_start3A_72 = tpu.memref_squeeze %dma_start3A_71 : memref<1x80x128xi32, #tpu.memory_space<hbm>> -> memref<80x128xi32, #tpu.memory_space<hbm>>
      %dma_start3A_73 = arith.constant 0 : i32
      %dma_start3A_74 = arith.constant 0 : i32
      %dma_start3A_75 = tpu.memref_slice %dma_start3A_72[%dma_start3A_73, %dma_start3A_74] : memref<80x128xi32, #tpu.memory_space<hbm>> -> memref<8x128xi32, #tpu.memory_space<hbm>>
      %dma_start3A_76 = arith.constant 0 : i32
      %dma_start3A_77 = arith.constant 0 : i32
      %dma_start3A_78 = tpu.memref_slice %arg2[%add3A, %dma_start3A_76, %dma_start3A_77] : memref<32x80x128xi32, #tpu.memory_space<hbm>> -> memref<1x80x128xi32, #tpu.memory_space<hbm>>
      %dma_start3A_79 = tpu.memref_squeeze %dma_start3A_78 : memref<1x80x128xi32, #tpu.memory_space<hbm>> -> memref<80x128xi32, #tpu.memory_space<hbm>>
      %dma_start3A_80 = arith.constant 0 : i32
      %dma_start3A_81 = arith.constant 0 : i32
      %dma_start3A_82 = tpu.memref_slice %dma_start3A_79[%dma_start3A_80, %dma_start3A_81] : memref<80x128xi32, #tpu.memory_space<hbm>> -> memref<8x128xi32, #tpu.memory_space<hbm>>
      tpu.enqueue_dma source(%dma_start3A_82 : memref<8x128xi32, #tpu.memory_space<hbm>>) target(%arg6 : memref<8x128xi32, #tpu.memory_space<vmem>>) target_semaphore(%run_scoped3A : memref<!tpu.dma_semaphore, #tpu.memory_space<semaphore_mem>>)
      %dma_wait3A_83 = arith.constant 0 : i32
      %dma_wait3A_84 = arith.constant 0 : i32
      %dma_wait3A_85 = tpu.memref_slice %arg2[%add3A, %dma_wait3A_83, %dma_wait3A_84] : memref<32x80x128xi32, #tpu.memory_space<hbm>> -> memref<1x80x128xi32, #tpu.memory_space<hbm>>
      %dma_wait3A_86 = tpu.memref_squeeze %dma_wait3A_85 : memref<1x80x128xi32, #tpu.memory_space<hbm>> -> memref<80x128xi32, #tpu.memory_space<hbm>>
      %dma_wait3A_87 = arith.constant 0 : i32
      %dma_wait3A_88 = arith.constant 0 : i32
      %dma_wait3A_89 = tpu.memref_slice %dma_wait3A_86[%dma_wait3A_87, %dma_wait3A_88] : memref<80x128xi32, #tpu.memory_space<hbm>> -> memref<8x128xi32, #tpu.memory_space<hbm>>
      %dma_wait3A_90 = arith.constant 0 : i32
      %dma_wait3A_91 = arith.constant 0 : i32
      %dma_wait3A_92 = tpu.memref_slice %arg2[%add3A, %dma_wait3A_90, %dma_wait3A_91] : memref<32x80x128xi32, #tpu.memory_space<hbm>> -> memref<1x80x128xi32, #tpu.memory_space<hbm>>
      %dma_wait3A_93 = tpu.memref_squeeze %dma_wait3A_92 : memref<1x80x128xi32, #tpu.memory_space<hbm>> -> memref<80x128xi32, #tpu.memory_space<hbm>>
      %dma_wait3A_94 = arith.constant 0 : i32
      %dma_wait3A_95 = arith.constant 0 : i32
      %dma_wait3A_96 = tpu.memref_slice %dma_wait3A_93[%dma_wait3A_94, %dma_wait3A_95] : memref<80x128xi32, #tpu.memory_space<hbm>> -> memref<8x128xi32, #tpu.memory_space<hbm>>
      tpu.wait_dma2 semaphore(%run_scoped3A : memref<!tpu.dma_semaphore, #tpu.memory_space<semaphore_mem>>) src(%dma_wait3A_96 : memref<8x128xi32, #tpu.memory_space<hbm>>) dst(%arg6 : memref<8x128xi32, #tpu.memory_space<vmem>>)
      tpu.yield
    }) : () -> ()
    %scan3A = arith.constant 0 : i32
    %scan3A_59 = arith.constant 0 : i32
    %scan3A_60 = arith.constant 5 : i32
    %scan3A_61 = arith.addi %scan3A_59, %scan3A_60 : i32
    %scan3A_62 = arith.constant 1 : i32
    scf.for %scan3A_69 = %scan3A_59 to %scan3A_61 step %scan3A_62  : i32 {
      %mul3A_70 = arith.constant 2 : i32
      %mul3A_71 = arith.muli %scan3A_69, %mul3A_70 : i32
      %add3A_72 = arith.constant 1 : i32
      %add3A_73 = arith.addi %mul3A_71, %add3A_72 : i32
      %lt3A = arith.constant 10 : i32
      %lt3A_74 = arith.cmpi slt, %add3A_73, %lt3A : i32
      %convert_element_type3A = arith.extui %lt3A_74 : i1 to i32
      %cond3A = arith.constant 0 : i32
      %cond3A_75 = arith.cmpi ne, %convert_element_type3A, %cond3A : i32
      scf.if %cond3A_75 {
        %add3A_116 = arith.constant 1 : i32
        %add3A_117 = arith.addi %mul3A_71, %add3A_116 : i32
        %mul3A_118 = arith.constant 8 : i32
        %mul3A_119 = arith.muli %add3A_117, %mul3A_118 : i32
        %dma_start3A_120 = arith.constant 0 : i32
        %dma_start3A_121 = arith.constant 0 : i32
        %dma_start3A_122 = tpu.memref_slice %arg2[%add3A, %dma_start3A_120, %dma_start3A_121] : memref<32x80x128xi32, #tpu.memory_space<hbm>> -> memref<1x80x128xi32, #tpu.memory_space<hbm>>
        %dma_start3A_123 = tpu.memref_squeeze %dma_start3A_122 : memref<1x80x128xi32, #tpu.memory_space<hbm>> -> memref<80x128xi32, #tpu.memory_space<hbm>>
        %dma_start3A_124 = arith.constant 0 : i32
        %dma_start3A_125 = tpu.memref_slice %dma_start3A_123[%mul3A_119, %dma_start3A_124] : memref<80x128xi32, #tpu.memory_space<hbm>> -> memref<8x128xi32, #tpu.memory_space<hbm>>
        %dma_start3A_126 = arith.constant 0 : i32
        %dma_start3A_127 = arith.constant 0 : i32
        %dma_start3A_128 = tpu.memref_slice %arg2[%add3A, %dma_start3A_126, %dma_start3A_127] : memref<32x80x128xi32, #tpu.memory_space<hbm>> -> memref<1x80x128xi32, #tpu.memory_space<hbm>>
        %dma_start3A_129 = tpu.memref_squeeze %dma_start3A_128 : memref<1x80x128xi32, #tpu.memory_space<hbm>> -> memref<80x128xi32, #tpu.memory_space<hbm>>
        %dma_start3A_130 = arith.constant 0 : i32
        %dma_start3A_131 = tpu.memref_slice %dma_start3A_129[%mul3A_119, %dma_start3A_130] : memref<80x128xi32, #tpu.memory_space<hbm>> -> memref<8x128xi32, #tpu.memory_space<hbm>>
        tpu.enqueue_dma source(%dma_start3A_131 : memref<8x128xi32, #tpu.memory_space<hbm>>) target(%arg7 : memref<8x128xi32, #tpu.memory_space<vmem>>) target_semaphore(%arg11 : memref<!tpu.dma_semaphore, #tpu.memory_space<semaphore_mem>>)
      } else {
      }
      %run_scoped3A = arith.constant 0 : i32
      "tpu.region"() ({
        %run_scoped3A_116 = tpu.sem_alloc : memref<!tpu.dma_semaphore, #tpu.memory_space<semaphore_mem>>
        %dma_start3A_117 = arith.constant 0 : i32
        %dma_start3A_118 = tpu.memref_slice %arg6[%run_scoped3A, %dma_start3A_117] : memref<8x128xi32, #tpu.memory_space<vmem>> -> memref<1x128xi32, #tpu.memory_space<vmem>>
        %dma_start3A_119 = tpu.memref_squeeze %dma_start3A_118 : memref<1x128xi32, #tpu.memory_space<vmem>> -> memref<128xi32, #tpu.memory_space<vmem>>
        %dma_start3A_120 = arith.constant 0 : i32
        %dma_start3A_121 = arith.constant 0 : i32
        %dma_start3A_122 = tpu.memref_slice %arg9[%dma_start3A_120, %dma_start3A_121] : memref<10240x128xf32, #tpu.memory_space<vmem_shared>> -> memref<10240x128xf32, #tpu.memory_space<vmem_shared>>
        tpu.enqueue_indirect_dma source(%arg8 : memref<128x128xf32, #tpu.memory_space<vmem>>) target(%dma_start3A_122 : memref<10240x128xf32, #tpu.memory_space<vmem_shared>>) offsets(%dma_start3A_119 : memref<128xi32, #tpu.memory_space<vmem>>) semaphore(%run_scoped3A_116 : memref<!tpu.dma_semaphore, #tpu.memory_space<semaphore_mem>>) {add = true}
        %dma_wait3A_123 = arith.constant 0 : i32
        %dma_wait3A_124 = tpu.memref_slice %arg6[%run_scoped3A, %dma_wait3A_123] : memref<8x128xi32, #tpu.memory_space<vmem>> -> memref<1x128xi32, #tpu.memory_space<vmem>>
        %dma_wait3A_125 = tpu.memref_squeeze %dma_wait3A_124 : memref<1x128xi32, #tpu.memory_space<vmem>> -> memref<128xi32, #tpu.memory_space<vmem>>
        %dma_wait3A_126 = arith.constant 0 : i32
        %dma_wait3A_127 = arith.constant 0 : i32
        %dma_wait3A_128 = tpu.memref_slice %arg9[%dma_wait3A_126, %dma_wait3A_127] : memref<10240x128xf32, #tpu.memory_space<vmem_shared>> -> memref<10240x128xf32, #tpu.memory_space<vmem_shared>>
        tpu.wait_indirect_dma semaphore(%run_scoped3A_116 : memref<!tpu.dma_semaphore, #tpu.memory_space<semaphore_mem>>) src(%arg8 : memref<128x128xf32, #tpu.memory_space<vmem>>) dst(%dma_wait3A_128 : memref<10240x128xf32, #tpu.memory_space<vmem_shared>>)
        tpu.yield
      }) : () -> ()
      %run_scoped3A_76 = arith.constant 1 : i32
      "tpu.region"() ({
        %run_scoped3A_116 = tpu.sem_alloc : memref<!tpu.dma_semaphore, #tpu.memory_space<semaphore_mem>>
        %dma_start3A_117 = arith.constant 0 : i32
        %dma_start3A_118 = tpu.memref_slice %arg6[%run_scoped3A_76, %dma_start3A_117] : memref<8x128xi32, #tpu.memory_space<vmem>> -> memref<1x128xi32, #tpu.memory_space<vmem>>
        %dma_start3A_119 = tpu.memref_squeeze %dma_start3A_118 : memref<1x128xi32, #tpu.memory_space<vmem>> -> memref<128xi32, #tpu.memory_space<vmem>>
        %dma_start3A_120 = arith.constant 0 : i32
        %dma_start3A_121 = arith.constant 0 : i32
        %dma_start3A_122 = tpu.memref_slice %arg9[%dma_start3A_120, %dma_start3A_121] : memref<10240x128xf32, #tpu.memory_space<vmem_shared>> -> memref<10240x128xf32, #tpu.memory_space<vmem_shared>>
        tpu.enqueue_indirect_dma source(%arg8 : memref<128x128xf32, #tpu.memory_space<vmem>>) target(%dma_start3A_122 : memref<10240x128xf32, #tpu.memory_space<vmem_shared>>) offsets(%dma_start3A_119 : memref<128xi32, #tpu.memory_space<vmem>>) semaphore(%run_scoped3A_116 : memref<!tpu.dma_semaphore, #tpu.memory_space<semaphore_mem>>) {add = true}
        %dma_wait3A_123 = arith.constant 0 : i32
        %dma_wait3A_124 = tpu.memref_slice %arg6[%run_scoped3A_76, %dma_wait3A_123] : memref<8x128xi32, #tpu.memory_space<vmem>> -> memref<1x128xi32, #tpu.memory_space<vmem>>
        %dma_wait3A_125 = tpu.memref_squeeze %dma_wait3A_124 : memref<1x128xi32, #tpu.memory_space<vmem>> -> memref<128xi32, #tpu.memory_space<vmem>>
        %dma_wait3A_126 = arith.constant 0 : i32
        %dma_wait3A_127 = arith.constant 0 : i32
        %dma_wait3A_128 = tpu.memref_slice %arg9[%dma_wait3A_126, %dma_wait3A_127] : memref<10240x128xf32, #tpu.memory_space<vmem_shared>> -> memref<10240x128xf32, #tpu.memory_space<vmem_shared>>
        tpu.wait_indirect_dma semaphore(%run_scoped3A_116 : memref<!tpu.dma_semaphore, #tpu.memory_space<semaphore_mem>>) src(%arg8 : memref<128x128xf32, #tpu.memory_space<vmem>>) dst(%dma_wait3A_128 : memref<10240x128xf32, #tpu.memory_space<vmem_shared>>)
        tpu.yield
      }) : () -> ()
      %run_scoped3A_77 = arith.constant 2 : i32
      "tpu.region"() ({
        %run_scoped3A_116 = tpu.sem_alloc : memref<!tpu.dma_semaphore, #tpu.memory_space<semaphore_mem>>
        %dma_start3A_117 = arith.constant 0 : i32
        %dma_start3A_118 = tpu.memref_slice %arg6[%run_scoped3A_77, %dma_start3A_117] : memref<8x128xi32, #tpu.memory_space<vmem>> -> memref<1x128xi32, #tpu.memory_space<vmem>>
        %dma_start3A_119 = tpu.memref_squeeze %dma_start3A_118 : memref<1x128xi32, #tpu.memory_space<vmem>> -> memref<128xi32, #tpu.memory_space<vmem>>
        %dma_start3A_120 = arith.constant 0 : i32
        %dma_start3A_121 = arith.constant 0 : i32
        %dma_start3A_122 = tpu.memref_slice %arg9[%dma_start3A_120, %dma_start3A_121] : memref<10240x128xf32, #tpu.memory_space<vmem_shared>> -> memref<10240x128xf32, #tpu.memory_space<vmem_shared>>
        tpu.enqueue_indirect_dma source(%arg8 : memref<128x128xf32, #tpu.memory_space<vmem>>) target(%dma_start3A_122 : memref<10240x128xf32, #tpu.memory_space<vmem_shared>>) offsets(%dma_start3A_119 : memref<128xi32, #tpu.memory_space<vmem>>) semaphore(%run_scoped3A_116 : memref<!tpu.dma_semaphore, #tpu.memory_space<semaphore_mem>>) {add = true}
        %dma_wait3A_123 = arith.constant 0 : i32
        %dma_wait3A_124 = tpu.memref_slice %arg6[%run_scoped3A_77, %dma_wait3A_123] : memref<8x128xi32, #tpu.memory_space<vmem>> -> memref<1x128xi32, #tpu.memory_space<vmem>>
        %dma_wait3A_125 = tpu.memref_squeeze %dma_wait3A_124 : memref<1x128xi32, #tpu.memory_space<vmem>> -> memref<128xi32, #tpu.memory_space<vmem>>
        %dma_wait3A_126 = arith.constant 0 : i32
        %dma_wait3A_127 = arith.constant 0 : i32
        %dma_wait3A_128 = tpu.memref_slice %arg9[%dma_wait3A_126, %dma_wait3A_127] : memref<10240x128xf32, #tpu.memory_space<vmem_shared>> -> memref<10240x128xf32, #tpu.memory_space<vmem_shared>>
        tpu.wait_indirect_dma semaphore(%run_scoped3A_116 : memref<!tpu.dma_semaphore, #tpu.memory_space<semaphore_mem>>) src(%arg8 : memref<128x128xf32, #tpu.memory_space<vmem>>) dst(%dma_wait3A_128 : memref<10240x128xf32, #tpu.memory_space<vmem_shared>>)
        tpu.yield
      }) : () -> ()
      %run_scoped3A_78 = arith.constant 3 : i32
      "tpu.region"() ({
        %run_scoped3A_116 = tpu.sem_alloc : memref<!tpu.dma_semaphore, #tpu.memory_space<semaphore_mem>>
        %dma_start3A_117 = arith.constant 0 : i32
        %dma_start3A_118 = tpu.memref_slice %arg6[%run_scoped3A_78, %dma_start3A_117] : memref<8x128xi32, #tpu.memory_space<vmem>> -> memref<1x128xi32, #tpu.memory_space<vmem>>
        %dma_start3A_119 = tpu.memref_squeeze %dma_start3A_118 : memref<1x128xi32, #tpu.memory_space<vmem>> -> memref<128xi32, #tpu.memory_space<vmem>>
        %dma_start3A_120 = arith.constant 0 : i32
        %dma_start3A_121 = arith.constant 0 : i32
        %dma_start3A_122 = tpu.memref_slice %arg9[%dma_start3A_120, %dma_start3A_121] : memref<10240x128xf32, #tpu.memory_space<vmem_shared>> -> memref<10240x128xf32, #tpu.memory_space<vmem_shared>>
        tpu.enqueue_indirect_dma source(%arg8 : memref<128x128xf32, #tpu.memory_space<vmem>>) target(%dma_start3A_122 : memref<10240x128xf32, #tpu.memory_space<vmem_shared>>) offsets(%dma_start3A_119 : memref<128xi32, #tpu.memory_space<vmem>>) semaphore(%run_scoped3A_116 : memref<!tpu.dma_semaphore, #tpu.memory_space<semaphore_mem>>) {add = true}
        %dma_wait3A_123 = arith.constant 0 : i32
        %dma_wait3A_124 = tpu.memref_slice %arg6[%run_scoped3A_78, %dma_wait3A_123] : memref<8x128xi32, #tpu.memory_space<vmem>> -> memref<1x128xi32, #tpu.memory_space<vmem>>
        %dma_wait3A_125 = tpu.memref_squeeze %dma_wait3A_124 : memref<1x128xi32, #tpu.memory_space<vmem>> -> memref<128xi32, #tpu.memory_space<vmem>>
        %dma_wait3A_126 = arith.constant 0 : i32
        %dma_wait3A_127 = arith.constant 0 : i32
        %dma_wait3A_128 = tpu.memref_slice %arg9[%dma_wait3A_126, %dma_wait3A_127] : memref<10240x128xf32, #tpu.memory_space<vmem_shared>> -> memref<10240x128xf32, #tpu.memory_space<vmem_shared>>
        tpu.wait_indirect_dma semaphore(%run_scoped3A_116 : memref<!tpu.dma_semaphore, #tpu.memory_space<semaphore_mem>>) src(%arg8 : memref<128x128xf32, #tpu.memory_space<vmem>>) dst(%dma_wait3A_128 : memref<10240x128xf32, #tpu.memory_space<vmem_shared>>)
        tpu.yield
      }) : () -> ()
      %run_scoped3A_79 = arith.constant 4 : i32
      "tpu.region"() ({
        %run_scoped3A_116 = tpu.sem_alloc : memref<!tpu.dma_semaphore, #tpu.memory_space<semaphore_mem>>
        %dma_start3A_117 = arith.constant 0 : i32
        %dma_start3A_118 = tpu.memref_slice %arg6[%run_scoped3A_79, %dma_start3A_117] : memref<8x128xi32, #tpu.memory_space<vmem>> -> memref<1x128xi32, #tpu.memory_space<vmem>>
        %dma_start3A_119 = tpu.memref_squeeze %dma_start3A_118 : memref<1x128xi32, #tpu.memory_space<vmem>> -> memref<128xi32, #tpu.memory_space<vmem>>
        %dma_start3A_120 = arith.constant 0 : i32
        %dma_start3A_121 = arith.constant 0 : i32
        %dma_start3A_122 = tpu.memref_slice %arg9[%dma_start3A_120, %dma_start3A_121] : memref<10240x128xf32, #tpu.memory_space<vmem_shared>> -> memref<10240x128xf32, #tpu.memory_space<vmem_shared>>
        tpu.enqueue_indirect_dma source(%arg8 : memref<128x128xf32, #tpu.memory_space<vmem>>) target(%dma_start3A_122 : memref<10240x128xf32, #tpu.memory_space<vmem_shared>>) offsets(%dma_start3A_119 : memref<128xi32, #tpu.memory_space<vmem>>) semaphore(%run_scoped3A_116 : memref<!tpu.dma_semaphore, #tpu.memory_space<semaphore_mem>>) {add = true}
        %dma_wait3A_123 = arith.constant 0 : i32
        %dma_wait3A_124 = tpu.memref_slice %arg6[%run_scoped3A_79, %dma_wait3A_123] : memref<8x128xi32, #tpu.memory_space<vmem>> -> memref<1x128xi32, #tpu.memory_space<vmem>>
        %dma_wait3A_125 = tpu.memref_squeeze %dma_wait3A_124 : memref<1x128xi32, #tpu.memory_space<vmem>> -> memref<128xi32, #tpu.memory_space<vmem>>
        %dma_wait3A_126 = arith.constant 0 : i32
        %dma_wait3A_127 = arith.constant 0 : i32
        %dma_wait3A_128 = tpu.memref_slice %arg9[%dma_wait3A_126, %dma_wait3A_127] : memref<10240x128xf32, #tpu.memory_space<vmem_shared>> -> memref<10240x128xf32, #tpu.memory_space<vmem_shared>>
        tpu.wait_indirect_dma semaphore(%run_scoped3A_116 : memref<!tpu.dma_semaphore, #tpu.memory_space<semaphore_mem>>) src(%arg8 : memref<128x128xf32, #tpu.memory_space<vmem>>) dst(%dma_wait3A_128 : memref<10240x128xf32, #tpu.memory_space<vmem_shared>>)
        tpu.yield
      }) : () -> ()
      %run_scoped3A_80 = arith.constant 5 : i32
      "tpu.region"() ({
        %run_scoped3A_116 = tpu.sem_alloc : memref<!tpu.dma_semaphore, #tpu.memory_space<semaphore_mem>>
        %dma_start3A_117 = arith.constant 0 : i32
        %dma_start3A_118 = tpu.memref_slice %arg6[%run_scoped3A_80, %dma_start3A_117] : memref<8x128xi32, #tpu.memory_space<vmem>> -> memref<1x128xi32, #tpu.memory_space<vmem>>
        %dma_start3A_119 = tpu.memref_squeeze %dma_start3A_118 : memref<1x128xi32, #tpu.memory_space<vmem>> -> memref<128xi32, #tpu.memory_space<vmem>>
        %dma_start3A_120 = arith.constant 0 : i32
        %dma_start3A_121 = arith.constant 0 : i32
        %dma_start3A_122 = tpu.memref_slice %arg9[%dma_start3A_120, %dma_start3A_121] : memref<10240x128xf32, #tpu.memory_space<vmem_shared>> -> memref<10240x128xf32, #tpu.memory_space<vmem_shared>>
        tpu.enqueue_indirect_dma source(%arg8 : memref<128x128xf32, #tpu.memory_space<vmem>>) target(%dma_start3A_122 : memref<10240x128xf32, #tpu.memory_space<vmem_shared>>) offsets(%dma_start3A_119 : memref<128xi32, #tpu.memory_space<vmem>>) semaphore(%run_scoped3A_116 : memref<!tpu.dma_semaphore, #tpu.memory_space<semaphore_mem>>) {add = true}
        %dma_wait3A_123 = arith.constant 0 : i32
        %dma_wait3A_124 = tpu.memref_slice %arg6[%run_scoped3A_80, %dma_wait3A_123] : memref<8x128xi32, #tpu.memory_space<vmem>> -> memref<1x128xi32, #tpu.memory_space<vmem>>
        %dma_wait3A_125 = tpu.memref_squeeze %dma_wait3A_124 : memref<1x128xi32, #tpu.memory_space<vmem>> -> memref<128xi32, #tpu.memory_space<vmem>>
        %dma_wait3A_126 = arith.constant 0 : i32
        %dma_wait3A_127 = arith.constant 0 : i32
        %dma_wait3A_128 = tpu.memref_slice %arg9[%dma_wait3A_126, %dma_wait3A_127] : memref<10240x128xf32, #tpu.memory_space<vmem_shared>> -> memref<10240x128xf32, #tpu.memory_space<vmem_shared>>
        tpu.wait_indirect_dma semaphore(%run_scoped3A_116 : memref<!tpu.dma_semaphore, #tpu.memory_space<semaphore_mem>>) src(%arg8 : memref<128x128xf32, #tpu.memory_space<vmem>>) dst(%dma_wait3A_128 : memref<10240x128xf32, #tpu.memory_space<vmem_shared>>)
        tpu.yield
      }) : () -> ()
      %run_scoped3A_81 = arith.constant 6 : i32
      "tpu.region"() ({
        %run_scoped3A_116 = tpu.sem_alloc : memref<!tpu.dma_semaphore, #tpu.memory_space<semaphore_mem>>
        %dma_start3A_117 = arith.constant 0 : i32
        %dma_start3A_118 = tpu.memref_slice %arg6[%run_scoped3A_81, %dma_start3A_117] : memref<8x128xi32, #tpu.memory_space<vmem>> -> memref<1x128xi32, #tpu.memory_space<vmem>>
        %dma_start3A_119 = tpu.memref_squeeze %dma_start3A_118 : memref<1x128xi32, #tpu.memory_space<vmem>> -> memref<128xi32, #tpu.memory_space<vmem>>
        %dma_start3A_120 = arith.constant 0 : i32
        %dma_start3A_121 = arith.constant 0 : i32
        %dma_start3A_122 = tpu.memref_slice %arg9[%dma_start3A_120, %dma_start3A_121] : memref<10240x128xf32, #tpu.memory_space<vmem_shared>> -> memref<10240x128xf32, #tpu.memory_space<vmem_shared>>
        tpu.enqueue_indirect_dma source(%arg8 : memref<128x128xf32, #tpu.memory_space<vmem>>) target(%dma_start3A_122 : memref<10240x128xf32, #tpu.memory_space<vmem_shared>>) offsets(%dma_start3A_119 : memref<128xi32, #tpu.memory_space<vmem>>) semaphore(%run_scoped3A_116 : memref<!tpu.dma_semaphore, #tpu.memory_space<semaphore_mem>>) {add = true}
        %dma_wait3A_123 = arith.constant 0 : i32
        %dma_wait3A_124 = tpu.memref_slice %arg6[%run_scoped3A_81, %dma_wait3A_123] : memref<8x128xi32, #tpu.memory_space<vmem>> -> memref<1x128xi32, #tpu.memory_space<vmem>>
        %dma_wait3A_125 = tpu.memref_squeeze %dma_wait3A_124 : memref<1x128xi32, #tpu.memory_space<vmem>> -> memref<128xi32, #tpu.memory_space<vmem>>
        %dma_wait3A_126 = arith.constant 0 : i32
        %dma_wait3A_127 = arith.constant 0 : i32
        %dma_wait3A_128 = tpu.memref_slice %arg9[%dma_wait3A_126, %dma_wait3A_127] : memref<10240x128xf32, #tpu.memory_space<vmem_shared>> -> memref<10240x128xf32, #tpu.memory_space<vmem_shared>>
        tpu.wait_indirect_dma semaphore(%run_scoped3A_116 : memref<!tpu.dma_semaphore, #tpu.memory_space<semaphore_mem>>) src(%arg8 : memref<128x128xf32, #tpu.memory_space<vmem>>) dst(%dma_wait3A_128 : memref<10240x128xf32, #tpu.memory_space<vmem_shared>>)
        tpu.yield
      }) : () -> ()
      %add3A_82 = arith.constant 1 : i32
      %add3A_83 = arith.addi %mul3A_71, %add3A_82 : i32
      %lt3A_84 = arith.constant 10 : i32
      %lt3A_85 = arith.cmpi slt, %add3A_83, %lt3A_84 : i32
      %convert_element_type3A_86 = arith.extui %lt3A_85 : i1 to i32
      %cond3A_87 = arith.constant 0 : i32
      %cond3A_88 = arith.cmpi ne, %convert_element_type3A_86, %cond3A_87 : i32
      scf.if %cond3A_88 {
        %add3A_116 = arith.constant 1 : i32
        %add3A_117 = arith.addi %mul3A_71, %add3A_116 : i32
        %mul3A_118 = arith.constant 8 : i32
        %mul3A_119 = arith.muli %add3A_117, %mul3A_118 : i32
        %dma_wait3A_120 = arith.constant 0 : i32
        %dma_wait3A_121 = arith.constant 0 : i32
        %dma_wait3A_122 = tpu.memref_slice %arg2[%add3A, %dma_wait3A_120, %dma_wait3A_121] : memref<32x80x128xi32, #tpu.memory_space<hbm>> -> memref<1x80x128xi32, #tpu.memory_space<hbm>>
        %dma_wait3A_123 = tpu.memref_squeeze %dma_wait3A_122 : memref<1x80x128xi32, #tpu.memory_space<hbm>> -> memref<80x128xi32, #tpu.memory_space<hbm>>
        %dma_wait3A_124 = arith.constant 0 : i32
        %dma_wait3A_125 = tpu.memref_slice %dma_wait3A_123[%mul3A_119, %dma_wait3A_124] : memref<80x128xi32, #tpu.memory_space<hbm>> -> memref<8x128xi32, #tpu.memory_space<hbm>>
        %dma_wait3A_126 = arith.constant 0 : i32
        %dma_wait3A_127 = arith.constant 0 : i32
        %dma_wait3A_128 = tpu.memref_slice %arg2[%add3A, %dma_wait3A_126, %dma_wait3A_127] : memref<32x80x128xi32, #tpu.memory_space<hbm>> -> memref<1x80x128xi32, #tpu.memory_space<hbm>>
        %dma_wait3A_129 = tpu.memref_squeeze %dma_wait3A_128 : memref<1x80x128xi32, #tpu.memory_space<hbm>> -> memref<80x128xi32, #tpu.memory_space<hbm>>
        %dma_wait3A_130 = arith.constant 0 : i32
        %dma_wait3A_131 = tpu.memref_slice %dma_wait3A_129[%mul3A_119, %dma_wait3A_130] : memref<80x128xi32, #tpu.memory_space<hbm>> -> memref<8x128xi32, #tpu.memory_space<hbm>>
        tpu.wait_dma2 semaphore(%arg11 : memref<!tpu.dma_semaphore, #tpu.memory_space<semaphore_mem>>) src(%dma_wait3A_131 : memref<8x128xi32, #tpu.memory_space<hbm>>) dst(%arg7 : memref<8x128xi32, #tpu.memory_space<vmem>>)
      } else {
      }
      %run_scoped3A_89 = arith.constant 7 : i32
      "tpu.region"() ({
        %run_scoped3A_116 = tpu.sem_alloc : memref<!tpu.dma_semaphore, #tpu.memory_space<semaphore_mem>>
        %dma_start3A_117 = arith.constant 0 : i32
        %dma_start3A_118 = tpu.memref_slice %arg6[%run_scoped3A_89, %dma_start3A_117] : memref<8x128xi32, #tpu.memory_space<vmem>> -> memref<1x128xi32, #tpu.memory_space<vmem>>
        %dma_start3A_119 = tpu.memref_squeeze %dma_start3A_118 : memref<1x128xi32, #tpu.memory_space<vmem>> -> memref<128xi32, #tpu.memory_space<vmem>>
        %dma_start3A_120 = arith.constant 0 : i32
        %dma_start3A_121 = arith.constant 0 : i32
        %dma_start3A_122 = tpu.memref_slice %arg9[%dma_start3A_120, %dma_start3A_121] : memref<10240x128xf32, #tpu.memory_space<vmem_shared>> -> memref<10240x128xf32, #tpu.memory_space<vmem_shared>>
        tpu.enqueue_indirect_dma source(%arg8 : memref<128x128xf32, #tpu.memory_space<vmem>>) target(%dma_start3A_122 : memref<10240x128xf32, #tpu.memory_space<vmem_shared>>) offsets(%dma_start3A_119 : memref<128xi32, #tpu.memory_space<vmem>>) semaphore(%run_scoped3A_116 : memref<!tpu.dma_semaphore, #tpu.memory_space<semaphore_mem>>) {add = true}
        %dma_wait3A_123 = arith.constant 0 : i32
        %dma_wait3A_124 = tpu.memref_slice %arg6[%run_scoped3A_89, %dma_wait3A_123] : memref<8x128xi32, #tpu.memory_space<vmem>> -> memref<1x128xi32, #tpu.memory_space<vmem>>
        %dma_wait3A_125 = tpu.memref_squeeze %dma_wait3A_124 : memref<1x128xi32, #tpu.memory_space<vmem>> -> memref<128xi32, #tpu.memory_space<vmem>>
        %dma_wait3A_126 = arith.constant 0 : i32
        %dma_wait3A_127 = arith.constant 0 : i32
        %dma_wait3A_128 = tpu.memref_slice %arg9[%dma_wait3A_126, %dma_wait3A_127] : memref<10240x128xf32, #tpu.memory_space<vmem_shared>> -> memref<10240x128xf32, #tpu.memory_space<vmem_shared>>
        tpu.wait_indirect_dma semaphore(%run_scoped3A_116 : memref<!tpu.dma_semaphore, #tpu.memory_space<semaphore_mem>>) src(%arg8 : memref<128x128xf32, #tpu.memory_space<vmem>>) dst(%dma_wait3A_128 : memref<10240x128xf32, #tpu.memory_space<vmem_shared>>)
        tpu.yield
      }) : () -> ()
      %mul3A_90 = arith.constant 2 : i32
      %mul3A_91 = arith.muli %scan3A_69, %mul3A_90 : i32
      %add3A_92 = arith.constant 1 : i32
      %add3A_93 = arith.addi %mul3A_91, %add3A_92 : i32
      %add3A_94 = arith.constant 1 : i32
      %add3A_95 = arith.addi %add3A_93, %add3A_94 : i32
      %lt3A_96 = arith.constant 10 : i32
      %lt3A_97 = arith.cmpi slt, %add3A_95, %lt3A_96 : i32
      %convert_element_type3A_98 = arith.extui %lt3A_97 : i1 to i32
      %cond3A_99 = arith.constant 0 : i32
      %cond3A_100 = arith.cmpi ne, %convert_element_type3A_98, %cond3A_99 : i32
      scf.if %cond3A_100 {
        %add3A_116 = arith.constant 1 : i32
        %add3A_117 = arith.addi %add3A_93, %add3A_116 : i32
        %mul3A_118 = arith.constant 8 : i32
        %mul3A_119 = arith.muli %add3A_117, %mul3A_118 : i32
        %dma_start3A_120 = arith.constant 0 : i32
        %dma_start3A_121 = arith.constant 0 : i32
        %dma_start3A_122 = tpu.memref_slice %arg2[%add3A, %dma_start3A_120, %dma_start3A_121] : memref<32x80x128xi32, #tpu.memory_space<hbm>> -> memref<1x80x128xi32, #tpu.memory_space<hbm>>
        %dma_start3A_123 = tpu.memref_squeeze %dma_start3A_122 : memref<1x80x128xi32, #tpu.memory_space<hbm>> -> memref<80x128xi32, #tpu.memory_space<hbm>>
        %dma_start3A_124 = arith.constant 0 : i32
        %dma_start3A_125 = tpu.memref_slice %dma_start3A_123[%mul3A_119, %dma_start3A_124] : memref<80x128xi32, #tpu.memory_space<hbm>> -> memref<8x128xi32, #tpu.memory_space<hbm>>
        %dma_start3A_126 = arith.constant 0 : i32
        %dma_start3A_127 = arith.constant 0 : i32
        %dma_start3A_128 = tpu.memref_slice %arg2[%add3A, %dma_start3A_126, %dma_start3A_127] : memref<32x80x128xi32, #tpu.memory_space<hbm>> -> memref<1x80x128xi32, #tpu.memory_space<hbm>>
        %dma_start3A_129 = tpu.memref_squeeze %dma_start3A_128 : memref<1x80x128xi32, #tpu.memory_space<hbm>> -> memref<80x128xi32, #tpu.memory_space<hbm>>
        %dma_start3A_130 = arith.constant 0 : i32
        %dma_start3A_131 = tpu.memref_slice %dma_start3A_129[%mul3A_119, %dma_start3A_130] : memref<80x128xi32, #tpu.memory_space<hbm>> -> memref<8x128xi32, #tpu.memory_space<hbm>>
        tpu.enqueue_dma source(%dma_start3A_131 : memref<8x128xi32, #tpu.memory_space<hbm>>) target(%arg6 : memref<8x128xi32, #tpu.memory_space<vmem>>) target_semaphore(%arg10 : memref<!tpu.dma_semaphore, #tpu.memory_space<semaphore_mem>>)
      } else {
      }
      %run_scoped3A_101 = arith.constant 0 : i32
      "tpu.region"() ({
        %run_scoped3A_116 = tpu.sem_alloc : memref<!tpu.dma_semaphore, #tpu.memory_space<semaphore_mem>>
        %dma_start3A_117 = arith.constant 0 : i32
        %dma_start3A_118 = tpu.memref_slice %arg7[%run_scoped3A_101, %dma_start3A_117] : memref<8x128xi32, #tpu.memory_space<vmem>> -> memref<1x128xi32, #tpu.memory_space<vmem>>
        %dma_start3A_119 = tpu.memref_squeeze %dma_start3A_118 : memref<1x128xi32, #tpu.memory_space<vmem>> -> memref<128xi32, #tpu.memory_space<vmem>>
        %dma_start3A_120 = arith.constant 0 : i32
        %dma_start3A_121 = arith.constant 0 : i32
        %dma_start3A_122 = tpu.memref_slice %arg9[%dma_start3A_120, %dma_start3A_121] : memref<10240x128xf32, #tpu.memory_space<vmem_shared>> -> memref<10240x128xf32, #tpu.memory_space<vmem_shared>>
        tpu.enqueue_indirect_dma source(%arg8 : memref<128x128xf32, #tpu.memory_space<vmem>>) target(%dma_start3A_122 : memref<10240x128xf32, #tpu.memory_space<vmem_shared>>) offsets(%dma_start3A_119 : memref<128xi32, #tpu.memory_space<vmem>>) semaphore(%run_scoped3A_116 : memref<!tpu.dma_semaphore, #tpu.memory_space<semaphore_mem>>) {add = true}
        %dma_wait3A_123 = arith.constant 0 : i32
        %dma_wait3A_124 = tpu.memref_slice %arg7[%run_scoped3A_101, %dma_wait3A_123] : memref<8x128xi32, #tpu.memory_space<vmem>> -> memref<1x128xi32, #tpu.memory_space<vmem>>
        %dma_wait3A_125 = tpu.memref_squeeze %dma_wait3A_124 : memref<1x128xi32, #tpu.memory_space<vmem>> -> memref<128xi32, #tpu.memory_space<vmem>>
        %dma_wait3A_126 = arith.constant 0 : i32
        %dma_wait3A_127 = arith.constant 0 : i32
        %dma_wait3A_128 = tpu.memref_slice %arg9[%dma_wait3A_126, %dma_wait3A_127] : memref<10240x128xf32, #tpu.memory_space<vmem_shared>> -> memref<10240x128xf32, #tpu.memory_space<vmem_shared>>
        tpu.wait_indirect_dma semaphore(%run_scoped3A_116 : memref<!tpu.dma_semaphore, #tpu.memory_space<semaphore_mem>>) src(%arg8 : memref<128x128xf32, #tpu.memory_space<vmem>>) dst(%dma_wait3A_128 : memref<10240x128xf32, #tpu.memory_space<vmem_shared>>)
        tpu.yield
      }) : () -> ()
      %run_scoped3A_102 = arith.constant 1 : i32
      "tpu.region"() ({
        %run_scoped3A_116 = tpu.sem_alloc : memref<!tpu.dma_semaphore, #tpu.memory_space<semaphore_mem>>
        %dma_start3A_117 = arith.constant 0 : i32
        %dma_start3A_118 = tpu.memref_slice %arg7[%run_scoped3A_102, %dma_start3A_117] : memref<8x128xi32, #tpu.memory_space<vmem>> -> memref<1x128xi32, #tpu.memory_space<vmem>>
        %dma_start3A_119 = tpu.memref_squeeze %dma_start3A_118 : memref<1x128xi32, #tpu.memory_space<vmem>> -> memref<128xi32, #tpu.memory_space<vmem>>
        %dma_start3A_120 = arith.constant 0 : i32
        %dma_start3A_121 = arith.constant 0 : i32
        %dma_start3A_122 = tpu.memref_slice %arg9[%dma_start3A_120, %dma_start3A_121] : memref<10240x128xf32, #tpu.memory_space<vmem_shared>> -> memref<10240x128xf32, #tpu.memory_space<vmem_shared>>
        tpu.enqueue_indirect_dma source(%arg8 : memref<128x128xf32, #tpu.memory_space<vmem>>) target(%dma_start3A_122 : memref<10240x128xf32, #tpu.memory_space<vmem_shared>>) offsets(%dma_start3A_119 : memref<128xi32, #tpu.memory_space<vmem>>) semaphore(%run_scoped3A_116 : memref<!tpu.dma_semaphore, #tpu.memory_space<semaphore_mem>>) {add = true}
        %dma_wait3A_123 = arith.constant 0 : i32
        %dma_wait3A_124 = tpu.memref_slice %arg7[%run_scoped3A_102, %dma_wait3A_123] : memref<8x128xi32, #tpu.memory_space<vmem>> -> memref<1x128xi32, #tpu.memory_space<vmem>>
        %dma_wait3A_125 = tpu.memref_squeeze %dma_wait3A_124 : memref<1x128xi32, #tpu.memory_space<vmem>> -> memref<128xi32, #tpu.memory_space<vmem>>
        %dma_wait3A_126 = arith.constant 0 : i32
        %dma_wait3A_127 = arith.constant 0 : i32
        %dma_wait3A_128 = tpu.memref_slice %arg9[%dma_wait3A_126, %dma_wait3A_127] : memref<10240x128xf32, #tpu.memory_space<vmem_shared>> -> memref<10240x128xf32, #tpu.memory_space<vmem_shared>>
        tpu.wait_indirect_dma semaphore(%run_scoped3A_116 : memref<!tpu.dma_semaphore, #tpu.memory_space<semaphore_mem>>) src(%arg8 : memref<128x128xf32, #tpu.memory_space<vmem>>) dst(%dma_wait3A_128 : memref<10240x128xf32, #tpu.memory_space<vmem_shared>>)
        tpu.yield
      }) : () -> ()
      %run_scoped3A_103 = arith.constant 2 : i32
      "tpu.region"() ({
        %run_scoped3A_116 = tpu.sem_alloc : memref<!tpu.dma_semaphore, #tpu.memory_space<semaphore_mem>>
        %dma_start3A_117 = arith.constant 0 : i32
        %dma_start3A_118 = tpu.memref_slice %arg7[%run_scoped3A_103, %dma_start3A_117] : memref<8x128xi32, #tpu.memory_space<vmem>> -> memref<1x128xi32, #tpu.memory_space<vmem>>
        %dma_start3A_119 = tpu.memref_squeeze %dma_start3A_118 : memref<1x128xi32, #tpu.memory_space<vmem>> -> memref<128xi32, #tpu.memory_space<vmem>>
        %dma_start3A_120 = arith.constant 0 : i32
        %dma_start3A_121 = arith.constant 0 : i32
        %dma_start3A_122 = tpu.memref_slice %arg9[%dma_start3A_120, %dma_start3A_121] : memref<10240x128xf32, #tpu.memory_space<vmem_shared>> -> memref<10240x128xf32, #tpu.memory_space<vmem_shared>>
        tpu.enqueue_indirect_dma source(%arg8 : memref<128x128xf32, #tpu.memory_space<vmem>>) target(%dma_start3A_122 : memref<10240x128xf32, #tpu.memory_space<vmem_shared>>) offsets(%dma_start3A_119 : memref<128xi32, #tpu.memory_space<vmem>>) semaphore(%run_scoped3A_116 : memref<!tpu.dma_semaphore, #tpu.memory_space<semaphore_mem>>) {add = true}
        %dma_wait3A_123 = arith.constant 0 : i32
        %dma_wait3A_124 = tpu.memref_slice %arg7[%run_scoped3A_103, %dma_wait3A_123] : memref<8x128xi32, #tpu.memory_space<vmem>> -> memref<1x128xi32, #tpu.memory_space<vmem>>
        %dma_wait3A_125 = tpu.memref_squeeze %dma_wait3A_124 : memref<1x128xi32, #tpu.memory_space<vmem>> -> memref<128xi32, #tpu.memory_space<vmem>>
        %dma_wait3A_126 = arith.constant 0 : i32
        %dma_wait3A_127 = arith.constant 0 : i32
        %dma_wait3A_128 = tpu.memref_slice %arg9[%dma_wait3A_126, %dma_wait3A_127] : memref<10240x128xf32, #tpu.memory_space<vmem_shared>> -> memref<10240x128xf32, #tpu.memory_space<vmem_shared>>
        tpu.wait_indirect_dma semaphore(%run_scoped3A_116 : memref<!tpu.dma_semaphore, #tpu.memory_space<semaphore_mem>>) src(%arg8 : memref<128x128xf32, #tpu.memory_space<vmem>>) dst(%dma_wait3A_128 : memref<10240x128xf32, #tpu.memory_space<vmem_shared>>)
        tpu.yield
      }) : () -> ()
      %run_scoped3A_104 = arith.constant 3 : i32
      "tpu.region"() ({
        %run_scoped3A_116 = tpu.sem_alloc : memref<!tpu.dma_semaphore, #tpu.memory_space<semaphore_mem>>
        %dma_start3A_117 = arith.constant 0 : i32
        %dma_start3A_118 = tpu.memref_slice %arg7[%run_scoped3A_104, %dma_start3A_117] : memref<8x128xi32, #tpu.memory_space<vmem>> -> memref<1x128xi32, #tpu.memory_space<vmem>>
        %dma_start3A_119 = tpu.memref_squeeze %dma_start3A_118 : memref<1x128xi32, #tpu.memory_space<vmem>> -> memref<128xi32, #tpu.memory_space<vmem>>
        %dma_start3A_120 = arith.constant 0 : i32
        %dma_start3A_121 = arith.constant 0 : i32
        %dma_start3A_122 = tpu.memref_slice %arg9[%dma_start3A_120, %dma_start3A_121] : memref<10240x128xf32, #tpu.memory_space<vmem_shared>> -> memref<10240x128xf32, #tpu.memory_space<vmem_shared>>
        tpu.enqueue_indirect_dma source(%arg8 : memref<128x128xf32, #tpu.memory_space<vmem>>) target(%dma_start3A_122 : memref<10240x128xf32, #tpu.memory_space<vmem_shared>>) offsets(%dma_start3A_119 : memref<128xi32, #tpu.memory_space<vmem>>) semaphore(%run_scoped3A_116 : memref<!tpu.dma_semaphore, #tpu.memory_space<semaphore_mem>>) {add = true}
        %dma_wait3A_123 = arith.constant 0 : i32
        %dma_wait3A_124 = tpu.memref_slice %arg7[%run_scoped3A_104, %dma_wait3A_123] : memref<8x128xi32, #tpu.memory_space<vmem>> -> memref<1x128xi32, #tpu.memory_space<vmem>>
        %dma_wait3A_125 = tpu.memref_squeeze %dma_wait3A_124 : memref<1x128xi32, #tpu.memory_space<vmem>> -> memref<128xi32, #tpu.memory_space<vmem>>
        %dma_wait3A_126 = arith.constant 0 : i32
        %dma_wait3A_127 = arith.constant 0 : i32
        %dma_wait3A_128 = tpu.memref_slice %arg9[%dma_wait3A_126, %dma_wait3A_127] : memref<10240x128xf32, #tpu.memory_space<vmem_shared>> -> memref<10240x128xf32, #tpu.memory_space<vmem_shared>>
        tpu.wait_indirect_dma semaphore(%run_scoped3A_116 : memref<!tpu.dma_semaphore, #tpu.memory_space<semaphore_mem>>) src(%arg8 : memref<128x128xf32, #tpu.memory_space<vmem>>) dst(%dma_wait3A_128 : memref<10240x128xf32, #tpu.memory_space<vmem_shared>>)
        tpu.yield
      }) : () -> ()
      %run_scoped3A_105 = arith.constant 4 : i32
      "tpu.region"() ({
        %run_scoped3A_116 = tpu.sem_alloc : memref<!tpu.dma_semaphore, #tpu.memory_space<semaphore_mem>>
        %dma_start3A_117 = arith.constant 0 : i32
        %dma_start3A_118 = tpu.memref_slice %arg7[%run_scoped3A_105, %dma_start3A_117] : memref<8x128xi32, #tpu.memory_space<vmem>> -> memref<1x128xi32, #tpu.memory_space<vmem>>
        %dma_start3A_119 = tpu.memref_squeeze %dma_start3A_118 : memref<1x128xi32, #tpu.memory_space<vmem>> -> memref<128xi32, #tpu.memory_space<vmem>>
        %dma_start3A_120 = arith.constant 0 : i32
        %dma_start3A_121 = arith.constant 0 : i32
        %dma_start3A_122 = tpu.memref_slice %arg9[%dma_start3A_120, %dma_start3A_121] : memref<10240x128xf32, #tpu.memory_space<vmem_shared>> -> memref<10240x128xf32, #tpu.memory_space<vmem_shared>>
        tpu.enqueue_indirect_dma source(%arg8 : memref<128x128xf32, #tpu.memory_space<vmem>>) target(%dma_start3A_122 : memref<10240x128xf32, #tpu.memory_space<vmem_shared>>) offsets(%dma_start3A_119 : memref<128xi32, #tpu.memory_space<vmem>>) semaphore(%run_scoped3A_116 : memref<!tpu.dma_semaphore, #tpu.memory_space<semaphore_mem>>) {add = true}
        %dma_wait3A_123 = arith.constant 0 : i32
        %dma_wait3A_124 = tpu.memref_slice %arg7[%run_scoped3A_105, %dma_wait3A_123] : memref<8x128xi32, #tpu.memory_space<vmem>> -> memref<1x128xi32, #tpu.memory_space<vmem>>
        %dma_wait3A_125 = tpu.memref_squeeze %dma_wait3A_124 : memref<1x128xi32, #tpu.memory_space<vmem>> -> memref<128xi32, #tpu.memory_space<vmem>>
        %dma_wait3A_126 = arith.constant 0 : i32
        %dma_wait3A_127 = arith.constant 0 : i32
        %dma_wait3A_128 = tpu.memref_slice %arg9[%dma_wait3A_126, %dma_wait3A_127] : memref<10240x128xf32, #tpu.memory_space<vmem_shared>> -> memref<10240x128xf32, #tpu.memory_space<vmem_shared>>
        tpu.wait_indirect_dma semaphore(%run_scoped3A_116 : memref<!tpu.dma_semaphore, #tpu.memory_space<semaphore_mem>>) src(%arg8 : memref<128x128xf32, #tpu.memory_space<vmem>>) dst(%dma_wait3A_128 : memref<10240x128xf32, #tpu.memory_space<vmem_shared>>)
        tpu.yield
      }) : () -> ()
      %run_scoped3A_106 = arith.constant 5 : i32
      "tpu.region"() ({
        %run_scoped3A_116 = tpu.sem_alloc : memref<!tpu.dma_semaphore, #tpu.memory_space<semaphore_mem>>
        %dma_start3A_117 = arith.constant 0 : i32
        %dma_start3A_118 = tpu.memref_slice %arg7[%run_scoped3A_106, %dma_start3A_117] : memref<8x128xi32, #tpu.memory_space<vmem>> -> memref<1x128xi32, #tpu.memory_space<vmem>>
        %dma_start3A_119 = tpu.memref_squeeze %dma_start3A_118 : memref<1x128xi32, #tpu.memory_space<vmem>> -> memref<128xi32, #tpu.memory_space<vmem>>
        %dma_start3A_120 = arith.constant 0 : i32
        %dma_start3A_121 = arith.constant 0 : i32
        %dma_start3A_122 = tpu.memref_slice %arg9[%dma_start3A_120, %dma_start3A_121] : memref<10240x128xf32, #tpu.memory_space<vmem_shared>> -> memref<10240x128xf32, #tpu.memory_space<vmem_shared>>
        tpu.enqueue_indirect_dma source(%arg8 : memref<128x128xf32, #tpu.memory_space<vmem>>) target(%dma_start3A_122 : memref<10240x128xf32, #tpu.memory_space<vmem_shared>>) offsets(%dma_start3A_119 : memref<128xi32, #tpu.memory_space<vmem>>) semaphore(%run_scoped3A_116 : memref<!tpu.dma_semaphore, #tpu.memory_space<semaphore_mem>>) {add = true}
        %dma_wait3A_123 = arith.constant 0 : i32
        %dma_wait3A_124 = tpu.memref_slice %arg7[%run_scoped3A_106, %dma_wait3A_123] : memref<8x128xi32, #tpu.memory_space<vmem>> -> memref<1x128xi32, #tpu.memory_space<vmem>>
        %dma_wait3A_125 = tpu.memref_squeeze %dma_wait3A_124 : memref<1x128xi32, #tpu.memory_space<vmem>> -> memref<128xi32, #tpu.memory_space<vmem>>
        %dma_wait3A_126 = arith.constant 0 : i32
        %dma_wait3A_127 = arith.constant 0 : i32
        %dma_wait3A_128 = tpu.memref_slice %arg9[%dma_wait3A_126, %dma_wait3A_127] : memref<10240x128xf32, #tpu.memory_space<vmem_shared>> -> memref<10240x128xf32, #tpu.memory_space<vmem_shared>>
        tpu.wait_indirect_dma semaphore(%run_scoped3A_116 : memref<!tpu.dma_semaphore, #tpu.memory_space<semaphore_mem>>) src(%arg8 : memref<128x128xf32, #tpu.memory_space<vmem>>) dst(%dma_wait3A_128 : memref<10240x128xf32, #tpu.memory_space<vmem_shared>>)
        tpu.yield
      }) : () -> ()
      %run_scoped3A_107 = arith.constant 6 : i32
      "tpu.region"() ({
        %run_scoped3A_116 = tpu.sem_alloc : memref<!tpu.dma_semaphore, #tpu.memory_space<semaphore_mem>>
        %dma_start3A_117 = arith.constant 0 : i32
        %dma_start3A_118 = tpu.memref_slice %arg7[%run_scoped3A_107, %dma_start3A_117] : memref<8x128xi32, #tpu.memory_space<vmem>> -> memref<1x128xi32, #tpu.memory_space<vmem>>
        %dma_start3A_119 = tpu.memref_squeeze %dma_start3A_118 : memref<1x128xi32, #tpu.memory_space<vmem>> -> memref<128xi32, #tpu.memory_space<vmem>>
        %dma_start3A_120 = arith.constant 0 : i32
        %dma_start3A_121 = arith.constant 0 : i32
        %dma_start3A_122 = tpu.memref_slice %arg9[%dma_start3A_120, %dma_start3A_121] : memref<10240x128xf32, #tpu.memory_space<vmem_shared>> -> memref<10240x128xf32, #tpu.memory_space<vmem_shared>>
        tpu.enqueue_indirect_dma source(%arg8 : memref<128x128xf32, #tpu.memory_space<vmem>>) target(%dma_start3A_122 : memref<10240x128xf32, #tpu.memory_space<vmem_shared>>) offsets(%dma_start3A_119 : memref<128xi32, #tpu.memory_space<vmem>>) semaphore(%run_scoped3A_116 : memref<!tpu.dma_semaphore, #tpu.memory_space<semaphore_mem>>) {add = true}
        %dma_wait3A_123 = arith.constant 0 : i32
        %dma_wait3A_124 = tpu.memref_slice %arg7[%run_scoped3A_107, %dma_wait3A_123] : memref<8x128xi32, #tpu.memory_space<vmem>> -> memref<1x128xi32, #tpu.memory_space<vmem>>
        %dma_wait3A_125 = tpu.memref_squeeze %dma_wait3A_124 : memref<1x128xi32, #tpu.memory_space<vmem>> -> memref<128xi32, #tpu.memory_space<vmem>>
        %dma_wait3A_126 = arith.constant 0 : i32
        %dma_wait3A_127 = arith.constant 0 : i32
        %dma_wait3A_128 = tpu.memref_slice %arg9[%dma_wait3A_126, %dma_wait3A_127] : memref<10240x128xf32, #tpu.memory_space<vmem_shared>> -> memref<10240x128xf32, #tpu.memory_space<vmem_shared>>
        tpu.wait_indirect_dma semaphore(%run_scoped3A_116 : memref<!tpu.dma_semaphore, #tpu.memory_space<semaphore_mem>>) src(%arg8 : memref<128x128xf32, #tpu.memory_space<vmem>>) dst(%dma_wait3A_128 : memref<10240x128xf32, #tpu.memory_space<vmem_shared>>)
        tpu.yield
      }) : () -> ()
      %add3A_108 = arith.constant 1 : i32
      %add3A_109 = arith.addi %add3A_93, %add3A_108 : i32
      %lt3A_110 = arith.constant 10 : i32
      %lt3A_111 = arith.cmpi slt, %add3A_109, %lt3A_110 : i32
      %convert_element_type3A_112 = arith.extui %lt3A_111 : i1 to i32
      %cond3A_113 = arith.constant 0 : i32
      %cond3A_114 = arith.cmpi ne, %convert_element_type3A_112, %cond3A_113 : i32
      scf.if %cond3A_114 {
        %add3A_116 = arith.constant 1 : i32
        %add3A_117 = arith.addi %add3A_93, %add3A_116 : i32
        %mul3A_118 = arith.constant 8 : i32
        %mul3A_119 = arith.muli %add3A_117, %mul3A_118 : i32
        %dma_wait3A_120 = arith.constant 0 : i32
        %dma_wait3A_121 = arith.constant 0 : i32
        %dma_wait3A_122 = tpu.memref_slice %arg2[%add3A, %dma_wait3A_120, %dma_wait3A_121] : memref<32x80x128xi32, #tpu.memory_space<hbm>> -> memref<1x80x128xi32, #tpu.memory_space<hbm>>
        %dma_wait3A_123 = tpu.memref_squeeze %dma_wait3A_122 : memref<1x80x128xi32, #tpu.memory_space<hbm>> -> memref<80x128xi32, #tpu.memory_space<hbm>>
        %dma_wait3A_124 = arith.constant 0 : i32
        %dma_wait3A_125 = tpu.memref_slice %dma_wait3A_123[%mul3A_119, %dma_wait3A_124] : memref<80x128xi32, #tpu.memory_space<hbm>> -> memref<8x128xi32, #tpu.memory_space<hbm>>
        %dma_wait3A_126 = arith.constant 0 : i32
        %dma_wait3A_127 = arith.constant 0 : i32
        %dma_wait3A_128 = tpu.memref_slice %arg2[%add3A, %dma_wait3A_126, %dma_wait3A_127] : memref<32x80x128xi32, #tpu.memory_space<hbm>> -> memref<1x80x128xi32, #tpu.memory_space<hbm>>
        %dma_wait3A_129 = tpu.memref_squeeze %dma_wait3A_128 : memref<1x80x128xi32, #tpu.memory_space<hbm>> -> memref<80x128xi32, #tpu.memory_space<hbm>>
        %dma_wait3A_130 = arith.constant 0 : i32
        %dma_wait3A_131 = tpu.memref_slice %dma_wait3A_129[%mul3A_119, %dma_wait3A_130] : memref<80x128xi32, #tpu.memory_space<hbm>> -> memref<8x128xi32, #tpu.memory_space<hbm>>
        tpu.wait_dma2 semaphore(%arg10 : memref<!tpu.dma_semaphore, #tpu.memory_space<semaphore_mem>>) src(%dma_wait3A_131 : memref<8x128xi32, #tpu.memory_space<hbm>>) dst(%arg6 : memref<8x128xi32, #tpu.memory_space<vmem>>)
      } else {
      }
      %run_scoped3A_115 = arith.constant 7 : i32
      "tpu.region"() ({
        %run_scoped3A_116 = tpu.sem_alloc : memref<!tpu.dma_semaphore, #tpu.memory_space<semaphore_mem>>
        %dma_start3A_117 = arith.constant 0 : i32
        %dma_start3A_118 = tpu.memref_slice %arg7[%run_scoped3A_115, %dma_start3A_117] : memref<8x128xi32, #tpu.memory_space<vmem>> -> memref<1x128xi32, #tpu.memory_space<vmem>>
        %dma_start3A_119 = tpu.memref_squeeze %dma_start3A_118 : memref<1x128xi32, #tpu.memory_space<vmem>> -> memref<128xi32, #tpu.memory_space<vmem>>
        %dma_start3A_120 = arith.constant 0 : i32
        %dma_start3A_121 = arith.constant 0 : i32
        %dma_start3A_122 = tpu.memref_slice %arg9[%dma_start3A_120, %dma_start3A_121] : memref<10240x128xf32, #tpu.memory_space<vmem_shared>> -> memref<10240x128xf32, #tpu.memory_space<vmem_shared>>
        tpu.enqueue_indirect_dma source(%arg8 : memref<128x128xf32, #tpu.memory_space<vmem>>) target(%dma_start3A_122 : memref<10240x128xf32, #tpu.memory_space<vmem_shared>>) offsets(%dma_start3A_119 : memref<128xi32, #tpu.memory_space<vmem>>) semaphore(%run_scoped3A_116 : memref<!tpu.dma_semaphore, #tpu.memory_space<semaphore_mem>>) {add = true}
        %dma_wait3A_123 = arith.constant 0 : i32
        %dma_wait3A_124 = tpu.memref_slice %arg7[%run_scoped3A_115, %dma_wait3A_123] : memref<8x128xi32, #tpu.memory_space<vmem>> -> memref<1x128xi32, #tpu.memory_space<vmem>>
        %dma_wait3A_125 = tpu.memref_squeeze %dma_wait3A_124 : memref<1x128xi32, #tpu.memory_space<vmem>> -> memref<128xi32, #tpu.memory_space<vmem>>
        %dma_wait3A_126 = arith.constant 0 : i32
        %dma_wait3A_127 = arith.constant 0 : i32
        %dma_wait3A_128 = tpu.memref_slice %arg9[%dma_wait3A_126, %dma_wait3A_127] : memref<10240x128xf32, #tpu.memory_space<vmem_shared>> -> memref<10240x128xf32, #tpu.memory_space<vmem_shared>>
        tpu.wait_indirect_dma semaphore(%run_scoped3A_116 : memref<!tpu.dma_semaphore, #tpu.memory_space<semaphore_mem>>) src(%arg8 : memref<128x128xf32, #tpu.memory_space<vmem>>) dst(%dma_wait3A_128 : memref<10240x128xf32, #tpu.memory_space<vmem_shared>>)
        tpu.yield
      }) : () -> ()
    }
    %scan3A_63 = arith.constant 5 : i32
    %barrier3A_64 = arith.constant 0 : index
    tpu.barrier barrier_id(%barrier3A_64)
    %mul3A_65 = arith.constant 640 : i32
    %mul3A_66 = arith.muli %arg1, %mul3A_65 : i32
    %mul3A_67 = arith.constant 640 : i32
    %mul3A_68 = arith.muli %arg1, %mul3A_67 : i32
    "tpu.region"() ({
      %run_scoped3A = tpu.sem_alloc : memref<!tpu.dma_semaphore, #tpu.memory_space<semaphore_mem>>
      %dma_start3A_69 = arith.constant 0 : i32
      %dma_start3A_70 = arith.constant 0 : i32
      %dma_start3A_71 = tpu.memref_slice %arg5[%arg0, %dma_start3A_69, %dma_start3A_70] : memref<2x10240x128xf32, #tpu.memory_space<hbm>> -> memref<1x10240x128xf32, #tpu.memory_space<hbm>>
      %dma_start3A_72 = tpu.memref_squeeze %dma_start3A_71 : memref<1x10240x128xf32, #tpu.memory_space<hbm>> -> memref<10240x128xf32, #tpu.memory_space<hbm>>
      %dma_start3A_73 = arith.constant 0 : i32
      %dma_start3A_74 = tpu.memref_slice %dma_start3A_72[%mul3A_68, %dma_start3A_73] : memref<10240x128xf32, #tpu.memory_space<hbm>> -> memref<640x128xf32, #tpu.memory_space<hbm>>
      %dma_start3A_75 = arith.constant 0 : i32
      %dma_start3A_76 = tpu.memref_slice %arg9[%mul3A_66, %dma_start3A_75] : memref<10240x128xf32, #tpu.memory_space<vmem_shared>> -> memref<640x128xf32, #tpu.memory_space<vmem_shared>>
      tpu.enqueue_dma source(%dma_start3A_76 : memref<640x128xf32, #tpu.memory_space<vmem_shared>>) target(%dma_start3A_74 : memref<640x128xf32, #tpu.memory_space<hbm>>) target_semaphore(%run_scoped3A : memref<!tpu.dma_semaphore, #tpu.memory_space<semaphore_mem>>)
      %dma_wait3A_77 = arith.constant 0 : i32
      %dma_wait3A_78 = arith.constant 0 : i32
      %dma_wait3A_79 = tpu.memref_slice %arg5[%arg0, %dma_wait3A_77, %dma_wait3A_78] : memref<2x10240x128xf32, #tpu.memory_space<hbm>> -> memref<1x10240x128xf32, #tpu.memory_space<hbm>>
      %dma_wait3A_80 = tpu.memref_squeeze %dma_wait3A_79 : memref<1x10240x128xf32, #tpu.memory_space<hbm>> -> memref<10240x128xf32, #tpu.memory_space<hbm>>
      %dma_wait3A_81 = arith.constant 0 : i32
      %dma_wait3A_82 = tpu.memref_slice %dma_wait3A_80[%mul3A_68, %dma_wait3A_81] : memref<10240x128xf32, #tpu.memory_space<hbm>> -> memref<640x128xf32, #tpu.memory_space<hbm>>
      %dma_wait3A_83 = arith.constant 0 : i32
      %dma_wait3A_84 = tpu.memref_slice %arg9[%mul3A_66, %dma_wait3A_83] : memref<10240x128xf32, #tpu.memory_space<vmem_shared>> -> memref<640x128xf32, #tpu.memory_space<vmem_shared>>
      tpu.wait_dma2 semaphore(%run_scoped3A : memref<!tpu.dma_semaphore, #tpu.memory_space<semaphore_mem>>) src(%dma_wait3A_84 : memref<640x128xf32, #tpu.memory_space<vmem_shared>>) dst(%dma_wait3A_82 : memref<640x128xf32, #tpu.memory_space<hbm>>)
      tpu.yield
    }) : () -> ()
    return
  }
}

#map = affine_map<(d0, d1) -> (0, 0)>
#map1 = affine_map<(d0, d1) -> (0, 0, 0)>
module attributes {stable_mosaic.version = 14 : i64} {
  func.func @body(%arg0: i32, %arg1: i32, %arg2: memref<10000x128xf32, #tpu.memory_space<hbm>>, %arg3: memref<32x80x128xi32, #tpu.memory_space<hbm>>, %arg4: memref<32x80x128xi32, #tpu.memory_space<hbm>>, %arg5: memref<128x128xf32, #tpu.memory_space<hbm>>, %arg6: memref<2x10240x128xf32, #tpu.memory_space<hbm>>, %arg7: memref<8x128xi32, #tpu.memory_space<vmem>>, %arg8: memref<8x128xi32, #tpu.memory_space<vmem>>, %arg9: memref<8x128xi32, #tpu.memory_space<vmem>>, %arg10: memref<8x128xi32, #tpu.memory_space<vmem>>, %arg11: memref<128x128xf32, #tpu.memory_space<vmem>>, %arg12: memref<128x128xf32, #tpu.memory_space<vmem>>, %arg13: memref<10240x128xf32, #tpu.memory_space<vmem_shared>>, %arg14: memref<!tpu.dma_semaphore, #tpu.memory_space<semaphore_mem>>, %arg15: memref<!tpu.dma_semaphore, #tpu.memory_space<semaphore_mem>>, %arg16: memref<!tpu.dma_semaphore, #tpu.memory_space<semaphore_mem>>, %arg17: memref<!tpu.dma_semaphore, #tpu.memory_space<semaphore_mem>>) attributes {dimension_semantics = [#tpu.dimension_semantics<core_parallel>, #tpu.dimension_semantics<subcore_parallel>], iteration_bounds = array<i64: 2, 16>, scalar_prefetch = 0 : i64, scratch_operands = 11 : i64, tpu.core_type = #tpu.core_type<sc_vector_subcore>, window_params = [{transform_indices = #map}, {transform_indices = #map1}, {transform_indices = #map1}, {transform_indices = #map}, {transform_indices = #map1}]} {
    %mul3A = arith.constant 2 : i32
    %mul3A_0 = arith.muli %arg1, %mul3A : i32
    %add3A = arith.addi %mul3A_0, %arg0 : i32
    %mul3A_1 = arith.constant 640 : i32
    %mul3A_2 = arith.muli %arg1, %mul3A_1 : i32
    %add3A_3 = arith.constant 0 : i32
    %add3A_4 = arith.addi %mul3A_2, %add3A_3 : i32
    %dma_start3A = arith.constant 0 : i32
    %dma_start3A_5 = tpu.memref_slice %arg13[%add3A_4, %dma_start3A] : memref<10240x128xf32, #tpu.memory_space<vmem_shared>> -> memref<128x128xf32, #tpu.memory_space<vmem_shared>>
    tpu.enqueue_dma source(%arg5 : memref<128x128xf32, #tpu.memory_space<hbm>>) target(%dma_start3A_5 : memref<128x128xf32, #tpu.memory_space<vmem_shared>>) target_semaphore(%arg16 : memref<!tpu.dma_semaphore, #tpu.memory_space<semaphore_mem>>)
    %mul3A_6 = arith.constant 640 : i32
    %mul3A_7 = arith.muli %arg1, %mul3A_6 : i32
    %add3A_8 = arith.constant 128 : i32
    %add3A_9 = arith.addi %mul3A_7, %add3A_8 : i32
    %dma_start3A_10 = arith.constant 0 : i32
    %dma_start3A_11 = tpu.memref_slice %arg13[%add3A_9, %dma_start3A_10] : memref<10240x128xf32, #tpu.memory_space<vmem_shared>> -> memref<128x128xf32, #tpu.memory_space<vmem_shared>>
    tpu.enqueue_dma source(%arg5 : memref<128x128xf32, #tpu.memory_space<hbm>>) target(%dma_start3A_11 : memref<128x128xf32, #tpu.memory_space<vmem_shared>>) target_semaphore(%arg16 : memref<!tpu.dma_semaphore, #tpu.memory_space<semaphore_mem>>)
    %mul3A_12 = arith.constant 640 : i32
    %mul3A_13 = arith.muli %arg1, %mul3A_12 : i32
    %add3A_14 = arith.constant 256 : i32
    %add3A_15 = arith.addi %mul3A_13, %add3A_14 : i32
    %dma_start3A_16 = arith.constant 0 : i32
    %dma_start3A_17 = tpu.memref_slice %arg13[%add3A_15, %dma_start3A_16] : memref<10240x128xf32, #tpu.memory_space<vmem_shared>> -> memref<128x128xf32, #tpu.memory_space<vmem_shared>>
    tpu.enqueue_dma source(%arg5 : memref<128x128xf32, #tpu.memory_space<hbm>>) target(%dma_start3A_17 : memref<128x128xf32, #tpu.memory_space<vmem_shared>>) target_semaphore(%arg16 : memref<!tpu.dma_semaphore, #tpu.memory_space<semaphore_mem>>)
    %mul3A_18 = arith.constant 640 : i32
    %mul3A_19 = arith.muli %arg1, %mul3A_18 : i32
    %add3A_20 = arith.constant 384 : i32
    %add3A_21 = arith.addi %mul3A_19, %add3A_20 : i32
    %dma_start3A_22 = arith.constant 0 : i32
    %dma_start3A_23 = tpu.memref_slice %arg13[%add3A_21, %dma_start3A_22] : memref<10240x128xf32, #tpu.memory_space<vmem_shared>> -> memref<128x128xf32, #tpu.memory_space<vmem_shared>>
    tpu.enqueue_dma source(%arg5 : memref<128x128xf32, #tpu.memory_space<hbm>>) target(%dma_start3A_23 : memref<128x128xf32, #tpu.memory_space<vmem_shared>>) target_semaphore(%arg16 : memref<!tpu.dma_semaphore, #tpu.memory_space<semaphore_mem>>)
    %mul3A_24 = arith.constant 640 : i32
    %mul3A_25 = arith.muli %arg1, %mul3A_24 : i32
    %add3A_26 = arith.constant 512 : i32
    %add3A_27 = arith.addi %mul3A_25, %add3A_26 : i32
    %dma_start3A_28 = arith.constant 0 : i32
    %dma_start3A_29 = tpu.memref_slice %arg13[%add3A_27, %dma_start3A_28] : memref<10240x128xf32, #tpu.memory_space<vmem_shared>> -> memref<128x128xf32, #tpu.memory_space<vmem_shared>>
    tpu.enqueue_dma source(%arg5 : memref<128x128xf32, #tpu.memory_space<hbm>>) target(%dma_start3A_29 : memref<128x128xf32, #tpu.memory_space<vmem_shared>>) target_semaphore(%arg16 : memref<!tpu.dma_semaphore, #tpu.memory_space<semaphore_mem>>)
    %mul3A_30 = arith.constant 640 : i32
    %mul3A_31 = arith.muli %arg1, %mul3A_30 : i32
    %add3A_32 = arith.constant 0 : i32
    %add3A_33 = arith.addi %mul3A_31, %add3A_32 : i32
    %dma_wait3A = arith.constant 0 : i32
    %dma_wait3A_34 = tpu.memref_slice %arg13[%add3A_33, %dma_wait3A] : memref<10240x128xf32, #tpu.memory_space<vmem_shared>> -> memref<128x128xf32, #tpu.memory_space<vmem_shared>>
    tpu.wait_dma2 semaphore(%arg16 : memref<!tpu.dma_semaphore, #tpu.memory_space<semaphore_mem>>) src(%arg5 : memref<128x128xf32, #tpu.memory_space<hbm>>) dst(%dma_wait3A_34 : memref<128x128xf32, #tpu.memory_space<vmem_shared>>)
    %mul3A_35 = arith.constant 640 : i32
    %mul3A_36 = arith.muli %arg1, %mul3A_35 : i32
    %add3A_37 = arith.constant 128 : i32
    %add3A_38 = arith.addi %mul3A_36, %add3A_37 : i32
    %dma_wait3A_39 = arith.constant 0 : i32
    %dma_wait3A_40 = tpu.memref_slice %arg13[%add3A_38, %dma_wait3A_39] : memref<10240x128xf32, #tpu.memory_space<vmem_shared>> -> memref<128x128xf32, #tpu.memory_space<vmem_shared>>
    tpu.wait_dma2 semaphore(%arg16 : memref<!tpu.dma_semaphore, #tpu.memory_space<semaphore_mem>>) src(%arg5 : memref<128x128xf32, #tpu.memory_space<hbm>>) dst(%dma_wait3A_40 : memref<128x128xf32, #tpu.memory_space<vmem_shared>>)
    %mul3A_41 = arith.constant 640 : i32
    %mul3A_42 = arith.muli %arg1, %mul3A_41 : i32
    %add3A_43 = arith.constant 256 : i32
    %add3A_44 = arith.addi %mul3A_42, %add3A_43 : i32
    %dma_wait3A_45 = arith.constant 0 : i32
    %dma_wait3A_46 = tpu.memref_slice %arg13[%add3A_44, %dma_wait3A_45] : memref<10240x128xf32, #tpu.memory_space<vmem_shared>> -> memref<128x128xf32, #tpu.memory_space<vmem_shared>>
    tpu.wait_dma2 semaphore(%arg16 : memref<!tpu.dma_semaphore, #tpu.memory_space<semaphore_mem>>) src(%arg5 : memref<128x128xf32, #tpu.memory_space<hbm>>) dst(%dma_wait3A_46 : memref<128x128xf32, #tpu.memory_space<vmem_shared>>)
    %mul3A_47 = arith.constant 640 : i32
    %mul3A_48 = arith.muli %arg1, %mul3A_47 : i32
    %add3A_49 = arith.constant 384 : i32
    %add3A_50 = arith.addi %mul3A_48, %add3A_49 : i32
    %dma_wait3A_51 = arith.constant 0 : i32
    %dma_wait3A_52 = tpu.memref_slice %arg13[%add3A_50, %dma_wait3A_51] : memref<10240x128xf32, #tpu.memory_space<vmem_shared>> -> memref<128x128xf32, #tpu.memory_space<vmem_shared>>
    tpu.wait_dma2 semaphore(%arg16 : memref<!tpu.dma_semaphore, #tpu.memory_space<semaphore_mem>>) src(%arg5 : memref<128x128xf32, #tpu.memory_space<hbm>>) dst(%dma_wait3A_52 : memref<128x128xf32, #tpu.memory_space<vmem_shared>>)
    %mul3A_53 = arith.constant 640 : i32
    %mul3A_54 = arith.muli %arg1, %mul3A_53 : i32
    %add3A_55 = arith.constant 512 : i32
    %add3A_56 = arith.addi %mul3A_54, %add3A_55 : i32
    %dma_wait3A_57 = arith.constant 0 : i32
    %dma_wait3A_58 = tpu.memref_slice %arg13[%add3A_56, %dma_wait3A_57] : memref<10240x128xf32, #tpu.memory_space<vmem_shared>> -> memref<128x128xf32, #tpu.memory_space<vmem_shared>>
    tpu.wait_dma2 semaphore(%arg16 : memref<!tpu.dma_semaphore, #tpu.memory_space<semaphore_mem>>) src(%arg5 : memref<128x128xf32, #tpu.memory_space<hbm>>) dst(%dma_wait3A_58 : memref<128x128xf32, #tpu.memory_space<vmem_shared>>)
    %barrier3A = arith.constant 0 : index
    tpu.barrier barrier_id(%barrier3A)
    "tpu.region"() ({
      %run_scoped3A = tpu.sem_alloc : memref<!tpu.dma_semaphore, #tpu.memory_space<semaphore_mem>>
      %dma_start3A_83 = arith.constant 0 : i32
      %dma_start3A_84 = arith.constant 0 : i32
      %dma_start3A_85 = tpu.memref_slice %arg3[%add3A, %dma_start3A_83, %dma_start3A_84] : memref<32x80x128xi32, #tpu.memory_space<hbm>> -> memref<1x80x128xi32, #tpu.memory_space<hbm>>
      %dma_start3A_86 = tpu.memref_squeeze %dma_start3A_85 : memref<1x80x128xi32, #tpu.memory_space<hbm>> -> memref<80x128xi32, #tpu.memory_space<hbm>>
      %dma_start3A_87 = arith.constant 0 : i32
      %dma_start3A_88 = arith.constant 0 : i32
      %dma_start3A_89 = tpu.memref_slice %dma_start3A_86[%dma_start3A_87, %dma_start3A_88] : memref<80x128xi32, #tpu.memory_space<hbm>> -> memref<8x128xi32, #tpu.memory_space<hbm>>
      %dma_start3A_90 = arith.constant 0 : i32
      %dma_start3A_91 = arith.constant 0 : i32
      %dma_start3A_92 = tpu.memref_slice %arg3[%add3A, %dma_start3A_90, %dma_start3A_91] : memref<32x80x128xi32, #tpu.memory_space<hbm>> -> memref<1x80x128xi32, #tpu.memory_space<hbm>>
      %dma_start3A_93 = tpu.memref_squeeze %dma_start3A_92 : memref<1x80x128xi32, #tpu.memory_space<hbm>> -> memref<80x128xi32, #tpu.memory_space<hbm>>
      %dma_start3A_94 = arith.constant 0 : i32
      %dma_start3A_95 = arith.constant 0 : i32
      %dma_start3A_96 = tpu.memref_slice %dma_start3A_93[%dma_start3A_94, %dma_start3A_95] : memref<80x128xi32, #tpu.memory_space<hbm>> -> memref<8x128xi32, #tpu.memory_space<hbm>>
      tpu.enqueue_dma source(%dma_start3A_96 : memref<8x128xi32, #tpu.memory_space<hbm>>) target(%arg7 : memref<8x128xi32, #tpu.memory_space<vmem>>) target_semaphore(%run_scoped3A : memref<!tpu.dma_semaphore, #tpu.memory_space<semaphore_mem>>)
      %dma_wait3A_97 = arith.constant 0 : i32
      %dma_wait3A_98 = arith.constant 0 : i32
      %dma_wait3A_99 = tpu.memref_slice %arg3[%add3A, %dma_wait3A_97, %dma_wait3A_98] : memref<32x80x128xi32, #tpu.memory_space<hbm>> -> memref<1x80x128xi32, #tpu.memory_space<hbm>>
      %dma_wait3A_100 = tpu.memref_squeeze %dma_wait3A_99 : memref<1x80x128xi32, #tpu.memory_space<hbm>> -> memref<80x128xi32, #tpu.memory_space<hbm>>
      %dma_wait3A_101 = arith.constant 0 : i32
      %dma_wait3A_102 = arith.constant 0 : i32
      %dma_wait3A_103 = tpu.memref_slice %dma_wait3A_100[%dma_wait3A_101, %dma_wait3A_102] : memref<80x128xi32, #tpu.memory_space<hbm>> -> memref<8x128xi32, #tpu.memory_space<hbm>>
      %dma_wait3A_104 = arith.constant 0 : i32
      %dma_wait3A_105 = arith.constant 0 : i32
      %dma_wait3A_106 = tpu.memref_slice %arg3[%add3A, %dma_wait3A_104, %dma_wait3A_105] : memref<32x80x128xi32, #tpu.memory_space<hbm>> -> memref<1x80x128xi32, #tpu.memory_space<hbm>>
      %dma_wait3A_107 = tpu.memref_squeeze %dma_wait3A_106 : memref<1x80x128xi32, #tpu.memory_space<hbm>> -> memref<80x128xi32, #tpu.memory_space<hbm>>
      %dma_wait3A_108 = arith.constant 0 : i32
      %dma_wait3A_109 = arith.constant 0 : i32
      %dma_wait3A_110 = tpu.memref_slice %dma_wait3A_107[%dma_wait3A_108, %dma_wait3A_109] : memref<80x128xi32, #tpu.memory_space<hbm>> -> memref<8x128xi32, #tpu.memory_space<hbm>>
      tpu.wait_dma2 semaphore(%run_scoped3A : memref<!tpu.dma_semaphore, #tpu.memory_space<semaphore_mem>>) src(%dma_wait3A_110 : memref<8x128xi32, #tpu.memory_space<hbm>>) dst(%arg7 : memref<8x128xi32, #tpu.memory_space<vmem>>)
      tpu.yield
    }) : () -> ()
    "tpu.region"() ({
      %run_scoped3A = tpu.sem_alloc : memref<!tpu.dma_semaphore, #tpu.memory_space<semaphore_mem>>
      %dma_start3A_83 = arith.constant 0 : i32
      %dma_start3A_84 = arith.constant 0 : i32
      %dma_start3A_85 = tpu.memref_slice %arg4[%add3A, %dma_start3A_83, %dma_start3A_84] : memref<32x80x128xi32, #tpu.memory_space<hbm>> -> memref<1x80x128xi32, #tpu.memory_space<hbm>>
      %dma_start3A_86 = tpu.memref_squeeze %dma_start3A_85 : memref<1x80x128xi32, #tpu.memory_space<hbm>> -> memref<80x128xi32, #tpu.memory_space<hbm>>
      %dma_start3A_87 = arith.constant 0 : i32
      %dma_start3A_88 = arith.constant 0 : i32
      %dma_start3A_89 = tpu.memref_slice %dma_start3A_86[%dma_start3A_87, %dma_start3A_88] : memref<80x128xi32, #tpu.memory_space<hbm>> -> memref<8x128xi32, #tpu.memory_space<hbm>>
      %dma_start3A_90 = arith.constant 0 : i32
      %dma_start3A_91 = arith.constant 0 : i32
      %dma_start3A_92 = tpu.memref_slice %arg4[%add3A, %dma_start3A_90, %dma_start3A_91] : memref<32x80x128xi32, #tpu.memory_space<hbm>> -> memref<1x80x128xi32, #tpu.memory_space<hbm>>
      %dma_start3A_93 = tpu.memref_squeeze %dma_start3A_92 : memref<1x80x128xi32, #tpu.memory_space<hbm>> -> memref<80x128xi32, #tpu.memory_space<hbm>>
      %dma_start3A_94 = arith.constant 0 : i32
      %dma_start3A_95 = arith.constant 0 : i32
      %dma_start3A_96 = tpu.memref_slice %dma_start3A_93[%dma_start3A_94, %dma_start3A_95] : memref<80x128xi32, #tpu.memory_space<hbm>> -> memref<8x128xi32, #tpu.memory_space<hbm>>
      tpu.enqueue_dma source(%dma_start3A_96 : memref<8x128xi32, #tpu.memory_space<hbm>>) target(%arg8 : memref<8x128xi32, #tpu.memory_space<vmem>>) target_semaphore(%run_scoped3A : memref<!tpu.dma_semaphore, #tpu.memory_space<semaphore_mem>>)
      %dma_wait3A_97 = arith.constant 0 : i32
      %dma_wait3A_98 = arith.constant 0 : i32
      %dma_wait3A_99 = tpu.memref_slice %arg4[%add3A, %dma_wait3A_97, %dma_wait3A_98] : memref<32x80x128xi32, #tpu.memory_space<hbm>> -> memref<1x80x128xi32, #tpu.memory_space<hbm>>
      %dma_wait3A_100 = tpu.memref_squeeze %dma_wait3A_99 : memref<1x80x128xi32, #tpu.memory_space<hbm>> -> memref<80x128xi32, #tpu.memory_space<hbm>>
      %dma_wait3A_101 = arith.constant 0 : i32
      %dma_wait3A_102 = arith.constant 0 : i32
      %dma_wait3A_103 = tpu.memref_slice %dma_wait3A_100[%dma_wait3A_101, %dma_wait3A_102] : memref<80x128xi32, #tpu.memory_space<hbm>> -> memref<8x128xi32, #tpu.memory_space<hbm>>
      %dma_wait3A_104 = arith.constant 0 : i32
      %dma_wait3A_105 = arith.constant 0 : i32
      %dma_wait3A_106 = tpu.memref_slice %arg4[%add3A, %dma_wait3A_104, %dma_wait3A_105] : memref<32x80x128xi32, #tpu.memory_space<hbm>> -> memref<1x80x128xi32, #tpu.memory_space<hbm>>
      %dma_wait3A_107 = tpu.memref_squeeze %dma_wait3A_106 : memref<1x80x128xi32, #tpu.memory_space<hbm>> -> memref<80x128xi32, #tpu.memory_space<hbm>>
      %dma_wait3A_108 = arith.constant 0 : i32
      %dma_wait3A_109 = arith.constant 0 : i32
      %dma_wait3A_110 = tpu.memref_slice %dma_wait3A_107[%dma_wait3A_108, %dma_wait3A_109] : memref<80x128xi32, #tpu.memory_space<hbm>> -> memref<8x128xi32, #tpu.memory_space<hbm>>
      tpu.wait_dma2 semaphore(%run_scoped3A : memref<!tpu.dma_semaphore, #tpu.memory_space<semaphore_mem>>) src(%dma_wait3A_110 : memref<8x128xi32, #tpu.memory_space<hbm>>) dst(%arg8 : memref<8x128xi32, #tpu.memory_space<vmem>>)
      tpu.yield
    }) : () -> ()
    %dma_start3A_59 = arith.constant 0 : i32
    %dma_start3A_60 = arith.constant 0 : i32
    %dma_start3A_61 = tpu.memref_slice %arg7[%dma_start3A_59, %dma_start3A_60] : memref<8x128xi32, #tpu.memory_space<vmem>> -> memref<1x128xi32, #tpu.memory_space<vmem>>
    %dma_start3A_62 = tpu.memref_squeeze %dma_start3A_61 : memref<1x128xi32, #tpu.memory_space<vmem>> -> memref<128xi32, #tpu.memory_space<vmem>>
    %dma_start3A_63 = arith.constant 0 : i32
    %dma_start3A_64 = arith.constant 0 : i32
    %dma_start3A_65 = tpu.memref_slice %arg2[%dma_start3A_63, %dma_start3A_64] : memref<10000x128xf32, #tpu.memory_space<hbm>> -> memref<10000x128xf32, #tpu.memory_space<hbm>>
    tpu.enqueue_indirect_dma source(%dma_start3A_65 : memref<10000x128xf32, #tpu.memory_space<hbm>>) target(%arg11 : memref<128x128xf32, #tpu.memory_space<vmem>>) offsets(%dma_start3A_62 : memref<128xi32, #tpu.memory_space<vmem>>) semaphore(%arg14 : memref<!tpu.dma_semaphore, #tpu.memory_space<semaphore_mem>>)
    %dma_start3A_66 = arith.constant 1 : i32
    %dma_start3A_67 = arith.constant 0 : i32
    %dma_start3A_68 = tpu.memref_slice %arg7[%dma_start3A_66, %dma_start3A_67] : memref<8x128xi32, #tpu.memory_space<vmem>> -> memref<1x128xi32, #tpu.memory_space<vmem>>
    %dma_start3A_69 = tpu.memref_squeeze %dma_start3A_68 : memref<1x128xi32, #tpu.memory_space<vmem>> -> memref<128xi32, #tpu.memory_space<vmem>>
    %dma_start3A_70 = arith.constant 0 : i32
    %dma_start3A_71 = arith.constant 0 : i32
    %dma_start3A_72 = tpu.memref_slice %arg2[%dma_start3A_70, %dma_start3A_71] : memref<10000x128xf32, #tpu.memory_space<hbm>> -> memref<10000x128xf32, #tpu.memory_space<hbm>>
    tpu.enqueue_indirect_dma source(%dma_start3A_72 : memref<10000x128xf32, #tpu.memory_space<hbm>>) target(%arg12 : memref<128x128xf32, #tpu.memory_space<vmem>>) offsets(%dma_start3A_69 : memref<128xi32, #tpu.memory_space<vmem>>) semaphore(%arg15 : memref<!tpu.dma_semaphore, #tpu.memory_space<semaphore_mem>>)
    %scan3A = arith.constant 0 : i32
    %scan3A_73 = arith.constant 0 : i32
    %scan3A_74 = arith.constant 5 : i32
    %scan3A_75 = arith.addi %scan3A_73, %scan3A_74 : i32
    %scan3A_76 = arith.constant 1 : i32
    scf.for %scan3A_83 = %scan3A_73 to %scan3A_75 step %scan3A_76  : i32 {
      %mul3A_84 = arith.constant 2 : i32
      %mul3A_85 = arith.muli %scan3A_83, %mul3A_84 : i32
      %add3A_86 = arith.constant 1 : i32
      %add3A_87 = arith.addi %mul3A_85, %add3A_86 : i32
      %lt3A = arith.constant 10 : i32
      %lt3A_88 = arith.cmpi slt, %add3A_87, %lt3A : i32
      %convert_element_type3A = arith.extui %lt3A_88 : i1 to i32
      %cond3A = arith.constant 0 : i32
      %cond3A_89 = arith.cmpi ne, %convert_element_type3A, %cond3A : i32
      scf.if %cond3A_89 {
        %add3A_340 = arith.constant 1 : i32
        %add3A_341 = arith.addi %mul3A_85, %add3A_340 : i32
        %mul3A_342 = arith.constant 8 : i32
        %mul3A_343 = arith.muli %add3A_341, %mul3A_342 : i32
        %dma_start3A_344 = arith.constant 0 : i32
        %dma_start3A_345 = arith.constant 0 : i32
        %dma_start3A_346 = tpu.memref_slice %arg3[%add3A, %dma_start3A_344, %dma_start3A_345] : memref<32x80x128xi32, #tpu.memory_space<hbm>> -> memref<1x80x128xi32, #tpu.memory_space<hbm>>
        %dma_start3A_347 = tpu.memref_squeeze %dma_start3A_346 : memref<1x80x128xi32, #tpu.memory_space<hbm>> -> memref<80x128xi32, #tpu.memory_space<hbm>>
        %dma_start3A_348 = arith.constant 0 : i32
        %dma_start3A_349 = tpu.memref_slice %dma_start3A_347[%mul3A_343, %dma_start3A_348] : memref<80x128xi32, #tpu.memory_space<hbm>> -> memref<8x128xi32, #tpu.memory_space<hbm>>
        %dma_start3A_350 = arith.constant 0 : i32
        %dma_start3A_351 = arith.constant 0 : i32
        %dma_start3A_352 = tpu.memref_slice %arg3[%add3A, %dma_start3A_350, %dma_start3A_351] : memref<32x80x128xi32, #tpu.memory_space<hbm>> -> memref<1x80x128xi32, #tpu.memory_space<hbm>>
        %dma_start3A_353 = tpu.memref_squeeze %dma_start3A_352 : memref<1x80x128xi32, #tpu.memory_space<hbm>> -> memref<80x128xi32, #tpu.memory_space<hbm>>
        %dma_start3A_354 = arith.constant 0 : i32
        %dma_start3A_355 = tpu.memref_slice %dma_start3A_353[%mul3A_343, %dma_start3A_354] : memref<80x128xi32, #tpu.memory_space<hbm>> -> memref<8x128xi32, #tpu.memory_space<hbm>>
        tpu.enqueue_dma source(%dma_start3A_355 : memref<8x128xi32, #tpu.memory_space<hbm>>) target(%arg9 : memref<8x128xi32, #tpu.memory_space<vmem>>) target_semaphore(%arg17 : memref<!tpu.dma_semaphore, #tpu.memory_space<semaphore_mem>>)
        %mul3A_356 = arith.constant 8 : i32
        %mul3A_357 = arith.muli %add3A_341, %mul3A_356 : i32
        %dma_start3A_358 = arith.constant 0 : i32
        %dma_start3A_359 = arith.constant 0 : i32
        %dma_start3A_360 = tpu.memref_slice %arg4[%add3A, %dma_start3A_358, %dma_start3A_359] : memref<32x80x128xi32, #tpu.memory_space<hbm>> -> memref<1x80x128xi32, #tpu.memory_space<hbm>>
        %dma_start3A_361 = tpu.memref_squeeze %dma_start3A_360 : memref<1x80x128xi32, #tpu.memory_space<hbm>> -> memref<80x128xi32, #tpu.memory_space<hbm>>
        %dma_start3A_362 = arith.constant 0 : i32
        %dma_start3A_363 = tpu.memref_slice %dma_start3A_361[%mul3A_357, %dma_start3A_362] : memref<80x128xi32, #tpu.memory_space<hbm>> -> memref<8x128xi32, #tpu.memory_space<hbm>>
        %dma_start3A_364 = arith.constant 0 : i32
        %dma_start3A_365 = arith.constant 0 : i32
        %dma_start3A_366 = tpu.memref_slice %arg4[%add3A, %dma_start3A_364, %dma_start3A_365] : memref<32x80x128xi32, #tpu.memory_space<hbm>> -> memref<1x80x128xi32, #tpu.memory_space<hbm>>
        %dma_start3A_367 = tpu.memref_squeeze %dma_start3A_366 : memref<1x80x128xi32, #tpu.memory_space<hbm>> -> memref<80x128xi32, #tpu.memory_space<hbm>>
        %dma_start3A_368 = arith.constant 0 : i32
        %dma_start3A_369 = tpu.memref_slice %dma_start3A_367[%mul3A_357, %dma_start3A_368] : memref<80x128xi32, #tpu.memory_space<hbm>> -> memref<8x128xi32, #tpu.memory_space<hbm>>
        tpu.enqueue_dma source(%dma_start3A_369 : memref<8x128xi32, #tpu.memory_space<hbm>>) target(%arg10 : memref<8x128xi32, #tpu.memory_space<vmem>>) target_semaphore(%arg17 : memref<!tpu.dma_semaphore, #tpu.memory_space<semaphore_mem>>)
      } else {
      }
      %dma_wait3A_90 = arith.constant 0 : i32
      %dma_wait3A_91 = arith.constant 0 : i32
      %dma_wait3A_92 = tpu.memref_slice %arg7[%dma_wait3A_90, %dma_wait3A_91] : memref<8x128xi32, #tpu.memory_space<vmem>> -> memref<1x128xi32, #tpu.memory_space<vmem>>
      %dma_wait3A_93 = tpu.memref_squeeze %dma_wait3A_92 : memref<1x128xi32, #tpu.memory_space<vmem>> -> memref<128xi32, #tpu.memory_space<vmem>>
      %dma_wait3A_94 = arith.constant 0 : i32
      %dma_wait3A_95 = arith.constant 0 : i32
      %dma_wait3A_96 = tpu.memref_slice %arg2[%dma_wait3A_94, %dma_wait3A_95] : memref<10000x128xf32, #tpu.memory_space<hbm>> -> memref<10000x128xf32, #tpu.memory_space<hbm>>
      tpu.wait_indirect_dma semaphore(%arg14 : memref<!tpu.dma_semaphore, #tpu.memory_space<semaphore_mem>>) src(%dma_wait3A_96 : memref<10000x128xf32, #tpu.memory_space<hbm>>) dst(%arg11 : memref<128x128xf32, #tpu.memory_space<vmem>>)
      %run_scoped3A = arith.constant 0 : i32
      "tpu.region"() ({
        %run_scoped3A_340 = tpu.sem_alloc : memref<!tpu.dma_semaphore, #tpu.memory_space<semaphore_mem>>
        %dma_start3A_341 = arith.constant 0 : i32
        %dma_start3A_342 = tpu.memref_slice %arg8[%run_scoped3A, %dma_start3A_341] : memref<8x128xi32, #tpu.memory_space<vmem>> -> memref<1x128xi32, #tpu.memory_space<vmem>>
        %dma_start3A_343 = tpu.memref_squeeze %dma_start3A_342 : memref<1x128xi32, #tpu.memory_space<vmem>> -> memref<128xi32, #tpu.memory_space<vmem>>
        %dma_start3A_344 = arith.constant 0 : i32
        %dma_start3A_345 = arith.constant 0 : i32
        %dma_start3A_346 = tpu.memref_slice %arg13[%dma_start3A_344, %dma_start3A_345] : memref<10240x128xf32, #tpu.memory_space<vmem_shared>> -> memref<10240x128xf32, #tpu.memory_space<vmem_shared>>
        tpu.enqueue_indirect_dma source(%arg11 : memref<128x128xf32, #tpu.memory_space<vmem>>) target(%dma_start3A_346 : memref<10240x128xf32, #tpu.memory_space<vmem_shared>>) offsets(%dma_start3A_343 : memref<128xi32, #tpu.memory_space<vmem>>) semaphore(%run_scoped3A_340 : memref<!tpu.dma_semaphore, #tpu.memory_space<semaphore_mem>>) {add = true}
        %dma_wait3A_347 = arith.constant 0 : i32
        %dma_wait3A_348 = tpu.memref_slice %arg8[%run_scoped3A, %dma_wait3A_347] : memref<8x128xi32, #tpu.memory_space<vmem>> -> memref<1x128xi32, #tpu.memory_space<vmem>>
        %dma_wait3A_349 = tpu.memref_squeeze %dma_wait3A_348 : memref<1x128xi32, #tpu.memory_space<vmem>> -> memref<128xi32, #tpu.memory_space<vmem>>
        %dma_wait3A_350 = arith.constant 0 : i32
        %dma_wait3A_351 = arith.constant 0 : i32
        %dma_wait3A_352 = tpu.memref_slice %arg13[%dma_wait3A_350, %dma_wait3A_351] : memref<10240x128xf32, #tpu.memory_space<vmem_shared>> -> memref<10240x128xf32, #tpu.memory_space<vmem_shared>>
        tpu.wait_indirect_dma semaphore(%run_scoped3A_340 : memref<!tpu.dma_semaphore, #tpu.memory_space<semaphore_mem>>) src(%arg11 : memref<128x128xf32, #tpu.memory_space<vmem>>) dst(%dma_wait3A_352 : memref<10240x128xf32, #tpu.memory_space<vmem_shared>>)
        tpu.yield
      }) : () -> ()
      %dma_start3A_97 = arith.constant 2 : i32
      %dma_start3A_98 = arith.constant 0 : i32
      %dma_start3A_99 = tpu.memref_slice %arg7[%dma_start3A_97, %dma_start3A_98] : memref<8x128xi32, #tpu.memory_space<vmem>> -> memref<1x128xi32, #tpu.memory_space<vmem>>
      %dma_start3A_100 = tpu.memref_squeeze %dma_start3A_99 : memref<1x128xi32, #tpu.memory_space<vmem>> -> memref<128xi32, #tpu.memory_space<vmem>>
      %dma_start3A_101 = arith.constant 0 : i32
      %dma_start3A_102 = arith.constant 0 : i32
      %dma_start3A_103 = tpu.memref_slice %arg2[%dma_start3A_101, %dma_start3A_102] : memref<10000x128xf32, #tpu.memory_space<hbm>> -> memref<10000x128xf32, #tpu.memory_space<hbm>>
      tpu.enqueue_indirect_dma source(%dma_start3A_103 : memref<10000x128xf32, #tpu.memory_space<hbm>>) target(%arg11 : memref<128x128xf32, #tpu.memory_space<vmem>>) offsets(%dma_start3A_100 : memref<128xi32, #tpu.memory_space<vmem>>) semaphore(%arg14 : memref<!tpu.dma_semaphore, #tpu.memory_space<semaphore_mem>>)
      %dma_wait3A_104 = arith.constant 1 : i32
      %dma_wait3A_105 = arith.constant 0 : i32
      %dma_wait3A_106 = tpu.memref_slice %arg7[%dma_wait3A_104, %dma_wait3A_105] : memref<8x128xi32, #tpu.memory_space<vmem>> -> memref<1x128xi32, #tpu.memory_space<vmem>>
      %dma_wait3A_107 = tpu.memref_squeeze %dma_wait3A_106 : memref<1x128xi32, #tpu.memory_space<vmem>> -> memref<128xi32, #tpu.memory_space<vmem>>
      %dma_wait3A_108 = arith.constant 0 : i32
      %dma_wait3A_109 = arith.constant 0 : i32
      %dma_wait3A_110 = tpu.memref_slice %arg2[%dma_wait3A_108, %dma_wait3A_109] : memref<10000x128xf32, #tpu.memory_space<hbm>> -> memref<10000x128xf32, #tpu.memory_space<hbm>>
      tpu.wait_indirect_dma semaphore(%arg15 : memref<!tpu.dma_semaphore, #tpu.memory_space<semaphore_mem>>) src(%dma_wait3A_110 : memref<10000x128xf32, #tpu.memory_space<hbm>>) dst(%arg12 : memref<128x128xf32, #tpu.memory_space<vmem>>)
      %run_scoped3A_111 = arith.constant 1 : i32
      "tpu.region"() ({
        %run_scoped3A_340 = tpu.sem_alloc : memref<!tpu.dma_semaphore, #tpu.memory_space<semaphore_mem>>
        %dma_start3A_341 = arith.constant 0 : i32
        %dma_start3A_342 = tpu.memref_slice %arg8[%run_scoped3A_111, %dma_start3A_341] : memref<8x128xi32, #tpu.memory_space<vmem>> -> memref<1x128xi32, #tpu.memory_space<vmem>>
        %dma_start3A_343 = tpu.memref_squeeze %dma_start3A_342 : memref<1x128xi32, #tpu.memory_space<vmem>> -> memref<128xi32, #tpu.memory_space<vmem>>
        %dma_start3A_344 = arith.constant 0 : i32
        %dma_start3A_345 = arith.constant 0 : i32
        %dma_start3A_346 = tpu.memref_slice %arg13[%dma_start3A_344, %dma_start3A_345] : memref<10240x128xf32, #tpu.memory_space<vmem_shared>> -> memref<10240x128xf32, #tpu.memory_space<vmem_shared>>
        tpu.enqueue_indirect_dma source(%arg12 : memref<128x128xf32, #tpu.memory_space<vmem>>) target(%dma_start3A_346 : memref<10240x128xf32, #tpu.memory_space<vmem_shared>>) offsets(%dma_start3A_343 : memref<128xi32, #tpu.memory_space<vmem>>) semaphore(%run_scoped3A_340 : memref<!tpu.dma_semaphore, #tpu.memory_space<semaphore_mem>>) {add = true}
        %dma_wait3A_347 = arith.constant 0 : i32
        %dma_wait3A_348 = tpu.memref_slice %arg8[%run_scoped3A_111, %dma_wait3A_347] : memref<8x128xi32, #tpu.memory_space<vmem>> -> memref<1x128xi32, #tpu.memory_space<vmem>>
        %dma_wait3A_349 = tpu.memref_squeeze %dma_wait3A_348 : memref<1x128xi32, #tpu.memory_space<vmem>> -> memref<128xi32, #tpu.memory_space<vmem>>
        %dma_wait3A_350 = arith.constant 0 : i32
        %dma_wait3A_351 = arith.constant 0 : i32
        %dma_wait3A_352 = tpu.memref_slice %arg13[%dma_wait3A_350, %dma_wait3A_351] : memref<10240x128xf32, #tpu.memory_space<vmem_shared>> -> memref<10240x128xf32, #tpu.memory_space<vmem_shared>>
        tpu.wait_indirect_dma semaphore(%run_scoped3A_340 : memref<!tpu.dma_semaphore, #tpu.memory_space<semaphore_mem>>) src(%arg12 : memref<128x128xf32, #tpu.memory_space<vmem>>) dst(%dma_wait3A_352 : memref<10240x128xf32, #tpu.memory_space<vmem_shared>>)
        tpu.yield
      }) : () -> ()
      %dma_start3A_112 = arith.constant 3 : i32
      %dma_start3A_113 = arith.constant 0 : i32
      %dma_start3A_114 = tpu.memref_slice %arg7[%dma_start3A_112, %dma_start3A_113] : memref<8x128xi32, #tpu.memory_space<vmem>> -> memref<1x128xi32, #tpu.memory_space<vmem>>
      %dma_start3A_115 = tpu.memref_squeeze %dma_start3A_114 : memref<1x128xi32, #tpu.memory_space<vmem>> -> memref<128xi32, #tpu.memory_space<vmem>>
      %dma_start3A_116 = arith.constant 0 : i32
      %dma_start3A_117 = arith.constant 0 : i32
      %dma_start3A_118 = tpu.memref_slice %arg2[%dma_start3A_116, %dma_start3A_117] : memref<10000x128xf32, #tpu.memory_space<hbm>> -> memref<10000x128xf32, #tpu.memory_space<hbm>>
      tpu.enqueue_indirect_dma source(%dma_start3A_118 : memref<10000x128xf32, #tpu.memory_space<hbm>>) target(%arg12 : memref<128x128xf32, #tpu.memory_space<vmem>>) offsets(%dma_start3A_115 : memref<128xi32, #tpu.memory_space<vmem>>) semaphore(%arg15 : memref<!tpu.dma_semaphore, #tpu.memory_space<semaphore_mem>>)
      %dma_wait3A_119 = arith.constant 2 : i32
      %dma_wait3A_120 = arith.constant 0 : i32
      %dma_wait3A_121 = tpu.memref_slice %arg7[%dma_wait3A_119, %dma_wait3A_120] : memref<8x128xi32, #tpu.memory_space<vmem>> -> memref<1x128xi32, #tpu.memory_space<vmem>>
      %dma_wait3A_122 = tpu.memref_squeeze %dma_wait3A_121 : memref<1x128xi32, #tpu.memory_space<vmem>> -> memref<128xi32, #tpu.memory_space<vmem>>
      %dma_wait3A_123 = arith.constant 0 : i32
      %dma_wait3A_124 = arith.constant 0 : i32
      %dma_wait3A_125 = tpu.memref_slice %arg2[%dma_wait3A_123, %dma_wait3A_124] : memref<10000x128xf32, #tpu.memory_space<hbm>> -> memref<10000x128xf32, #tpu.memory_space<hbm>>
      tpu.wait_indirect_dma semaphore(%arg14 : memref<!tpu.dma_semaphore, #tpu.memory_space<semaphore_mem>>) src(%dma_wait3A_125 : memref<10000x128xf32, #tpu.memory_space<hbm>>) dst(%arg11 : memref<128x128xf32, #tpu.memory_space<vmem>>)
      %run_scoped3A_126 = arith.constant 2 : i32
      "tpu.region"() ({
        %run_scoped3A_340 = tpu.sem_alloc : memref<!tpu.dma_semaphore, #tpu.memory_space<semaphore_mem>>
        %dma_start3A_341 = arith.constant 0 : i32
        %dma_start3A_342 = tpu.memref_slice %arg8[%run_scoped3A_126, %dma_start3A_341] : memref<8x128xi32, #tpu.memory_space<vmem>> -> memref<1x128xi32, #tpu.memory_space<vmem>>
        %dma_start3A_343 = tpu.memref_squeeze %dma_start3A_342 : memref<1x128xi32, #tpu.memory_space<vmem>> -> memref<128xi32, #tpu.memory_space<vmem>>
        %dma_start3A_344 = arith.constant 0 : i32
        %dma_start3A_345 = arith.constant 0 : i32
        %dma_start3A_346 = tpu.memref_slice %arg13[%dma_start3A_344, %dma_start3A_345] : memref<10240x128xf32, #tpu.memory_space<vmem_shared>> -> memref<10240x128xf32, #tpu.memory_space<vmem_shared>>
        tpu.enqueue_indirect_dma source(%arg11 : memref<128x128xf32, #tpu.memory_space<vmem>>) target(%dma_start3A_346 : memref<10240x128xf32, #tpu.memory_space<vmem_shared>>) offsets(%dma_start3A_343 : memref<128xi32, #tpu.memory_space<vmem>>) semaphore(%run_scoped3A_340 : memref<!tpu.dma_semaphore, #tpu.memory_space<semaphore_mem>>) {add = true}
        %dma_wait3A_347 = arith.constant 0 : i32
        %dma_wait3A_348 = tpu.memref_slice %arg8[%run_scoped3A_126, %dma_wait3A_347] : memref<8x128xi32, #tpu.memory_space<vmem>> -> memref<1x128xi32, #tpu.memory_space<vmem>>
        %dma_wait3A_349 = tpu.memref_squeeze %dma_wait3A_348 : memref<1x128xi32, #tpu.memory_space<vmem>> -> memref<128xi32, #tpu.memory_space<vmem>>
        %dma_wait3A_350 = arith.constant 0 : i32
        %dma_wait3A_351 = arith.constant 0 : i32
        %dma_wait3A_352 = tpu.memref_slice %arg13[%dma_wait3A_350, %dma_wait3A_351] : memref<10240x128xf32, #tpu.memory_space<vmem_shared>> -> memref<10240x128xf32, #tpu.memory_space<vmem_shared>>
        tpu.wait_indirect_dma semaphore(%run_scoped3A_340 : memref<!tpu.dma_semaphore, #tpu.memory_space<semaphore_mem>>) src(%arg11 : memref<128x128xf32, #tpu.memory_space<vmem>>) dst(%dma_wait3A_352 : memref<10240x128xf32, #tpu.memory_space<vmem_shared>>)
        tpu.yield
      }) : () -> ()
      %dma_start3A_127 = arith.constant 4 : i32
      %dma_start3A_128 = arith.constant 0 : i32
      %dma_start3A_129 = tpu.memref_slice %arg7[%dma_start3A_127, %dma_start3A_128] : memref<8x128xi32, #tpu.memory_space<vmem>> -> memref<1x128xi32, #tpu.memory_space<vmem>>
      %dma_start3A_130 = tpu.memref_squeeze %dma_start3A_129 : memref<1x128xi32, #tpu.memory_space<vmem>> -> memref<128xi32, #tpu.memory_space<vmem>>
      %dma_start3A_131 = arith.constant 0 : i32
      %dma_start3A_132 = arith.constant 0 : i32
      %dma_start3A_133 = tpu.memref_slice %arg2[%dma_start3A_131, %dma_start3A_132] : memref<10000x128xf32, #tpu.memory_space<hbm>> -> memref<10000x128xf32, #tpu.memory_space<hbm>>
      tpu.enqueue_indirect_dma source(%dma_start3A_133 : memref<10000x128xf32, #tpu.memory_space<hbm>>) target(%arg11 : memref<128x128xf32, #tpu.memory_space<vmem>>) offsets(%dma_start3A_130 : memref<128xi32, #tpu.memory_space<vmem>>) semaphore(%arg14 : memref<!tpu.dma_semaphore, #tpu.memory_space<semaphore_mem>>)
      %dma_wait3A_134 = arith.constant 3 : i32
      %dma_wait3A_135 = arith.constant 0 : i32
      %dma_wait3A_136 = tpu.memref_slice %arg7[%dma_wait3A_134, %dma_wait3A_135] : memref<8x128xi32, #tpu.memory_space<vmem>> -> memref<1x128xi32, #tpu.memory_space<vmem>>
      %dma_wait3A_137 = tpu.memref_squeeze %dma_wait3A_136 : memref<1x128xi32, #tpu.memory_space<vmem>> -> memref<128xi32, #tpu.memory_space<vmem>>
      %dma_wait3A_138 = arith.constant 0 : i32
      %dma_wait3A_139 = arith.constant 0 : i32
      %dma_wait3A_140 = tpu.memref_slice %arg2[%dma_wait3A_138, %dma_wait3A_139] : memref<10000x128xf32, #tpu.memory_space<hbm>> -> memref<10000x128xf32, #tpu.memory_space<hbm>>
      tpu.wait_indirect_dma semaphore(%arg15 : memref<!tpu.dma_semaphore, #tpu.memory_space<semaphore_mem>>) src(%dma_wait3A_140 : memref<10000x128xf32, #tpu.memory_space<hbm>>) dst(%arg12 : memref<128x128xf32, #tpu.memory_space<vmem>>)
      %run_scoped3A_141 = arith.constant 3 : i32
      "tpu.region"() ({
        %run_scoped3A_340 = tpu.sem_alloc : memref<!tpu.dma_semaphore, #tpu.memory_space<semaphore_mem>>
        %dma_start3A_341 = arith.constant 0 : i32
        %dma_start3A_342 = tpu.memref_slice %arg8[%run_scoped3A_141, %dma_start3A_341] : memref<8x128xi32, #tpu.memory_space<vmem>> -> memref<1x128xi32, #tpu.memory_space<vmem>>
        %dma_start3A_343 = tpu.memref_squeeze %dma_start3A_342 : memref<1x128xi32, #tpu.memory_space<vmem>> -> memref<128xi32, #tpu.memory_space<vmem>>
        %dma_start3A_344 = arith.constant 0 : i32
        %dma_start3A_345 = arith.constant 0 : i32
        %dma_start3A_346 = tpu.memref_slice %arg13[%dma_start3A_344, %dma_start3A_345] : memref<10240x128xf32, #tpu.memory_space<vmem_shared>> -> memref<10240x128xf32, #tpu.memory_space<vmem_shared>>
        tpu.enqueue_indirect_dma source(%arg12 : memref<128x128xf32, #tpu.memory_space<vmem>>) target(%dma_start3A_346 : memref<10240x128xf32, #tpu.memory_space<vmem_shared>>) offsets(%dma_start3A_343 : memref<128xi32, #tpu.memory_space<vmem>>) semaphore(%run_scoped3A_340 : memref<!tpu.dma_semaphore, #tpu.memory_space<semaphore_mem>>) {add = true}
        %dma_wait3A_347 = arith.constant 0 : i32
        %dma_wait3A_348 = tpu.memref_slice %arg8[%run_scoped3A_141, %dma_wait3A_347] : memref<8x128xi32, #tpu.memory_space<vmem>> -> memref<1x128xi32, #tpu.memory_space<vmem>>
        %dma_wait3A_349 = tpu.memref_squeeze %dma_wait3A_348 : memref<1x128xi32, #tpu.memory_space<vmem>> -> memref<128xi32, #tpu.memory_space<vmem>>
        %dma_wait3A_350 = arith.constant 0 : i32
        %dma_wait3A_351 = arith.constant 0 : i32
        %dma_wait3A_352 = tpu.memref_slice %arg13[%dma_wait3A_350, %dma_wait3A_351] : memref<10240x128xf32, #tpu.memory_space<vmem_shared>> -> memref<10240x128xf32, #tpu.memory_space<vmem_shared>>
        tpu.wait_indirect_dma semaphore(%run_scoped3A_340 : memref<!tpu.dma_semaphore, #tpu.memory_space<semaphore_mem>>) src(%arg12 : memref<128x128xf32, #tpu.memory_space<vmem>>) dst(%dma_wait3A_352 : memref<10240x128xf32, #tpu.memory_space<vmem_shared>>)
        tpu.yield
      }) : () -> ()
      %dma_start3A_142 = arith.constant 5 : i32
      %dma_start3A_143 = arith.constant 0 : i32
      %dma_start3A_144 = tpu.memref_slice %arg7[%dma_start3A_142, %dma_start3A_143] : memref<8x128xi32, #tpu.memory_space<vmem>> -> memref<1x128xi32, #tpu.memory_space<vmem>>
      %dma_start3A_145 = tpu.memref_squeeze %dma_start3A_144 : memref<1x128xi32, #tpu.memory_space<vmem>> -> memref<128xi32, #tpu.memory_space<vmem>>
      %dma_start3A_146 = arith.constant 0 : i32
      %dma_start3A_147 = arith.constant 0 : i32
      %dma_start3A_148 = tpu.memref_slice %arg2[%dma_start3A_146, %dma_start3A_147] : memref<10000x128xf32, #tpu.memory_space<hbm>> -> memref<10000x128xf32, #tpu.memory_space<hbm>>
      tpu.enqueue_indirect_dma source(%dma_start3A_148 : memref<10000x128xf32, #tpu.memory_space<hbm>>) target(%arg12 : memref<128x128xf32, #tpu.memory_space<vmem>>) offsets(%dma_start3A_145 : memref<128xi32, #tpu.memory_space<vmem>>) semaphore(%arg15 : memref<!tpu.dma_semaphore, #tpu.memory_space<semaphore_mem>>)
      %dma_wait3A_149 = arith.constant 4 : i32
      %dma_wait3A_150 = arith.constant 0 : i32
      %dma_wait3A_151 = tpu.memref_slice %arg7[%dma_wait3A_149, %dma_wait3A_150] : memref<8x128xi32, #tpu.memory_space<vmem>> -> memref<1x128xi32, #tpu.memory_space<vmem>>
      %dma_wait3A_152 = tpu.memref_squeeze %dma_wait3A_151 : memref<1x128xi32, #tpu.memory_space<vmem>> -> memref<128xi32, #tpu.memory_space<vmem>>
      %dma_wait3A_153 = arith.constant 0 : i32
      %dma_wait3A_154 = arith.constant 0 : i32
      %dma_wait3A_155 = tpu.memref_slice %arg2[%dma_wait3A_153, %dma_wait3A_154] : memref<10000x128xf32, #tpu.memory_space<hbm>> -> memref<10000x128xf32, #tpu.memory_space<hbm>>
      tpu.wait_indirect_dma semaphore(%arg14 : memref<!tpu.dma_semaphore, #tpu.memory_space<semaphore_mem>>) src(%dma_wait3A_155 : memref<10000x128xf32, #tpu.memory_space<hbm>>) dst(%arg11 : memref<128x128xf32, #tpu.memory_space<vmem>>)
      %run_scoped3A_156 = arith.constant 4 : i32
      "tpu.region"() ({
        %run_scoped3A_340 = tpu.sem_alloc : memref<!tpu.dma_semaphore, #tpu.memory_space<semaphore_mem>>
        %dma_start3A_341 = arith.constant 0 : i32
        %dma_start3A_342 = tpu.memref_slice %arg8[%run_scoped3A_156, %dma_start3A_341] : memref<8x128xi32, #tpu.memory_space<vmem>> -> memref<1x128xi32, #tpu.memory_space<vmem>>
        %dma_start3A_343 = tpu.memref_squeeze %dma_start3A_342 : memref<1x128xi32, #tpu.memory_space<vmem>> -> memref<128xi32, #tpu.memory_space<vmem>>
        %dma_start3A_344 = arith.constant 0 : i32
        %dma_start3A_345 = arith.constant 0 : i32
        %dma_start3A_346 = tpu.memref_slice %arg13[%dma_start3A_344, %dma_start3A_345] : memref<10240x128xf32, #tpu.memory_space<vmem_shared>> -> memref<10240x128xf32, #tpu.memory_space<vmem_shared>>
        tpu.enqueue_indirect_dma source(%arg11 : memref<128x128xf32, #tpu.memory_space<vmem>>) target(%dma_start3A_346 : memref<10240x128xf32, #tpu.memory_space<vmem_shared>>) offsets(%dma_start3A_343 : memref<128xi32, #tpu.memory_space<vmem>>) semaphore(%run_scoped3A_340 : memref<!tpu.dma_semaphore, #tpu.memory_space<semaphore_mem>>) {add = true}
        %dma_wait3A_347 = arith.constant 0 : i32
        %dma_wait3A_348 = tpu.memref_slice %arg8[%run_scoped3A_156, %dma_wait3A_347] : memref<8x128xi32, #tpu.memory_space<vmem>> -> memref<1x128xi32, #tpu.memory_space<vmem>>
        %dma_wait3A_349 = tpu.memref_squeeze %dma_wait3A_348 : memref<1x128xi32, #tpu.memory_space<vmem>> -> memref<128xi32, #tpu.memory_space<vmem>>
        %dma_wait3A_350 = arith.constant 0 : i32
        %dma_wait3A_351 = arith.constant 0 : i32
        %dma_wait3A_352 = tpu.memref_slice %arg13[%dma_wait3A_350, %dma_wait3A_351] : memref<10240x128xf32, #tpu.memory_space<vmem_shared>> -> memref<10240x128xf32, #tpu.memory_space<vmem_shared>>
        tpu.wait_indirect_dma semaphore(%run_scoped3A_340 : memref<!tpu.dma_semaphore, #tpu.memory_space<semaphore_mem>>) src(%arg11 : memref<128x128xf32, #tpu.memory_space<vmem>>) dst(%dma_wait3A_352 : memref<10240x128xf32, #tpu.memory_space<vmem_shared>>)
        tpu.yield
      }) : () -> ()
      %dma_start3A_157 = arith.constant 6 : i32
      %dma_start3A_158 = arith.constant 0 : i32
      %dma_start3A_159 = tpu.memref_slice %arg7[%dma_start3A_157, %dma_start3A_158] : memref<8x128xi32, #tpu.memory_space<vmem>> -> memref<1x128xi32, #tpu.memory_space<vmem>>
      %dma_start3A_160 = tpu.memref_squeeze %dma_start3A_159 : memref<1x128xi32, #tpu.memory_space<vmem>> -> memref<128xi32, #tpu.memory_space<vmem>>
      %dma_start3A_161 = arith.constant 0 : i32
      %dma_start3A_162 = arith.constant 0 : i32
      %dma_start3A_163 = tpu.memref_slice %arg2[%dma_start3A_161, %dma_start3A_162] : memref<10000x128xf32, #tpu.memory_space<hbm>> -> memref<10000x128xf32, #tpu.memory_space<hbm>>
      tpu.enqueue_indirect_dma source(%dma_start3A_163 : memref<10000x128xf32, #tpu.memory_space<hbm>>) target(%arg11 : memref<128x128xf32, #tpu.memory_space<vmem>>) offsets(%dma_start3A_160 : memref<128xi32, #tpu.memory_space<vmem>>) semaphore(%arg14 : memref<!tpu.dma_semaphore, #tpu.memory_space<semaphore_mem>>)
      %dma_wait3A_164 = arith.constant 5 : i32
      %dma_wait3A_165 = arith.constant 0 : i32
      %dma_wait3A_166 = tpu.memref_slice %arg7[%dma_wait3A_164, %dma_wait3A_165] : memref<8x128xi32, #tpu.memory_space<vmem>> -> memref<1x128xi32, #tpu.memory_space<vmem>>
      %dma_wait3A_167 = tpu.memref_squeeze %dma_wait3A_166 : memref<1x128xi32, #tpu.memory_space<vmem>> -> memref<128xi32, #tpu.memory_space<vmem>>
      %dma_wait3A_168 = arith.constant 0 : i32
      %dma_wait3A_169 = arith.constant 0 : i32
      %dma_wait3A_170 = tpu.memref_slice %arg2[%dma_wait3A_168, %dma_wait3A_169] : memref<10000x128xf32, #tpu.memory_space<hbm>> -> memref<10000x128xf32, #tpu.memory_space<hbm>>
      tpu.wait_indirect_dma semaphore(%arg15 : memref<!tpu.dma_semaphore, #tpu.memory_space<semaphore_mem>>) src(%dma_wait3A_170 : memref<10000x128xf32, #tpu.memory_space<hbm>>) dst(%arg12 : memref<128x128xf32, #tpu.memory_space<vmem>>)
      %run_scoped3A_171 = arith.constant 5 : i32
      "tpu.region"() ({
        %run_scoped3A_340 = tpu.sem_alloc : memref<!tpu.dma_semaphore, #tpu.memory_space<semaphore_mem>>
        %dma_start3A_341 = arith.constant 0 : i32
        %dma_start3A_342 = tpu.memref_slice %arg8[%run_scoped3A_171, %dma_start3A_341] : memref<8x128xi32, #tpu.memory_space<vmem>> -> memref<1x128xi32, #tpu.memory_space<vmem>>
        %dma_start3A_343 = tpu.memref_squeeze %dma_start3A_342 : memref<1x128xi32, #tpu.memory_space<vmem>> -> memref<128xi32, #tpu.memory_space<vmem>>
        %dma_start3A_344 = arith.constant 0 : i32
        %dma_start3A_345 = arith.constant 0 : i32
        %dma_start3A_346 = tpu.memref_slice %arg13[%dma_start3A_344, %dma_start3A_345] : memref<10240x128xf32, #tpu.memory_space<vmem_shared>> -> memref<10240x128xf32, #tpu.memory_space<vmem_shared>>
        tpu.enqueue_indirect_dma source(%arg12 : memref<128x128xf32, #tpu.memory_space<vmem>>) target(%dma_start3A_346 : memref<10240x128xf32, #tpu.memory_space<vmem_shared>>) offsets(%dma_start3A_343 : memref<128xi32, #tpu.memory_space<vmem>>) semaphore(%run_scoped3A_340 : memref<!tpu.dma_semaphore, #tpu.memory_space<semaphore_mem>>) {add = true}
        %dma_wait3A_347 = arith.constant 0 : i32
        %dma_wait3A_348 = tpu.memref_slice %arg8[%run_scoped3A_171, %dma_wait3A_347] : memref<8x128xi32, #tpu.memory_space<vmem>> -> memref<1x128xi32, #tpu.memory_space<vmem>>
        %dma_wait3A_349 = tpu.memref_squeeze %dma_wait3A_348 : memref<1x128xi32, #tpu.memory_space<vmem>> -> memref<128xi32, #tpu.memory_space<vmem>>
        %dma_wait3A_350 = arith.constant 0 : i32
        %dma_wait3A_351 = arith.constant 0 : i32
        %dma_wait3A_352 = tpu.memref_slice %arg13[%dma_wait3A_350, %dma_wait3A_351] : memref<10240x128xf32, #tpu.memory_space<vmem_shared>> -> memref<10240x128xf32, #tpu.memory_space<vmem_shared>>
        tpu.wait_indirect_dma semaphore(%run_scoped3A_340 : memref<!tpu.dma_semaphore, #tpu.memory_space<semaphore_mem>>) src(%arg12 : memref<128x128xf32, #tpu.memory_space<vmem>>) dst(%dma_wait3A_352 : memref<10240x128xf32, #tpu.memory_space<vmem_shared>>)
        tpu.yield
      }) : () -> ()
      %dma_start3A_172 = arith.constant 7 : i32
      %dma_start3A_173 = arith.constant 0 : i32
      %dma_start3A_174 = tpu.memref_slice %arg7[%dma_start3A_172, %dma_start3A_173] : memref<8x128xi32, #tpu.memory_space<vmem>> -> memref<1x128xi32, #tpu.memory_space<vmem>>
      %dma_start3A_175 = tpu.memref_squeeze %dma_start3A_174 : memref<1x128xi32, #tpu.memory_space<vmem>> -> memref<128xi32, #tpu.memory_space<vmem>>
      %dma_start3A_176 = arith.constant 0 : i32
      %dma_start3A_177 = arith.constant 0 : i32
      %dma_start3A_178 = tpu.memref_slice %arg2[%dma_start3A_176, %dma_start3A_177] : memref<10000x128xf32, #tpu.memory_space<hbm>> -> memref<10000x128xf32, #tpu.memory_space<hbm>>
      tpu.enqueue_indirect_dma source(%dma_start3A_178 : memref<10000x128xf32, #tpu.memory_space<hbm>>) target(%arg12 : memref<128x128xf32, #tpu.memory_space<vmem>>) offsets(%dma_start3A_175 : memref<128xi32, #tpu.memory_space<vmem>>) semaphore(%arg15 : memref<!tpu.dma_semaphore, #tpu.memory_space<semaphore_mem>>)
      %dma_wait3A_179 = arith.constant 6 : i32
      %dma_wait3A_180 = arith.constant 0 : i32
      %dma_wait3A_181 = tpu.memref_slice %arg7[%dma_wait3A_179, %dma_wait3A_180] : memref<8x128xi32, #tpu.memory_space<vmem>> -> memref<1x128xi32, #tpu.memory_space<vmem>>
      %dma_wait3A_182 = tpu.memref_squeeze %dma_wait3A_181 : memref<1x128xi32, #tpu.memory_space<vmem>> -> memref<128xi32, #tpu.memory_space<vmem>>
      %dma_wait3A_183 = arith.constant 0 : i32
      %dma_wait3A_184 = arith.constant 0 : i32
      %dma_wait3A_185 = tpu.memref_slice %arg2[%dma_wait3A_183, %dma_wait3A_184] : memref<10000x128xf32, #tpu.memory_space<hbm>> -> memref<10000x128xf32, #tpu.memory_space<hbm>>
      tpu.wait_indirect_dma semaphore(%arg14 : memref<!tpu.dma_semaphore, #tpu.memory_space<semaphore_mem>>) src(%dma_wait3A_185 : memref<10000x128xf32, #tpu.memory_space<hbm>>) dst(%arg11 : memref<128x128xf32, #tpu.memory_space<vmem>>)
      %run_scoped3A_186 = arith.constant 6 : i32
      "tpu.region"() ({
        %run_scoped3A_340 = tpu.sem_alloc : memref<!tpu.dma_semaphore, #tpu.memory_space<semaphore_mem>>
        %dma_start3A_341 = arith.constant 0 : i32
        %dma_start3A_342 = tpu.memref_slice %arg8[%run_scoped3A_186, %dma_start3A_341] : memref<8x128xi32, #tpu.memory_space<vmem>> -> memref<1x128xi32, #tpu.memory_space<vmem>>
        %dma_start3A_343 = tpu.memref_squeeze %dma_start3A_342 : memref<1x128xi32, #tpu.memory_space<vmem>> -> memref<128xi32, #tpu.memory_space<vmem>>
        %dma_start3A_344 = arith.constant 0 : i32
        %dma_start3A_345 = arith.constant 0 : i32
        %dma_start3A_346 = tpu.memref_slice %arg13[%dma_start3A_344, %dma_start3A_345] : memref<10240x128xf32, #tpu.memory_space<vmem_shared>> -> memref<10240x128xf32, #tpu.memory_space<vmem_shared>>
        tpu.enqueue_indirect_dma source(%arg11 : memref<128x128xf32, #tpu.memory_space<vmem>>) target(%dma_start3A_346 : memref<10240x128xf32, #tpu.memory_space<vmem_shared>>) offsets(%dma_start3A_343 : memref<128xi32, #tpu.memory_space<vmem>>) semaphore(%run_scoped3A_340 : memref<!tpu.dma_semaphore, #tpu.memory_space<semaphore_mem>>) {add = true}
        %dma_wait3A_347 = arith.constant 0 : i32
        %dma_wait3A_348 = tpu.memref_slice %arg8[%run_scoped3A_186, %dma_wait3A_347] : memref<8x128xi32, #tpu.memory_space<vmem>> -> memref<1x128xi32, #tpu.memory_space<vmem>>
        %dma_wait3A_349 = tpu.memref_squeeze %dma_wait3A_348 : memref<1x128xi32, #tpu.memory_space<vmem>> -> memref<128xi32, #tpu.memory_space<vmem>>
        %dma_wait3A_350 = arith.constant 0 : i32
        %dma_wait3A_351 = arith.constant 0 : i32
        %dma_wait3A_352 = tpu.memref_slice %arg13[%dma_wait3A_350, %dma_wait3A_351] : memref<10240x128xf32, #tpu.memory_space<vmem_shared>> -> memref<10240x128xf32, #tpu.memory_space<vmem_shared>>
        tpu.wait_indirect_dma semaphore(%run_scoped3A_340 : memref<!tpu.dma_semaphore, #tpu.memory_space<semaphore_mem>>) src(%arg11 : memref<128x128xf32, #tpu.memory_space<vmem>>) dst(%dma_wait3A_352 : memref<10240x128xf32, #tpu.memory_space<vmem_shared>>)
        tpu.yield
      }) : () -> ()
      %add3A_187 = arith.constant 1 : i32
      %add3A_188 = arith.addi %mul3A_85, %add3A_187 : i32
      %lt3A_189 = arith.constant 10 : i32
      %lt3A_190 = arith.cmpi slt, %add3A_188, %lt3A_189 : i32
      %convert_element_type3A_191 = arith.extui %lt3A_190 : i1 to i32
      %cond3A_192 = arith.constant 0 : i32
      %cond3A_193 = arith.cmpi ne, %convert_element_type3A_191, %cond3A_192 : i32
      scf.if %cond3A_193 {
        %add3A_340 = arith.constant 1 : i32
        %add3A_341 = arith.addi %mul3A_85, %add3A_340 : i32
        %mul3A_342 = arith.constant 8 : i32
        %mul3A_343 = arith.muli %add3A_341, %mul3A_342 : i32
        %dma_wait3A_344 = arith.constant 0 : i32
        %dma_wait3A_345 = arith.constant 0 : i32
        %dma_wait3A_346 = tpu.memref_slice %arg3[%add3A, %dma_wait3A_344, %dma_wait3A_345] : memref<32x80x128xi32, #tpu.memory_space<hbm>> -> memref<1x80x128xi32, #tpu.memory_space<hbm>>
        %dma_wait3A_347 = tpu.memref_squeeze %dma_wait3A_346 : memref<1x80x128xi32, #tpu.memory_space<hbm>> -> memref<80x128xi32, #tpu.memory_space<hbm>>
        %dma_wait3A_348 = arith.constant 0 : i32
        %dma_wait3A_349 = tpu.memref_slice %dma_wait3A_347[%mul3A_343, %dma_wait3A_348] : memref<80x128xi32, #tpu.memory_space<hbm>> -> memref<8x128xi32, #tpu.memory_space<hbm>>
        %dma_wait3A_350 = arith.constant 0 : i32
        %dma_wait3A_351 = arith.constant 0 : i32
        %dma_wait3A_352 = tpu.memref_slice %arg3[%add3A, %dma_wait3A_350, %dma_wait3A_351] : memref<32x80x128xi32, #tpu.memory_space<hbm>> -> memref<1x80x128xi32, #tpu.memory_space<hbm>>
        %dma_wait3A_353 = tpu.memref_squeeze %dma_wait3A_352 : memref<1x80x128xi32, #tpu.memory_space<hbm>> -> memref<80x128xi32, #tpu.memory_space<hbm>>
        %dma_wait3A_354 = arith.constant 0 : i32
        %dma_wait3A_355 = tpu.memref_slice %dma_wait3A_353[%mul3A_343, %dma_wait3A_354] : memref<80x128xi32, #tpu.memory_space<hbm>> -> memref<8x128xi32, #tpu.memory_space<hbm>>
        tpu.wait_dma2 semaphore(%arg17 : memref<!tpu.dma_semaphore, #tpu.memory_space<semaphore_mem>>) src(%dma_wait3A_355 : memref<8x128xi32, #tpu.memory_space<hbm>>) dst(%arg9 : memref<8x128xi32, #tpu.memory_space<vmem>>)
        %mul3A_356 = arith.constant 8 : i32
        %mul3A_357 = arith.muli %add3A_341, %mul3A_356 : i32
        %dma_wait3A_358 = arith.constant 0 : i32
        %dma_wait3A_359 = arith.constant 0 : i32
        %dma_wait3A_360 = tpu.memref_slice %arg4[%add3A, %dma_wait3A_358, %dma_wait3A_359] : memref<32x80x128xi32, #tpu.memory_space<hbm>> -> memref<1x80x128xi32, #tpu.memory_space<hbm>>
        %dma_wait3A_361 = tpu.memref_squeeze %dma_wait3A_360 : memref<1x80x128xi32, #tpu.memory_space<hbm>> -> memref<80x128xi32, #tpu.memory_space<hbm>>
        %dma_wait3A_362 = arith.constant 0 : i32
        %dma_wait3A_363 = tpu.memref_slice %dma_wait3A_361[%mul3A_357, %dma_wait3A_362] : memref<80x128xi32, #tpu.memory_space<hbm>> -> memref<8x128xi32, #tpu.memory_space<hbm>>
        %dma_wait3A_364 = arith.constant 0 : i32
        %dma_wait3A_365 = arith.constant 0 : i32
        %dma_wait3A_366 = tpu.memref_slice %arg4[%add3A, %dma_wait3A_364, %dma_wait3A_365] : memref<32x80x128xi32, #tpu.memory_space<hbm>> -> memref<1x80x128xi32, #tpu.memory_space<hbm>>
        %dma_wait3A_367 = tpu.memref_squeeze %dma_wait3A_366 : memref<1x80x128xi32, #tpu.memory_space<hbm>> -> memref<80x128xi32, #tpu.memory_space<hbm>>
        %dma_wait3A_368 = arith.constant 0 : i32
        %dma_wait3A_369 = tpu.memref_slice %dma_wait3A_367[%mul3A_357, %dma_wait3A_368] : memref<80x128xi32, #tpu.memory_space<hbm>> -> memref<8x128xi32, #tpu.memory_space<hbm>>
        tpu.wait_dma2 semaphore(%arg17 : memref<!tpu.dma_semaphore, #tpu.memory_space<semaphore_mem>>) src(%dma_wait3A_369 : memref<8x128xi32, #tpu.memory_space<hbm>>) dst(%arg10 : memref<8x128xi32, #tpu.memory_space<vmem>>)
        %dma_start3A_370 = arith.constant 0 : i32
        %dma_start3A_371 = arith.constant 0 : i32
        %dma_start3A_372 = tpu.memref_slice %arg9[%dma_start3A_370, %dma_start3A_371] : memref<8x128xi32, #tpu.memory_space<vmem>> -> memref<1x128xi32, #tpu.memory_space<vmem>>
        %dma_start3A_373 = tpu.memref_squeeze %dma_start3A_372 : memref<1x128xi32, #tpu.memory_space<vmem>> -> memref<128xi32, #tpu.memory_space<vmem>>
        %dma_start3A_374 = arith.constant 0 : i32
        %dma_start3A_375 = arith.constant 0 : i32
        %dma_start3A_376 = tpu.memref_slice %arg2[%dma_start3A_374, %dma_start3A_375] : memref<10000x128xf32, #tpu.memory_space<hbm>> -> memref<10000x128xf32, #tpu.memory_space<hbm>>
        tpu.enqueue_indirect_dma source(%dma_start3A_376 : memref<10000x128xf32, #tpu.memory_space<hbm>>) target(%arg11 : memref<128x128xf32, #tpu.memory_space<vmem>>) offsets(%dma_start3A_373 : memref<128xi32, #tpu.memory_space<vmem>>) semaphore(%arg14 : memref<!tpu.dma_semaphore, #tpu.memory_space<semaphore_mem>>)
      } else {
      }
      %dma_wait3A_194 = arith.constant 7 : i32
      %dma_wait3A_195 = arith.constant 0 : i32
      %dma_wait3A_196 = tpu.memref_slice %arg7[%dma_wait3A_194, %dma_wait3A_195] : memref<8x128xi32, #tpu.memory_space<vmem>> -> memref<1x128xi32, #tpu.memory_space<vmem>>
      %dma_wait3A_197 = tpu.memref_squeeze %dma_wait3A_196 : memref<1x128xi32, #tpu.memory_space<vmem>> -> memref<128xi32, #tpu.memory_space<vmem>>
      %dma_wait3A_198 = arith.constant 0 : i32
      %dma_wait3A_199 = arith.constant 0 : i32
      %dma_wait3A_200 = tpu.memref_slice %arg2[%dma_wait3A_198, %dma_wait3A_199] : memref<10000x128xf32, #tpu.memory_space<hbm>> -> memref<10000x128xf32, #tpu.memory_space<hbm>>
      tpu.wait_indirect_dma semaphore(%arg15 : memref<!tpu.dma_semaphore, #tpu.memory_space<semaphore_mem>>) src(%dma_wait3A_200 : memref<10000x128xf32, #tpu.memory_space<hbm>>) dst(%arg12 : memref<128x128xf32, #tpu.memory_space<vmem>>)
      %run_scoped3A_201 = arith.constant 7 : i32
      "tpu.region"() ({
        %run_scoped3A_340 = tpu.sem_alloc : memref<!tpu.dma_semaphore, #tpu.memory_space<semaphore_mem>>
        %dma_start3A_341 = arith.constant 0 : i32
        %dma_start3A_342 = tpu.memref_slice %arg8[%run_scoped3A_201, %dma_start3A_341] : memref<8x128xi32, #tpu.memory_space<vmem>> -> memref<1x128xi32, #tpu.memory_space<vmem>>
        %dma_start3A_343 = tpu.memref_squeeze %dma_start3A_342 : memref<1x128xi32, #tpu.memory_space<vmem>> -> memref<128xi32, #tpu.memory_space<vmem>>
        %dma_start3A_344 = arith.constant 0 : i32
        %dma_start3A_345 = arith.constant 0 : i32
        %dma_start3A_346 = tpu.memref_slice %arg13[%dma_start3A_344, %dma_start3A_345] : memref<10240x128xf32, #tpu.memory_space<vmem_shared>> -> memref<10240x128xf32, #tpu.memory_space<vmem_shared>>
        tpu.enqueue_indirect_dma source(%arg12 : memref<128x128xf32, #tpu.memory_space<vmem>>) target(%dma_start3A_346 : memref<10240x128xf32, #tpu.memory_space<vmem_shared>>) offsets(%dma_start3A_343 : memref<128xi32, #tpu.memory_space<vmem>>) semaphore(%run_scoped3A_340 : memref<!tpu.dma_semaphore, #tpu.memory_space<semaphore_mem>>) {add = true}
        %dma_wait3A_347 = arith.constant 0 : i32
        %dma_wait3A_348 = tpu.memref_slice %arg8[%run_scoped3A_201, %dma_wait3A_347] : memref<8x128xi32, #tpu.memory_space<vmem>> -> memref<1x128xi32, #tpu.memory_space<vmem>>
        %dma_wait3A_349 = tpu.memref_squeeze %dma_wait3A_348 : memref<1x128xi32, #tpu.memory_space<vmem>> -> memref<128xi32, #tpu.memory_space<vmem>>
        %dma_wait3A_350 = arith.constant 0 : i32
        %dma_wait3A_351 = arith.constant 0 : i32
        %dma_wait3A_352 = tpu.memref_slice %arg13[%dma_wait3A_350, %dma_wait3A_351] : memref<10240x128xf32, #tpu.memory_space<vmem_shared>> -> memref<10240x128xf32, #tpu.memory_space<vmem_shared>>
        tpu.wait_indirect_dma semaphore(%run_scoped3A_340 : memref<!tpu.dma_semaphore, #tpu.memory_space<semaphore_mem>>) src(%arg12 : memref<128x128xf32, #tpu.memory_space<vmem>>) dst(%dma_wait3A_352 : memref<10240x128xf32, #tpu.memory_space<vmem_shared>>)
        tpu.yield
      }) : () -> ()
      %add3A_202 = arith.constant 1 : i32
      %add3A_203 = arith.addi %mul3A_85, %add3A_202 : i32
      %lt3A_204 = arith.constant 10 : i32
      %lt3A_205 = arith.cmpi slt, %add3A_203, %lt3A_204 : i32
      %convert_element_type3A_206 = arith.extui %lt3A_205 : i1 to i32
      %cond3A_207 = arith.constant 0 : i32
      %cond3A_208 = arith.cmpi ne, %convert_element_type3A_206, %cond3A_207 : i32
      scf.if %cond3A_208 {
        %dma_start3A_340 = arith.constant 1 : i32
        %dma_start3A_341 = arith.constant 0 : i32
        %dma_start3A_342 = tpu.memref_slice %arg9[%dma_start3A_340, %dma_start3A_341] : memref<8x128xi32, #tpu.memory_space<vmem>> -> memref<1x128xi32, #tpu.memory_space<vmem>>
        %dma_start3A_343 = tpu.memref_squeeze %dma_start3A_342 : memref<1x128xi32, #tpu.memory_space<vmem>> -> memref<128xi32, #tpu.memory_space<vmem>>
        %dma_start3A_344 = arith.constant 0 : i32
        %dma_start3A_345 = arith.constant 0 : i32
        %dma_start3A_346 = tpu.memref_slice %arg2[%dma_start3A_344, %dma_start3A_345] : memref<10000x128xf32, #tpu.memory_space<hbm>> -> memref<10000x128xf32, #tpu.memory_space<hbm>>
        tpu.enqueue_indirect_dma source(%dma_start3A_346 : memref<10000x128xf32, #tpu.memory_space<hbm>>) target(%arg12 : memref<128x128xf32, #tpu.memory_space<vmem>>) offsets(%dma_start3A_343 : memref<128xi32, #tpu.memory_space<vmem>>) semaphore(%arg15 : memref<!tpu.dma_semaphore, #tpu.memory_space<semaphore_mem>>)
      } else {
      }
      %mul3A_209 = arith.constant 2 : i32
      %mul3A_210 = arith.muli %scan3A_83, %mul3A_209 : i32
      %add3A_211 = arith.constant 1 : i32
      %add3A_212 = arith.addi %mul3A_210, %add3A_211 : i32
      %add3A_213 = arith.constant 1 : i32
      %add3A_214 = arith.addi %add3A_212, %add3A_213 : i32
      %lt3A_215 = arith.constant 10 : i32
      %lt3A_216 = arith.cmpi slt, %add3A_214, %lt3A_215 : i32
      %convert_element_type3A_217 = arith.extui %lt3A_216 : i1 to i32
      %cond3A_218 = arith.constant 0 : i32
      %cond3A_219 = arith.cmpi ne, %convert_element_type3A_217, %cond3A_218 : i32
      scf.if %cond3A_219 {
        %add3A_340 = arith.constant 1 : i32
        %add3A_341 = arith.addi %add3A_212, %add3A_340 : i32
        %mul3A_342 = arith.constant 8 : i32
        %mul3A_343 = arith.muli %add3A_341, %mul3A_342 : i32
        %dma_start3A_344 = arith.constant 0 : i32
        %dma_start3A_345 = arith.constant 0 : i32
        %dma_start3A_346 = tpu.memref_slice %arg3[%add3A, %dma_start3A_344, %dma_start3A_345] : memref<32x80x128xi32, #tpu.memory_space<hbm>> -> memref<1x80x128xi32, #tpu.memory_space<hbm>>
        %dma_start3A_347 = tpu.memref_squeeze %dma_start3A_346 : memref<1x80x128xi32, #tpu.memory_space<hbm>> -> memref<80x128xi32, #tpu.memory_space<hbm>>
        %dma_start3A_348 = arith.constant 0 : i32
        %dma_start3A_349 = tpu.memref_slice %dma_start3A_347[%mul3A_343, %dma_start3A_348] : memref<80x128xi32, #tpu.memory_space<hbm>> -> memref<8x128xi32, #tpu.memory_space<hbm>>
        %dma_start3A_350 = arith.constant 0 : i32
        %dma_start3A_351 = arith.constant 0 : i32
        %dma_start3A_352 = tpu.memref_slice %arg3[%add3A, %dma_start3A_350, %dma_start3A_351] : memref<32x80x128xi32, #tpu.memory_space<hbm>> -> memref<1x80x128xi32, #tpu.memory_space<hbm>>
        %dma_start3A_353 = tpu.memref_squeeze %dma_start3A_352 : memref<1x80x128xi32, #tpu.memory_space<hbm>> -> memref<80x128xi32, #tpu.memory_space<hbm>>
        %dma_start3A_354 = arith.constant 0 : i32
        %dma_start3A_355 = tpu.memref_slice %dma_start3A_353[%mul3A_343, %dma_start3A_354] : memref<80x128xi32, #tpu.memory_space<hbm>> -> memref<8x128xi32, #tpu.memory_space<hbm>>
        tpu.enqueue_dma source(%dma_start3A_355 : memref<8x128xi32, #tpu.memory_space<hbm>>) target(%arg7 : memref<8x128xi32, #tpu.memory_space<vmem>>) target_semaphore(%arg16 : memref<!tpu.dma_semaphore, #tpu.memory_space<semaphore_mem>>)
        %mul3A_356 = arith.constant 8 : i32
        %mul3A_357 = arith.muli %add3A_341, %mul3A_356 : i32
        %dma_start3A_358 = arith.constant 0 : i32
        %dma_start3A_359 = arith.constant 0 : i32
        %dma_start3A_360 = tpu.memref_slice %arg4[%add3A, %dma_start3A_358, %dma_start3A_359] : memref<32x80x128xi32, #tpu.memory_space<hbm>> -> memref<1x80x128xi32, #tpu.memory_space<hbm>>
        %dma_start3A_361 = tpu.memref_squeeze %dma_start3A_360 : memref<1x80x128xi32, #tpu.memory_space<hbm>> -> memref<80x128xi32, #tpu.memory_space<hbm>>
        %dma_start3A_362 = arith.constant 0 : i32
        %dma_start3A_363 = tpu.memref_slice %dma_start3A_361[%mul3A_357, %dma_start3A_362] : memref<80x128xi32, #tpu.memory_space<hbm>> -> memref<8x128xi32, #tpu.memory_space<hbm>>
        %dma_start3A_364 = arith.constant 0 : i32
        %dma_start3A_365 = arith.constant 0 : i32
        %dma_start3A_366 = tpu.memref_slice %arg4[%add3A, %dma_start3A_364, %dma_start3A_365] : memref<32x80x128xi32, #tpu.memory_space<hbm>> -> memref<1x80x128xi32, #tpu.memory_space<hbm>>
        %dma_start3A_367 = tpu.memref_squeeze %dma_start3A_366 : memref<1x80x128xi32, #tpu.memory_space<hbm>> -> memref<80x128xi32, #tpu.memory_space<hbm>>
        %dma_start3A_368 = arith.constant 0 : i32
        %dma_start3A_369 = tpu.memref_slice %dma_start3A_367[%mul3A_357, %dma_start3A_368] : memref<80x128xi32, #tpu.memory_space<hbm>> -> memref<8x128xi32, #tpu.memory_space<hbm>>
        tpu.enqueue_dma source(%dma_start3A_369 : memref<8x128xi32, #tpu.memory_space<hbm>>) target(%arg8 : memref<8x128xi32, #tpu.memory_space<vmem>>) target_semaphore(%arg16 : memref<!tpu.dma_semaphore, #tpu.memory_space<semaphore_mem>>)
      } else {
      }
      %dma_wait3A_220 = arith.constant 0 : i32
      %dma_wait3A_221 = arith.constant 0 : i32
      %dma_wait3A_222 = tpu.memref_slice %arg9[%dma_wait3A_220, %dma_wait3A_221] : memref<8x128xi32, #tpu.memory_space<vmem>> -> memref<1x128xi32, #tpu.memory_space<vmem>>
      %dma_wait3A_223 = tpu.memref_squeeze %dma_wait3A_222 : memref<1x128xi32, #tpu.memory_space<vmem>> -> memref<128xi32, #tpu.memory_space<vmem>>
      %dma_wait3A_224 = arith.constant 0 : i32
      %dma_wait3A_225 = arith.constant 0 : i32
      %dma_wait3A_226 = tpu.memref_slice %arg2[%dma_wait3A_224, %dma_wait3A_225] : memref<10000x128xf32, #tpu.memory_space<hbm>> -> memref<10000x128xf32, #tpu.memory_space<hbm>>
      tpu.wait_indirect_dma semaphore(%arg14 : memref<!tpu.dma_semaphore, #tpu.memory_space<semaphore_mem>>) src(%dma_wait3A_226 : memref<10000x128xf32, #tpu.memory_space<hbm>>) dst(%arg11 : memref<128x128xf32, #tpu.memory_space<vmem>>)
      %run_scoped3A_227 = arith.constant 0 : i32
      "tpu.region"() ({
        %run_scoped3A_340 = tpu.sem_alloc : memref<!tpu.dma_semaphore, #tpu.memory_space<semaphore_mem>>
        %dma_start3A_341 = arith.constant 0 : i32
        %dma_start3A_342 = tpu.memref_slice %arg10[%run_scoped3A_227, %dma_start3A_341] : memref<8x128xi32, #tpu.memory_space<vmem>> -> memref<1x128xi32, #tpu.memory_space<vmem>>
        %dma_start3A_343 = tpu.memref_squeeze %dma_start3A_342 : memref<1x128xi32, #tpu.memory_space<vmem>> -> memref<128xi32, #tpu.memory_space<vmem>>
        %dma_start3A_344 = arith.constant 0 : i32
        %dma_start3A_345 = arith.constant 0 : i32
        %dma_start3A_346 = tpu.memref_slice %arg13[%dma_start3A_344, %dma_start3A_345] : memref<10240x128xf32, #tpu.memory_space<vmem_shared>> -> memref<10240x128xf32, #tpu.memory_space<vmem_shared>>
        tpu.enqueue_indirect_dma source(%arg11 : memref<128x128xf32, #tpu.memory_space<vmem>>) target(%dma_start3A_346 : memref<10240x128xf32, #tpu.memory_space<vmem_shared>>) offsets(%dma_start3A_343 : memref<128xi32, #tpu.memory_space<vmem>>) semaphore(%run_scoped3A_340 : memref<!tpu.dma_semaphore, #tpu.memory_space<semaphore_mem>>) {add = true}
        %dma_wait3A_347 = arith.constant 0 : i32
        %dma_wait3A_348 = tpu.memref_slice %arg10[%run_scoped3A_227, %dma_wait3A_347] : memref<8x128xi32, #tpu.memory_space<vmem>> -> memref<1x128xi32, #tpu.memory_space<vmem>>
        %dma_wait3A_349 = tpu.memref_squeeze %dma_wait3A_348 : memref<1x128xi32, #tpu.memory_space<vmem>> -> memref<128xi32, #tpu.memory_space<vmem>>
        %dma_wait3A_350 = arith.constant 0 : i32
        %dma_wait3A_351 = arith.constant 0 : i32
        %dma_wait3A_352 = tpu.memref_slice %arg13[%dma_wait3A_350, %dma_wait3A_351] : memref<10240x128xf32, #tpu.memory_space<vmem_shared>> -> memref<10240x128xf32, #tpu.memory_space<vmem_shared>>
        tpu.wait_indirect_dma semaphore(%run_scoped3A_340 : memref<!tpu.dma_semaphore, #tpu.memory_space<semaphore_mem>>) src(%arg11 : memref<128x128xf32, #tpu.memory_space<vmem>>) dst(%dma_wait3A_352 : memref<10240x128xf32, #tpu.memory_space<vmem_shared>>)
        tpu.yield
      }) : () -> ()
      %dma_start3A_228 = arith.constant 2 : i32
      %dma_start3A_229 = arith.constant 0 : i32
      %dma_start3A_230 = tpu.memref_slice %arg9[%dma_start3A_228, %dma_start3A_229] : memref<8x128xi32, #tpu.memory_space<vmem>> -> memref<1x128xi32, #tpu.memory_space<vmem>>
      %dma_start3A_231 = tpu.memref_squeeze %dma_start3A_230 : memref<1x128xi32, #tpu.memory_space<vmem>> -> memref<128xi32, #tpu.memory_space<vmem>>
      %dma_start3A_232 = arith.constant 0 : i32
      %dma_start3A_233 = arith.constant 0 : i32
      %dma_start3A_234 = tpu.memref_slice %arg2[%dma_start3A_232, %dma_start3A_233] : memref<10000x128xf32, #tpu.memory_space<hbm>> -> memref<10000x128xf32, #tpu.memory_space<hbm>>
      tpu.enqueue_indirect_dma source(%dma_start3A_234 : memref<10000x128xf32, #tpu.memory_space<hbm>>) target(%arg11 : memref<128x128xf32, #tpu.memory_space<vmem>>) offsets(%dma_start3A_231 : memref<128xi32, #tpu.memory_space<vmem>>) semaphore(%arg14 : memref<!tpu.dma_semaphore, #tpu.memory_space<semaphore_mem>>)
      %dma_wait3A_235 = arith.constant 1 : i32
      %dma_wait3A_236 = arith.constant 0 : i32
      %dma_wait3A_237 = tpu.memref_slice %arg9[%dma_wait3A_235, %dma_wait3A_236] : memref<8x128xi32, #tpu.memory_space<vmem>> -> memref<1x128xi32, #tpu.memory_space<vmem>>
      %dma_wait3A_238 = tpu.memref_squeeze %dma_wait3A_237 : memref<1x128xi32, #tpu.memory_space<vmem>> -> memref<128xi32, #tpu.memory_space<vmem>>
      %dma_wait3A_239 = arith.constant 0 : i32
      %dma_wait3A_240 = arith.constant 0 : i32
      %dma_wait3A_241 = tpu.memref_slice %arg2[%dma_wait3A_239, %dma_wait3A_240] : memref<10000x128xf32, #tpu.memory_space<hbm>> -> memref<10000x128xf32, #tpu.memory_space<hbm>>
      tpu.wait_indirect_dma semaphore(%arg15 : memref<!tpu.dma_semaphore, #tpu.memory_space<semaphore_mem>>) src(%dma_wait3A_241 : memref<10000x128xf32, #tpu.memory_space<hbm>>) dst(%arg12 : memref<128x128xf32, #tpu.memory_space<vmem>>)
      %run_scoped3A_242 = arith.constant 1 : i32
      "tpu.region"() ({
        %run_scoped3A_340 = tpu.sem_alloc : memref<!tpu.dma_semaphore, #tpu.memory_space<semaphore_mem>>
        %dma_start3A_341 = arith.constant 0 : i32
        %dma_start3A_342 = tpu.memref_slice %arg10[%run_scoped3A_242, %dma_start3A_341] : memref<8x128xi32, #tpu.memory_space<vmem>> -> memref<1x128xi32, #tpu.memory_space<vmem>>
        %dma_start3A_343 = tpu.memref_squeeze %dma_start3A_342 : memref<1x128xi32, #tpu.memory_space<vmem>> -> memref<128xi32, #tpu.memory_space<vmem>>
        %dma_start3A_344 = arith.constant 0 : i32
        %dma_start3A_345 = arith.constant 0 : i32
        %dma_start3A_346 = tpu.memref_slice %arg13[%dma_start3A_344, %dma_start3A_345] : memref<10240x128xf32, #tpu.memory_space<vmem_shared>> -> memref<10240x128xf32, #tpu.memory_space<vmem_shared>>
        tpu.enqueue_indirect_dma source(%arg12 : memref<128x128xf32, #tpu.memory_space<vmem>>) target(%dma_start3A_346 : memref<10240x128xf32, #tpu.memory_space<vmem_shared>>) offsets(%dma_start3A_343 : memref<128xi32, #tpu.memory_space<vmem>>) semaphore(%run_scoped3A_340 : memref<!tpu.dma_semaphore, #tpu.memory_space<semaphore_mem>>) {add = true}
        %dma_wait3A_347 = arith.constant 0 : i32
        %dma_wait3A_348 = tpu.memref_slice %arg10[%run_scoped3A_242, %dma_wait3A_347] : memref<8x128xi32, #tpu.memory_space<vmem>> -> memref<1x128xi32, #tpu.memory_space<vmem>>
        %dma_wait3A_349 = tpu.memref_squeeze %dma_wait3A_348 : memref<1x128xi32, #tpu.memory_space<vmem>> -> memref<128xi32, #tpu.memory_space<vmem>>
        %dma_wait3A_350 = arith.constant 0 : i32
        %dma_wait3A_351 = arith.constant 0 : i32
        %dma_wait3A_352 = tpu.memref_slice %arg13[%dma_wait3A_350, %dma_wait3A_351] : memref<10240x128xf32, #tpu.memory_space<vmem_shared>> -> memref<10240x128xf32, #tpu.memory_space<vmem_shared>>
        tpu.wait_indirect_dma semaphore(%run_scoped3A_340 : memref<!tpu.dma_semaphore, #tpu.memory_space<semaphore_mem>>) src(%arg12 : memref<128x128xf32, #tpu.memory_space<vmem>>) dst(%dma_wait3A_352 : memref<10240x128xf32, #tpu.memory_space<vmem_shared>>)
        tpu.yield
      }) : () -> ()
      %dma_start3A_243 = arith.constant 3 : i32
      %dma_start3A_244 = arith.constant 0 : i32
      %dma_start3A_245 = tpu.memref_slice %arg9[%dma_start3A_243, %dma_start3A_244] : memref<8x128xi32, #tpu.memory_space<vmem>> -> memref<1x128xi32, #tpu.memory_space<vmem>>
      %dma_start3A_246 = tpu.memref_squeeze %dma_start3A_245 : memref<1x128xi32, #tpu.memory_space<vmem>> -> memref<128xi32, #tpu.memory_space<vmem>>
      %dma_start3A_247 = arith.constant 0 : i32
      %dma_start3A_248 = arith.constant 0 : i32
      %dma_start3A_249 = tpu.memref_slice %arg2[%dma_start3A_247, %dma_start3A_248] : memref<10000x128xf32, #tpu.memory_space<hbm>> -> memref<10000x128xf32, #tpu.memory_space<hbm>>
      tpu.enqueue_indirect_dma source(%dma_start3A_249 : memref<10000x128xf32, #tpu.memory_space<hbm>>) target(%arg12 : memref<128x128xf32, #tpu.memory_space<vmem>>) offsets(%dma_start3A_246 : memref<128xi32, #tpu.memory_space<vmem>>) semaphore(%arg15 : memref<!tpu.dma_semaphore, #tpu.memory_space<semaphore_mem>>)
      %dma_wait3A_250 = arith.constant 2 : i32
      %dma_wait3A_251 = arith.constant 0 : i32
      %dma_wait3A_252 = tpu.memref_slice %arg9[%dma_wait3A_250, %dma_wait3A_251] : memref<8x128xi32, #tpu.memory_space<vmem>> -> memref<1x128xi32, #tpu.memory_space<vmem>>
      %dma_wait3A_253 = tpu.memref_squeeze %dma_wait3A_252 : memref<1x128xi32, #tpu.memory_space<vmem>> -> memref<128xi32, #tpu.memory_space<vmem>>
      %dma_wait3A_254 = arith.constant 0 : i32
      %dma_wait3A_255 = arith.constant 0 : i32
      %dma_wait3A_256 = tpu.memref_slice %arg2[%dma_wait3A_254, %dma_wait3A_255] : memref<10000x128xf32, #tpu.memory_space<hbm>> -> memref<10000x128xf32, #tpu.memory_space<hbm>>
      tpu.wait_indirect_dma semaphore(%arg14 : memref<!tpu.dma_semaphore, #tpu.memory_space<semaphore_mem>>) src(%dma_wait3A_256 : memref<10000x128xf32, #tpu.memory_space<hbm>>) dst(%arg11 : memref<128x128xf32, #tpu.memory_space<vmem>>)
      %run_scoped3A_257 = arith.constant 2 : i32
      "tpu.region"() ({
        %run_scoped3A_340 = tpu.sem_alloc : memref<!tpu.dma_semaphore, #tpu.memory_space<semaphore_mem>>
        %dma_start3A_341 = arith.constant 0 : i32
        %dma_start3A_342 = tpu.memref_slice %arg10[%run_scoped3A_257, %dma_start3A_341] : memref<8x128xi32, #tpu.memory_space<vmem>> -> memref<1x128xi32, #tpu.memory_space<vmem>>
        %dma_start3A_343 = tpu.memref_squeeze %dma_start3A_342 : memref<1x128xi32, #tpu.memory_space<vmem>> -> memref<128xi32, #tpu.memory_space<vmem>>
        %dma_start3A_344 = arith.constant 0 : i32
        %dma_start3A_345 = arith.constant 0 : i32
        %dma_start3A_346 = tpu.memref_slice %arg13[%dma_start3A_344, %dma_start3A_345] : memref<10240x128xf32, #tpu.memory_space<vmem_shared>> -> memref<10240x128xf32, #tpu.memory_space<vmem_shared>>
        tpu.enqueue_indirect_dma source(%arg11 : memref<128x128xf32, #tpu.memory_space<vmem>>) target(%dma_start3A_346 : memref<10240x128xf32, #tpu.memory_space<vmem_shared>>) offsets(%dma_start3A_343 : memref<128xi32, #tpu.memory_space<vmem>>) semaphore(%run_scoped3A_340 : memref<!tpu.dma_semaphore, #tpu.memory_space<semaphore_mem>>) {add = true}
        %dma_wait3A_347 = arith.constant 0 : i32
        %dma_wait3A_348 = tpu.memref_slice %arg10[%run_scoped3A_257, %dma_wait3A_347] : memref<8x128xi32, #tpu.memory_space<vmem>> -> memref<1x128xi32, #tpu.memory_space<vmem>>
        %dma_wait3A_349 = tpu.memref_squeeze %dma_wait3A_348 : memref<1x128xi32, #tpu.memory_space<vmem>> -> memref<128xi32, #tpu.memory_space<vmem>>
        %dma_wait3A_350 = arith.constant 0 : i32
        %dma_wait3A_351 = arith.constant 0 : i32
        %dma_wait3A_352 = tpu.memref_slice %arg13[%dma_wait3A_350, %dma_wait3A_351] : memref<10240x128xf32, #tpu.memory_space<vmem_shared>> -> memref<10240x128xf32, #tpu.memory_space<vmem_shared>>
        tpu.wait_indirect_dma semaphore(%run_scoped3A_340 : memref<!tpu.dma_semaphore, #tpu.memory_space<semaphore_mem>>) src(%arg11 : memref<128x128xf32, #tpu.memory_space<vmem>>) dst(%dma_wait3A_352 : memref<10240x128xf32, #tpu.memory_space<vmem_shared>>)
        tpu.yield
      }) : () -> ()
      %dma_start3A_258 = arith.constant 4 : i32
      %dma_start3A_259 = arith.constant 0 : i32
      %dma_start3A_260 = tpu.memref_slice %arg9[%dma_start3A_258, %dma_start3A_259] : memref<8x128xi32, #tpu.memory_space<vmem>> -> memref<1x128xi32, #tpu.memory_space<vmem>>
      %dma_start3A_261 = tpu.memref_squeeze %dma_start3A_260 : memref<1x128xi32, #tpu.memory_space<vmem>> -> memref<128xi32, #tpu.memory_space<vmem>>
      %dma_start3A_262 = arith.constant 0 : i32
      %dma_start3A_263 = arith.constant 0 : i32
      %dma_start3A_264 = tpu.memref_slice %arg2[%dma_start3A_262, %dma_start3A_263] : memref<10000x128xf32, #tpu.memory_space<hbm>> -> memref<10000x128xf32, #tpu.memory_space<hbm>>
      tpu.enqueue_indirect_dma source(%dma_start3A_264 : memref<10000x128xf32, #tpu.memory_space<hbm>>) target(%arg11 : memref<128x128xf32, #tpu.memory_space<vmem>>) offsets(%dma_start3A_261 : memref<128xi32, #tpu.memory_space<vmem>>) semaphore(%arg14 : memref<!tpu.dma_semaphore, #tpu.memory_space<semaphore_mem>>)
      %dma_wait3A_265 = arith.constant 3 : i32
      %dma_wait3A_266 = arith.constant 0 : i32
      %dma_wait3A_267 = tpu.memref_slice %arg9[%dma_wait3A_265, %dma_wait3A_266] : memref<8x128xi32, #tpu.memory_space<vmem>> -> memref<1x128xi32, #tpu.memory_space<vmem>>
      %dma_wait3A_268 = tpu.memref_squeeze %dma_wait3A_267 : memref<1x128xi32, #tpu.memory_space<vmem>> -> memref<128xi32, #tpu.memory_space<vmem>>
      %dma_wait3A_269 = arith.constant 0 : i32
      %dma_wait3A_270 = arith.constant 0 : i32
      %dma_wait3A_271 = tpu.memref_slice %arg2[%dma_wait3A_269, %dma_wait3A_270] : memref<10000x128xf32, #tpu.memory_space<hbm>> -> memref<10000x128xf32, #tpu.memory_space<hbm>>
      tpu.wait_indirect_dma semaphore(%arg15 : memref<!tpu.dma_semaphore, #tpu.memory_space<semaphore_mem>>) src(%dma_wait3A_271 : memref<10000x128xf32, #tpu.memory_space<hbm>>) dst(%arg12 : memref<128x128xf32, #tpu.memory_space<vmem>>)
      %run_scoped3A_272 = arith.constant 3 : i32
      "tpu.region"() ({
        %run_scoped3A_340 = tpu.sem_alloc : memref<!tpu.dma_semaphore, #tpu.memory_space<semaphore_mem>>
        %dma_start3A_341 = arith.constant 0 : i32
        %dma_start3A_342 = tpu.memref_slice %arg10[%run_scoped3A_272, %dma_start3A_341] : memref<8x128xi32, #tpu.memory_space<vmem>> -> memref<1x128xi32, #tpu.memory_space<vmem>>
        %dma_start3A_343 = tpu.memref_squeeze %dma_start3A_342 : memref<1x128xi32, #tpu.memory_space<vmem>> -> memref<128xi32, #tpu.memory_space<vmem>>
        %dma_start3A_344 = arith.constant 0 : i32
        %dma_start3A_345 = arith.constant 0 : i32
        %dma_start3A_346 = tpu.memref_slice %arg13[%dma_start3A_344, %dma_start3A_345] : memref<10240x128xf32, #tpu.memory_space<vmem_shared>> -> memref<10240x128xf32, #tpu.memory_space<vmem_shared>>
        tpu.enqueue_indirect_dma source(%arg12 : memref<128x128xf32, #tpu.memory_space<vmem>>) target(%dma_start3A_346 : memref<10240x128xf32, #tpu.memory_space<vmem_shared>>) offsets(%dma_start3A_343 : memref<128xi32, #tpu.memory_space<vmem>>) semaphore(%run_scoped3A_340 : memref<!tpu.dma_semaphore, #tpu.memory_space<semaphore_mem>>) {add = true}
        %dma_wait3A_347 = arith.constant 0 : i32
        %dma_wait3A_348 = tpu.memref_slice %arg10[%run_scoped3A_272, %dma_wait3A_347] : memref<8x128xi32, #tpu.memory_space<vmem>> -> memref<1x128xi32, #tpu.memory_space<vmem>>
        %dma_wait3A_349 = tpu.memref_squeeze %dma_wait3A_348 : memref<1x128xi32, #tpu.memory_space<vmem>> -> memref<128xi32, #tpu.memory_space<vmem>>
        %dma_wait3A_350 = arith.constant 0 : i32
        %dma_wait3A_351 = arith.constant 0 : i32
        %dma_wait3A_352 = tpu.memref_slice %arg13[%dma_wait3A_350, %dma_wait3A_351] : memref<10240x128xf32, #tpu.memory_space<vmem_shared>> -> memref<10240x128xf32, #tpu.memory_space<vmem_shared>>
        tpu.wait_indirect_dma semaphore(%run_scoped3A_340 : memref<!tpu.dma_semaphore, #tpu.memory_space<semaphore_mem>>) src(%arg12 : memref<128x128xf32, #tpu.memory_space<vmem>>) dst(%dma_wait3A_352 : memref<10240x128xf32, #tpu.memory_space<vmem_shared>>)
        tpu.yield
      }) : () -> ()
      %dma_start3A_273 = arith.constant 5 : i32
      %dma_start3A_274 = arith.constant 0 : i32
      %dma_start3A_275 = tpu.memref_slice %arg9[%dma_start3A_273, %dma_start3A_274] : memref<8x128xi32, #tpu.memory_space<vmem>> -> memref<1x128xi32, #tpu.memory_space<vmem>>
      %dma_start3A_276 = tpu.memref_squeeze %dma_start3A_275 : memref<1x128xi32, #tpu.memory_space<vmem>> -> memref<128xi32, #tpu.memory_space<vmem>>
      %dma_start3A_277 = arith.constant 0 : i32
      %dma_start3A_278 = arith.constant 0 : i32
      %dma_start3A_279 = tpu.memref_slice %arg2[%dma_start3A_277, %dma_start3A_278] : memref<10000x128xf32, #tpu.memory_space<hbm>> -> memref<10000x128xf32, #tpu.memory_space<hbm>>
      tpu.enqueue_indirect_dma source(%dma_start3A_279 : memref<10000x128xf32, #tpu.memory_space<hbm>>) target(%arg12 : memref<128x128xf32, #tpu.memory_space<vmem>>) offsets(%dma_start3A_276 : memref<128xi32, #tpu.memory_space<vmem>>) semaphore(%arg15 : memref<!tpu.dma_semaphore, #tpu.memory_space<semaphore_mem>>)
      %dma_wait3A_280 = arith.constant 4 : i32
      %dma_wait3A_281 = arith.constant 0 : i32
      %dma_wait3A_282 = tpu.memref_slice %arg9[%dma_wait3A_280, %dma_wait3A_281] : memref<8x128xi32, #tpu.memory_space<vmem>> -> memref<1x128xi32, #tpu.memory_space<vmem>>
      %dma_wait3A_283 = tpu.memref_squeeze %dma_wait3A_282 : memref<1x128xi32, #tpu.memory_space<vmem>> -> memref<128xi32, #tpu.memory_space<vmem>>
      %dma_wait3A_284 = arith.constant 0 : i32
      %dma_wait3A_285 = arith.constant 0 : i32
      %dma_wait3A_286 = tpu.memref_slice %arg2[%dma_wait3A_284, %dma_wait3A_285] : memref<10000x128xf32, #tpu.memory_space<hbm>> -> memref<10000x128xf32, #tpu.memory_space<hbm>>
      tpu.wait_indirect_dma semaphore(%arg14 : memref<!tpu.dma_semaphore, #tpu.memory_space<semaphore_mem>>) src(%dma_wait3A_286 : memref<10000x128xf32, #tpu.memory_space<hbm>>) dst(%arg11 : memref<128x128xf32, #tpu.memory_space<vmem>>)
      %run_scoped3A_287 = arith.constant 4 : i32
      "tpu.region"() ({
        %run_scoped3A_340 = tpu.sem_alloc : memref<!tpu.dma_semaphore, #tpu.memory_space<semaphore_mem>>
        %dma_start3A_341 = arith.constant 0 : i32
        %dma_start3A_342 = tpu.memref_slice %arg10[%run_scoped3A_287, %dma_start3A_341] : memref<8x128xi32, #tpu.memory_space<vmem>> -> memref<1x128xi32, #tpu.memory_space<vmem>>
        %dma_start3A_343 = tpu.memref_squeeze %dma_start3A_342 : memref<1x128xi32, #tpu.memory_space<vmem>> -> memref<128xi32, #tpu.memory_space<vmem>>
        %dma_start3A_344 = arith.constant 0 : i32
        %dma_start3A_345 = arith.constant 0 : i32
        %dma_start3A_346 = tpu.memref_slice %arg13[%dma_start3A_344, %dma_start3A_345] : memref<10240x128xf32, #tpu.memory_space<vmem_shared>> -> memref<10240x128xf32, #tpu.memory_space<vmem_shared>>
        tpu.enqueue_indirect_dma source(%arg11 : memref<128x128xf32, #tpu.memory_space<vmem>>) target(%dma_start3A_346 : memref<10240x128xf32, #tpu.memory_space<vmem_shared>>) offsets(%dma_start3A_343 : memref<128xi32, #tpu.memory_space<vmem>>) semaphore(%run_scoped3A_340 : memref<!tpu.dma_semaphore, #tpu.memory_space<semaphore_mem>>) {add = true}
        %dma_wait3A_347 = arith.constant 0 : i32
        %dma_wait3A_348 = tpu.memref_slice %arg10[%run_scoped3A_287, %dma_wait3A_347] : memref<8x128xi32, #tpu.memory_space<vmem>> -> memref<1x128xi32, #tpu.memory_space<vmem>>
        %dma_wait3A_349 = tpu.memref_squeeze %dma_wait3A_348 : memref<1x128xi32, #tpu.memory_space<vmem>> -> memref<128xi32, #tpu.memory_space<vmem>>
        %dma_wait3A_350 = arith.constant 0 : i32
        %dma_wait3A_351 = arith.constant 0 : i32
        %dma_wait3A_352 = tpu.memref_slice %arg13[%dma_wait3A_350, %dma_wait3A_351] : memref<10240x128xf32, #tpu.memory_space<vmem_shared>> -> memref<10240x128xf32, #tpu.memory_space<vmem_shared>>
        tpu.wait_indirect_dma semaphore(%run_scoped3A_340 : memref<!tpu.dma_semaphore, #tpu.memory_space<semaphore_mem>>) src(%arg11 : memref<128x128xf32, #tpu.memory_space<vmem>>) dst(%dma_wait3A_352 : memref<10240x128xf32, #tpu.memory_space<vmem_shared>>)
        tpu.yield
      }) : () -> ()
      %dma_start3A_288 = arith.constant 6 : i32
      %dma_start3A_289 = arith.constant 0 : i32
      %dma_start3A_290 = tpu.memref_slice %arg9[%dma_start3A_288, %dma_start3A_289] : memref<8x128xi32, #tpu.memory_space<vmem>> -> memref<1x128xi32, #tpu.memory_space<vmem>>
      %dma_start3A_291 = tpu.memref_squeeze %dma_start3A_290 : memref<1x128xi32, #tpu.memory_space<vmem>> -> memref<128xi32, #tpu.memory_space<vmem>>
      %dma_start3A_292 = arith.constant 0 : i32
      %dma_start3A_293 = arith.constant 0 : i32
      %dma_start3A_294 = tpu.memref_slice %arg2[%dma_start3A_292, %dma_start3A_293] : memref<10000x128xf32, #tpu.memory_space<hbm>> -> memref<10000x128xf32, #tpu.memory_space<hbm>>
      tpu.enqueue_indirect_dma source(%dma_start3A_294 : memref<10000x128xf32, #tpu.memory_space<hbm>>) target(%arg11 : memref<128x128xf32, #tpu.memory_space<vmem>>) offsets(%dma_start3A_291 : memref<128xi32, #tpu.memory_space<vmem>>) semaphore(%arg14 : memref<!tpu.dma_semaphore, #tpu.memory_space<semaphore_mem>>)
      %dma_wait3A_295 = arith.constant 5 : i32
      %dma_wait3A_296 = arith.constant 0 : i32
      %dma_wait3A_297 = tpu.memref_slice %arg9[%dma_wait3A_295, %dma_wait3A_296] : memref<8x128xi32, #tpu.memory_space<vmem>> -> memref<1x128xi32, #tpu.memory_space<vmem>>
      %dma_wait3A_298 = tpu.memref_squeeze %dma_wait3A_297 : memref<1x128xi32, #tpu.memory_space<vmem>> -> memref<128xi32, #tpu.memory_space<vmem>>
      %dma_wait3A_299 = arith.constant 0 : i32
      %dma_wait3A_300 = arith.constant 0 : i32
      %dma_wait3A_301 = tpu.memref_slice %arg2[%dma_wait3A_299, %dma_wait3A_300] : memref<10000x128xf32, #tpu.memory_space<hbm>> -> memref<10000x128xf32, #tpu.memory_space<hbm>>
      tpu.wait_indirect_dma semaphore(%arg15 : memref<!tpu.dma_semaphore, #tpu.memory_space<semaphore_mem>>) src(%dma_wait3A_301 : memref<10000x128xf32, #tpu.memory_space<hbm>>) dst(%arg12 : memref<128x128xf32, #tpu.memory_space<vmem>>)
      %run_scoped3A_302 = arith.constant 5 : i32
      "tpu.region"() ({
        %run_scoped3A_340 = tpu.sem_alloc : memref<!tpu.dma_semaphore, #tpu.memory_space<semaphore_mem>>
        %dma_start3A_341 = arith.constant 0 : i32
        %dma_start3A_342 = tpu.memref_slice %arg10[%run_scoped3A_302, %dma_start3A_341] : memref<8x128xi32, #tpu.memory_space<vmem>> -> memref<1x128xi32, #tpu.memory_space<vmem>>
        %dma_start3A_343 = tpu.memref_squeeze %dma_start3A_342 : memref<1x128xi32, #tpu.memory_space<vmem>> -> memref<128xi32, #tpu.memory_space<vmem>>
        %dma_start3A_344 = arith.constant 0 : i32
        %dma_start3A_345 = arith.constant 0 : i32
        %dma_start3A_346 = tpu.memref_slice %arg13[%dma_start3A_344, %dma_start3A_345] : memref<10240x128xf32, #tpu.memory_space<vmem_shared>> -> memref<10240x128xf32, #tpu.memory_space<vmem_shared>>
        tpu.enqueue_indirect_dma source(%arg12 : memref<128x128xf32, #tpu.memory_space<vmem>>) target(%dma_start3A_346 : memref<10240x128xf32, #tpu.memory_space<vmem_shared>>) offsets(%dma_start3A_343 : memref<128xi32, #tpu.memory_space<vmem>>) semaphore(%run_scoped3A_340 : memref<!tpu.dma_semaphore, #tpu.memory_space<semaphore_mem>>) {add = true}
        %dma_wait3A_347 = arith.constant 0 : i32
        %dma_wait3A_348 = tpu.memref_slice %arg10[%run_scoped3A_302, %dma_wait3A_347] : memref<8x128xi32, #tpu.memory_space<vmem>> -> memref<1x128xi32, #tpu.memory_space<vmem>>
        %dma_wait3A_349 = tpu.memref_squeeze %dma_wait3A_348 : memref<1x128xi32, #tpu.memory_space<vmem>> -> memref<128xi32, #tpu.memory_space<vmem>>
        %dma_wait3A_350 = arith.constant 0 : i32
        %dma_wait3A_351 = arith.constant 0 : i32
        %dma_wait3A_352 = tpu.memref_slice %arg13[%dma_wait3A_350, %dma_wait3A_351] : memref<10240x128xf32, #tpu.memory_space<vmem_shared>> -> memref<10240x128xf32, #tpu.memory_space<vmem_shared>>
        tpu.wait_indirect_dma semaphore(%run_scoped3A_340 : memref<!tpu.dma_semaphore, #tpu.memory_space<semaphore_mem>>) src(%arg12 : memref<128x128xf32, #tpu.memory_space<vmem>>) dst(%dma_wait3A_352 : memref<10240x128xf32, #tpu.memory_space<vmem_shared>>)
        tpu.yield
      }) : () -> ()
      %dma_start3A_303 = arith.constant 7 : i32
      %dma_start3A_304 = arith.constant 0 : i32
      %dma_start3A_305 = tpu.memref_slice %arg9[%dma_start3A_303, %dma_start3A_304] : memref<8x128xi32, #tpu.memory_space<vmem>> -> memref<1x128xi32, #tpu.memory_space<vmem>>
      %dma_start3A_306 = tpu.memref_squeeze %dma_start3A_305 : memref<1x128xi32, #tpu.memory_space<vmem>> -> memref<128xi32, #tpu.memory_space<vmem>>
      %dma_start3A_307 = arith.constant 0 : i32
      %dma_start3A_308 = arith.constant 0 : i32
      %dma_start3A_309 = tpu.memref_slice %arg2[%dma_start3A_307, %dma_start3A_308] : memref<10000x128xf32, #tpu.memory_space<hbm>> -> memref<10000x128xf32, #tpu.memory_space<hbm>>
      tpu.enqueue_indirect_dma source(%dma_start3A_309 : memref<10000x128xf32, #tpu.memory_space<hbm>>) target(%arg12 : memref<128x128xf32, #tpu.memory_space<vmem>>) offsets(%dma_start3A_306 : memref<128xi32, #tpu.memory_space<vmem>>) semaphore(%arg15 : memref<!tpu.dma_semaphore, #tpu.memory_space<semaphore_mem>>)
      %dma_wait3A_310 = arith.constant 6 : i32
      %dma_wait3A_311 = arith.constant 0 : i32
      %dma_wait3A_312 = tpu.memref_slice %arg9[%dma_wait3A_310, %dma_wait3A_311] : memref<8x128xi32, #tpu.memory_space<vmem>> -> memref<1x128xi32, #tpu.memory_space<vmem>>
      %dma_wait3A_313 = tpu.memref_squeeze %dma_wait3A_312 : memref<1x128xi32, #tpu.memory_space<vmem>> -> memref<128xi32, #tpu.memory_space<vmem>>
      %dma_wait3A_314 = arith.constant 0 : i32
      %dma_wait3A_315 = arith.constant 0 : i32
      %dma_wait3A_316 = tpu.memref_slice %arg2[%dma_wait3A_314, %dma_wait3A_315] : memref<10000x128xf32, #tpu.memory_space<hbm>> -> memref<10000x128xf32, #tpu.memory_space<hbm>>
      tpu.wait_indirect_dma semaphore(%arg14 : memref<!tpu.dma_semaphore, #tpu.memory_space<semaphore_mem>>) src(%dma_wait3A_316 : memref<10000x128xf32, #tpu.memory_space<hbm>>) dst(%arg11 : memref<128x128xf32, #tpu.memory_space<vmem>>)
      %run_scoped3A_317 = arith.constant 6 : i32
      "tpu.region"() ({
        %run_scoped3A_340 = tpu.sem_alloc : memref<!tpu.dma_semaphore, #tpu.memory_space<semaphore_mem>>
        %dma_start3A_341 = arith.constant 0 : i32
        %dma_start3A_342 = tpu.memref_slice %arg10[%run_scoped3A_317, %dma_start3A_341] : memref<8x128xi32, #tpu.memory_space<vmem>> -> memref<1x128xi32, #tpu.memory_space<vmem>>
        %dma_start3A_343 = tpu.memref_squeeze %dma_start3A_342 : memref<1x128xi32, #tpu.memory_space<vmem>> -> memref<128xi32, #tpu.memory_space<vmem>>
        %dma_start3A_344 = arith.constant 0 : i32
        %dma_start3A_345 = arith.constant 0 : i32
        %dma_start3A_346 = tpu.memref_slice %arg13[%dma_start3A_344, %dma_start3A_345] : memref<10240x128xf32, #tpu.memory_space<vmem_shared>> -> memref<10240x128xf32, #tpu.memory_space<vmem_shared>>
        tpu.enqueue_indirect_dma source(%arg11 : memref<128x128xf32, #tpu.memory_space<vmem>>) target(%dma_start3A_346 : memref<10240x128xf32, #tpu.memory_space<vmem_shared>>) offsets(%dma_start3A_343 : memref<128xi32, #tpu.memory_space<vmem>>) semaphore(%run_scoped3A_340 : memref<!tpu.dma_semaphore, #tpu.memory_space<semaphore_mem>>) {add = true}
        %dma_wait3A_347 = arith.constant 0 : i32
        %dma_wait3A_348 = tpu.memref_slice %arg10[%run_scoped3A_317, %dma_wait3A_347] : memref<8x128xi32, #tpu.memory_space<vmem>> -> memref<1x128xi32, #tpu.memory_space<vmem>>
        %dma_wait3A_349 = tpu.memref_squeeze %dma_wait3A_348 : memref<1x128xi32, #tpu.memory_space<vmem>> -> memref<128xi32, #tpu.memory_space<vmem>>
        %dma_wait3A_350 = arith.constant 0 : i32
        %dma_wait3A_351 = arith.constant 0 : i32
        %dma_wait3A_352 = tpu.memref_slice %arg13[%dma_wait3A_350, %dma_wait3A_351] : memref<10240x128xf32, #tpu.memory_space<vmem_shared>> -> memref<10240x128xf32, #tpu.memory_space<vmem_shared>>
        tpu.wait_indirect_dma semaphore(%run_scoped3A_340 : memref<!tpu.dma_semaphore, #tpu.memory_space<semaphore_mem>>) src(%arg11 : memref<128x128xf32, #tpu.memory_space<vmem>>) dst(%dma_wait3A_352 : memref<10240x128xf32, #tpu.memory_space<vmem_shared>>)
        tpu.yield
      }) : () -> ()
      %add3A_318 = arith.constant 1 : i32
      %add3A_319 = arith.addi %add3A_212, %add3A_318 : i32
      %lt3A_320 = arith.constant 10 : i32
      %lt3A_321 = arith.cmpi slt, %add3A_319, %lt3A_320 : i32
      %convert_element_type3A_322 = arith.extui %lt3A_321 : i1 to i32
      %cond3A_323 = arith.constant 0 : i32
      %cond3A_324 = arith.cmpi ne, %convert_element_type3A_322, %cond3A_323 : i32
      scf.if %cond3A_324 {
        %add3A_340 = arith.constant 1 : i32
        %add3A_341 = arith.addi %add3A_212, %add3A_340 : i32
        %mul3A_342 = arith.constant 8 : i32
        %mul3A_343 = arith.muli %add3A_341, %mul3A_342 : i32
        %dma_wait3A_344 = arith.constant 0 : i32
        %dma_wait3A_345 = arith.constant 0 : i32
        %dma_wait3A_346 = tpu.memref_slice %arg3[%add3A, %dma_wait3A_344, %dma_wait3A_345] : memref<32x80x128xi32, #tpu.memory_space<hbm>> -> memref<1x80x128xi32, #tpu.memory_space<hbm>>
        %dma_wait3A_347 = tpu.memref_squeeze %dma_wait3A_346 : memref<1x80x128xi32, #tpu.memory_space<hbm>> -> memref<80x128xi32, #tpu.memory_space<hbm>>
        %dma_wait3A_348 = arith.constant 0 : i32
        %dma_wait3A_349 = tpu.memref_slice %dma_wait3A_347[%mul3A_343, %dma_wait3A_348] : memref<80x128xi32, #tpu.memory_space<hbm>> -> memref<8x128xi32, #tpu.memory_space<hbm>>
        %dma_wait3A_350 = arith.constant 0 : i32
        %dma_wait3A_351 = arith.constant 0 : i32
        %dma_wait3A_352 = tpu.memref_slice %arg3[%add3A, %dma_wait3A_350, %dma_wait3A_351] : memref<32x80x128xi32, #tpu.memory_space<hbm>> -> memref<1x80x128xi32, #tpu.memory_space<hbm>>
        %dma_wait3A_353 = tpu.memref_squeeze %dma_wait3A_352 : memref<1x80x128xi32, #tpu.memory_space<hbm>> -> memref<80x128xi32, #tpu.memory_space<hbm>>
        %dma_wait3A_354 = arith.constant 0 : i32
        %dma_wait3A_355 = tpu.memref_slice %dma_wait3A_353[%mul3A_343, %dma_wait3A_354] : memref<80x128xi32, #tpu.memory_space<hbm>> -> memref<8x128xi32, #tpu.memory_space<hbm>>
        tpu.wait_dma2 semaphore(%arg16 : memref<!tpu.dma_semaphore, #tpu.memory_space<semaphore_mem>>) src(%dma_wait3A_355 : memref<8x128xi32, #tpu.memory_space<hbm>>) dst(%arg7 : memref<8x128xi32, #tpu.memory_space<vmem>>)
        %mul3A_356 = arith.constant 8 : i32
        %mul3A_357 = arith.muli %add3A_341, %mul3A_356 : i32
        %dma_wait3A_358 = arith.constant 0 : i32
        %dma_wait3A_359 = arith.constant 0 : i32
        %dma_wait3A_360 = tpu.memref_slice %arg4[%add3A, %dma_wait3A_358, %dma_wait3A_359] : memref<32x80x128xi32, #tpu.memory_space<hbm>> -> memref<1x80x128xi32, #tpu.memory_space<hbm>>
        %dma_wait3A_361 = tpu.memref_squeeze %dma_wait3A_360 : memref<1x80x128xi32, #tpu.memory_space<hbm>> -> memref<80x128xi32, #tpu.memory_space<hbm>>
        %dma_wait3A_362 = arith.constant 0 : i32
        %dma_wait3A_363 = tpu.memref_slice %dma_wait3A_361[%mul3A_357, %dma_wait3A_362] : memref<80x128xi32, #tpu.memory_space<hbm>> -> memref<8x128xi32, #tpu.memory_space<hbm>>
        %dma_wait3A_364 = arith.constant 0 : i32
        %dma_wait3A_365 = arith.constant 0 : i32
        %dma_wait3A_366 = tpu.memref_slice %arg4[%add3A, %dma_wait3A_364, %dma_wait3A_365] : memref<32x80x128xi32, #tpu.memory_space<hbm>> -> memref<1x80x128xi32, #tpu.memory_space<hbm>>
        %dma_wait3A_367 = tpu.memref_squeeze %dma_wait3A_366 : memref<1x80x128xi32, #tpu.memory_space<hbm>> -> memref<80x128xi32, #tpu.memory_space<hbm>>
        %dma_wait3A_368 = arith.constant 0 : i32
        %dma_wait3A_369 = tpu.memref_slice %dma_wait3A_367[%mul3A_357, %dma_wait3A_368] : memref<80x128xi32, #tpu.memory_space<hbm>> -> memref<8x128xi32, #tpu.memory_space<hbm>>
        tpu.wait_dma2 semaphore(%arg16 : memref<!tpu.dma_semaphore, #tpu.memory_space<semaphore_mem>>) src(%dma_wait3A_369 : memref<8x128xi32, #tpu.memory_space<hbm>>) dst(%arg8 : memref<8x128xi32, #tpu.memory_space<vmem>>)
        %dma_start3A_370 = arith.constant 0 : i32
        %dma_start3A_371 = arith.constant 0 : i32
        %dma_start3A_372 = tpu.memref_slice %arg7[%dma_start3A_370, %dma_start3A_371] : memref<8x128xi32, #tpu.memory_space<vmem>> -> memref<1x128xi32, #tpu.memory_space<vmem>>
        %dma_start3A_373 = tpu.memref_squeeze %dma_start3A_372 : memref<1x128xi32, #tpu.memory_space<vmem>> -> memref<128xi32, #tpu.memory_space<vmem>>
        %dma_start3A_374 = arith.constant 0 : i32
        %dma_start3A_375 = arith.constant 0 : i32
        %dma_start3A_376 = tpu.memref_slice %arg2[%dma_start3A_374, %dma_start3A_375] : memref<10000x128xf32, #tpu.memory_space<hbm>> -> memref<10000x128xf32, #tpu.memory_space<hbm>>
        tpu.enqueue_indirect_dma source(%dma_start3A_376 : memref<10000x128xf32, #tpu.memory_space<hbm>>) target(%arg11 : memref<128x128xf32, #tpu.memory_space<vmem>>) offsets(%dma_start3A_373 : memref<128xi32, #tpu.memory_space<vmem>>) semaphore(%arg14 : memref<!tpu.dma_semaphore, #tpu.memory_space<semaphore_mem>>)
      } else {
      }
      %dma_wait3A_325 = arith.constant 7 : i32
      %dma_wait3A_326 = arith.constant 0 : i32
      %dma_wait3A_327 = tpu.memref_slice %arg9[%dma_wait3A_325, %dma_wait3A_326] : memref<8x128xi32, #tpu.memory_space<vmem>> -> memref<1x128xi32, #tpu.memory_space<vmem>>
      %dma_wait3A_328 = tpu.memref_squeeze %dma_wait3A_327 : memref<1x128xi32, #tpu.memory_space<vmem>> -> memref<128xi32, #tpu.memory_space<vmem>>
      %dma_wait3A_329 = arith.constant 0 : i32
      %dma_wait3A_330 = arith.constant 0 : i32
      %dma_wait3A_331 = tpu.memref_slice %arg2[%dma_wait3A_329, %dma_wait3A_330] : memref<10000x128xf32, #tpu.memory_space<hbm>> -> memref<10000x128xf32, #tpu.memory_space<hbm>>
      tpu.wait_indirect_dma semaphore(%arg15 : memref<!tpu.dma_semaphore, #tpu.memory_space<semaphore_mem>>) src(%dma_wait3A_331 : memref<10000x128xf32, #tpu.memory_space<hbm>>) dst(%arg12 : memref<128x128xf32, #tpu.memory_space<vmem>>)
      %run_scoped3A_332 = arith.constant 7 : i32
      "tpu.region"() ({
        %run_scoped3A_340 = tpu.sem_alloc : memref<!tpu.dma_semaphore, #tpu.memory_space<semaphore_mem>>
        %dma_start3A_341 = arith.constant 0 : i32
        %dma_start3A_342 = tpu.memref_slice %arg10[%run_scoped3A_332, %dma_start3A_341] : memref<8x128xi32, #tpu.memory_space<vmem>> -> memref<1x128xi32, #tpu.memory_space<vmem>>
        %dma_start3A_343 = tpu.memref_squeeze %dma_start3A_342 : memref<1x128xi32, #tpu.memory_space<vmem>> -> memref<128xi32, #tpu.memory_space<vmem>>
        %dma_start3A_344 = arith.constant 0 : i32
        %dma_start3A_345 = arith.constant 0 : i32
        %dma_start3A_346 = tpu.memref_slice %arg13[%dma_start3A_344, %dma_start3A_345] : memref<10240x128xf32, #tpu.memory_space<vmem_shared>> -> memref<10240x128xf32, #tpu.memory_space<vmem_shared>>
        tpu.enqueue_indirect_dma source(%arg12 : memref<128x128xf32, #tpu.memory_space<vmem>>) target(%dma_start3A_346 : memref<10240x128xf32, #tpu.memory_space<vmem_shared>>) offsets(%dma_start3A_343 : memref<128xi32, #tpu.memory_space<vmem>>) semaphore(%run_scoped3A_340 : memref<!tpu.dma_semaphore, #tpu.memory_space<semaphore_mem>>) {add = true}
        %dma_wait3A_347 = arith.constant 0 : i32
        %dma_wait3A_348 = tpu.memref_slice %arg10[%run_scoped3A_332, %dma_wait3A_347] : memref<8x128xi32, #tpu.memory_space<vmem>> -> memref<1x128xi32, #tpu.memory_space<vmem>>
        %dma_wait3A_349 = tpu.memref_squeeze %dma_wait3A_348 : memref<1x128xi32, #tpu.memory_space<vmem>> -> memref<128xi32, #tpu.memory_space<vmem>>
        %dma_wait3A_350 = arith.constant 0 : i32
        %dma_wait3A_351 = arith.constant 0 : i32
        %dma_wait3A_352 = tpu.memref_slice %arg13[%dma_wait3A_350, %dma_wait3A_351] : memref<10240x128xf32, #tpu.memory_space<vmem_shared>> -> memref<10240x128xf32, #tpu.memory_space<vmem_shared>>
        tpu.wait_indirect_dma semaphore(%run_scoped3A_340 : memref<!tpu.dma_semaphore, #tpu.memory_space<semaphore_mem>>) src(%arg12 : memref<128x128xf32, #tpu.memory_space<vmem>>) dst(%dma_wait3A_352 : memref<10240x128xf32, #tpu.memory_space<vmem_shared>>)
        tpu.yield
      }) : () -> ()
      %add3A_333 = arith.constant 1 : i32
      %add3A_334 = arith.addi %add3A_212, %add3A_333 : i32
      %lt3A_335 = arith.constant 10 : i32
      %lt3A_336 = arith.cmpi slt, %add3A_334, %lt3A_335 : i32
      %convert_element_type3A_337 = arith.extui %lt3A_336 : i1 to i32
      %cond3A_338 = arith.constant 0 : i32
      %cond3A_339 = arith.cmpi ne, %convert_element_type3A_337, %cond3A_338 : i32
      scf.if %cond3A_339 {
        %dma_start3A_340 = arith.constant 1 : i32
        %dma_start3A_341 = arith.constant 0 : i32
        %dma_start3A_342 = tpu.memref_slice %arg7[%dma_start3A_340, %dma_start3A_341] : memref<8x128xi32, #tpu.memory_space<vmem>> -> memref<1x128xi32, #tpu.memory_space<vmem>>
        %dma_start3A_343 = tpu.memref_squeeze %dma_start3A_342 : memref<1x128xi32, #tpu.memory_space<vmem>> -> memref<128xi32, #tpu.memory_space<vmem>>
        %dma_start3A_344 = arith.constant 0 : i32
        %dma_start3A_345 = arith.constant 0 : i32
        %dma_start3A_346 = tpu.memref_slice %arg2[%dma_start3A_344, %dma_start3A_345] : memref<10000x128xf32, #tpu.memory_space<hbm>> -> memref<10000x128xf32, #tpu.memory_space<hbm>>
        tpu.enqueue_indirect_dma source(%dma_start3A_346 : memref<10000x128xf32, #tpu.memory_space<hbm>>) target(%arg12 : memref<128x128xf32, #tpu.memory_space<vmem>>) offsets(%dma_start3A_343 : memref<128xi32, #tpu.memory_space<vmem>>) semaphore(%arg15 : memref<!tpu.dma_semaphore, #tpu.memory_space<semaphore_mem>>)
      } else {
      }
    }
    %scan3A_77 = arith.constant 5 : i32
    %barrier3A_78 = arith.constant 0 : index
    tpu.barrier barrier_id(%barrier3A_78)
    %mul3A_79 = arith.constant 640 : i32
    %mul3A_80 = arith.muli %arg1, %mul3A_79 : i32
    %mul3A_81 = arith.constant 640 : i32
    %mul3A_82 = arith.muli %arg1, %mul3A_81 : i32
    "tpu.region"() ({
      %run_scoped3A = tpu.sem_alloc : memref<!tpu.dma_semaphore, #tpu.memory_space<semaphore_mem>>
      %dma_start3A_83 = arith.constant 0 : i32
      %dma_start3A_84 = arith.constant 0 : i32
      %dma_start3A_85 = tpu.memref_slice %arg6[%arg0, %dma_start3A_83, %dma_start3A_84] : memref<2x10240x128xf32, #tpu.memory_space<hbm>> -> memref<1x10240x128xf32, #tpu.memory_space<hbm>>
      %dma_start3A_86 = tpu.memref_squeeze %dma_start3A_85 : memref<1x10240x128xf32, #tpu.memory_space<hbm>> -> memref<10240x128xf32, #tpu.memory_space<hbm>>
      %dma_start3A_87 = arith.constant 0 : i32
      %dma_start3A_88 = tpu.memref_slice %dma_start3A_86[%mul3A_82, %dma_start3A_87] : memref<10240x128xf32, #tpu.memory_space<hbm>> -> memref<640x128xf32, #tpu.memory_space<hbm>>
      %dma_start3A_89 = arith.constant 0 : i32
      %dma_start3A_90 = tpu.memref_slice %arg13[%mul3A_80, %dma_start3A_89] : memref<10240x128xf32, #tpu.memory_space<vmem_shared>> -> memref<640x128xf32, #tpu.memory_space<vmem_shared>>
      tpu.enqueue_dma source(%dma_start3A_90 : memref<640x128xf32, #tpu.memory_space<vmem_shared>>) target(%dma_start3A_88 : memref<640x128xf32, #tpu.memory_space<hbm>>) target_semaphore(%run_scoped3A : memref<!tpu.dma_semaphore, #tpu.memory_space<semaphore_mem>>)
      %dma_wait3A_91 = arith.constant 0 : i32
      %dma_wait3A_92 = arith.constant 0 : i32
      %dma_wait3A_93 = tpu.memref_slice %arg6[%arg0, %dma_wait3A_91, %dma_wait3A_92] : memref<2x10240x128xf32, #tpu.memory_space<hbm>> -> memref<1x10240x128xf32, #tpu.memory_space<hbm>>
      %dma_wait3A_94 = tpu.memref_squeeze %dma_wait3A_93 : memref<1x10240x128xf32, #tpu.memory_space<hbm>> -> memref<10240x128xf32, #tpu.memory_space<hbm>>
      %dma_wait3A_95 = arith.constant 0 : i32
      %dma_wait3A_96 = tpu.memref_slice %dma_wait3A_94[%mul3A_82, %dma_wait3A_95] : memref<10240x128xf32, #tpu.memory_space<hbm>> -> memref<640x128xf32, #tpu.memory_space<hbm>>
      %dma_wait3A_97 = arith.constant 0 : i32
      %dma_wait3A_98 = tpu.memref_slice %arg13[%mul3A_80, %dma_wait3A_97] : memref<10240x128xf32, #tpu.memory_space<vmem_shared>> -> memref<640x128xf32, #tpu.memory_space<vmem_shared>>
      tpu.wait_dma2 semaphore(%run_scoped3A : memref<!tpu.dma_semaphore, #tpu.memory_space<semaphore_mem>>) src(%dma_wait3A_98 : memref<640x128xf32, #tpu.memory_space<vmem_shared>>) dst(%dma_wait3A_96 : memref<640x128xf32, #tpu.memory_space<hbm>>)
      tpu.yield
    }) : () -> ()
    return
  }
}

#map = affine_map<(d0, d1) -> (0, 0)>
#map1 = affine_map<(d0, d1) -> (0, 0, 0)>
module attributes {stable_mosaic.version = 14 : i64} {
  func.func @body(%arg0: i32, %arg1: i32, %arg2: memref<10000x128xf32, #tpu.memory_space<hbm>>, %arg3: memref<32x80x128xi32, #tpu.memory_space<hbm>>, %arg4: memref<32x80x128xi32, #tpu.memory_space<hbm>>, %arg5: memref<128x128xf32, #tpu.memory_space<hbm>>, %arg6: memref<2x10240x128xf32, #tpu.memory_space<hbm>>, %arg7: memref<8x128xi32, #tpu.memory_space<vmem>>, %arg8: memref<8x128xi32, #tpu.memory_space<vmem>>, %arg9: memref<8x128xi32, #tpu.memory_space<vmem>>, %arg10: memref<8x128xi32, #tpu.memory_space<vmem>>, %arg11: memref<128x128xf32, #tpu.memory_space<vmem>>, %arg12: memref<128x128xf32, #tpu.memory_space<vmem>>, %arg13: memref<10240x128xf32, #tpu.memory_space<vmem_shared>>, %arg14: memref<!tpu.dma_semaphore, #tpu.memory_space<semaphore_mem>>, %arg15: memref<!tpu.dma_semaphore, #tpu.memory_space<semaphore_mem>>, %arg16: memref<!tpu.dma_semaphore, #tpu.memory_space<semaphore_mem>>, %arg17: memref<!tpu.dma_semaphore, #tpu.memory_space<semaphore_mem>>) attributes {dimension_semantics = [#tpu.dimension_semantics<core_parallel>, #tpu.dimension_semantics<subcore_parallel>], iteration_bounds = array<i64: 2, 16>, scalar_prefetch = 0 : i64, scratch_operands = 11 : i64, tpu.core_type = #tpu.core_type<sc_vector_subcore>, window_params = [{transform_indices = #map}, {transform_indices = #map1}, {transform_indices = #map1}, {transform_indices = #map}, {transform_indices = #map1}]} {
    %mul3A = arith.constant 2 : i32
    %mul3A_0 = arith.muli %arg1, %mul3A : i32
    %add3A = arith.addi %mul3A_0, %arg0 : i32
    %mul3A_1 = arith.constant 640 : i32
    %mul3A_2 = arith.muli %arg1, %mul3A_1 : i32
    %add3A_3 = arith.constant 0 : i32
    %add3A_4 = arith.addi %mul3A_2, %add3A_3 : i32
    %dma_start3A = arith.constant 0 : i32
    %dma_start3A_5 = tpu.memref_slice %arg13[%add3A_4, %dma_start3A] : memref<10240x128xf32, #tpu.memory_space<vmem_shared>> -> memref<128x128xf32, #tpu.memory_space<vmem_shared>>
    tpu.enqueue_dma source(%arg5 : memref<128x128xf32, #tpu.memory_space<hbm>>) target(%dma_start3A_5 : memref<128x128xf32, #tpu.memory_space<vmem_shared>>) target_semaphore(%arg16 : memref<!tpu.dma_semaphore, #tpu.memory_space<semaphore_mem>>)
    %mul3A_6 = arith.constant 640 : i32
    %mul3A_7 = arith.muli %arg1, %mul3A_6 : i32
    %add3A_8 = arith.constant 128 : i32
    %add3A_9 = arith.addi %mul3A_7, %add3A_8 : i32
    %dma_start3A_10 = arith.constant 0 : i32
    %dma_start3A_11 = tpu.memref_slice %arg13[%add3A_9, %dma_start3A_10] : memref<10240x128xf32, #tpu.memory_space<vmem_shared>> -> memref<128x128xf32, #tpu.memory_space<vmem_shared>>
    tpu.enqueue_dma source(%arg5 : memref<128x128xf32, #tpu.memory_space<hbm>>) target(%dma_start3A_11 : memref<128x128xf32, #tpu.memory_space<vmem_shared>>) target_semaphore(%arg16 : memref<!tpu.dma_semaphore, #tpu.memory_space<semaphore_mem>>)
    %mul3A_12 = arith.constant 640 : i32
    %mul3A_13 = arith.muli %arg1, %mul3A_12 : i32
    %add3A_14 = arith.constant 256 : i32
    %add3A_15 = arith.addi %mul3A_13, %add3A_14 : i32
    %dma_start3A_16 = arith.constant 0 : i32
    %dma_start3A_17 = tpu.memref_slice %arg13[%add3A_15, %dma_start3A_16] : memref<10240x128xf32, #tpu.memory_space<vmem_shared>> -> memref<128x128xf32, #tpu.memory_space<vmem_shared>>
    tpu.enqueue_dma source(%arg5 : memref<128x128xf32, #tpu.memory_space<hbm>>) target(%dma_start3A_17 : memref<128x128xf32, #tpu.memory_space<vmem_shared>>) target_semaphore(%arg16 : memref<!tpu.dma_semaphore, #tpu.memory_space<semaphore_mem>>)
    %mul3A_18 = arith.constant 640 : i32
    %mul3A_19 = arith.muli %arg1, %mul3A_18 : i32
    %add3A_20 = arith.constant 384 : i32
    %add3A_21 = arith.addi %mul3A_19, %add3A_20 : i32
    %dma_start3A_22 = arith.constant 0 : i32
    %dma_start3A_23 = tpu.memref_slice %arg13[%add3A_21, %dma_start3A_22] : memref<10240x128xf32, #tpu.memory_space<vmem_shared>> -> memref<128x128xf32, #tpu.memory_space<vmem_shared>>
    tpu.enqueue_dma source(%arg5 : memref<128x128xf32, #tpu.memory_space<hbm>>) target(%dma_start3A_23 : memref<128x128xf32, #tpu.memory_space<vmem_shared>>) target_semaphore(%arg16 : memref<!tpu.dma_semaphore, #tpu.memory_space<semaphore_mem>>)
    %mul3A_24 = arith.constant 640 : i32
    %mul3A_25 = arith.muli %arg1, %mul3A_24 : i32
    %add3A_26 = arith.constant 512 : i32
    %add3A_27 = arith.addi %mul3A_25, %add3A_26 : i32
    %dma_start3A_28 = arith.constant 0 : i32
    %dma_start3A_29 = tpu.memref_slice %arg13[%add3A_27, %dma_start3A_28] : memref<10240x128xf32, #tpu.memory_space<vmem_shared>> -> memref<128x128xf32, #tpu.memory_space<vmem_shared>>
    tpu.enqueue_dma source(%arg5 : memref<128x128xf32, #tpu.memory_space<hbm>>) target(%dma_start3A_29 : memref<128x128xf32, #tpu.memory_space<vmem_shared>>) target_semaphore(%arg16 : memref<!tpu.dma_semaphore, #tpu.memory_space<semaphore_mem>>)
    %mul3A_30 = arith.constant 640 : i32
    %mul3A_31 = arith.muli %arg1, %mul3A_30 : i32
    %add3A_32 = arith.constant 0 : i32
    %add3A_33 = arith.addi %mul3A_31, %add3A_32 : i32
    %dma_wait3A = arith.constant 0 : i32
    %dma_wait3A_34 = tpu.memref_slice %arg13[%add3A_33, %dma_wait3A] : memref<10240x128xf32, #tpu.memory_space<vmem_shared>> -> memref<128x128xf32, #tpu.memory_space<vmem_shared>>
    tpu.wait_dma2 semaphore(%arg16 : memref<!tpu.dma_semaphore, #tpu.memory_space<semaphore_mem>>) src(%arg5 : memref<128x128xf32, #tpu.memory_space<hbm>>) dst(%dma_wait3A_34 : memref<128x128xf32, #tpu.memory_space<vmem_shared>>)
    %mul3A_35 = arith.constant 640 : i32
    %mul3A_36 = arith.muli %arg1, %mul3A_35 : i32
    %add3A_37 = arith.constant 128 : i32
    %add3A_38 = arith.addi %mul3A_36, %add3A_37 : i32
    %dma_wait3A_39 = arith.constant 0 : i32
    %dma_wait3A_40 = tpu.memref_slice %arg13[%add3A_38, %dma_wait3A_39] : memref<10240x128xf32, #tpu.memory_space<vmem_shared>> -> memref<128x128xf32, #tpu.memory_space<vmem_shared>>
    tpu.wait_dma2 semaphore(%arg16 : memref<!tpu.dma_semaphore, #tpu.memory_space<semaphore_mem>>) src(%arg5 : memref<128x128xf32, #tpu.memory_space<hbm>>) dst(%dma_wait3A_40 : memref<128x128xf32, #tpu.memory_space<vmem_shared>>)
    %mul3A_41 = arith.constant 640 : i32
    %mul3A_42 = arith.muli %arg1, %mul3A_41 : i32
    %add3A_43 = arith.constant 256 : i32
    %add3A_44 = arith.addi %mul3A_42, %add3A_43 : i32
    %dma_wait3A_45 = arith.constant 0 : i32
    %dma_wait3A_46 = tpu.memref_slice %arg13[%add3A_44, %dma_wait3A_45] : memref<10240x128xf32, #tpu.memory_space<vmem_shared>> -> memref<128x128xf32, #tpu.memory_space<vmem_shared>>
    tpu.wait_dma2 semaphore(%arg16 : memref<!tpu.dma_semaphore, #tpu.memory_space<semaphore_mem>>) src(%arg5 : memref<128x128xf32, #tpu.memory_space<hbm>>) dst(%dma_wait3A_46 : memref<128x128xf32, #tpu.memory_space<vmem_shared>>)
    %mul3A_47 = arith.constant 640 : i32
    %mul3A_48 = arith.muli %arg1, %mul3A_47 : i32
    %add3A_49 = arith.constant 384 : i32
    %add3A_50 = arith.addi %mul3A_48, %add3A_49 : i32
    %dma_wait3A_51 = arith.constant 0 : i32
    %dma_wait3A_52 = tpu.memref_slice %arg13[%add3A_50, %dma_wait3A_51] : memref<10240x128xf32, #tpu.memory_space<vmem_shared>> -> memref<128x128xf32, #tpu.memory_space<vmem_shared>>
    tpu.wait_dma2 semaphore(%arg16 : memref<!tpu.dma_semaphore, #tpu.memory_space<semaphore_mem>>) src(%arg5 : memref<128x128xf32, #tpu.memory_space<hbm>>) dst(%dma_wait3A_52 : memref<128x128xf32, #tpu.memory_space<vmem_shared>>)
    %mul3A_53 = arith.constant 640 : i32
    %mul3A_54 = arith.muli %arg1, %mul3A_53 : i32
    %add3A_55 = arith.constant 512 : i32
    %add3A_56 = arith.addi %mul3A_54, %add3A_55 : i32
    %dma_wait3A_57 = arith.constant 0 : i32
    %dma_wait3A_58 = tpu.memref_slice %arg13[%add3A_56, %dma_wait3A_57] : memref<10240x128xf32, #tpu.memory_space<vmem_shared>> -> memref<128x128xf32, #tpu.memory_space<vmem_shared>>
    tpu.wait_dma2 semaphore(%arg16 : memref<!tpu.dma_semaphore, #tpu.memory_space<semaphore_mem>>) src(%arg5 : memref<128x128xf32, #tpu.memory_space<hbm>>) dst(%dma_wait3A_58 : memref<128x128xf32, #tpu.memory_space<vmem_shared>>)
    %barrier3A = arith.constant 0 : index
    tpu.barrier barrier_id(%barrier3A)
    "tpu.region"() ({
      %run_scoped3A = tpu.sem_alloc : memref<!tpu.dma_semaphore, #tpu.memory_space<semaphore_mem>>
      %dma_start3A_83 = arith.constant 0 : i32
      %dma_start3A_84 = arith.constant 0 : i32
      %dma_start3A_85 = tpu.memref_slice %arg3[%add3A, %dma_start3A_83, %dma_start3A_84] : memref<32x80x128xi32, #tpu.memory_space<hbm>> -> memref<1x80x128xi32, #tpu.memory_space<hbm>>
      %dma_start3A_86 = tpu.memref_squeeze %dma_start3A_85 : memref<1x80x128xi32, #tpu.memory_space<hbm>> -> memref<80x128xi32, #tpu.memory_space<hbm>>
      %dma_start3A_87 = arith.constant 0 : i32
      %dma_start3A_88 = arith.constant 0 : i32
      %dma_start3A_89 = tpu.memref_slice %dma_start3A_86[%dma_start3A_87, %dma_start3A_88] : memref<80x128xi32, #tpu.memory_space<hbm>> -> memref<8x128xi32, #tpu.memory_space<hbm>>
      %dma_start3A_90 = arith.constant 0 : i32
      %dma_start3A_91 = arith.constant 0 : i32
      %dma_start3A_92 = tpu.memref_slice %arg3[%add3A, %dma_start3A_90, %dma_start3A_91] : memref<32x80x128xi32, #tpu.memory_space<hbm>> -> memref<1x80x128xi32, #tpu.memory_space<hbm>>
      %dma_start3A_93 = tpu.memref_squeeze %dma_start3A_92 : memref<1x80x128xi32, #tpu.memory_space<hbm>> -> memref<80x128xi32, #tpu.memory_space<hbm>>
      %dma_start3A_94 = arith.constant 0 : i32
      %dma_start3A_95 = arith.constant 0 : i32
      %dma_start3A_96 = tpu.memref_slice %dma_start3A_93[%dma_start3A_94, %dma_start3A_95] : memref<80x128xi32, #tpu.memory_space<hbm>> -> memref<8x128xi32, #tpu.memory_space<hbm>>
      tpu.enqueue_dma source(%dma_start3A_96 : memref<8x128xi32, #tpu.memory_space<hbm>>) target(%arg7 : memref<8x128xi32, #tpu.memory_space<vmem>>) target_semaphore(%run_scoped3A : memref<!tpu.dma_semaphore, #tpu.memory_space<semaphore_mem>>)
      %dma_wait3A_97 = arith.constant 0 : i32
      %dma_wait3A_98 = arith.constant 0 : i32
      %dma_wait3A_99 = tpu.memref_slice %arg3[%add3A, %dma_wait3A_97, %dma_wait3A_98] : memref<32x80x128xi32, #tpu.memory_space<hbm>> -> memref<1x80x128xi32, #tpu.memory_space<hbm>>
      %dma_wait3A_100 = tpu.memref_squeeze %dma_wait3A_99 : memref<1x80x128xi32, #tpu.memory_space<hbm>> -> memref<80x128xi32, #tpu.memory_space<hbm>>
      %dma_wait3A_101 = arith.constant 0 : i32
      %dma_wait3A_102 = arith.constant 0 : i32
      %dma_wait3A_103 = tpu.memref_slice %dma_wait3A_100[%dma_wait3A_101, %dma_wait3A_102] : memref<80x128xi32, #tpu.memory_space<hbm>> -> memref<8x128xi32, #tpu.memory_space<hbm>>
      %dma_wait3A_104 = arith.constant 0 : i32
      %dma_wait3A_105 = arith.constant 0 : i32
      %dma_wait3A_106 = tpu.memref_slice %arg3[%add3A, %dma_wait3A_104, %dma_wait3A_105] : memref<32x80x128xi32, #tpu.memory_space<hbm>> -> memref<1x80x128xi32, #tpu.memory_space<hbm>>
      %dma_wait3A_107 = tpu.memref_squeeze %dma_wait3A_106 : memref<1x80x128xi32, #tpu.memory_space<hbm>> -> memref<80x128xi32, #tpu.memory_space<hbm>>
      %dma_wait3A_108 = arith.constant 0 : i32
      %dma_wait3A_109 = arith.constant 0 : i32
      %dma_wait3A_110 = tpu.memref_slice %dma_wait3A_107[%dma_wait3A_108, %dma_wait3A_109] : memref<80x128xi32, #tpu.memory_space<hbm>> -> memref<8x128xi32, #tpu.memory_space<hbm>>
      tpu.wait_dma2 semaphore(%run_scoped3A : memref<!tpu.dma_semaphore, #tpu.memory_space<semaphore_mem>>) src(%dma_wait3A_110 : memref<8x128xi32, #tpu.memory_space<hbm>>) dst(%arg7 : memref<8x128xi32, #tpu.memory_space<vmem>>)
      tpu.yield
    }) : () -> ()
    "tpu.region"() ({
      %run_scoped3A = tpu.sem_alloc : memref<!tpu.dma_semaphore, #tpu.memory_space<semaphore_mem>>
      %dma_start3A_83 = arith.constant 0 : i32
      %dma_start3A_84 = arith.constant 0 : i32
      %dma_start3A_85 = tpu.memref_slice %arg4[%add3A, %dma_start3A_83, %dma_start3A_84] : memref<32x80x128xi32, #tpu.memory_space<hbm>> -> memref<1x80x128xi32, #tpu.memory_space<hbm>>
      %dma_start3A_86 = tpu.memref_squeeze %dma_start3A_85 : memref<1x80x128xi32, #tpu.memory_space<hbm>> -> memref<80x128xi32, #tpu.memory_space<hbm>>
      %dma_start3A_87 = arith.constant 0 : i32
      %dma_start3A_88 = arith.constant 0 : i32
      %dma_start3A_89 = tpu.memref_slice %dma_start3A_86[%dma_start3A_87, %dma_start3A_88] : memref<80x128xi32, #tpu.memory_space<hbm>> -> memref<8x128xi32, #tpu.memory_space<hbm>>
      %dma_start3A_90 = arith.constant 0 : i32
      %dma_start3A_91 = arith.constant 0 : i32
      %dma_start3A_92 = tpu.memref_slice %arg4[%add3A, %dma_start3A_90, %dma_start3A_91] : memref<32x80x128xi32, #tpu.memory_space<hbm>> -> memref<1x80x128xi32, #tpu.memory_space<hbm>>
      %dma_start3A_93 = tpu.memref_squeeze %dma_start3A_92 : memref<1x80x128xi32, #tpu.memory_space<hbm>> -> memref<80x128xi32, #tpu.memory_space<hbm>>
      %dma_start3A_94 = arith.constant 0 : i32
      %dma_start3A_95 = arith.constant 0 : i32
      %dma_start3A_96 = tpu.memref_slice %dma_start3A_93[%dma_start3A_94, %dma_start3A_95] : memref<80x128xi32, #tpu.memory_space<hbm>> -> memref<8x128xi32, #tpu.memory_space<hbm>>
      tpu.enqueue_dma source(%dma_start3A_96 : memref<8x128xi32, #tpu.memory_space<hbm>>) target(%arg8 : memref<8x128xi32, #tpu.memory_space<vmem>>) target_semaphore(%run_scoped3A : memref<!tpu.dma_semaphore, #tpu.memory_space<semaphore_mem>>)
      %dma_wait3A_97 = arith.constant 0 : i32
      %dma_wait3A_98 = arith.constant 0 : i32
      %dma_wait3A_99 = tpu.memref_slice %arg4[%add3A, %dma_wait3A_97, %dma_wait3A_98] : memref<32x80x128xi32, #tpu.memory_space<hbm>> -> memref<1x80x128xi32, #tpu.memory_space<hbm>>
      %dma_wait3A_100 = tpu.memref_squeeze %dma_wait3A_99 : memref<1x80x128xi32, #tpu.memory_space<hbm>> -> memref<80x128xi32, #tpu.memory_space<hbm>>
      %dma_wait3A_101 = arith.constant 0 : i32
      %dma_wait3A_102 = arith.constant 0 : i32
      %dma_wait3A_103 = tpu.memref_slice %dma_wait3A_100[%dma_wait3A_101, %dma_wait3A_102] : memref<80x128xi32, #tpu.memory_space<hbm>> -> memref<8x128xi32, #tpu.memory_space<hbm>>
      %dma_wait3A_104 = arith.constant 0 : i32
      %dma_wait3A_105 = arith.constant 0 : i32
      %dma_wait3A_106 = tpu.memref_slice %arg4[%add3A, %dma_wait3A_104, %dma_wait3A_105] : memref<32x80x128xi32, #tpu.memory_space<hbm>> -> memref<1x80x128xi32, #tpu.memory_space<hbm>>
      %dma_wait3A_107 = tpu.memref_squeeze %dma_wait3A_106 : memref<1x80x128xi32, #tpu.memory_space<hbm>> -> memref<80x128xi32, #tpu.memory_space<hbm>>
      %dma_wait3A_108 = arith.constant 0 : i32
      %dma_wait3A_109 = arith.constant 0 : i32
      %dma_wait3A_110 = tpu.memref_slice %dma_wait3A_107[%dma_wait3A_108, %dma_wait3A_109] : memref<80x128xi32, #tpu.memory_space<hbm>> -> memref<8x128xi32, #tpu.memory_space<hbm>>
      tpu.wait_dma2 semaphore(%run_scoped3A : memref<!tpu.dma_semaphore, #tpu.memory_space<semaphore_mem>>) src(%dma_wait3A_110 : memref<8x128xi32, #tpu.memory_space<hbm>>) dst(%arg8 : memref<8x128xi32, #tpu.memory_space<vmem>>)
      tpu.yield
    }) : () -> ()
    %dma_start3A_59 = arith.constant 0 : i32
    %dma_start3A_60 = arith.constant 0 : i32
    %dma_start3A_61 = tpu.memref_slice %arg7[%dma_start3A_59, %dma_start3A_60] : memref<8x128xi32, #tpu.memory_space<vmem>> -> memref<1x128xi32, #tpu.memory_space<vmem>>
    %dma_start3A_62 = tpu.memref_squeeze %dma_start3A_61 : memref<1x128xi32, #tpu.memory_space<vmem>> -> memref<128xi32, #tpu.memory_space<vmem>>
    %dma_start3A_63 = arith.constant 0 : i32
    %dma_start3A_64 = arith.constant 0 : i32
    %dma_start3A_65 = tpu.memref_slice %arg2[%dma_start3A_63, %dma_start3A_64] : memref<10000x128xf32, #tpu.memory_space<hbm>> -> memref<10000x128xf32, #tpu.memory_space<hbm>>
    tpu.enqueue_indirect_dma source(%dma_start3A_65 : memref<10000x128xf32, #tpu.memory_space<hbm>>) target(%arg11 : memref<128x128xf32, #tpu.memory_space<vmem>>) offsets(%dma_start3A_62 : memref<128xi32, #tpu.memory_space<vmem>>) semaphore(%arg14 : memref<!tpu.dma_semaphore, #tpu.memory_space<semaphore_mem>>)
    %dma_start3A_66 = arith.constant 1 : i32
    %dma_start3A_67 = arith.constant 0 : i32
    %dma_start3A_68 = tpu.memref_slice %arg7[%dma_start3A_66, %dma_start3A_67] : memref<8x128xi32, #tpu.memory_space<vmem>> -> memref<1x128xi32, #tpu.memory_space<vmem>>
    %dma_start3A_69 = tpu.memref_squeeze %dma_start3A_68 : memref<1x128xi32, #tpu.memory_space<vmem>> -> memref<128xi32, #tpu.memory_space<vmem>>
    %dma_start3A_70 = arith.constant 0 : i32
    %dma_start3A_71 = arith.constant 0 : i32
    %dma_start3A_72 = tpu.memref_slice %arg2[%dma_start3A_70, %dma_start3A_71] : memref<10000x128xf32, #tpu.memory_space<hbm>> -> memref<10000x128xf32, #tpu.memory_space<hbm>>
    tpu.enqueue_indirect_dma source(%dma_start3A_72 : memref<10000x128xf32, #tpu.memory_space<hbm>>) target(%arg12 : memref<128x128xf32, #tpu.memory_space<vmem>>) offsets(%dma_start3A_69 : memref<128xi32, #tpu.memory_space<vmem>>) semaphore(%arg15 : memref<!tpu.dma_semaphore, #tpu.memory_space<semaphore_mem>>)
    %scan3A = arith.constant 0 : i32
    %scan3A_73 = arith.constant 0 : i32
    %scan3A_74 = arith.constant 5 : i32
    %scan3A_75 = arith.addi %scan3A_73, %scan3A_74 : i32
    %scan3A_76 = arith.constant 1 : i32
    scf.for %scan3A_83 = %scan3A_73 to %scan3A_75 step %scan3A_76  : i32 {
      %mul3A_84 = arith.constant 2 : i32
      %mul3A_85 = arith.muli %scan3A_83, %mul3A_84 : i32
      %add3A_86 = arith.constant 1 : i32
      %add3A_87 = arith.addi %mul3A_85, %add3A_86 : i32
      %lt3A = arith.constant 10 : i32
      %lt3A_88 = arith.cmpi slt, %add3A_87, %lt3A : i32
      %convert_element_type3A = arith.extui %lt3A_88 : i1 to i32
      %cond3A = arith.constant 0 : i32
      %cond3A_89 = arith.cmpi ne, %convert_element_type3A, %cond3A : i32
      scf.if %cond3A_89 {
        %add3A_340 = arith.constant 1 : i32
        %add3A_341 = arith.addi %mul3A_85, %add3A_340 : i32
        %mul3A_342 = arith.constant 8 : i32
        %mul3A_343 = arith.muli %add3A_341, %mul3A_342 : i32
        %dma_start3A_344 = arith.constant 0 : i32
        %dma_start3A_345 = arith.constant 0 : i32
        %dma_start3A_346 = tpu.memref_slice %arg3[%add3A, %dma_start3A_344, %dma_start3A_345] : memref<32x80x128xi32, #tpu.memory_space<hbm>> -> memref<1x80x128xi32, #tpu.memory_space<hbm>>
        %dma_start3A_347 = tpu.memref_squeeze %dma_start3A_346 : memref<1x80x128xi32, #tpu.memory_space<hbm>> -> memref<80x128xi32, #tpu.memory_space<hbm>>
        %dma_start3A_348 = arith.constant 0 : i32
        %dma_start3A_349 = tpu.memref_slice %dma_start3A_347[%mul3A_343, %dma_start3A_348] : memref<80x128xi32, #tpu.memory_space<hbm>> -> memref<8x128xi32, #tpu.memory_space<hbm>>
        %dma_start3A_350 = arith.constant 0 : i32
        %dma_start3A_351 = arith.constant 0 : i32
        %dma_start3A_352 = tpu.memref_slice %arg3[%add3A, %dma_start3A_350, %dma_start3A_351] : memref<32x80x128xi32, #tpu.memory_space<hbm>> -> memref<1x80x128xi32, #tpu.memory_space<hbm>>
        %dma_start3A_353 = tpu.memref_squeeze %dma_start3A_352 : memref<1x80x128xi32, #tpu.memory_space<hbm>> -> memref<80x128xi32, #tpu.memory_space<hbm>>
        %dma_start3A_354 = arith.constant 0 : i32
        %dma_start3A_355 = tpu.memref_slice %dma_start3A_353[%mul3A_343, %dma_start3A_354] : memref<80x128xi32, #tpu.memory_space<hbm>> -> memref<8x128xi32, #tpu.memory_space<hbm>>
        tpu.enqueue_dma source(%dma_start3A_355 : memref<8x128xi32, #tpu.memory_space<hbm>>) target(%arg9 : memref<8x128xi32, #tpu.memory_space<vmem>>) target_semaphore(%arg17 : memref<!tpu.dma_semaphore, #tpu.memory_space<semaphore_mem>>)
        %mul3A_356 = arith.constant 8 : i32
        %mul3A_357 = arith.muli %add3A_341, %mul3A_356 : i32
        %dma_start3A_358 = arith.constant 0 : i32
        %dma_start3A_359 = arith.constant 0 : i32
        %dma_start3A_360 = tpu.memref_slice %arg4[%add3A, %dma_start3A_358, %dma_start3A_359] : memref<32x80x128xi32, #tpu.memory_space<hbm>> -> memref<1x80x128xi32, #tpu.memory_space<hbm>>
        %dma_start3A_361 = tpu.memref_squeeze %dma_start3A_360 : memref<1x80x128xi32, #tpu.memory_space<hbm>> -> memref<80x128xi32, #tpu.memory_space<hbm>>
        %dma_start3A_362 = arith.constant 0 : i32
        %dma_start3A_363 = tpu.memref_slice %dma_start3A_361[%mul3A_357, %dma_start3A_362] : memref<80x128xi32, #tpu.memory_space<hbm>> -> memref<8x128xi32, #tpu.memory_space<hbm>>
        %dma_start3A_364 = arith.constant 0 : i32
        %dma_start3A_365 = arith.constant 0 : i32
        %dma_start3A_366 = tpu.memref_slice %arg4[%add3A, %dma_start3A_364, %dma_start3A_365] : memref<32x80x128xi32, #tpu.memory_space<hbm>> -> memref<1x80x128xi32, #tpu.memory_space<hbm>>
        %dma_start3A_367 = tpu.memref_squeeze %dma_start3A_366 : memref<1x80x128xi32, #tpu.memory_space<hbm>> -> memref<80x128xi32, #tpu.memory_space<hbm>>
        %dma_start3A_368 = arith.constant 0 : i32
        %dma_start3A_369 = tpu.memref_slice %dma_start3A_367[%mul3A_357, %dma_start3A_368] : memref<80x128xi32, #tpu.memory_space<hbm>> -> memref<8x128xi32, #tpu.memory_space<hbm>>
        tpu.enqueue_dma source(%dma_start3A_369 : memref<8x128xi32, #tpu.memory_space<hbm>>) target(%arg10 : memref<8x128xi32, #tpu.memory_space<vmem>>) target_semaphore(%arg17 : memref<!tpu.dma_semaphore, #tpu.memory_space<semaphore_mem>>)
      } else {
      }
      %dma_wait3A_90 = arith.constant 0 : i32
      %dma_wait3A_91 = arith.constant 0 : i32
      %dma_wait3A_92 = tpu.memref_slice %arg7[%dma_wait3A_90, %dma_wait3A_91] : memref<8x128xi32, #tpu.memory_space<vmem>> -> memref<1x128xi32, #tpu.memory_space<vmem>>
      %dma_wait3A_93 = tpu.memref_squeeze %dma_wait3A_92 : memref<1x128xi32, #tpu.memory_space<vmem>> -> memref<128xi32, #tpu.memory_space<vmem>>
      %dma_wait3A_94 = arith.constant 0 : i32
      %dma_wait3A_95 = arith.constant 0 : i32
      %dma_wait3A_96 = tpu.memref_slice %arg2[%dma_wait3A_94, %dma_wait3A_95] : memref<10000x128xf32, #tpu.memory_space<hbm>> -> memref<10000x128xf32, #tpu.memory_space<hbm>>
      tpu.wait_indirect_dma semaphore(%arg14 : memref<!tpu.dma_semaphore, #tpu.memory_space<semaphore_mem>>) src(%dma_wait3A_96 : memref<10000x128xf32, #tpu.memory_space<hbm>>) dst(%arg11 : memref<128x128xf32, #tpu.memory_space<vmem>>)
      %run_scoped3A = arith.constant 0 : i32
      "tpu.region"() ({
        %run_scoped3A_340 = tpu.sem_alloc : memref<!tpu.dma_semaphore, #tpu.memory_space<semaphore_mem>>
        %dma_start3A_341 = arith.constant 0 : i32
        %dma_start3A_342 = tpu.memref_slice %arg8[%run_scoped3A, %dma_start3A_341] : memref<8x128xi32, #tpu.memory_space<vmem>> -> memref<1x128xi32, #tpu.memory_space<vmem>>
        %dma_start3A_343 = tpu.memref_squeeze %dma_start3A_342 : memref<1x128xi32, #tpu.memory_space<vmem>> -> memref<128xi32, #tpu.memory_space<vmem>>
        %dma_start3A_344 = arith.constant 0 : i32
        %dma_start3A_345 = arith.constant 0 : i32
        %dma_start3A_346 = tpu.memref_slice %arg13[%dma_start3A_344, %dma_start3A_345] : memref<10240x128xf32, #tpu.memory_space<vmem_shared>> -> memref<10240x128xf32, #tpu.memory_space<vmem_shared>>
        tpu.enqueue_indirect_dma source(%arg11 : memref<128x128xf32, #tpu.memory_space<vmem>>) target(%dma_start3A_346 : memref<10240x128xf32, #tpu.memory_space<vmem_shared>>) offsets(%dma_start3A_343 : memref<128xi32, #tpu.memory_space<vmem>>) semaphore(%run_scoped3A_340 : memref<!tpu.dma_semaphore, #tpu.memory_space<semaphore_mem>>) {add = true}
        %dma_wait3A_347 = arith.constant 0 : i32
        %dma_wait3A_348 = tpu.memref_slice %arg8[%run_scoped3A, %dma_wait3A_347] : memref<8x128xi32, #tpu.memory_space<vmem>> -> memref<1x128xi32, #tpu.memory_space<vmem>>
        %dma_wait3A_349 = tpu.memref_squeeze %dma_wait3A_348 : memref<1x128xi32, #tpu.memory_space<vmem>> -> memref<128xi32, #tpu.memory_space<vmem>>
        %dma_wait3A_350 = arith.constant 0 : i32
        %dma_wait3A_351 = arith.constant 0 : i32
        %dma_wait3A_352 = tpu.memref_slice %arg13[%dma_wait3A_350, %dma_wait3A_351] : memref<10240x128xf32, #tpu.memory_space<vmem_shared>> -> memref<10240x128xf32, #tpu.memory_space<vmem_shared>>
        tpu.wait_indirect_dma semaphore(%run_scoped3A_340 : memref<!tpu.dma_semaphore, #tpu.memory_space<semaphore_mem>>) src(%arg11 : memref<128x128xf32, #tpu.memory_space<vmem>>) dst(%dma_wait3A_352 : memref<10240x128xf32, #tpu.memory_space<vmem_shared>>)
        tpu.yield
      }) : () -> ()
      %dma_start3A_97 = arith.constant 2 : i32
      %dma_start3A_98 = arith.constant 0 : i32
      %dma_start3A_99 = tpu.memref_slice %arg7[%dma_start3A_97, %dma_start3A_98] : memref<8x128xi32, #tpu.memory_space<vmem>> -> memref<1x128xi32, #tpu.memory_space<vmem>>
      %dma_start3A_100 = tpu.memref_squeeze %dma_start3A_99 : memref<1x128xi32, #tpu.memory_space<vmem>> -> memref<128xi32, #tpu.memory_space<vmem>>
      %dma_start3A_101 = arith.constant 0 : i32
      %dma_start3A_102 = arith.constant 0 : i32
      %dma_start3A_103 = tpu.memref_slice %arg2[%dma_start3A_101, %dma_start3A_102] : memref<10000x128xf32, #tpu.memory_space<hbm>> -> memref<10000x128xf32, #tpu.memory_space<hbm>>
      tpu.enqueue_indirect_dma source(%dma_start3A_103 : memref<10000x128xf32, #tpu.memory_space<hbm>>) target(%arg11 : memref<128x128xf32, #tpu.memory_space<vmem>>) offsets(%dma_start3A_100 : memref<128xi32, #tpu.memory_space<vmem>>) semaphore(%arg14 : memref<!tpu.dma_semaphore, #tpu.memory_space<semaphore_mem>>)
      %dma_wait3A_104 = arith.constant 1 : i32
      %dma_wait3A_105 = arith.constant 0 : i32
      %dma_wait3A_106 = tpu.memref_slice %arg7[%dma_wait3A_104, %dma_wait3A_105] : memref<8x128xi32, #tpu.memory_space<vmem>> -> memref<1x128xi32, #tpu.memory_space<vmem>>
      %dma_wait3A_107 = tpu.memref_squeeze %dma_wait3A_106 : memref<1x128xi32, #tpu.memory_space<vmem>> -> memref<128xi32, #tpu.memory_space<vmem>>
      %dma_wait3A_108 = arith.constant 0 : i32
      %dma_wait3A_109 = arith.constant 0 : i32
      %dma_wait3A_110 = tpu.memref_slice %arg2[%dma_wait3A_108, %dma_wait3A_109] : memref<10000x128xf32, #tpu.memory_space<hbm>> -> memref<10000x128xf32, #tpu.memory_space<hbm>>
      tpu.wait_indirect_dma semaphore(%arg15 : memref<!tpu.dma_semaphore, #tpu.memory_space<semaphore_mem>>) src(%dma_wait3A_110 : memref<10000x128xf32, #tpu.memory_space<hbm>>) dst(%arg12 : memref<128x128xf32, #tpu.memory_space<vmem>>)
      %run_scoped3A_111 = arith.constant 1 : i32
      "tpu.region"() ({
        %run_scoped3A_340 = tpu.sem_alloc : memref<!tpu.dma_semaphore, #tpu.memory_space<semaphore_mem>>
        %dma_start3A_341 = arith.constant 0 : i32
        %dma_start3A_342 = tpu.memref_slice %arg8[%run_scoped3A_111, %dma_start3A_341] : memref<8x128xi32, #tpu.memory_space<vmem>> -> memref<1x128xi32, #tpu.memory_space<vmem>>
        %dma_start3A_343 = tpu.memref_squeeze %dma_start3A_342 : memref<1x128xi32, #tpu.memory_space<vmem>> -> memref<128xi32, #tpu.memory_space<vmem>>
        %dma_start3A_344 = arith.constant 0 : i32
        %dma_start3A_345 = arith.constant 0 : i32
        %dma_start3A_346 = tpu.memref_slice %arg13[%dma_start3A_344, %dma_start3A_345] : memref<10240x128xf32, #tpu.memory_space<vmem_shared>> -> memref<10240x128xf32, #tpu.memory_space<vmem_shared>>
        tpu.enqueue_indirect_dma source(%arg12 : memref<128x128xf32, #tpu.memory_space<vmem>>) target(%dma_start3A_346 : memref<10240x128xf32, #tpu.memory_space<vmem_shared>>) offsets(%dma_start3A_343 : memref<128xi32, #tpu.memory_space<vmem>>) semaphore(%run_scoped3A_340 : memref<!tpu.dma_semaphore, #tpu.memory_space<semaphore_mem>>) {add = true}
        %dma_wait3A_347 = arith.constant 0 : i32
        %dma_wait3A_348 = tpu.memref_slice %arg8[%run_scoped3A_111, %dma_wait3A_347] : memref<8x128xi32, #tpu.memory_space<vmem>> -> memref<1x128xi32, #tpu.memory_space<vmem>>
        %dma_wait3A_349 = tpu.memref_squeeze %dma_wait3A_348 : memref<1x128xi32, #tpu.memory_space<vmem>> -> memref<128xi32, #tpu.memory_space<vmem>>
        %dma_wait3A_350 = arith.constant 0 : i32
        %dma_wait3A_351 = arith.constant 0 : i32
        %dma_wait3A_352 = tpu.memref_slice %arg13[%dma_wait3A_350, %dma_wait3A_351] : memref<10240x128xf32, #tpu.memory_space<vmem_shared>> -> memref<10240x128xf32, #tpu.memory_space<vmem_shared>>
        tpu.wait_indirect_dma semaphore(%run_scoped3A_340 : memref<!tpu.dma_semaphore, #tpu.memory_space<semaphore_mem>>) src(%arg12 : memref<128x128xf32, #tpu.memory_space<vmem>>) dst(%dma_wait3A_352 : memref<10240x128xf32, #tpu.memory_space<vmem_shared>>)
        tpu.yield
      }) : () -> ()
      %dma_start3A_112 = arith.constant 3 : i32
      %dma_start3A_113 = arith.constant 0 : i32
      %dma_start3A_114 = tpu.memref_slice %arg7[%dma_start3A_112, %dma_start3A_113] : memref<8x128xi32, #tpu.memory_space<vmem>> -> memref<1x128xi32, #tpu.memory_space<vmem>>
      %dma_start3A_115 = tpu.memref_squeeze %dma_start3A_114 : memref<1x128xi32, #tpu.memory_space<vmem>> -> memref<128xi32, #tpu.memory_space<vmem>>
      %dma_start3A_116 = arith.constant 0 : i32
      %dma_start3A_117 = arith.constant 0 : i32
      %dma_start3A_118 = tpu.memref_slice %arg2[%dma_start3A_116, %dma_start3A_117] : memref<10000x128xf32, #tpu.memory_space<hbm>> -> memref<10000x128xf32, #tpu.memory_space<hbm>>
      tpu.enqueue_indirect_dma source(%dma_start3A_118 : memref<10000x128xf32, #tpu.memory_space<hbm>>) target(%arg12 : memref<128x128xf32, #tpu.memory_space<vmem>>) offsets(%dma_start3A_115 : memref<128xi32, #tpu.memory_space<vmem>>) semaphore(%arg15 : memref<!tpu.dma_semaphore, #tpu.memory_space<semaphore_mem>>)
      %dma_wait3A_119 = arith.constant 2 : i32
      %dma_wait3A_120 = arith.constant 0 : i32
      %dma_wait3A_121 = tpu.memref_slice %arg7[%dma_wait3A_119, %dma_wait3A_120] : memref<8x128xi32, #tpu.memory_space<vmem>> -> memref<1x128xi32, #tpu.memory_space<vmem>>
      %dma_wait3A_122 = tpu.memref_squeeze %dma_wait3A_121 : memref<1x128xi32, #tpu.memory_space<vmem>> -> memref<128xi32, #tpu.memory_space<vmem>>
      %dma_wait3A_123 = arith.constant 0 : i32
      %dma_wait3A_124 = arith.constant 0 : i32
      %dma_wait3A_125 = tpu.memref_slice %arg2[%dma_wait3A_123, %dma_wait3A_124] : memref<10000x128xf32, #tpu.memory_space<hbm>> -> memref<10000x128xf32, #tpu.memory_space<hbm>>
      tpu.wait_indirect_dma semaphore(%arg14 : memref<!tpu.dma_semaphore, #tpu.memory_space<semaphore_mem>>) src(%dma_wait3A_125 : memref<10000x128xf32, #tpu.memory_space<hbm>>) dst(%arg11 : memref<128x128xf32, #tpu.memory_space<vmem>>)
      %run_scoped3A_126 = arith.constant 2 : i32
      "tpu.region"() ({
        %run_scoped3A_340 = tpu.sem_alloc : memref<!tpu.dma_semaphore, #tpu.memory_space<semaphore_mem>>
        %dma_start3A_341 = arith.constant 0 : i32
        %dma_start3A_342 = tpu.memref_slice %arg8[%run_scoped3A_126, %dma_start3A_341] : memref<8x128xi32, #tpu.memory_space<vmem>> -> memref<1x128xi32, #tpu.memory_space<vmem>>
        %dma_start3A_343 = tpu.memref_squeeze %dma_start3A_342 : memref<1x128xi32, #tpu.memory_space<vmem>> -> memref<128xi32, #tpu.memory_space<vmem>>
        %dma_start3A_344 = arith.constant 0 : i32
        %dma_start3A_345 = arith.constant 0 : i32
        %dma_start3A_346 = tpu.memref_slice %arg13[%dma_start3A_344, %dma_start3A_345] : memref<10240x128xf32, #tpu.memory_space<vmem_shared>> -> memref<10240x128xf32, #tpu.memory_space<vmem_shared>>
        tpu.enqueue_indirect_dma source(%arg11 : memref<128x128xf32, #tpu.memory_space<vmem>>) target(%dma_start3A_346 : memref<10240x128xf32, #tpu.memory_space<vmem_shared>>) offsets(%dma_start3A_343 : memref<128xi32, #tpu.memory_space<vmem>>) semaphore(%run_scoped3A_340 : memref<!tpu.dma_semaphore, #tpu.memory_space<semaphore_mem>>) {add = true}
        %dma_wait3A_347 = arith.constant 0 : i32
        %dma_wait3A_348 = tpu.memref_slice %arg8[%run_scoped3A_126, %dma_wait3A_347] : memref<8x128xi32, #tpu.memory_space<vmem>> -> memref<1x128xi32, #tpu.memory_space<vmem>>
        %dma_wait3A_349 = tpu.memref_squeeze %dma_wait3A_348 : memref<1x128xi32, #tpu.memory_space<vmem>> -> memref<128xi32, #tpu.memory_space<vmem>>
        %dma_wait3A_350 = arith.constant 0 : i32
        %dma_wait3A_351 = arith.constant 0 : i32
        %dma_wait3A_352 = tpu.memref_slice %arg13[%dma_wait3A_350, %dma_wait3A_351] : memref<10240x128xf32, #tpu.memory_space<vmem_shared>> -> memref<10240x128xf32, #tpu.memory_space<vmem_shared>>
        tpu.wait_indirect_dma semaphore(%run_scoped3A_340 : memref<!tpu.dma_semaphore, #tpu.memory_space<semaphore_mem>>) src(%arg11 : memref<128x128xf32, #tpu.memory_space<vmem>>) dst(%dma_wait3A_352 : memref<10240x128xf32, #tpu.memory_space<vmem_shared>>)
        tpu.yield
      }) : () -> ()
      %dma_start3A_127 = arith.constant 4 : i32
      %dma_start3A_128 = arith.constant 0 : i32
      %dma_start3A_129 = tpu.memref_slice %arg7[%dma_start3A_127, %dma_start3A_128] : memref<8x128xi32, #tpu.memory_space<vmem>> -> memref<1x128xi32, #tpu.memory_space<vmem>>
      %dma_start3A_130 = tpu.memref_squeeze %dma_start3A_129 : memref<1x128xi32, #tpu.memory_space<vmem>> -> memref<128xi32, #tpu.memory_space<vmem>>
      %dma_start3A_131 = arith.constant 0 : i32
      %dma_start3A_132 = arith.constant 0 : i32
      %dma_start3A_133 = tpu.memref_slice %arg2[%dma_start3A_131, %dma_start3A_132] : memref<10000x128xf32, #tpu.memory_space<hbm>> -> memref<10000x128xf32, #tpu.memory_space<hbm>>
      tpu.enqueue_indirect_dma source(%dma_start3A_133 : memref<10000x128xf32, #tpu.memory_space<hbm>>) target(%arg11 : memref<128x128xf32, #tpu.memory_space<vmem>>) offsets(%dma_start3A_130 : memref<128xi32, #tpu.memory_space<vmem>>) semaphore(%arg14 : memref<!tpu.dma_semaphore, #tpu.memory_space<semaphore_mem>>)
      %dma_wait3A_134 = arith.constant 3 : i32
      %dma_wait3A_135 = arith.constant 0 : i32
      %dma_wait3A_136 = tpu.memref_slice %arg7[%dma_wait3A_134, %dma_wait3A_135] : memref<8x128xi32, #tpu.memory_space<vmem>> -> memref<1x128xi32, #tpu.memory_space<vmem>>
      %dma_wait3A_137 = tpu.memref_squeeze %dma_wait3A_136 : memref<1x128xi32, #tpu.memory_space<vmem>> -> memref<128xi32, #tpu.memory_space<vmem>>
      %dma_wait3A_138 = arith.constant 0 : i32
      %dma_wait3A_139 = arith.constant 0 : i32
      %dma_wait3A_140 = tpu.memref_slice %arg2[%dma_wait3A_138, %dma_wait3A_139] : memref<10000x128xf32, #tpu.memory_space<hbm>> -> memref<10000x128xf32, #tpu.memory_space<hbm>>
      tpu.wait_indirect_dma semaphore(%arg15 : memref<!tpu.dma_semaphore, #tpu.memory_space<semaphore_mem>>) src(%dma_wait3A_140 : memref<10000x128xf32, #tpu.memory_space<hbm>>) dst(%arg12 : memref<128x128xf32, #tpu.memory_space<vmem>>)
      %run_scoped3A_141 = arith.constant 3 : i32
      "tpu.region"() ({
        %run_scoped3A_340 = tpu.sem_alloc : memref<!tpu.dma_semaphore, #tpu.memory_space<semaphore_mem>>
        %dma_start3A_341 = arith.constant 0 : i32
        %dma_start3A_342 = tpu.memref_slice %arg8[%run_scoped3A_141, %dma_start3A_341] : memref<8x128xi32, #tpu.memory_space<vmem>> -> memref<1x128xi32, #tpu.memory_space<vmem>>
        %dma_start3A_343 = tpu.memref_squeeze %dma_start3A_342 : memref<1x128xi32, #tpu.memory_space<vmem>> -> memref<128xi32, #tpu.memory_space<vmem>>
        %dma_start3A_344 = arith.constant 0 : i32
        %dma_start3A_345 = arith.constant 0 : i32
        %dma_start3A_346 = tpu.memref_slice %arg13[%dma_start3A_344, %dma_start3A_345] : memref<10240x128xf32, #tpu.memory_space<vmem_shared>> -> memref<10240x128xf32, #tpu.memory_space<vmem_shared>>
        tpu.enqueue_indirect_dma source(%arg12 : memref<128x128xf32, #tpu.memory_space<vmem>>) target(%dma_start3A_346 : memref<10240x128xf32, #tpu.memory_space<vmem_shared>>) offsets(%dma_start3A_343 : memref<128xi32, #tpu.memory_space<vmem>>) semaphore(%run_scoped3A_340 : memref<!tpu.dma_semaphore, #tpu.memory_space<semaphore_mem>>) {add = true}
        %dma_wait3A_347 = arith.constant 0 : i32
        %dma_wait3A_348 = tpu.memref_slice %arg8[%run_scoped3A_141, %dma_wait3A_347] : memref<8x128xi32, #tpu.memory_space<vmem>> -> memref<1x128xi32, #tpu.memory_space<vmem>>
        %dma_wait3A_349 = tpu.memref_squeeze %dma_wait3A_348 : memref<1x128xi32, #tpu.memory_space<vmem>> -> memref<128xi32, #tpu.memory_space<vmem>>
        %dma_wait3A_350 = arith.constant 0 : i32
        %dma_wait3A_351 = arith.constant 0 : i32
        %dma_wait3A_352 = tpu.memref_slice %arg13[%dma_wait3A_350, %dma_wait3A_351] : memref<10240x128xf32, #tpu.memory_space<vmem_shared>> -> memref<10240x128xf32, #tpu.memory_space<vmem_shared>>
        tpu.wait_indirect_dma semaphore(%run_scoped3A_340 : memref<!tpu.dma_semaphore, #tpu.memory_space<semaphore_mem>>) src(%arg12 : memref<128x128xf32, #tpu.memory_space<vmem>>) dst(%dma_wait3A_352 : memref<10240x128xf32, #tpu.memory_space<vmem_shared>>)
        tpu.yield
      }) : () -> ()
      %dma_start3A_142 = arith.constant 5 : i32
      %dma_start3A_143 = arith.constant 0 : i32
      %dma_start3A_144 = tpu.memref_slice %arg7[%dma_start3A_142, %dma_start3A_143] : memref<8x128xi32, #tpu.memory_space<vmem>> -> memref<1x128xi32, #tpu.memory_space<vmem>>
      %dma_start3A_145 = tpu.memref_squeeze %dma_start3A_144 : memref<1x128xi32, #tpu.memory_space<vmem>> -> memref<128xi32, #tpu.memory_space<vmem>>
      %dma_start3A_146 = arith.constant 0 : i32
      %dma_start3A_147 = arith.constant 0 : i32
      %dma_start3A_148 = tpu.memref_slice %arg2[%dma_start3A_146, %dma_start3A_147] : memref<10000x128xf32, #tpu.memory_space<hbm>> -> memref<10000x128xf32, #tpu.memory_space<hbm>>
      tpu.enqueue_indirect_dma source(%dma_start3A_148 : memref<10000x128xf32, #tpu.memory_space<hbm>>) target(%arg12 : memref<128x128xf32, #tpu.memory_space<vmem>>) offsets(%dma_start3A_145 : memref<128xi32, #tpu.memory_space<vmem>>) semaphore(%arg15 : memref<!tpu.dma_semaphore, #tpu.memory_space<semaphore_mem>>)
      %dma_wait3A_149 = arith.constant 4 : i32
      %dma_wait3A_150 = arith.constant 0 : i32
      %dma_wait3A_151 = tpu.memref_slice %arg7[%dma_wait3A_149, %dma_wait3A_150] : memref<8x128xi32, #tpu.memory_space<vmem>> -> memref<1x128xi32, #tpu.memory_space<vmem>>
      %dma_wait3A_152 = tpu.memref_squeeze %dma_wait3A_151 : memref<1x128xi32, #tpu.memory_space<vmem>> -> memref<128xi32, #tpu.memory_space<vmem>>
      %dma_wait3A_153 = arith.constant 0 : i32
      %dma_wait3A_154 = arith.constant 0 : i32
      %dma_wait3A_155 = tpu.memref_slice %arg2[%dma_wait3A_153, %dma_wait3A_154] : memref<10000x128xf32, #tpu.memory_space<hbm>> -> memref<10000x128xf32, #tpu.memory_space<hbm>>
      tpu.wait_indirect_dma semaphore(%arg14 : memref<!tpu.dma_semaphore, #tpu.memory_space<semaphore_mem>>) src(%dma_wait3A_155 : memref<10000x128xf32, #tpu.memory_space<hbm>>) dst(%arg11 : memref<128x128xf32, #tpu.memory_space<vmem>>)
      %run_scoped3A_156 = arith.constant 4 : i32
      "tpu.region"() ({
        %run_scoped3A_340 = tpu.sem_alloc : memref<!tpu.dma_semaphore, #tpu.memory_space<semaphore_mem>>
        %dma_start3A_341 = arith.constant 0 : i32
        %dma_start3A_342 = tpu.memref_slice %arg8[%run_scoped3A_156, %dma_start3A_341] : memref<8x128xi32, #tpu.memory_space<vmem>> -> memref<1x128xi32, #tpu.memory_space<vmem>>
        %dma_start3A_343 = tpu.memref_squeeze %dma_start3A_342 : memref<1x128xi32, #tpu.memory_space<vmem>> -> memref<128xi32, #tpu.memory_space<vmem>>
        %dma_start3A_344 = arith.constant 0 : i32
        %dma_start3A_345 = arith.constant 0 : i32
        %dma_start3A_346 = tpu.memref_slice %arg13[%dma_start3A_344, %dma_start3A_345] : memref<10240x128xf32, #tpu.memory_space<vmem_shared>> -> memref<10240x128xf32, #tpu.memory_space<vmem_shared>>
        tpu.enqueue_indirect_dma source(%arg11 : memref<128x128xf32, #tpu.memory_space<vmem>>) target(%dma_start3A_346 : memref<10240x128xf32, #tpu.memory_space<vmem_shared>>) offsets(%dma_start3A_343 : memref<128xi32, #tpu.memory_space<vmem>>) semaphore(%run_scoped3A_340 : memref<!tpu.dma_semaphore, #tpu.memory_space<semaphore_mem>>) {add = true}
        %dma_wait3A_347 = arith.constant 0 : i32
        %dma_wait3A_348 = tpu.memref_slice %arg8[%run_scoped3A_156, %dma_wait3A_347] : memref<8x128xi32, #tpu.memory_space<vmem>> -> memref<1x128xi32, #tpu.memory_space<vmem>>
        %dma_wait3A_349 = tpu.memref_squeeze %dma_wait3A_348 : memref<1x128xi32, #tpu.memory_space<vmem>> -> memref<128xi32, #tpu.memory_space<vmem>>
        %dma_wait3A_350 = arith.constant 0 : i32
        %dma_wait3A_351 = arith.constant 0 : i32
        %dma_wait3A_352 = tpu.memref_slice %arg13[%dma_wait3A_350, %dma_wait3A_351] : memref<10240x128xf32, #tpu.memory_space<vmem_shared>> -> memref<10240x128xf32, #tpu.memory_space<vmem_shared>>
        tpu.wait_indirect_dma semaphore(%run_scoped3A_340 : memref<!tpu.dma_semaphore, #tpu.memory_space<semaphore_mem>>) src(%arg11 : memref<128x128xf32, #tpu.memory_space<vmem>>) dst(%dma_wait3A_352 : memref<10240x128xf32, #tpu.memory_space<vmem_shared>>)
        tpu.yield
      }) : () -> ()
      %dma_start3A_157 = arith.constant 6 : i32
      %dma_start3A_158 = arith.constant 0 : i32
      %dma_start3A_159 = tpu.memref_slice %arg7[%dma_start3A_157, %dma_start3A_158] : memref<8x128xi32, #tpu.memory_space<vmem>> -> memref<1x128xi32, #tpu.memory_space<vmem>>
      %dma_start3A_160 = tpu.memref_squeeze %dma_start3A_159 : memref<1x128xi32, #tpu.memory_space<vmem>> -> memref<128xi32, #tpu.memory_space<vmem>>
      %dma_start3A_161 = arith.constant 0 : i32
      %dma_start3A_162 = arith.constant 0 : i32
      %dma_start3A_163 = tpu.memref_slice %arg2[%dma_start3A_161, %dma_start3A_162] : memref<10000x128xf32, #tpu.memory_space<hbm>> -> memref<10000x128xf32, #tpu.memory_space<hbm>>
      tpu.enqueue_indirect_dma source(%dma_start3A_163 : memref<10000x128xf32, #tpu.memory_space<hbm>>) target(%arg11 : memref<128x128xf32, #tpu.memory_space<vmem>>) offsets(%dma_start3A_160 : memref<128xi32, #tpu.memory_space<vmem>>) semaphore(%arg14 : memref<!tpu.dma_semaphore, #tpu.memory_space<semaphore_mem>>)
      %dma_wait3A_164 = arith.constant 5 : i32
      %dma_wait3A_165 = arith.constant 0 : i32
      %dma_wait3A_166 = tpu.memref_slice %arg7[%dma_wait3A_164, %dma_wait3A_165] : memref<8x128xi32, #tpu.memory_space<vmem>> -> memref<1x128xi32, #tpu.memory_space<vmem>>
      %dma_wait3A_167 = tpu.memref_squeeze %dma_wait3A_166 : memref<1x128xi32, #tpu.memory_space<vmem>> -> memref<128xi32, #tpu.memory_space<vmem>>
      %dma_wait3A_168 = arith.constant 0 : i32
      %dma_wait3A_169 = arith.constant 0 : i32
      %dma_wait3A_170 = tpu.memref_slice %arg2[%dma_wait3A_168, %dma_wait3A_169] : memref<10000x128xf32, #tpu.memory_space<hbm>> -> memref<10000x128xf32, #tpu.memory_space<hbm>>
      tpu.wait_indirect_dma semaphore(%arg15 : memref<!tpu.dma_semaphore, #tpu.memory_space<semaphore_mem>>) src(%dma_wait3A_170 : memref<10000x128xf32, #tpu.memory_space<hbm>>) dst(%arg12 : memref<128x128xf32, #tpu.memory_space<vmem>>)
      %run_scoped3A_171 = arith.constant 5 : i32
      "tpu.region"() ({
        %run_scoped3A_340 = tpu.sem_alloc : memref<!tpu.dma_semaphore, #tpu.memory_space<semaphore_mem>>
        %dma_start3A_341 = arith.constant 0 : i32
        %dma_start3A_342 = tpu.memref_slice %arg8[%run_scoped3A_171, %dma_start3A_341] : memref<8x128xi32, #tpu.memory_space<vmem>> -> memref<1x128xi32, #tpu.memory_space<vmem>>
        %dma_start3A_343 = tpu.memref_squeeze %dma_start3A_342 : memref<1x128xi32, #tpu.memory_space<vmem>> -> memref<128xi32, #tpu.memory_space<vmem>>
        %dma_start3A_344 = arith.constant 0 : i32
        %dma_start3A_345 = arith.constant 0 : i32
        %dma_start3A_346 = tpu.memref_slice %arg13[%dma_start3A_344, %dma_start3A_345] : memref<10240x128xf32, #tpu.memory_space<vmem_shared>> -> memref<10240x128xf32, #tpu.memory_space<vmem_shared>>
        tpu.enqueue_indirect_dma source(%arg12 : memref<128x128xf32, #tpu.memory_space<vmem>>) target(%dma_start3A_346 : memref<10240x128xf32, #tpu.memory_space<vmem_shared>>) offsets(%dma_start3A_343 : memref<128xi32, #tpu.memory_space<vmem>>) semaphore(%run_scoped3A_340 : memref<!tpu.dma_semaphore, #tpu.memory_space<semaphore_mem>>) {add = true}
        %dma_wait3A_347 = arith.constant 0 : i32
        %dma_wait3A_348 = tpu.memref_slice %arg8[%run_scoped3A_171, %dma_wait3A_347] : memref<8x128xi32, #tpu.memory_space<vmem>> -> memref<1x128xi32, #tpu.memory_space<vmem>>
        %dma_wait3A_349 = tpu.memref_squeeze %dma_wait3A_348 : memref<1x128xi32, #tpu.memory_space<vmem>> -> memref<128xi32, #tpu.memory_space<vmem>>
        %dma_wait3A_350 = arith.constant 0 : i32
        %dma_wait3A_351 = arith.constant 0 : i32
        %dma_wait3A_352 = tpu.memref_slice %arg13[%dma_wait3A_350, %dma_wait3A_351] : memref<10240x128xf32, #tpu.memory_space<vmem_shared>> -> memref<10240x128xf32, #tpu.memory_space<vmem_shared>>
        tpu.wait_indirect_dma semaphore(%run_scoped3A_340 : memref<!tpu.dma_semaphore, #tpu.memory_space<semaphore_mem>>) src(%arg12 : memref<128x128xf32, #tpu.memory_space<vmem>>) dst(%dma_wait3A_352 : memref<10240x128xf32, #tpu.memory_space<vmem_shared>>)
        tpu.yield
      }) : () -> ()
      %dma_start3A_172 = arith.constant 7 : i32
      %dma_start3A_173 = arith.constant 0 : i32
      %dma_start3A_174 = tpu.memref_slice %arg7[%dma_start3A_172, %dma_start3A_173] : memref<8x128xi32, #tpu.memory_space<vmem>> -> memref<1x128xi32, #tpu.memory_space<vmem>>
      %dma_start3A_175 = tpu.memref_squeeze %dma_start3A_174 : memref<1x128xi32, #tpu.memory_space<vmem>> -> memref<128xi32, #tpu.memory_space<vmem>>
      %dma_start3A_176 = arith.constant 0 : i32
      %dma_start3A_177 = arith.constant 0 : i32
      %dma_start3A_178 = tpu.memref_slice %arg2[%dma_start3A_176, %dma_start3A_177] : memref<10000x128xf32, #tpu.memory_space<hbm>> -> memref<10000x128xf32, #tpu.memory_space<hbm>>
      tpu.enqueue_indirect_dma source(%dma_start3A_178 : memref<10000x128xf32, #tpu.memory_space<hbm>>) target(%arg12 : memref<128x128xf32, #tpu.memory_space<vmem>>) offsets(%dma_start3A_175 : memref<128xi32, #tpu.memory_space<vmem>>) semaphore(%arg15 : memref<!tpu.dma_semaphore, #tpu.memory_space<semaphore_mem>>)
      %dma_wait3A_179 = arith.constant 6 : i32
      %dma_wait3A_180 = arith.constant 0 : i32
      %dma_wait3A_181 = tpu.memref_slice %arg7[%dma_wait3A_179, %dma_wait3A_180] : memref<8x128xi32, #tpu.memory_space<vmem>> -> memref<1x128xi32, #tpu.memory_space<vmem>>
      %dma_wait3A_182 = tpu.memref_squeeze %dma_wait3A_181 : memref<1x128xi32, #tpu.memory_space<vmem>> -> memref<128xi32, #tpu.memory_space<vmem>>
      %dma_wait3A_183 = arith.constant 0 : i32
      %dma_wait3A_184 = arith.constant 0 : i32
      %dma_wait3A_185 = tpu.memref_slice %arg2[%dma_wait3A_183, %dma_wait3A_184] : memref<10000x128xf32, #tpu.memory_space<hbm>> -> memref<10000x128xf32, #tpu.memory_space<hbm>>
      tpu.wait_indirect_dma semaphore(%arg14 : memref<!tpu.dma_semaphore, #tpu.memory_space<semaphore_mem>>) src(%dma_wait3A_185 : memref<10000x128xf32, #tpu.memory_space<hbm>>) dst(%arg11 : memref<128x128xf32, #tpu.memory_space<vmem>>)
      %run_scoped3A_186 = arith.constant 6 : i32
      "tpu.region"() ({
        %run_scoped3A_340 = tpu.sem_alloc : memref<!tpu.dma_semaphore, #tpu.memory_space<semaphore_mem>>
        %dma_start3A_341 = arith.constant 0 : i32
        %dma_start3A_342 = tpu.memref_slice %arg8[%run_scoped3A_186, %dma_start3A_341] : memref<8x128xi32, #tpu.memory_space<vmem>> -> memref<1x128xi32, #tpu.memory_space<vmem>>
        %dma_start3A_343 = tpu.memref_squeeze %dma_start3A_342 : memref<1x128xi32, #tpu.memory_space<vmem>> -> memref<128xi32, #tpu.memory_space<vmem>>
        %dma_start3A_344 = arith.constant 0 : i32
        %dma_start3A_345 = arith.constant 0 : i32
        %dma_start3A_346 = tpu.memref_slice %arg13[%dma_start3A_344, %dma_start3A_345] : memref<10240x128xf32, #tpu.memory_space<vmem_shared>> -> memref<10240x128xf32, #tpu.memory_space<vmem_shared>>
        tpu.enqueue_indirect_dma source(%arg11 : memref<128x128xf32, #tpu.memory_space<vmem>>) target(%dma_start3A_346 : memref<10240x128xf32, #tpu.memory_space<vmem_shared>>) offsets(%dma_start3A_343 : memref<128xi32, #tpu.memory_space<vmem>>) semaphore(%run_scoped3A_340 : memref<!tpu.dma_semaphore, #tpu.memory_space<semaphore_mem>>) {add = true}
        %dma_wait3A_347 = arith.constant 0 : i32
        %dma_wait3A_348 = tpu.memref_slice %arg8[%run_scoped3A_186, %dma_wait3A_347] : memref<8x128xi32, #tpu.memory_space<vmem>> -> memref<1x128xi32, #tpu.memory_space<vmem>>
        %dma_wait3A_349 = tpu.memref_squeeze %dma_wait3A_348 : memref<1x128xi32, #tpu.memory_space<vmem>> -> memref<128xi32, #tpu.memory_space<vmem>>
        %dma_wait3A_350 = arith.constant 0 : i32
        %dma_wait3A_351 = arith.constant 0 : i32
        %dma_wait3A_352 = tpu.memref_slice %arg13[%dma_wait3A_350, %dma_wait3A_351] : memref<10240x128xf32, #tpu.memory_space<vmem_shared>> -> memref<10240x128xf32, #tpu.memory_space<vmem_shared>>
        tpu.wait_indirect_dma semaphore(%run_scoped3A_340 : memref<!tpu.dma_semaphore, #tpu.memory_space<semaphore_mem>>) src(%arg11 : memref<128x128xf32, #tpu.memory_space<vmem>>) dst(%dma_wait3A_352 : memref<10240x128xf32, #tpu.memory_space<vmem_shared>>)
        tpu.yield
      }) : () -> ()
      %add3A_187 = arith.constant 1 : i32
      %add3A_188 = arith.addi %mul3A_85, %add3A_187 : i32
      %lt3A_189 = arith.constant 10 : i32
      %lt3A_190 = arith.cmpi slt, %add3A_188, %lt3A_189 : i32
      %convert_element_type3A_191 = arith.extui %lt3A_190 : i1 to i32
      %cond3A_192 = arith.constant 0 : i32
      %cond3A_193 = arith.cmpi ne, %convert_element_type3A_191, %cond3A_192 : i32
      scf.if %cond3A_193 {
        %add3A_340 = arith.constant 1 : i32
        %add3A_341 = arith.addi %mul3A_85, %add3A_340 : i32
        %mul3A_342 = arith.constant 8 : i32
        %mul3A_343 = arith.muli %add3A_341, %mul3A_342 : i32
        %dma_wait3A_344 = arith.constant 0 : i32
        %dma_wait3A_345 = arith.constant 0 : i32
        %dma_wait3A_346 = tpu.memref_slice %arg3[%add3A, %dma_wait3A_344, %dma_wait3A_345] : memref<32x80x128xi32, #tpu.memory_space<hbm>> -> memref<1x80x128xi32, #tpu.memory_space<hbm>>
        %dma_wait3A_347 = tpu.memref_squeeze %dma_wait3A_346 : memref<1x80x128xi32, #tpu.memory_space<hbm>> -> memref<80x128xi32, #tpu.memory_space<hbm>>
        %dma_wait3A_348 = arith.constant 0 : i32
        %dma_wait3A_349 = tpu.memref_slice %dma_wait3A_347[%mul3A_343, %dma_wait3A_348] : memref<80x128xi32, #tpu.memory_space<hbm>> -> memref<8x128xi32, #tpu.memory_space<hbm>>
        %dma_wait3A_350 = arith.constant 0 : i32
        %dma_wait3A_351 = arith.constant 0 : i32
        %dma_wait3A_352 = tpu.memref_slice %arg3[%add3A, %dma_wait3A_350, %dma_wait3A_351] : memref<32x80x128xi32, #tpu.memory_space<hbm>> -> memref<1x80x128xi32, #tpu.memory_space<hbm>>
        %dma_wait3A_353 = tpu.memref_squeeze %dma_wait3A_352 : memref<1x80x128xi32, #tpu.memory_space<hbm>> -> memref<80x128xi32, #tpu.memory_space<hbm>>
        %dma_wait3A_354 = arith.constant 0 : i32
        %dma_wait3A_355 = tpu.memref_slice %dma_wait3A_353[%mul3A_343, %dma_wait3A_354] : memref<80x128xi32, #tpu.memory_space<hbm>> -> memref<8x128xi32, #tpu.memory_space<hbm>>
        tpu.wait_dma2 semaphore(%arg17 : memref<!tpu.dma_semaphore, #tpu.memory_space<semaphore_mem>>) src(%dma_wait3A_355 : memref<8x128xi32, #tpu.memory_space<hbm>>) dst(%arg9 : memref<8x128xi32, #tpu.memory_space<vmem>>)
        %mul3A_356 = arith.constant 8 : i32
        %mul3A_357 = arith.muli %add3A_341, %mul3A_356 : i32
        %dma_wait3A_358 = arith.constant 0 : i32
        %dma_wait3A_359 = arith.constant 0 : i32
        %dma_wait3A_360 = tpu.memref_slice %arg4[%add3A, %dma_wait3A_358, %dma_wait3A_359] : memref<32x80x128xi32, #tpu.memory_space<hbm>> -> memref<1x80x128xi32, #tpu.memory_space<hbm>>
        %dma_wait3A_361 = tpu.memref_squeeze %dma_wait3A_360 : memref<1x80x128xi32, #tpu.memory_space<hbm>> -> memref<80x128xi32, #tpu.memory_space<hbm>>
        %dma_wait3A_362 = arith.constant 0 : i32
        %dma_wait3A_363 = tpu.memref_slice %dma_wait3A_361[%mul3A_357, %dma_wait3A_362] : memref<80x128xi32, #tpu.memory_space<hbm>> -> memref<8x128xi32, #tpu.memory_space<hbm>>
        %dma_wait3A_364 = arith.constant 0 : i32
        %dma_wait3A_365 = arith.constant 0 : i32
        %dma_wait3A_366 = tpu.memref_slice %arg4[%add3A, %dma_wait3A_364, %dma_wait3A_365] : memref<32x80x128xi32, #tpu.memory_space<hbm>> -> memref<1x80x128xi32, #tpu.memory_space<hbm>>
        %dma_wait3A_367 = tpu.memref_squeeze %dma_wait3A_366 : memref<1x80x128xi32, #tpu.memory_space<hbm>> -> memref<80x128xi32, #tpu.memory_space<hbm>>
        %dma_wait3A_368 = arith.constant 0 : i32
        %dma_wait3A_369 = tpu.memref_slice %dma_wait3A_367[%mul3A_357, %dma_wait3A_368] : memref<80x128xi32, #tpu.memory_space<hbm>> -> memref<8x128xi32, #tpu.memory_space<hbm>>
        tpu.wait_dma2 semaphore(%arg17 : memref<!tpu.dma_semaphore, #tpu.memory_space<semaphore_mem>>) src(%dma_wait3A_369 : memref<8x128xi32, #tpu.memory_space<hbm>>) dst(%arg10 : memref<8x128xi32, #tpu.memory_space<vmem>>)
        %dma_start3A_370 = arith.constant 0 : i32
        %dma_start3A_371 = arith.constant 0 : i32
        %dma_start3A_372 = tpu.memref_slice %arg9[%dma_start3A_370, %dma_start3A_371] : memref<8x128xi32, #tpu.memory_space<vmem>> -> memref<1x128xi32, #tpu.memory_space<vmem>>
        %dma_start3A_373 = tpu.memref_squeeze %dma_start3A_372 : memref<1x128xi32, #tpu.memory_space<vmem>> -> memref<128xi32, #tpu.memory_space<vmem>>
        %dma_start3A_374 = arith.constant 0 : i32
        %dma_start3A_375 = arith.constant 0 : i32
        %dma_start3A_376 = tpu.memref_slice %arg2[%dma_start3A_374, %dma_start3A_375] : memref<10000x128xf32, #tpu.memory_space<hbm>> -> memref<10000x128xf32, #tpu.memory_space<hbm>>
        tpu.enqueue_indirect_dma source(%dma_start3A_376 : memref<10000x128xf32, #tpu.memory_space<hbm>>) target(%arg11 : memref<128x128xf32, #tpu.memory_space<vmem>>) offsets(%dma_start3A_373 : memref<128xi32, #tpu.memory_space<vmem>>) semaphore(%arg14 : memref<!tpu.dma_semaphore, #tpu.memory_space<semaphore_mem>>)
      } else {
      }
      %dma_wait3A_194 = arith.constant 7 : i32
      %dma_wait3A_195 = arith.constant 0 : i32
      %dma_wait3A_196 = tpu.memref_slice %arg7[%dma_wait3A_194, %dma_wait3A_195] : memref<8x128xi32, #tpu.memory_space<vmem>> -> memref<1x128xi32, #tpu.memory_space<vmem>>
      %dma_wait3A_197 = tpu.memref_squeeze %dma_wait3A_196 : memref<1x128xi32, #tpu.memory_space<vmem>> -> memref<128xi32, #tpu.memory_space<vmem>>
      %dma_wait3A_198 = arith.constant 0 : i32
      %dma_wait3A_199 = arith.constant 0 : i32
      %dma_wait3A_200 = tpu.memref_slice %arg2[%dma_wait3A_198, %dma_wait3A_199] : memref<10000x128xf32, #tpu.memory_space<hbm>> -> memref<10000x128xf32, #tpu.memory_space<hbm>>
      tpu.wait_indirect_dma semaphore(%arg15 : memref<!tpu.dma_semaphore, #tpu.memory_space<semaphore_mem>>) src(%dma_wait3A_200 : memref<10000x128xf32, #tpu.memory_space<hbm>>) dst(%arg12 : memref<128x128xf32, #tpu.memory_space<vmem>>)
      %run_scoped3A_201 = arith.constant 7 : i32
      "tpu.region"() ({
        %run_scoped3A_340 = tpu.sem_alloc : memref<!tpu.dma_semaphore, #tpu.memory_space<semaphore_mem>>
        %dma_start3A_341 = arith.constant 0 : i32
        %dma_start3A_342 = tpu.memref_slice %arg8[%run_scoped3A_201, %dma_start3A_341] : memref<8x128xi32, #tpu.memory_space<vmem>> -> memref<1x128xi32, #tpu.memory_space<vmem>>
        %dma_start3A_343 = tpu.memref_squeeze %dma_start3A_342 : memref<1x128xi32, #tpu.memory_space<vmem>> -> memref<128xi32, #tpu.memory_space<vmem>>
        %dma_start3A_344 = arith.constant 0 : i32
        %dma_start3A_345 = arith.constant 0 : i32
        %dma_start3A_346 = tpu.memref_slice %arg13[%dma_start3A_344, %dma_start3A_345] : memref<10240x128xf32, #tpu.memory_space<vmem_shared>> -> memref<10240x128xf32, #tpu.memory_space<vmem_shared>>
        tpu.enqueue_indirect_dma source(%arg12 : memref<128x128xf32, #tpu.memory_space<vmem>>) target(%dma_start3A_346 : memref<10240x128xf32, #tpu.memory_space<vmem_shared>>) offsets(%dma_start3A_343 : memref<128xi32, #tpu.memory_space<vmem>>) semaphore(%run_scoped3A_340 : memref<!tpu.dma_semaphore, #tpu.memory_space<semaphore_mem>>) {add = true}
        %dma_wait3A_347 = arith.constant 0 : i32
        %dma_wait3A_348 = tpu.memref_slice %arg8[%run_scoped3A_201, %dma_wait3A_347] : memref<8x128xi32, #tpu.memory_space<vmem>> -> memref<1x128xi32, #tpu.memory_space<vmem>>
        %dma_wait3A_349 = tpu.memref_squeeze %dma_wait3A_348 : memref<1x128xi32, #tpu.memory_space<vmem>> -> memref<128xi32, #tpu.memory_space<vmem>>
        %dma_wait3A_350 = arith.constant 0 : i32
        %dma_wait3A_351 = arith.constant 0 : i32
        %dma_wait3A_352 = tpu.memref_slice %arg13[%dma_wait3A_350, %dma_wait3A_351] : memref<10240x128xf32, #tpu.memory_space<vmem_shared>> -> memref<10240x128xf32, #tpu.memory_space<vmem_shared>>
        tpu.wait_indirect_dma semaphore(%run_scoped3A_340 : memref<!tpu.dma_semaphore, #tpu.memory_space<semaphore_mem>>) src(%arg12 : memref<128x128xf32, #tpu.memory_space<vmem>>) dst(%dma_wait3A_352 : memref<10240x128xf32, #tpu.memory_space<vmem_shared>>)
        tpu.yield
      }) : () -> ()
      %add3A_202 = arith.constant 1 : i32
      %add3A_203 = arith.addi %mul3A_85, %add3A_202 : i32
      %lt3A_204 = arith.constant 10 : i32
      %lt3A_205 = arith.cmpi slt, %add3A_203, %lt3A_204 : i32
      %convert_element_type3A_206 = arith.extui %lt3A_205 : i1 to i32
      %cond3A_207 = arith.constant 0 : i32
      %cond3A_208 = arith.cmpi ne, %convert_element_type3A_206, %cond3A_207 : i32
      scf.if %cond3A_208 {
        %dma_start3A_340 = arith.constant 1 : i32
        %dma_start3A_341 = arith.constant 0 : i32
        %dma_start3A_342 = tpu.memref_slice %arg9[%dma_start3A_340, %dma_start3A_341] : memref<8x128xi32, #tpu.memory_space<vmem>> -> memref<1x128xi32, #tpu.memory_space<vmem>>
        %dma_start3A_343 = tpu.memref_squeeze %dma_start3A_342 : memref<1x128xi32, #tpu.memory_space<vmem>> -> memref<128xi32, #tpu.memory_space<vmem>>
        %dma_start3A_344 = arith.constant 0 : i32
        %dma_start3A_345 = arith.constant 0 : i32
        %dma_start3A_346 = tpu.memref_slice %arg2[%dma_start3A_344, %dma_start3A_345] : memref<10000x128xf32, #tpu.memory_space<hbm>> -> memref<10000x128xf32, #tpu.memory_space<hbm>>
        tpu.enqueue_indirect_dma source(%dma_start3A_346 : memref<10000x128xf32, #tpu.memory_space<hbm>>) target(%arg12 : memref<128x128xf32, #tpu.memory_space<vmem>>) offsets(%dma_start3A_343 : memref<128xi32, #tpu.memory_space<vmem>>) semaphore(%arg15 : memref<!tpu.dma_semaphore, #tpu.memory_space<semaphore_mem>>)
      } else {
      }
      %mul3A_209 = arith.constant 2 : i32
      %mul3A_210 = arith.muli %scan3A_83, %mul3A_209 : i32
      %add3A_211 = arith.constant 1 : i32
      %add3A_212 = arith.addi %mul3A_210, %add3A_211 : i32
      %add3A_213 = arith.constant 1 : i32
      %add3A_214 = arith.addi %add3A_212, %add3A_213 : i32
      %lt3A_215 = arith.constant 10 : i32
      %lt3A_216 = arith.cmpi slt, %add3A_214, %lt3A_215 : i32
      %convert_element_type3A_217 = arith.extui %lt3A_216 : i1 to i32
      %cond3A_218 = arith.constant 0 : i32
      %cond3A_219 = arith.cmpi ne, %convert_element_type3A_217, %cond3A_218 : i32
      scf.if %cond3A_219 {
        %add3A_340 = arith.constant 1 : i32
        %add3A_341 = arith.addi %add3A_212, %add3A_340 : i32
        %mul3A_342 = arith.constant 8 : i32
        %mul3A_343 = arith.muli %add3A_341, %mul3A_342 : i32
        %dma_start3A_344 = arith.constant 0 : i32
        %dma_start3A_345 = arith.constant 0 : i32
        %dma_start3A_346 = tpu.memref_slice %arg3[%add3A, %dma_start3A_344, %dma_start3A_345] : memref<32x80x128xi32, #tpu.memory_space<hbm>> -> memref<1x80x128xi32, #tpu.memory_space<hbm>>
        %dma_start3A_347 = tpu.memref_squeeze %dma_start3A_346 : memref<1x80x128xi32, #tpu.memory_space<hbm>> -> memref<80x128xi32, #tpu.memory_space<hbm>>
        %dma_start3A_348 = arith.constant 0 : i32
        %dma_start3A_349 = tpu.memref_slice %dma_start3A_347[%mul3A_343, %dma_start3A_348] : memref<80x128xi32, #tpu.memory_space<hbm>> -> memref<8x128xi32, #tpu.memory_space<hbm>>
        %dma_start3A_350 = arith.constant 0 : i32
        %dma_start3A_351 = arith.constant 0 : i32
        %dma_start3A_352 = tpu.memref_slice %arg3[%add3A, %dma_start3A_350, %dma_start3A_351] : memref<32x80x128xi32, #tpu.memory_space<hbm>> -> memref<1x80x128xi32, #tpu.memory_space<hbm>>
        %dma_start3A_353 = tpu.memref_squeeze %dma_start3A_352 : memref<1x80x128xi32, #tpu.memory_space<hbm>> -> memref<80x128xi32, #tpu.memory_space<hbm>>
        %dma_start3A_354 = arith.constant 0 : i32
        %dma_start3A_355 = tpu.memref_slice %dma_start3A_353[%mul3A_343, %dma_start3A_354] : memref<80x128xi32, #tpu.memory_space<hbm>> -> memref<8x128xi32, #tpu.memory_space<hbm>>
        tpu.enqueue_dma source(%dma_start3A_355 : memref<8x128xi32, #tpu.memory_space<hbm>>) target(%arg7 : memref<8x128xi32, #tpu.memory_space<vmem>>) target_semaphore(%arg16 : memref<!tpu.dma_semaphore, #tpu.memory_space<semaphore_mem>>)
        %mul3A_356 = arith.constant 8 : i32
        %mul3A_357 = arith.muli %add3A_341, %mul3A_356 : i32
        %dma_start3A_358 = arith.constant 0 : i32
        %dma_start3A_359 = arith.constant 0 : i32
        %dma_start3A_360 = tpu.memref_slice %arg4[%add3A, %dma_start3A_358, %dma_start3A_359] : memref<32x80x128xi32, #tpu.memory_space<hbm>> -> memref<1x80x128xi32, #tpu.memory_space<hbm>>
        %dma_start3A_361 = tpu.memref_squeeze %dma_start3A_360 : memref<1x80x128xi32, #tpu.memory_space<hbm>> -> memref<80x128xi32, #tpu.memory_space<hbm>>
        %dma_start3A_362 = arith.constant 0 : i32
        %dma_start3A_363 = tpu.memref_slice %dma_start3A_361[%mul3A_357, %dma_start3A_362] : memref<80x128xi32, #tpu.memory_space<hbm>> -> memref<8x128xi32, #tpu.memory_space<hbm>>
        %dma_start3A_364 = arith.constant 0 : i32
        %dma_start3A_365 = arith.constant 0 : i32
        %dma_start3A_366 = tpu.memref_slice %arg4[%add3A, %dma_start3A_364, %dma_start3A_365] : memref<32x80x128xi32, #tpu.memory_space<hbm>> -> memref<1x80x128xi32, #tpu.memory_space<hbm>>
        %dma_start3A_367 = tpu.memref_squeeze %dma_start3A_366 : memref<1x80x128xi32, #tpu.memory_space<hbm>> -> memref<80x128xi32, #tpu.memory_space<hbm>>
        %dma_start3A_368 = arith.constant 0 : i32
        %dma_start3A_369 = tpu.memref_slice %dma_start3A_367[%mul3A_357, %dma_start3A_368] : memref<80x128xi32, #tpu.memory_space<hbm>> -> memref<8x128xi32, #tpu.memory_space<hbm>>
        tpu.enqueue_dma source(%dma_start3A_369 : memref<8x128xi32, #tpu.memory_space<hbm>>) target(%arg8 : memref<8x128xi32, #tpu.memory_space<vmem>>) target_semaphore(%arg16 : memref<!tpu.dma_semaphore, #tpu.memory_space<semaphore_mem>>)
      } else {
      }
      %dma_wait3A_220 = arith.constant 0 : i32
      %dma_wait3A_221 = arith.constant 0 : i32
      %dma_wait3A_222 = tpu.memref_slice %arg9[%dma_wait3A_220, %dma_wait3A_221] : memref<8x128xi32, #tpu.memory_space<vmem>> -> memref<1x128xi32, #tpu.memory_space<vmem>>
      %dma_wait3A_223 = tpu.memref_squeeze %dma_wait3A_222 : memref<1x128xi32, #tpu.memory_space<vmem>> -> memref<128xi32, #tpu.memory_space<vmem>>
      %dma_wait3A_224 = arith.constant 0 : i32
      %dma_wait3A_225 = arith.constant 0 : i32
      %dma_wait3A_226 = tpu.memref_slice %arg2[%dma_wait3A_224, %dma_wait3A_225] : memref<10000x128xf32, #tpu.memory_space<hbm>> -> memref<10000x128xf32, #tpu.memory_space<hbm>>
      tpu.wait_indirect_dma semaphore(%arg14 : memref<!tpu.dma_semaphore, #tpu.memory_space<semaphore_mem>>) src(%dma_wait3A_226 : memref<10000x128xf32, #tpu.memory_space<hbm>>) dst(%arg11 : memref<128x128xf32, #tpu.memory_space<vmem>>)
      %run_scoped3A_227 = arith.constant 0 : i32
      "tpu.region"() ({
        %run_scoped3A_340 = tpu.sem_alloc : memref<!tpu.dma_semaphore, #tpu.memory_space<semaphore_mem>>
        %dma_start3A_341 = arith.constant 0 : i32
        %dma_start3A_342 = tpu.memref_slice %arg10[%run_scoped3A_227, %dma_start3A_341] : memref<8x128xi32, #tpu.memory_space<vmem>> -> memref<1x128xi32, #tpu.memory_space<vmem>>
        %dma_start3A_343 = tpu.memref_squeeze %dma_start3A_342 : memref<1x128xi32, #tpu.memory_space<vmem>> -> memref<128xi32, #tpu.memory_space<vmem>>
        %dma_start3A_344 = arith.constant 0 : i32
        %dma_start3A_345 = arith.constant 0 : i32
        %dma_start3A_346 = tpu.memref_slice %arg13[%dma_start3A_344, %dma_start3A_345] : memref<10240x128xf32, #tpu.memory_space<vmem_shared>> -> memref<10240x128xf32, #tpu.memory_space<vmem_shared>>
        tpu.enqueue_indirect_dma source(%arg11 : memref<128x128xf32, #tpu.memory_space<vmem>>) target(%dma_start3A_346 : memref<10240x128xf32, #tpu.memory_space<vmem_shared>>) offsets(%dma_start3A_343 : memref<128xi32, #tpu.memory_space<vmem>>) semaphore(%run_scoped3A_340 : memref<!tpu.dma_semaphore, #tpu.memory_space<semaphore_mem>>) {add = true}
        %dma_wait3A_347 = arith.constant 0 : i32
        %dma_wait3A_348 = tpu.memref_slice %arg10[%run_scoped3A_227, %dma_wait3A_347] : memref<8x128xi32, #tpu.memory_space<vmem>> -> memref<1x128xi32, #tpu.memory_space<vmem>>
        %dma_wait3A_349 = tpu.memref_squeeze %dma_wait3A_348 : memref<1x128xi32, #tpu.memory_space<vmem>> -> memref<128xi32, #tpu.memory_space<vmem>>
        %dma_wait3A_350 = arith.constant 0 : i32
        %dma_wait3A_351 = arith.constant 0 : i32
        %dma_wait3A_352 = tpu.memref_slice %arg13[%dma_wait3A_350, %dma_wait3A_351] : memref<10240x128xf32, #tpu.memory_space<vmem_shared>> -> memref<10240x128xf32, #tpu.memory_space<vmem_shared>>
        tpu.wait_indirect_dma semaphore(%run_scoped3A_340 : memref<!tpu.dma_semaphore, #tpu.memory_space<semaphore_mem>>) src(%arg11 : memref<128x128xf32, #tpu.memory_space<vmem>>) dst(%dma_wait3A_352 : memref<10240x128xf32, #tpu.memory_space<vmem_shared>>)
        tpu.yield
      }) : () -> ()
      %dma_start3A_228 = arith.constant 2 : i32
      %dma_start3A_229 = arith.constant 0 : i32
      %dma_start3A_230 = tpu.memref_slice %arg9[%dma_start3A_228, %dma_start3A_229] : memref<8x128xi32, #tpu.memory_space<vmem>> -> memref<1x128xi32, #tpu.memory_space<vmem>>
      %dma_start3A_231 = tpu.memref_squeeze %dma_start3A_230 : memref<1x128xi32, #tpu.memory_space<vmem>> -> memref<128xi32, #tpu.memory_space<vmem>>
      %dma_start3A_232 = arith.constant 0 : i32
      %dma_start3A_233 = arith.constant 0 : i32
      %dma_start3A_234 = tpu.memref_slice %arg2[%dma_start3A_232, %dma_start3A_233] : memref<10000x128xf32, #tpu.memory_space<hbm>> -> memref<10000x128xf32, #tpu.memory_space<hbm>>
      tpu.enqueue_indirect_dma source(%dma_start3A_234 : memref<10000x128xf32, #tpu.memory_space<hbm>>) target(%arg11 : memref<128x128xf32, #tpu.memory_space<vmem>>) offsets(%dma_start3A_231 : memref<128xi32, #tpu.memory_space<vmem>>) semaphore(%arg14 : memref<!tpu.dma_semaphore, #tpu.memory_space<semaphore_mem>>)
      %dma_wait3A_235 = arith.constant 1 : i32
      %dma_wait3A_236 = arith.constant 0 : i32
      %dma_wait3A_237 = tpu.memref_slice %arg9[%dma_wait3A_235, %dma_wait3A_236] : memref<8x128xi32, #tpu.memory_space<vmem>> -> memref<1x128xi32, #tpu.memory_space<vmem>>
      %dma_wait3A_238 = tpu.memref_squeeze %dma_wait3A_237 : memref<1x128xi32, #tpu.memory_space<vmem>> -> memref<128xi32, #tpu.memory_space<vmem>>
      %dma_wait3A_239 = arith.constant 0 : i32
      %dma_wait3A_240 = arith.constant 0 : i32
      %dma_wait3A_241 = tpu.memref_slice %arg2[%dma_wait3A_239, %dma_wait3A_240] : memref<10000x128xf32, #tpu.memory_space<hbm>> -> memref<10000x128xf32, #tpu.memory_space<hbm>>
      tpu.wait_indirect_dma semaphore(%arg15 : memref<!tpu.dma_semaphore, #tpu.memory_space<semaphore_mem>>) src(%dma_wait3A_241 : memref<10000x128xf32, #tpu.memory_space<hbm>>) dst(%arg12 : memref<128x128xf32, #tpu.memory_space<vmem>>)
      %run_scoped3A_242 = arith.constant 1 : i32
      "tpu.region"() ({
        %run_scoped3A_340 = tpu.sem_alloc : memref<!tpu.dma_semaphore, #tpu.memory_space<semaphore_mem>>
        %dma_start3A_341 = arith.constant 0 : i32
        %dma_start3A_342 = tpu.memref_slice %arg10[%run_scoped3A_242, %dma_start3A_341] : memref<8x128xi32, #tpu.memory_space<vmem>> -> memref<1x128xi32, #tpu.memory_space<vmem>>
        %dma_start3A_343 = tpu.memref_squeeze %dma_start3A_342 : memref<1x128xi32, #tpu.memory_space<vmem>> -> memref<128xi32, #tpu.memory_space<vmem>>
        %dma_start3A_344 = arith.constant 0 : i32
        %dma_start3A_345 = arith.constant 0 : i32
        %dma_start3A_346 = tpu.memref_slice %arg13[%dma_start3A_344, %dma_start3A_345] : memref<10240x128xf32, #tpu.memory_space<vmem_shared>> -> memref<10240x128xf32, #tpu.memory_space<vmem_shared>>
        tpu.enqueue_indirect_dma source(%arg12 : memref<128x128xf32, #tpu.memory_space<vmem>>) target(%dma_start3A_346 : memref<10240x128xf32, #tpu.memory_space<vmem_shared>>) offsets(%dma_start3A_343 : memref<128xi32, #tpu.memory_space<vmem>>) semaphore(%run_scoped3A_340 : memref<!tpu.dma_semaphore, #tpu.memory_space<semaphore_mem>>) {add = true}
        %dma_wait3A_347 = arith.constant 0 : i32
        %dma_wait3A_348 = tpu.memref_slice %arg10[%run_scoped3A_242, %dma_wait3A_347] : memref<8x128xi32, #tpu.memory_space<vmem>> -> memref<1x128xi32, #tpu.memory_space<vmem>>
        %dma_wait3A_349 = tpu.memref_squeeze %dma_wait3A_348 : memref<1x128xi32, #tpu.memory_space<vmem>> -> memref<128xi32, #tpu.memory_space<vmem>>
        %dma_wait3A_350 = arith.constant 0 : i32
        %dma_wait3A_351 = arith.constant 0 : i32
        %dma_wait3A_352 = tpu.memref_slice %arg13[%dma_wait3A_350, %dma_wait3A_351] : memref<10240x128xf32, #tpu.memory_space<vmem_shared>> -> memref<10240x128xf32, #tpu.memory_space<vmem_shared>>
        tpu.wait_indirect_dma semaphore(%run_scoped3A_340 : memref<!tpu.dma_semaphore, #tpu.memory_space<semaphore_mem>>) src(%arg12 : memref<128x128xf32, #tpu.memory_space<vmem>>) dst(%dma_wait3A_352 : memref<10240x128xf32, #tpu.memory_space<vmem_shared>>)
        tpu.yield
      }) : () -> ()
      %dma_start3A_243 = arith.constant 3 : i32
      %dma_start3A_244 = arith.constant 0 : i32
      %dma_start3A_245 = tpu.memref_slice %arg9[%dma_start3A_243, %dma_start3A_244] : memref<8x128xi32, #tpu.memory_space<vmem>> -> memref<1x128xi32, #tpu.memory_space<vmem>>
      %dma_start3A_246 = tpu.memref_squeeze %dma_start3A_245 : memref<1x128xi32, #tpu.memory_space<vmem>> -> memref<128xi32, #tpu.memory_space<vmem>>
      %dma_start3A_247 = arith.constant 0 : i32
      %dma_start3A_248 = arith.constant 0 : i32
      %dma_start3A_249 = tpu.memref_slice %arg2[%dma_start3A_247, %dma_start3A_248] : memref<10000x128xf32, #tpu.memory_space<hbm>> -> memref<10000x128xf32, #tpu.memory_space<hbm>>
      tpu.enqueue_indirect_dma source(%dma_start3A_249 : memref<10000x128xf32, #tpu.memory_space<hbm>>) target(%arg12 : memref<128x128xf32, #tpu.memory_space<vmem>>) offsets(%dma_start3A_246 : memref<128xi32, #tpu.memory_space<vmem>>) semaphore(%arg15 : memref<!tpu.dma_semaphore, #tpu.memory_space<semaphore_mem>>)
      %dma_wait3A_250 = arith.constant 2 : i32
      %dma_wait3A_251 = arith.constant 0 : i32
      %dma_wait3A_252 = tpu.memref_slice %arg9[%dma_wait3A_250, %dma_wait3A_251] : memref<8x128xi32, #tpu.memory_space<vmem>> -> memref<1x128xi32, #tpu.memory_space<vmem>>
      %dma_wait3A_253 = tpu.memref_squeeze %dma_wait3A_252 : memref<1x128xi32, #tpu.memory_space<vmem>> -> memref<128xi32, #tpu.memory_space<vmem>>
      %dma_wait3A_254 = arith.constant 0 : i32
      %dma_wait3A_255 = arith.constant 0 : i32
      %dma_wait3A_256 = tpu.memref_slice %arg2[%dma_wait3A_254, %dma_wait3A_255] : memref<10000x128xf32, #tpu.memory_space<hbm>> -> memref<10000x128xf32, #tpu.memory_space<hbm>>
      tpu.wait_indirect_dma semaphore(%arg14 : memref<!tpu.dma_semaphore, #tpu.memory_space<semaphore_mem>>) src(%dma_wait3A_256 : memref<10000x128xf32, #tpu.memory_space<hbm>>) dst(%arg11 : memref<128x128xf32, #tpu.memory_space<vmem>>)
      %run_scoped3A_257 = arith.constant 2 : i32
      "tpu.region"() ({
        %run_scoped3A_340 = tpu.sem_alloc : memref<!tpu.dma_semaphore, #tpu.memory_space<semaphore_mem>>
        %dma_start3A_341 = arith.constant 0 : i32
        %dma_start3A_342 = tpu.memref_slice %arg10[%run_scoped3A_257, %dma_start3A_341] : memref<8x128xi32, #tpu.memory_space<vmem>> -> memref<1x128xi32, #tpu.memory_space<vmem>>
        %dma_start3A_343 = tpu.memref_squeeze %dma_start3A_342 : memref<1x128xi32, #tpu.memory_space<vmem>> -> memref<128xi32, #tpu.memory_space<vmem>>
        %dma_start3A_344 = arith.constant 0 : i32
        %dma_start3A_345 = arith.constant 0 : i32
        %dma_start3A_346 = tpu.memref_slice %arg13[%dma_start3A_344, %dma_start3A_345] : memref<10240x128xf32, #tpu.memory_space<vmem_shared>> -> memref<10240x128xf32, #tpu.memory_space<vmem_shared>>
        tpu.enqueue_indirect_dma source(%arg11 : memref<128x128xf32, #tpu.memory_space<vmem>>) target(%dma_start3A_346 : memref<10240x128xf32, #tpu.memory_space<vmem_shared>>) offsets(%dma_start3A_343 : memref<128xi32, #tpu.memory_space<vmem>>) semaphore(%run_scoped3A_340 : memref<!tpu.dma_semaphore, #tpu.memory_space<semaphore_mem>>) {add = true}
        %dma_wait3A_347 = arith.constant 0 : i32
        %dma_wait3A_348 = tpu.memref_slice %arg10[%run_scoped3A_257, %dma_wait3A_347] : memref<8x128xi32, #tpu.memory_space<vmem>> -> memref<1x128xi32, #tpu.memory_space<vmem>>
        %dma_wait3A_349 = tpu.memref_squeeze %dma_wait3A_348 : memref<1x128xi32, #tpu.memory_space<vmem>> -> memref<128xi32, #tpu.memory_space<vmem>>
        %dma_wait3A_350 = arith.constant 0 : i32
        %dma_wait3A_351 = arith.constant 0 : i32
        %dma_wait3A_352 = tpu.memref_slice %arg13[%dma_wait3A_350, %dma_wait3A_351] : memref<10240x128xf32, #tpu.memory_space<vmem_shared>> -> memref<10240x128xf32, #tpu.memory_space<vmem_shared>>
        tpu.wait_indirect_dma semaphore(%run_scoped3A_340 : memref<!tpu.dma_semaphore, #tpu.memory_space<semaphore_mem>>) src(%arg11 : memref<128x128xf32, #tpu.memory_space<vmem>>) dst(%dma_wait3A_352 : memref<10240x128xf32, #tpu.memory_space<vmem_shared>>)
        tpu.yield
      }) : () -> ()
      %dma_start3A_258 = arith.constant 4 : i32
      %dma_start3A_259 = arith.constant 0 : i32
      %dma_start3A_260 = tpu.memref_slice %arg9[%dma_start3A_258, %dma_start3A_259] : memref<8x128xi32, #tpu.memory_space<vmem>> -> memref<1x128xi32, #tpu.memory_space<vmem>>
      %dma_start3A_261 = tpu.memref_squeeze %dma_start3A_260 : memref<1x128xi32, #tpu.memory_space<vmem>> -> memref<128xi32, #tpu.memory_space<vmem>>
      %dma_start3A_262 = arith.constant 0 : i32
      %dma_start3A_263 = arith.constant 0 : i32
      %dma_start3A_264 = tpu.memref_slice %arg2[%dma_start3A_262, %dma_start3A_263] : memref<10000x128xf32, #tpu.memory_space<hbm>> -> memref<10000x128xf32, #tpu.memory_space<hbm>>
      tpu.enqueue_indirect_dma source(%dma_start3A_264 : memref<10000x128xf32, #tpu.memory_space<hbm>>) target(%arg11 : memref<128x128xf32, #tpu.memory_space<vmem>>) offsets(%dma_start3A_261 : memref<128xi32, #tpu.memory_space<vmem>>) semaphore(%arg14 : memref<!tpu.dma_semaphore, #tpu.memory_space<semaphore_mem>>)
      %dma_wait3A_265 = arith.constant 3 : i32
      %dma_wait3A_266 = arith.constant 0 : i32
      %dma_wait3A_267 = tpu.memref_slice %arg9[%dma_wait3A_265, %dma_wait3A_266] : memref<8x128xi32, #tpu.memory_space<vmem>> -> memref<1x128xi32, #tpu.memory_space<vmem>>
      %dma_wait3A_268 = tpu.memref_squeeze %dma_wait3A_267 : memref<1x128xi32, #tpu.memory_space<vmem>> -> memref<128xi32, #tpu.memory_space<vmem>>
      %dma_wait3A_269 = arith.constant 0 : i32
      %dma_wait3A_270 = arith.constant 0 : i32
      %dma_wait3A_271 = tpu.memref_slice %arg2[%dma_wait3A_269, %dma_wait3A_270] : memref<10000x128xf32, #tpu.memory_space<hbm>> -> memref<10000x128xf32, #tpu.memory_space<hbm>>
      tpu.wait_indirect_dma semaphore(%arg15 : memref<!tpu.dma_semaphore, #tpu.memory_space<semaphore_mem>>) src(%dma_wait3A_271 : memref<10000x128xf32, #tpu.memory_space<hbm>>) dst(%arg12 : memref<128x128xf32, #tpu.memory_space<vmem>>)
      %run_scoped3A_272 = arith.constant 3 : i32
      "tpu.region"() ({
        %run_scoped3A_340 = tpu.sem_alloc : memref<!tpu.dma_semaphore, #tpu.memory_space<semaphore_mem>>
        %dma_start3A_341 = arith.constant 0 : i32
        %dma_start3A_342 = tpu.memref_slice %arg10[%run_scoped3A_272, %dma_start3A_341] : memref<8x128xi32, #tpu.memory_space<vmem>> -> memref<1x128xi32, #tpu.memory_space<vmem>>
        %dma_start3A_343 = tpu.memref_squeeze %dma_start3A_342 : memref<1x128xi32, #tpu.memory_space<vmem>> -> memref<128xi32, #tpu.memory_space<vmem>>
        %dma_start3A_344 = arith.constant 0 : i32
        %dma_start3A_345 = arith.constant 0 : i32
        %dma_start3A_346 = tpu.memref_slice %arg13[%dma_start3A_344, %dma_start3A_345] : memref<10240x128xf32, #tpu.memory_space<vmem_shared>> -> memref<10240x128xf32, #tpu.memory_space<vmem_shared>>
        tpu.enqueue_indirect_dma source(%arg12 : memref<128x128xf32, #tpu.memory_space<vmem>>) target(%dma_start3A_346 : memref<10240x128xf32, #tpu.memory_space<vmem_shared>>) offsets(%dma_start3A_343 : memref<128xi32, #tpu.memory_space<vmem>>) semaphore(%run_scoped3A_340 : memref<!tpu.dma_semaphore, #tpu.memory_space<semaphore_mem>>) {add = true}
        %dma_wait3A_347 = arith.constant 0 : i32
        %dma_wait3A_348 = tpu.memref_slice %arg10[%run_scoped3A_272, %dma_wait3A_347] : memref<8x128xi32, #tpu.memory_space<vmem>> -> memref<1x128xi32, #tpu.memory_space<vmem>>
        %dma_wait3A_349 = tpu.memref_squeeze %dma_wait3A_348 : memref<1x128xi32, #tpu.memory_space<vmem>> -> memref<128xi32, #tpu.memory_space<vmem>>
        %dma_wait3A_350 = arith.constant 0 : i32
        %dma_wait3A_351 = arith.constant 0 : i32
        %dma_wait3A_352 = tpu.memref_slice %arg13[%dma_wait3A_350, %dma_wait3A_351] : memref<10240x128xf32, #tpu.memory_space<vmem_shared>> -> memref<10240x128xf32, #tpu.memory_space<vmem_shared>>
        tpu.wait_indirect_dma semaphore(%run_scoped3A_340 : memref<!tpu.dma_semaphore, #tpu.memory_space<semaphore_mem>>) src(%arg12 : memref<128x128xf32, #tpu.memory_space<vmem>>) dst(%dma_wait3A_352 : memref<10240x128xf32, #tpu.memory_space<vmem_shared>>)
        tpu.yield
      }) : () -> ()
      %dma_start3A_273 = arith.constant 5 : i32
      %dma_start3A_274 = arith.constant 0 : i32
      %dma_start3A_275 = tpu.memref_slice %arg9[%dma_start3A_273, %dma_start3A_274] : memref<8x128xi32, #tpu.memory_space<vmem>> -> memref<1x128xi32, #tpu.memory_space<vmem>>
      %dma_start3A_276 = tpu.memref_squeeze %dma_start3A_275 : memref<1x128xi32, #tpu.memory_space<vmem>> -> memref<128xi32, #tpu.memory_space<vmem>>
      %dma_start3A_277 = arith.constant 0 : i32
      %dma_start3A_278 = arith.constant 0 : i32
      %dma_start3A_279 = tpu.memref_slice %arg2[%dma_start3A_277, %dma_start3A_278] : memref<10000x128xf32, #tpu.memory_space<hbm>> -> memref<10000x128xf32, #tpu.memory_space<hbm>>
      tpu.enqueue_indirect_dma source(%dma_start3A_279 : memref<10000x128xf32, #tpu.memory_space<hbm>>) target(%arg12 : memref<128x128xf32, #tpu.memory_space<vmem>>) offsets(%dma_start3A_276 : memref<128xi32, #tpu.memory_space<vmem>>) semaphore(%arg15 : memref<!tpu.dma_semaphore, #tpu.memory_space<semaphore_mem>>)
      %dma_wait3A_280 = arith.constant 4 : i32
      %dma_wait3A_281 = arith.constant 0 : i32
      %dma_wait3A_282 = tpu.memref_slice %arg9[%dma_wait3A_280, %dma_wait3A_281] : memref<8x128xi32, #tpu.memory_space<vmem>> -> memref<1x128xi32, #tpu.memory_space<vmem>>
      %dma_wait3A_283 = tpu.memref_squeeze %dma_wait3A_282 : memref<1x128xi32, #tpu.memory_space<vmem>> -> memref<128xi32, #tpu.memory_space<vmem>>
      %dma_wait3A_284 = arith.constant 0 : i32
      %dma_wait3A_285 = arith.constant 0 : i32
      %dma_wait3A_286 = tpu.memref_slice %arg2[%dma_wait3A_284, %dma_wait3A_285] : memref<10000x128xf32, #tpu.memory_space<hbm>> -> memref<10000x128xf32, #tpu.memory_space<hbm>>
      tpu.wait_indirect_dma semaphore(%arg14 : memref<!tpu.dma_semaphore, #tpu.memory_space<semaphore_mem>>) src(%dma_wait3A_286 : memref<10000x128xf32, #tpu.memory_space<hbm>>) dst(%arg11 : memref<128x128xf32, #tpu.memory_space<vmem>>)
      %run_scoped3A_287 = arith.constant 4 : i32
      "tpu.region"() ({
        %run_scoped3A_340 = tpu.sem_alloc : memref<!tpu.dma_semaphore, #tpu.memory_space<semaphore_mem>>
        %dma_start3A_341 = arith.constant 0 : i32
        %dma_start3A_342 = tpu.memref_slice %arg10[%run_scoped3A_287, %dma_start3A_341] : memref<8x128xi32, #tpu.memory_space<vmem>> -> memref<1x128xi32, #tpu.memory_space<vmem>>
        %dma_start3A_343 = tpu.memref_squeeze %dma_start3A_342 : memref<1x128xi32, #tpu.memory_space<vmem>> -> memref<128xi32, #tpu.memory_space<vmem>>
        %dma_start3A_344 = arith.constant 0 : i32
        %dma_start3A_345 = arith.constant 0 : i32
        %dma_start3A_346 = tpu.memref_slice %arg13[%dma_start3A_344, %dma_start3A_345] : memref<10240x128xf32, #tpu.memory_space<vmem_shared>> -> memref<10240x128xf32, #tpu.memory_space<vmem_shared>>
        tpu.enqueue_indirect_dma source(%arg11 : memref<128x128xf32, #tpu.memory_space<vmem>>) target(%dma_start3A_346 : memref<10240x128xf32, #tpu.memory_space<vmem_shared>>) offsets(%dma_start3A_343 : memref<128xi32, #tpu.memory_space<vmem>>) semaphore(%run_scoped3A_340 : memref<!tpu.dma_semaphore, #tpu.memory_space<semaphore_mem>>) {add = true}
        %dma_wait3A_347 = arith.constant 0 : i32
        %dma_wait3A_348 = tpu.memref_slice %arg10[%run_scoped3A_287, %dma_wait3A_347] : memref<8x128xi32, #tpu.memory_space<vmem>> -> memref<1x128xi32, #tpu.memory_space<vmem>>
        %dma_wait3A_349 = tpu.memref_squeeze %dma_wait3A_348 : memref<1x128xi32, #tpu.memory_space<vmem>> -> memref<128xi32, #tpu.memory_space<vmem>>
        %dma_wait3A_350 = arith.constant 0 : i32
        %dma_wait3A_351 = arith.constant 0 : i32
        %dma_wait3A_352 = tpu.memref_slice %arg13[%dma_wait3A_350, %dma_wait3A_351] : memref<10240x128xf32, #tpu.memory_space<vmem_shared>> -> memref<10240x128xf32, #tpu.memory_space<vmem_shared>>
        tpu.wait_indirect_dma semaphore(%run_scoped3A_340 : memref<!tpu.dma_semaphore, #tpu.memory_space<semaphore_mem>>) src(%arg11 : memref<128x128xf32, #tpu.memory_space<vmem>>) dst(%dma_wait3A_352 : memref<10240x128xf32, #tpu.memory_space<vmem_shared>>)
        tpu.yield
      }) : () -> ()
      %dma_start3A_288 = arith.constant 6 : i32
      %dma_start3A_289 = arith.constant 0 : i32
      %dma_start3A_290 = tpu.memref_slice %arg9[%dma_start3A_288, %dma_start3A_289] : memref<8x128xi32, #tpu.memory_space<vmem>> -> memref<1x128xi32, #tpu.memory_space<vmem>>
      %dma_start3A_291 = tpu.memref_squeeze %dma_start3A_290 : memref<1x128xi32, #tpu.memory_space<vmem>> -> memref<128xi32, #tpu.memory_space<vmem>>
      %dma_start3A_292 = arith.constant 0 : i32
      %dma_start3A_293 = arith.constant 0 : i32
      %dma_start3A_294 = tpu.memref_slice %arg2[%dma_start3A_292, %dma_start3A_293] : memref<10000x128xf32, #tpu.memory_space<hbm>> -> memref<10000x128xf32, #tpu.memory_space<hbm>>
      tpu.enqueue_indirect_dma source(%dma_start3A_294 : memref<10000x128xf32, #tpu.memory_space<hbm>>) target(%arg11 : memref<128x128xf32, #tpu.memory_space<vmem>>) offsets(%dma_start3A_291 : memref<128xi32, #tpu.memory_space<vmem>>) semaphore(%arg14 : memref<!tpu.dma_semaphore, #tpu.memory_space<semaphore_mem>>)
      %dma_wait3A_295 = arith.constant 5 : i32
      %dma_wait3A_296 = arith.constant 0 : i32
      %dma_wait3A_297 = tpu.memref_slice %arg9[%dma_wait3A_295, %dma_wait3A_296] : memref<8x128xi32, #tpu.memory_space<vmem>> -> memref<1x128xi32, #tpu.memory_space<vmem>>
      %dma_wait3A_298 = tpu.memref_squeeze %dma_wait3A_297 : memref<1x128xi32, #tpu.memory_space<vmem>> -> memref<128xi32, #tpu.memory_space<vmem>>
      %dma_wait3A_299 = arith.constant 0 : i32
      %dma_wait3A_300 = arith.constant 0 : i32
      %dma_wait3A_301 = tpu.memref_slice %arg2[%dma_wait3A_299, %dma_wait3A_300] : memref<10000x128xf32, #tpu.memory_space<hbm>> -> memref<10000x128xf32, #tpu.memory_space<hbm>>
      tpu.wait_indirect_dma semaphore(%arg15 : memref<!tpu.dma_semaphore, #tpu.memory_space<semaphore_mem>>) src(%dma_wait3A_301 : memref<10000x128xf32, #tpu.memory_space<hbm>>) dst(%arg12 : memref<128x128xf32, #tpu.memory_space<vmem>>)
      %run_scoped3A_302 = arith.constant 5 : i32
      "tpu.region"() ({
        %run_scoped3A_340 = tpu.sem_alloc : memref<!tpu.dma_semaphore, #tpu.memory_space<semaphore_mem>>
        %dma_start3A_341 = arith.constant 0 : i32
        %dma_start3A_342 = tpu.memref_slice %arg10[%run_scoped3A_302, %dma_start3A_341] : memref<8x128xi32, #tpu.memory_space<vmem>> -> memref<1x128xi32, #tpu.memory_space<vmem>>
        %dma_start3A_343 = tpu.memref_squeeze %dma_start3A_342 : memref<1x128xi32, #tpu.memory_space<vmem>> -> memref<128xi32, #tpu.memory_space<vmem>>
        %dma_start3A_344 = arith.constant 0 : i32
        %dma_start3A_345 = arith.constant 0 : i32
        %dma_start3A_346 = tpu.memref_slice %arg13[%dma_start3A_344, %dma_start3A_345] : memref<10240x128xf32, #tpu.memory_space<vmem_shared>> -> memref<10240x128xf32, #tpu.memory_space<vmem_shared>>
        tpu.enqueue_indirect_dma source(%arg12 : memref<128x128xf32, #tpu.memory_space<vmem>>) target(%dma_start3A_346 : memref<10240x128xf32, #tpu.memory_space<vmem_shared>>) offsets(%dma_start3A_343 : memref<128xi32, #tpu.memory_space<vmem>>) semaphore(%run_scoped3A_340 : memref<!tpu.dma_semaphore, #tpu.memory_space<semaphore_mem>>) {add = true}
        %dma_wait3A_347 = arith.constant 0 : i32
        %dma_wait3A_348 = tpu.memref_slice %arg10[%run_scoped3A_302, %dma_wait3A_347] : memref<8x128xi32, #tpu.memory_space<vmem>> -> memref<1x128xi32, #tpu.memory_space<vmem>>
        %dma_wait3A_349 = tpu.memref_squeeze %dma_wait3A_348 : memref<1x128xi32, #tpu.memory_space<vmem>> -> memref<128xi32, #tpu.memory_space<vmem>>
        %dma_wait3A_350 = arith.constant 0 : i32
        %dma_wait3A_351 = arith.constant 0 : i32
        %dma_wait3A_352 = tpu.memref_slice %arg13[%dma_wait3A_350, %dma_wait3A_351] : memref<10240x128xf32, #tpu.memory_space<vmem_shared>> -> memref<10240x128xf32, #tpu.memory_space<vmem_shared>>
        tpu.wait_indirect_dma semaphore(%run_scoped3A_340 : memref<!tpu.dma_semaphore, #tpu.memory_space<semaphore_mem>>) src(%arg12 : memref<128x128xf32, #tpu.memory_space<vmem>>) dst(%dma_wait3A_352 : memref<10240x128xf32, #tpu.memory_space<vmem_shared>>)
        tpu.yield
      }) : () -> ()
      %dma_start3A_303 = arith.constant 7 : i32
      %dma_start3A_304 = arith.constant 0 : i32
      %dma_start3A_305 = tpu.memref_slice %arg9[%dma_start3A_303, %dma_start3A_304] : memref<8x128xi32, #tpu.memory_space<vmem>> -> memref<1x128xi32, #tpu.memory_space<vmem>>
      %dma_start3A_306 = tpu.memref_squeeze %dma_start3A_305 : memref<1x128xi32, #tpu.memory_space<vmem>> -> memref<128xi32, #tpu.memory_space<vmem>>
      %dma_start3A_307 = arith.constant 0 : i32
      %dma_start3A_308 = arith.constant 0 : i32
      %dma_start3A_309 = tpu.memref_slice %arg2[%dma_start3A_307, %dma_start3A_308] : memref<10000x128xf32, #tpu.memory_space<hbm>> -> memref<10000x128xf32, #tpu.memory_space<hbm>>
      tpu.enqueue_indirect_dma source(%dma_start3A_309 : memref<10000x128xf32, #tpu.memory_space<hbm>>) target(%arg12 : memref<128x128xf32, #tpu.memory_space<vmem>>) offsets(%dma_start3A_306 : memref<128xi32, #tpu.memory_space<vmem>>) semaphore(%arg15 : memref<!tpu.dma_semaphore, #tpu.memory_space<semaphore_mem>>)
      %dma_wait3A_310 = arith.constant 6 : i32
      %dma_wait3A_311 = arith.constant 0 : i32
      %dma_wait3A_312 = tpu.memref_slice %arg9[%dma_wait3A_310, %dma_wait3A_311] : memref<8x128xi32, #tpu.memory_space<vmem>> -> memref<1x128xi32, #tpu.memory_space<vmem>>
      %dma_wait3A_313 = tpu.memref_squeeze %dma_wait3A_312 : memref<1x128xi32, #tpu.memory_space<vmem>> -> memref<128xi32, #tpu.memory_space<vmem>>
      %dma_wait3A_314 = arith.constant 0 : i32
      %dma_wait3A_315 = arith.constant 0 : i32
      %dma_wait3A_316 = tpu.memref_slice %arg2[%dma_wait3A_314, %dma_wait3A_315] : memref<10000x128xf32, #tpu.memory_space<hbm>> -> memref<10000x128xf32, #tpu.memory_space<hbm>>
      tpu.wait_indirect_dma semaphore(%arg14 : memref<!tpu.dma_semaphore, #tpu.memory_space<semaphore_mem>>) src(%dma_wait3A_316 : memref<10000x128xf32, #tpu.memory_space<hbm>>) dst(%arg11 : memref<128x128xf32, #tpu.memory_space<vmem>>)
      %run_scoped3A_317 = arith.constant 6 : i32
      "tpu.region"() ({
        %run_scoped3A_340 = tpu.sem_alloc : memref<!tpu.dma_semaphore, #tpu.memory_space<semaphore_mem>>
        %dma_start3A_341 = arith.constant 0 : i32
        %dma_start3A_342 = tpu.memref_slice %arg10[%run_scoped3A_317, %dma_start3A_341] : memref<8x128xi32, #tpu.memory_space<vmem>> -> memref<1x128xi32, #tpu.memory_space<vmem>>
        %dma_start3A_343 = tpu.memref_squeeze %dma_start3A_342 : memref<1x128xi32, #tpu.memory_space<vmem>> -> memref<128xi32, #tpu.memory_space<vmem>>
        %dma_start3A_344 = arith.constant 0 : i32
        %dma_start3A_345 = arith.constant 0 : i32
        %dma_start3A_346 = tpu.memref_slice %arg13[%dma_start3A_344, %dma_start3A_345] : memref<10240x128xf32, #tpu.memory_space<vmem_shared>> -> memref<10240x128xf32, #tpu.memory_space<vmem_shared>>
        tpu.enqueue_indirect_dma source(%arg11 : memref<128x128xf32, #tpu.memory_space<vmem>>) target(%dma_start3A_346 : memref<10240x128xf32, #tpu.memory_space<vmem_shared>>) offsets(%dma_start3A_343 : memref<128xi32, #tpu.memory_space<vmem>>) semaphore(%run_scoped3A_340 : memref<!tpu.dma_semaphore, #tpu.memory_space<semaphore_mem>>) {add = true}
        %dma_wait3A_347 = arith.constant 0 : i32
        %dma_wait3A_348 = tpu.memref_slice %arg10[%run_scoped3A_317, %dma_wait3A_347] : memref<8x128xi32, #tpu.memory_space<vmem>> -> memref<1x128xi32, #tpu.memory_space<vmem>>
        %dma_wait3A_349 = tpu.memref_squeeze %dma_wait3A_348 : memref<1x128xi32, #tpu.memory_space<vmem>> -> memref<128xi32, #tpu.memory_space<vmem>>
        %dma_wait3A_350 = arith.constant 0 : i32
        %dma_wait3A_351 = arith.constant 0 : i32
        %dma_wait3A_352 = tpu.memref_slice %arg13[%dma_wait3A_350, %dma_wait3A_351] : memref<10240x128xf32, #tpu.memory_space<vmem_shared>> -> memref<10240x128xf32, #tpu.memory_space<vmem_shared>>
        tpu.wait_indirect_dma semaphore(%run_scoped3A_340 : memref<!tpu.dma_semaphore, #tpu.memory_space<semaphore_mem>>) src(%arg11 : memref<128x128xf32, #tpu.memory_space<vmem>>) dst(%dma_wait3A_352 : memref<10240x128xf32, #tpu.memory_space<vmem_shared>>)
        tpu.yield
      }) : () -> ()
      %add3A_318 = arith.constant 1 : i32
      %add3A_319 = arith.addi %add3A_212, %add3A_318 : i32
      %lt3A_320 = arith.constant 10 : i32
      %lt3A_321 = arith.cmpi slt, %add3A_319, %lt3A_320 : i32
      %convert_element_type3A_322 = arith.extui %lt3A_321 : i1 to i32
      %cond3A_323 = arith.constant 0 : i32
      %cond3A_324 = arith.cmpi ne, %convert_element_type3A_322, %cond3A_323 : i32
      scf.if %cond3A_324 {
        %add3A_340 = arith.constant 1 : i32
        %add3A_341 = arith.addi %add3A_212, %add3A_340 : i32
        %mul3A_342 = arith.constant 8 : i32
        %mul3A_343 = arith.muli %add3A_341, %mul3A_342 : i32
        %dma_wait3A_344 = arith.constant 0 : i32
        %dma_wait3A_345 = arith.constant 0 : i32
        %dma_wait3A_346 = tpu.memref_slice %arg3[%add3A, %dma_wait3A_344, %dma_wait3A_345] : memref<32x80x128xi32, #tpu.memory_space<hbm>> -> memref<1x80x128xi32, #tpu.memory_space<hbm>>
        %dma_wait3A_347 = tpu.memref_squeeze %dma_wait3A_346 : memref<1x80x128xi32, #tpu.memory_space<hbm>> -> memref<80x128xi32, #tpu.memory_space<hbm>>
        %dma_wait3A_348 = arith.constant 0 : i32
        %dma_wait3A_349 = tpu.memref_slice %dma_wait3A_347[%mul3A_343, %dma_wait3A_348] : memref<80x128xi32, #tpu.memory_space<hbm>> -> memref<8x128xi32, #tpu.memory_space<hbm>>
        %dma_wait3A_350 = arith.constant 0 : i32
        %dma_wait3A_351 = arith.constant 0 : i32
        %dma_wait3A_352 = tpu.memref_slice %arg3[%add3A, %dma_wait3A_350, %dma_wait3A_351] : memref<32x80x128xi32, #tpu.memory_space<hbm>> -> memref<1x80x128xi32, #tpu.memory_space<hbm>>
        %dma_wait3A_353 = tpu.memref_squeeze %dma_wait3A_352 : memref<1x80x128xi32, #tpu.memory_space<hbm>> -> memref<80x128xi32, #tpu.memory_space<hbm>>
        %dma_wait3A_354 = arith.constant 0 : i32
        %dma_wait3A_355 = tpu.memref_slice %dma_wait3A_353[%mul3A_343, %dma_wait3A_354] : memref<80x128xi32, #tpu.memory_space<hbm>> -> memref<8x128xi32, #tpu.memory_space<hbm>>
        tpu.wait_dma2 semaphore(%arg16 : memref<!tpu.dma_semaphore, #tpu.memory_space<semaphore_mem>>) src(%dma_wait3A_355 : memref<8x128xi32, #tpu.memory_space<hbm>>) dst(%arg7 : memref<8x128xi32, #tpu.memory_space<vmem>>)
        %mul3A_356 = arith.constant 8 : i32
        %mul3A_357 = arith.muli %add3A_341, %mul3A_356 : i32
        %dma_wait3A_358 = arith.constant 0 : i32
        %dma_wait3A_359 = arith.constant 0 : i32
        %dma_wait3A_360 = tpu.memref_slice %arg4[%add3A, %dma_wait3A_358, %dma_wait3A_359] : memref<32x80x128xi32, #tpu.memory_space<hbm>> -> memref<1x80x128xi32, #tpu.memory_space<hbm>>
        %dma_wait3A_361 = tpu.memref_squeeze %dma_wait3A_360 : memref<1x80x128xi32, #tpu.memory_space<hbm>> -> memref<80x128xi32, #tpu.memory_space<hbm>>
        %dma_wait3A_362 = arith.constant 0 : i32
        %dma_wait3A_363 = tpu.memref_slice %dma_wait3A_361[%mul3A_357, %dma_wait3A_362] : memref<80x128xi32, #tpu.memory_space<hbm>> -> memref<8x128xi32, #tpu.memory_space<hbm>>
        %dma_wait3A_364 = arith.constant 0 : i32
        %dma_wait3A_365 = arith.constant 0 : i32
        %dma_wait3A_366 = tpu.memref_slice %arg4[%add3A, %dma_wait3A_364, %dma_wait3A_365] : memref<32x80x128xi32, #tpu.memory_space<hbm>> -> memref<1x80x128xi32, #tpu.memory_space<hbm>>
        %dma_wait3A_367 = tpu.memref_squeeze %dma_wait3A_366 : memref<1x80x128xi32, #tpu.memory_space<hbm>> -> memref<80x128xi32, #tpu.memory_space<hbm>>
        %dma_wait3A_368 = arith.constant 0 : i32
        %dma_wait3A_369 = tpu.memref_slice %dma_wait3A_367[%mul3A_357, %dma_wait3A_368] : memref<80x128xi32, #tpu.memory_space<hbm>> -> memref<8x128xi32, #tpu.memory_space<hbm>>
        tpu.wait_dma2 semaphore(%arg16 : memref<!tpu.dma_semaphore, #tpu.memory_space<semaphore_mem>>) src(%dma_wait3A_369 : memref<8x128xi32, #tpu.memory_space<hbm>>) dst(%arg8 : memref<8x128xi32, #tpu.memory_space<vmem>>)
        %dma_start3A_370 = arith.constant 0 : i32
        %dma_start3A_371 = arith.constant 0 : i32
        %dma_start3A_372 = tpu.memref_slice %arg7[%dma_start3A_370, %dma_start3A_371] : memref<8x128xi32, #tpu.memory_space<vmem>> -> memref<1x128xi32, #tpu.memory_space<vmem>>
        %dma_start3A_373 = tpu.memref_squeeze %dma_start3A_372 : memref<1x128xi32, #tpu.memory_space<vmem>> -> memref<128xi32, #tpu.memory_space<vmem>>
        %dma_start3A_374 = arith.constant 0 : i32
        %dma_start3A_375 = arith.constant 0 : i32
        %dma_start3A_376 = tpu.memref_slice %arg2[%dma_start3A_374, %dma_start3A_375] : memref<10000x128xf32, #tpu.memory_space<hbm>> -> memref<10000x128xf32, #tpu.memory_space<hbm>>
        tpu.enqueue_indirect_dma source(%dma_start3A_376 : memref<10000x128xf32, #tpu.memory_space<hbm>>) target(%arg11 : memref<128x128xf32, #tpu.memory_space<vmem>>) offsets(%dma_start3A_373 : memref<128xi32, #tpu.memory_space<vmem>>) semaphore(%arg14 : memref<!tpu.dma_semaphore, #tpu.memory_space<semaphore_mem>>)
      } else {
      }
      %dma_wait3A_325 = arith.constant 7 : i32
      %dma_wait3A_326 = arith.constant 0 : i32
      %dma_wait3A_327 = tpu.memref_slice %arg9[%dma_wait3A_325, %dma_wait3A_326] : memref<8x128xi32, #tpu.memory_space<vmem>> -> memref<1x128xi32, #tpu.memory_space<vmem>>
      %dma_wait3A_328 = tpu.memref_squeeze %dma_wait3A_327 : memref<1x128xi32, #tpu.memory_space<vmem>> -> memref<128xi32, #tpu.memory_space<vmem>>
      %dma_wait3A_329 = arith.constant 0 : i32
      %dma_wait3A_330 = arith.constant 0 : i32
      %dma_wait3A_331 = tpu.memref_slice %arg2[%dma_wait3A_329, %dma_wait3A_330] : memref<10000x128xf32, #tpu.memory_space<hbm>> -> memref<10000x128xf32, #tpu.memory_space<hbm>>
      tpu.wait_indirect_dma semaphore(%arg15 : memref<!tpu.dma_semaphore, #tpu.memory_space<semaphore_mem>>) src(%dma_wait3A_331 : memref<10000x128xf32, #tpu.memory_space<hbm>>) dst(%arg12 : memref<128x128xf32, #tpu.memory_space<vmem>>)
      %run_scoped3A_332 = arith.constant 7 : i32
      "tpu.region"() ({
        %run_scoped3A_340 = tpu.sem_alloc : memref<!tpu.dma_semaphore, #tpu.memory_space<semaphore_mem>>
        %dma_start3A_341 = arith.constant 0 : i32
        %dma_start3A_342 = tpu.memref_slice %arg10[%run_scoped3A_332, %dma_start3A_341] : memref<8x128xi32, #tpu.memory_space<vmem>> -> memref<1x128xi32, #tpu.memory_space<vmem>>
        %dma_start3A_343 = tpu.memref_squeeze %dma_start3A_342 : memref<1x128xi32, #tpu.memory_space<vmem>> -> memref<128xi32, #tpu.memory_space<vmem>>
        %dma_start3A_344 = arith.constant 0 : i32
        %dma_start3A_345 = arith.constant 0 : i32
        %dma_start3A_346 = tpu.memref_slice %arg13[%dma_start3A_344, %dma_start3A_345] : memref<10240x128xf32, #tpu.memory_space<vmem_shared>> -> memref<10240x128xf32, #tpu.memory_space<vmem_shared>>
        tpu.enqueue_indirect_dma source(%arg12 : memref<128x128xf32, #tpu.memory_space<vmem>>) target(%dma_start3A_346 : memref<10240x128xf32, #tpu.memory_space<vmem_shared>>) offsets(%dma_start3A_343 : memref<128xi32, #tpu.memory_space<vmem>>) semaphore(%run_scoped3A_340 : memref<!tpu.dma_semaphore, #tpu.memory_space<semaphore_mem>>) {add = true}
        %dma_wait3A_347 = arith.constant 0 : i32
        %dma_wait3A_348 = tpu.memref_slice %arg10[%run_scoped3A_332, %dma_wait3A_347] : memref<8x128xi32, #tpu.memory_space<vmem>> -> memref<1x128xi32, #tpu.memory_space<vmem>>
        %dma_wait3A_349 = tpu.memref_squeeze %dma_wait3A_348 : memref<1x128xi32, #tpu.memory_space<vmem>> -> memref<128xi32, #tpu.memory_space<vmem>>
        %dma_wait3A_350 = arith.constant 0 : i32
        %dma_wait3A_351 = arith.constant 0 : i32
        %dma_wait3A_352 = tpu.memref_slice %arg13[%dma_wait3A_350, %dma_wait3A_351] : memref<10240x128xf32, #tpu.memory_space<vmem_shared>> -> memref<10240x128xf32, #tpu.memory_space<vmem_shared>>
        tpu.wait_indirect_dma semaphore(%run_scoped3A_340 : memref<!tpu.dma_semaphore, #tpu.memory_space<semaphore_mem>>) src(%arg12 : memref<128x128xf32, #tpu.memory_space<vmem>>) dst(%dma_wait3A_352 : memref<10240x128xf32, #tpu.memory_space<vmem_shared>>)
        tpu.yield
      }) : () -> ()
      %add3A_333 = arith.constant 1 : i32
      %add3A_334 = arith.addi %add3A_212, %add3A_333 : i32
      %lt3A_335 = arith.constant 10 : i32
      %lt3A_336 = arith.cmpi slt, %add3A_334, %lt3A_335 : i32
      %convert_element_type3A_337 = arith.extui %lt3A_336 : i1 to i32
      %cond3A_338 = arith.constant 0 : i32
      %cond3A_339 = arith.cmpi ne, %convert_element_type3A_337, %cond3A_338 : i32
      scf.if %cond3A_339 {
        %dma_start3A_340 = arith.constant 1 : i32
        %dma_start3A_341 = arith.constant 0 : i32
        %dma_start3A_342 = tpu.memref_slice %arg7[%dma_start3A_340, %dma_start3A_341] : memref<8x128xi32, #tpu.memory_space<vmem>> -> memref<1x128xi32, #tpu.memory_space<vmem>>
        %dma_start3A_343 = tpu.memref_squeeze %dma_start3A_342 : memref<1x128xi32, #tpu.memory_space<vmem>> -> memref<128xi32, #tpu.memory_space<vmem>>
        %dma_start3A_344 = arith.constant 0 : i32
        %dma_start3A_345 = arith.constant 0 : i32
        %dma_start3A_346 = tpu.memref_slice %arg2[%dma_start3A_344, %dma_start3A_345] : memref<10000x128xf32, #tpu.memory_space<hbm>> -> memref<10000x128xf32, #tpu.memory_space<hbm>>
        tpu.enqueue_indirect_dma source(%dma_start3A_346 : memref<10000x128xf32, #tpu.memory_space<hbm>>) target(%arg12 : memref<128x128xf32, #tpu.memory_space<vmem>>) offsets(%dma_start3A_343 : memref<128xi32, #tpu.memory_space<vmem>>) semaphore(%arg15 : memref<!tpu.dma_semaphore, #tpu.memory_space<semaphore_mem>>)
      } else {
      }
    }
    %scan3A_77 = arith.constant 5 : i32
    %barrier3A_78 = arith.constant 0 : index
    tpu.barrier barrier_id(%barrier3A_78)
    %mul3A_79 = arith.constant 640 : i32
    %mul3A_80 = arith.muli %arg1, %mul3A_79 : i32
    %mul3A_81 = arith.constant 640 : i32
    %mul3A_82 = arith.muli %arg1, %mul3A_81 : i32
    "tpu.region"() ({
      %run_scoped3A = tpu.sem_alloc : memref<!tpu.dma_semaphore, #tpu.memory_space<semaphore_mem>>
      %dma_start3A_83 = arith.constant 0 : i32
      %dma_start3A_84 = arith.constant 0 : i32
      %dma_start3A_85 = tpu.memref_slice %arg6[%arg0, %dma_start3A_83, %dma_start3A_84] : memref<2x10240x128xf32, #tpu.memory_space<hbm>> -> memref<1x10240x128xf32, #tpu.memory_space<hbm>>
      %dma_start3A_86 = tpu.memref_squeeze %dma_start3A_85 : memref<1x10240x128xf32, #tpu.memory_space<hbm>> -> memref<10240x128xf32, #tpu.memory_space<hbm>>
      %dma_start3A_87 = arith.constant 0 : i32
      %dma_start3A_88 = tpu.memref_slice %dma_start3A_86[%mul3A_82, %dma_start3A_87] : memref<10240x128xf32, #tpu.memory_space<hbm>> -> memref<640x128xf32, #tpu.memory_space<hbm>>
      %dma_start3A_89 = arith.constant 0 : i32
      %dma_start3A_90 = tpu.memref_slice %arg13[%mul3A_80, %dma_start3A_89] : memref<10240x128xf32, #tpu.memory_space<vmem_shared>> -> memref<640x128xf32, #tpu.memory_space<vmem_shared>>
      tpu.enqueue_dma source(%dma_start3A_90 : memref<640x128xf32, #tpu.memory_space<vmem_shared>>) target(%dma_start3A_88 : memref<640x128xf32, #tpu.memory_space<hbm>>) target_semaphore(%run_scoped3A : memref<!tpu.dma_semaphore, #tpu.memory_space<semaphore_mem>>)
      %dma_wait3A_91 = arith.constant 0 : i32
      %dma_wait3A_92 = arith.constant 0 : i32
      %dma_wait3A_93 = tpu.memref_slice %arg6[%arg0, %dma_wait3A_91, %dma_wait3A_92] : memref<2x10240x128xf32, #tpu.memory_space<hbm>> -> memref<1x10240x128xf32, #tpu.memory_space<hbm>>
      %dma_wait3A_94 = tpu.memref_squeeze %dma_wait3A_93 : memref<1x10240x128xf32, #tpu.memory_space<hbm>> -> memref<10240x128xf32, #tpu.memory_space<hbm>>
      %dma_wait3A_95 = arith.constant 0 : i32
      %dma_wait3A_96 = tpu.memref_slice %dma_wait3A_94[%mul3A_82, %dma_wait3A_95] : memref<10240x128xf32, #tpu.memory_space<hbm>> -> memref<640x128xf32, #tpu.memory_space<hbm>>
      %dma_wait3A_97 = arith.constant 0 : i32
      %dma_wait3A_98 = tpu.memref_slice %arg13[%mul3A_80, %dma_wait3A_97] : memref<10240x128xf32, #tpu.memory_space<vmem_shared>> -> memref<640x128xf32, #tpu.memory_space<vmem_shared>>
      tpu.wait_dma2 semaphore(%run_scoped3A : memref<!tpu.dma_semaphore, #tpu.memory_space<semaphore_mem>>) src(%dma_wait3A_98 : memref<640x128xf32, #tpu.memory_space<vmem_shared>>) dst(%dma_wait3A_96 : memref<640x128xf32, #tpu.memory_space<hbm>>)
      tpu.yield
    }) : () -> ()
    return
  }
}

module attributes {stable_mosaic.version = 14 : i64} {
  func.func @_dinv_body(%arg0: memref<2x10240x128xf32, #tpu.memory_space<vmem>>, %arg1: memref<10240x1xf32, #tpu.memory_space<vmem>>) attributes {dimension_semantics = [], scalar_prefetch = 0 : i64, scratch_operands = 0 : i64, tpu.core_type = #tpu.core_type<tc>} {
    %get3A = arith.constant 0 : index
    %get3A_0 = arith.constant 0 : index
    %get3A_1 = arith.constant 0 : index
    %get3A_2 = vector.load %arg0[%get3A, %get3A_0, %get3A_1] : memref<2x10240x128xf32, #tpu.memory_space<vmem>>, vector<1x10240x128xf32>
    %get3A_3 = vector.shape_cast %get3A_2 : vector<1x10240x128xf32> to vector<10240x128xf32>
    %get3A_4 = arith.constant 1 : index
    %get3A_5 = arith.constant 0 : index
    %get3A_6 = arith.constant 0 : index
    %get3A_7 = vector.load %arg0[%get3A_4, %get3A_5, %get3A_6] : memref<2x10240x128xf32, #tpu.memory_space<vmem>>, vector<1x10240x128xf32>
    %get3A_8 = vector.shape_cast %get3A_7 : vector<1x10240x128xf32> to vector<10240x128xf32>
    %add3A = arith.addf %get3A_3, %get3A_8 : vector<10240x128xf32>
    %slice3A = vector.extract_strided_slice %add3A {offsets = [0, 0], sizes = [10240, 1], strides = [1, 1]} : vector<10240x128xf32> to vector<10240x1xf32>
    %add3A_9 = arith.constant 1.000000e+00 : f32
    %add3A_10 = vector.broadcast %add3A_9 : f32 to vector<10240x1xf32>
    %add3A_11 = arith.addf %slice3A, %add3A_10 : vector<10240x1xf32>
    %rsqrt3A = math.rsqrt %add3A_11 : vector<10240x1xf32>
    %swap3A = arith.constant 0 : index
    %swap3A_12 = arith.constant 0 : index
    %swap3A_13 = vector.load %arg1[%swap3A, %swap3A_12] : memref<10240x1xf32, #tpu.memory_space<vmem>>, vector<10240x1xf32>
    tpu.vector_store %arg1[%swap3A, %swap3A_12], %rsqrt3A {strides = array<i32>} : memref<10240x1xf32, #tpu.memory_space<vmem>>, vector<10240x1xf32>,
    return
  }
}

module attributes {stable_mosaic.version = 14 : i64} {
  func.func @_mm_body(%arg0: i32, %arg1: memref<1000x128xf32, #tpu.memory_space<vmem>>, %arg2: memref<128x128xf32, #tpu.memory_space<vmem>>, %arg3: memref<1000x1xf32, #tpu.memory_space<vmem>>, %arg4: memref<1000x128xf32, #tpu.memory_space<vmem>>) attributes {dimension_semantics = [#tpu.dimension_semantics<arbitrary>], iteration_bounds = array<i64: 10>, scalar_prefetch = 0 : i64, scratch_operands = 0 : i64, tpu.core_type = #tpu.core_type<tc>, window_params = [{transform_indices = @transform_0, window_bounds = array<i64: 1000, 128>}, {pipeline_mode = #tpu.pipeline_mode<synchronous>, transform_indices = @transform_1, window_bounds = array<i64: 128, 128>}, {transform_indices = @transform_2, window_bounds = array<i64: 1000, 1>}, {transform_indices = @transform_3, window_bounds = array<i64: 1000, 128>}]} {
    %get3A = arith.constant 0 : index
    %get3A_0 = arith.constant 0 : index
    %get3A_1 = vector.load %arg1[%get3A, %get3A_0] : memref<1000x128xf32, #tpu.memory_space<vmem>>, vector<1000x128xf32>
    %get3A_2 = arith.constant 0 : index
    %get3A_3 = arith.constant 0 : index
    %get3A_4 = vector.load %arg2[%get3A_2, %get3A_3] : memref<128x128xf32, #tpu.memory_space<vmem>>, vector<128x128xf32>
    %dot_general3A = arith.constant dense<0.000000e+00> : vector<1000x128xf32>
    %dot_general3A_5 = tpu.matmul %get3A_1, %get3A_4, %dot_general3A {dimension_numbers = #tpu.dot_dimension_numbers<[1], [0], [0], [1], [0, 0, 1, 1], [], []>, transpose_lhs_hint = false} : vector<1000x128xf32>, vector<128x128xf32>, vector<1000x128xf32> -> vector<1000x128xf32>
    %get3A_6 = arith.constant 0 : index
    %get3A_7 = arith.constant 0 : index
    %get3A_8 = vector.load %arg3[%get3A_6, %get3A_7] : memref<1000x1xf32, #tpu.memory_space<vmem>>, vector<1000x1xf32>
    %mul3A = vector.broadcast %get3A_8 : vector<1000x1xf32> to vector<1000x128xf32>
    %mul3A_9 = arith.mulf %dot_general3A_5, %mul3A : vector<1000x128xf32>
    %swap3A = arith.constant 0 : index
    %swap3A_10 = arith.constant 0 : index
    %swap3A_11 = vector.load %arg4[%swap3A, %swap3A_10] : memref<1000x128xf32, #tpu.memory_space<vmem>>, vector<1000x128xf32>
    tpu.vector_store %arg4[%swap3A, %swap3A_10], %mul3A_9 {strides = array<i32>} : memref<1000x128xf32, #tpu.memory_space<vmem>>, vector<1000x128xf32>,
    return
  }
  func.func @transform_0(%arg0: i32) -> (i32, i32) {
    %c0_i32 = arith.constant 0 : i32
    %c0_i32_0 = arith.constant 0 : i32
    return %arg0, %c0_i32 : i32, i32
  }
  func.func @transform_1(%arg0: i32) -> (i32, i32) {
    %c0_i32 = arith.constant 0 : i32
    %c0_i32_0 = arith.constant 0 : i32
    %c0_i32_1 = arith.constant 0 : i32
    return %c0_i32, %c0_i32_0 : i32, i32
  }
  func.func @transform_2(%arg0: i32) -> (i32, i32) {
    %c0_i32 = arith.constant 0 : i32
    %c0_i32_0 = arith.constant 0 : i32
    return %arg0, %c0_i32 : i32, i32
  }
  func.func @transform_3(%arg0: i32) -> (i32, i32) {
    %c0_i32 = arith.constant 0 : i32
    %c0_i32_0 = arith.constant 0 : i32
    return %arg0, %c0_i32 : i32, i32
  }
}

module attributes {stable_mosaic.version = 14 : i64} {
  func.func @_comb_body(%arg0: i32, %arg1: memref<1x1000x128xf32, #tpu.memory_space<vmem>>, %arg2: memref<1x1000x128xf32, #tpu.memory_space<vmem>>, %arg3: memref<1000x128xf32, #tpu.memory_space<vmem>>, %arg4: memref<1000x1xf32, #tpu.memory_space<vmem>>, %arg5: memref<1x128xf32, #tpu.memory_space<vmem>>, %arg6: memref<1000x128xf32, #tpu.memory_space<vmem>>, %arg7: memref<2x128xf32, #tpu.memory_space<vmem>>) attributes {dimension_semantics = [#tpu.dimension_semantics<arbitrary>], iteration_bounds = array<i64: 10>, scalar_prefetch = 0 : i64, scratch_operands = 0 : i64, tpu.core_type = #tpu.core_type<tc>, window_params = [{transform_indices = @transform_0, window_bounds = array<i64: 1, 1000, 128>}, {transform_indices = @transform_1, window_bounds = array<i64: 1, 1000, 128>}, {transform_indices = @transform_2, window_bounds = array<i64: 1000, 128>}, {transform_indices = @transform_3, window_bounds = array<i64: 1000, 1>}, {pipeline_mode = #tpu.pipeline_mode<synchronous>, transform_indices = @transform_4, window_bounds = array<i64: 1, 128>}, {transform_indices = @transform_5, window_bounds = array<i64: 1000, 128>}, {pipeline_mode = #tpu.pipeline_mode<synchronous>, transform_indices = @transform_6, window_bounds = array<i64: 2, 128>}]} {
    %get3A = arith.constant 0 : index
    %get3A_0 = arith.constant 0 : index
    %get3A_1 = arith.constant 0 : index
    %get3A_2 = vector.load %arg1[%get3A, %get3A_0, %get3A_1] : memref<1x1000x128xf32, #tpu.memory_space<vmem>>, vector<1x1000x128xf32>
    %get3A_3 = vector.shape_cast %get3A_2 : vector<1x1000x128xf32> to vector<1000x128xf32>
    %get3A_4 = arith.constant 0 : index
    %get3A_5 = arith.constant 0 : index
    %get3A_6 = arith.constant 0 : index
    %get3A_7 = vector.load %arg2[%get3A_4, %get3A_5, %get3A_6] : memref<1x1000x128xf32, #tpu.memory_space<vmem>>, vector<1x1000x128xf32>
    %get3A_8 = vector.shape_cast %get3A_7 : vector<1x1000x128xf32> to vector<1000x128xf32>
    %add3A = arith.addf %get3A_3, %get3A_8 : vector<1000x128xf32>
    %get3A_9 = arith.constant 0 : index
    %get3A_10 = arith.constant 0 : index
    %get3A_11 = vector.load %arg3[%get3A_9, %get3A_10] : memref<1000x128xf32, #tpu.memory_space<vmem>>, vector<1000x128xf32>
    %add3A_12 = arith.addf %add3A, %get3A_11 : vector<1000x128xf32>
    %get3A_13 = arith.constant 0 : index
    %get3A_14 = arith.constant 0 : index
    %get3A_15 = vector.load %arg4[%get3A_13, %get3A_14] : memref<1000x1xf32, #tpu.memory_space<vmem>>, vector<1000x1xf32>
    %mul3A = vector.broadcast %get3A_15 : vector<1000x1xf32> to vector<1000x128xf32>
    %mul3A_16 = arith.mulf %add3A_12, %mul3A : vector<1000x128xf32>
    %get3A_17 = arith.constant 0 : index
    %get3A_18 = arith.constant 0 : index
    %get3A_19 = vector.load %arg5[%get3A_17, %get3A_18] : memref<1x128xf32, #tpu.memory_space<vmem>>, vector<1x128xf32>
    %add3A_20 = vector.broadcast %get3A_19 : vector<1x128xf32> to vector<1000x128xf32>
    %add3A_21 = arith.addf %mul3A_16, %add3A_20 : vector<1000x128xf32>
    %swap3A = arith.constant 0 : index
    %swap3A_22 = arith.constant 0 : index
    %swap3A_23 = vector.load %arg6[%swap3A, %swap3A_22] : memref<1000x128xf32, #tpu.memory_space<vmem>>, vector<1000x128xf32>
    tpu.vector_store %arg6[%swap3A, %swap3A_22], %add3A_21 {strides = array<i32>} : memref<1000x128xf32, #tpu.memory_space<vmem>>, vector<1000x128xf32>,
    %reduce_sum3A = arith.constant dense<0.000000e+00> : vector<128xf32>
    %reduce_sum3A_24 = vector.multi_reduction <add>, %add3A_21, %reduce_sum3A [0] : vector<1000x128xf32> to vector<128xf32>
    %broadcast_in_dim3A = vector.shape_cast %reduce_sum3A_24 : vector<128xf32> to vector<1x128xf32>
    %mul3A_25 = arith.mulf %add3A_21, %add3A_21 : vector<1000x128xf32>
    %reduce_sum3A_26 = arith.constant dense<0.000000e+00> : vector<128xf32>
    %reduce_sum3A_27 = vector.multi_reduction <add>, %mul3A_25, %reduce_sum3A_26 [0] : vector<1000x128xf32> to vector<128xf32>
    %broadcast_in_dim3A_28 = vector.shape_cast %reduce_sum3A_27 : vector<128xf32> to vector<1x128xf32>
    %concatenate3A = tpu.concatenate %broadcast_in_dim3A, %broadcast_in_dim3A_28 in 0 : vector<1x128xf32>, vector<1x128xf32> -> vector<2x128xf32>
    %eq3A = arith.constant 0 : i32
    %eq3A_29 = arith.cmpi eq, %arg0, %eq3A : i32
    %convert_element_type3A = arith.extui %eq3A_29 : i1 to i32
    %cond3A = arith.constant 0 : i32
    %cond3A_30 = arith.cmpi ne, %convert_element_type3A, %cond3A : i32
    scf.if %cond3A_30 {
      %swap3A_35 = arith.constant 0 : index
      %swap3A_36 = arith.constant 0 : index
      %swap3A_37 = vector.load %arg7[%swap3A_35, %swap3A_36] : memref<2x128xf32, #tpu.memory_space<vmem>>, vector<2x128xf32>
      tpu.vector_store %arg7[%swap3A_35, %swap3A_36], %concatenate3A {strides = array<i32>} : memref<2x128xf32, #tpu.memory_space<vmem>>, vector<2x128xf32>,
    } else {
    }
    %gt3A = arith.constant 0 : i32
    %gt3A_31 = arith.cmpi sgt, %arg0, %gt3A : i32
    %convert_element_type3A_32 = arith.extui %gt3A_31 : i1 to i32
    %cond3A_33 = arith.constant 0 : i32
    %cond3A_34 = arith.cmpi ne, %convert_element_type3A_32, %cond3A_33 : i32
    scf.if %cond3A_34 {
      %get3A_35 = arith.constant 0 : index
      %get3A_36 = arith.constant 0 : index
      %get3A_37 = vector.load %arg7[%get3A_35, %get3A_36] : memref<2x128xf32, #tpu.memory_space<vmem>>, vector<2x128xf32>
      %add3A_38 = arith.addf %get3A_37, %concatenate3A : vector<2x128xf32>
      %swap3A_39 = arith.constant 0 : index
      %swap3A_40 = arith.constant 0 : index
      %swap3A_41 = vector.load %arg7[%swap3A_39, %swap3A_40] : memref<2x128xf32, #tpu.memory_space<vmem>>, vector<2x128xf32>
      tpu.vector_store %arg7[%swap3A_39, %swap3A_40], %add3A_38 {strides = array<i32>} : memref<2x128xf32, #tpu.memory_space<vmem>>, vector<2x128xf32>,
    } else {
    }
    return
  }
  func.func @transform_0(%arg0: i32) -> (i32, i32, i32) {
    %c0_i32 = arith.constant 0 : i32
    %c0_i32_0 = arith.constant 0 : i32
    %c0_i32_1 = arith.constant 0 : i32
    return %c0_i32, %arg0, %c0_i32_0 : i32, i32, i32
  }
  func.func @transform_1(%arg0: i32) -> (i32, i32, i32) {
    %c1_i32 = arith.constant 1 : i32
    %c0_i32 = arith.constant 0 : i32
    %c0_i32_0 = arith.constant 0 : i32
    return %c1_i32, %arg0, %c0_i32 : i32, i32, i32
  }
  func.func @transform_2(%arg0: i32) -> (i32, i32) {
    %c0_i32 = arith.constant 0 : i32
    %c0_i32_0 = arith.constant 0 : i32
    return %arg0, %c0_i32 : i32, i32
  }
  func.func @transform_3(%arg0: i32) -> (i32, i32) {
    %c0_i32 = arith.constant 0 : i32
    %c0_i32_0 = arith.constant 0 : i32
    return %arg0, %c0_i32 : i32, i32
  }
  func.func @transform_4(%arg0: i32) -> (i32, i32) {
    %c0_i32 = arith.constant 0 : i32
    %c0_i32_0 = arith.constant 0 : i32
    %c0_i32_1 = arith.constant 0 : i32
    return %c0_i32, %c0_i32_0 : i32, i32
  }
  func.func @transform_5(%arg0: i32) -> (i32, i32) {
    %c0_i32 = arith.constant 0 : i32
    %c0_i32_0 = arith.constant 0 : i32
    return %arg0, %c0_i32 : i32, i32
  }
  func.func @transform_6(%arg0: i32) -> (i32, i32) {
    %c0_i32 = arith.constant 0 : i32
    %c0_i32_0 = arith.constant 0 : i32
    %c0_i32_1 = arith.constant 0 : i32
    return %c0_i32, %c0_i32_0 : i32, i32
  }
}

module attributes {stable_mosaic.version = 14 : i64} {
  func.func @_bn_mm_body(%arg0: i32, %arg1: memref<2x128xf32, #tpu.memory_space<vmem>>, %arg2: memref<1000x128xf32, #tpu.memory_space<vmem>>, %arg3: memref<1x128xf32, #tpu.memory_space<vmem>>, %arg4: memref<1x128xf32, #tpu.memory_space<vmem>>, %arg5: memref<128x128xf32, #tpu.memory_space<vmem>>, %arg6: memref<1000x1xf32, #tpu.memory_space<vmem>>, %arg7: memref<1000x128xf32, #tpu.memory_space<vmem>>) attributes {dimension_semantics = [#tpu.dimension_semantics<arbitrary>], iteration_bounds = array<i64: 10>, scalar_prefetch = 0 : i64, scratch_operands = 0 : i64, tpu.core_type = #tpu.core_type<tc>, window_params = [{pipeline_mode = #tpu.pipeline_mode<synchronous>, transform_indices = @transform_0, window_bounds = array<i64: 2, 128>}, {transform_indices = @transform_1, window_bounds = array<i64: 1000, 128>}, {pipeline_mode = #tpu.pipeline_mode<synchronous>, transform_indices = @transform_2, window_bounds = array<i64: 1, 128>}, {pipeline_mode = #tpu.pipeline_mode<synchronous>, transform_indices = @transform_3, window_bounds = array<i64: 1, 128>}, {pipeline_mode = #tpu.pipeline_mode<synchronous>, transform_indices = @transform_4, window_bounds = array<i64: 128, 128>}, {transform_indices = @transform_5, window_bounds = array<i64: 1000, 1>}, {transform_indices = @transform_6, window_bounds = array<i64: 1000, 128>}]} {
    %get3A = arith.constant 0 : index
    %get3A_0 = arith.constant 0 : index
    %get3A_1 = vector.load %arg1[%get3A, %get3A_0] : memref<2x128xf32, #tpu.memory_space<vmem>>, vector<1x128xf32>
    %get3A_2 = arith.constant 1 : index
    %get3A_3 = arith.constant 0 : index
    %get3A_4 = vector.load %arg1[%get3A_2, %get3A_3] : memref<2x128xf32, #tpu.memory_space<vmem>>, vector<1x128xf32>
    %mul3A = arith.constant 9.99999974E-5 : f32
    %mul3A_5 = vector.broadcast %mul3A : f32 to vector<1x128xf32>
    %mul3A_6 = arith.mulf %get3A_1, %mul3A_5 : vector<1x128xf32>
    %mul3A_7 = arith.constant 9.99999974E-5 : f32
    %mul3A_8 = vector.broadcast %mul3A_7 : f32 to vector<1x128xf32>
    %mul3A_9 = arith.mulf %get3A_4, %mul3A_8 : vector<1x128xf32>
    %mul3A_10 = arith.mulf %mul3A_6, %mul3A_6 : vector<1x128xf32>
    %sub3A = arith.subf %mul3A_9, %mul3A_10 : vector<1x128xf32>
    %add3A = arith.constant 9.99999974E-6 : f32
    %add3A_11 = vector.broadcast %add3A : f32 to vector<1x128xf32>
    %add3A_12 = arith.addf %sub3A, %add3A_11 : vector<1x128xf32>
    %rsqrt3A = math.rsqrt %add3A_12 : vector<1x128xf32>
    %get3A_13 = arith.constant 0 : index
    %get3A_14 = arith.constant 0 : index
    %get3A_15 = vector.load %arg3[%get3A_13, %get3A_14] : memref<1x128xf32, #tpu.memory_space<vmem>>, vector<1x128xf32>
    %mul3A_16 = arith.mulf %get3A_15, %rsqrt3A : vector<1x128xf32>
    %get3A_17 = arith.constant 0 : index
    %get3A_18 = arith.constant 0 : index
    %get3A_19 = vector.load %arg4[%get3A_17, %get3A_18] : memref<1x128xf32, #tpu.memory_space<vmem>>, vector<1x128xf32>
    %mul3A_20 = arith.mulf %mul3A_6, %mul3A_16 : vector<1x128xf32>
    %sub3A_21 = arith.subf %get3A_19, %mul3A_20 : vector<1x128xf32>
    %get3A_22 = arith.constant 0 : index
    %get3A_23 = arith.constant 0 : index
    %get3A_24 = vector.load %arg2[%get3A_22, %get3A_23] : memref<1000x128xf32, #tpu.memory_space<vmem>>, vector<1000x128xf32>
    %mul3A_25 = vector.broadcast %mul3A_16 : vector<1x128xf32> to vector<1000x128xf32>
    %mul3A_26 = arith.mulf %get3A_24, %mul3A_25 : vector<1000x128xf32>
    %add3A_27 = vector.broadcast %sub3A_21 : vector<1x128xf32> to vector<1000x128xf32>
    %add3A_28 = arith.addf %mul3A_26, %add3A_27 : vector<1000x128xf32>
    %max3A = arith.constant 0.000000e+00 : f32
    %max3A_29 = vector.broadcast %max3A : f32 to vector<1000x128xf32>
    %max3A_30 = arith.maximumf %add3A_28, %max3A_29 : vector<1000x128xf32>
    %get3A_31 = arith.constant 0 : index
    %get3A_32 = arith.constant 0 : index
    %get3A_33 = vector.load %arg5[%get3A_31, %get3A_32] : memref<128x128xf32, #tpu.memory_space<vmem>>, vector<128x128xf32>
    %dot_general3A = arith.constant dense<0.000000e+00> : vector<1000x128xf32>
    %dot_general3A_34 = tpu.matmul %max3A_30, %get3A_33, %dot_general3A {dimension_numbers = #tpu.dot_dimension_numbers<[1], [0], [0], [1], [0, 0, 1, 1], [], []>, transpose_lhs_hint = false} : vector<1000x128xf32>, vector<128x128xf32>, vector<1000x128xf32> -> vector<1000x128xf32>
    %get3A_35 = arith.constant 0 : index
    %get3A_36 = arith.constant 0 : index
    %get3A_37 = vector.load %arg6[%get3A_35, %get3A_36] : memref<1000x1xf32, #tpu.memory_space<vmem>>, vector<1000x1xf32>
    %mul3A_38 = vector.broadcast %get3A_37 : vector<1000x1xf32> to vector<1000x128xf32>
    %mul3A_39 = arith.mulf %dot_general3A_34, %mul3A_38 : vector<1000x128xf32>
    %swap3A = arith.constant 0 : index
    %swap3A_40 = arith.constant 0 : index
    %swap3A_41 = vector.load %arg7[%swap3A, %swap3A_40] : memref<1000x128xf32, #tpu.memory_space<vmem>>, vector<1000x128xf32>
    tpu.vector_store %arg7[%swap3A, %swap3A_40], %mul3A_39 {strides = array<i32>} : memref<1000x128xf32, #tpu.memory_space<vmem>>, vector<1000x128xf32>,
    return
  }
  func.func @transform_0(%arg0: i32) -> (i32, i32) {
    %c0_i32 = arith.constant 0 : i32
    %c0_i32_0 = arith.constant 0 : i32
    %c0_i32_1 = arith.constant 0 : i32
    return %c0_i32, %c0_i32_0 : i32, i32
  }
  func.func @transform_1(%arg0: i32) -> (i32, i32) {
    %c0_i32 = arith.constant 0 : i32
    %c0_i32_0 = arith.constant 0 : i32
    return %arg0, %c0_i32 : i32, i32
  }
  func.func @transform_2(%arg0: i32) -> (i32, i32) {
    %c0_i32 = arith.constant 0 : i32
    %c0_i32_0 = arith.constant 0 : i32
    %c0_i32_1 = arith.constant 0 : i32
    return %c0_i32, %c0_i32_0 : i32, i32
  }
  func.func @transform_3(%arg0: i32) -> (i32, i32) {
    %c0_i32 = arith.constant 0 : i32
    %c0_i32_0 = arith.constant 0 : i32
    %c0_i32_1 = arith.constant 0 : i32
    return %c0_i32, %c0_i32_0 : i32, i32
  }
  func.func @transform_4(%arg0: i32) -> (i32, i32) {
    %c0_i32 = arith.constant 0 : i32
    %c0_i32_0 = arith.constant 0 : i32
    %c0_i32_1 = arith.constant 0 : i32
    return %c0_i32, %c0_i32_0 : i32, i32
  }
  func.func @transform_5(%arg0: i32) -> (i32, i32) {
    %c0_i32 = arith.constant 0 : i32
    %c0_i32_0 = arith.constant 0 : i32
    return %arg0, %c0_i32 : i32, i32
  }
  func.func @transform_6(%arg0: i32) -> (i32, i32) {
    %c0_i32 = arith.constant 0 : i32
    %c0_i32_0 = arith.constant 0 : i32
    return %arg0, %c0_i32 : i32, i32
  }
}

module attributes {stable_mosaic.version = 14 : i64} {
  func.func @_comb_final_body(%arg0: i32, %arg1: memref<1x1000x128xf32, #tpu.memory_space<vmem>>, %arg2: memref<1x1000x128xf32, #tpu.memory_space<vmem>>, %arg3: memref<1000x128xf32, #tpu.memory_space<vmem>>, %arg4: memref<1000x1xf32, #tpu.memory_space<vmem>>, %arg5: memref<1x128xf32, #tpu.memory_space<vmem>>, %arg6: memref<1000x128xf32, #tpu.memory_space<vmem>>) attributes {dimension_semantics = [#tpu.dimension_semantics<arbitrary>], iteration_bounds = array<i64: 10>, scalar_prefetch = 0 : i64, scratch_operands = 0 : i64, tpu.core_type = #tpu.core_type<tc>, window_params = [{transform_indices = @transform_0, window_bounds = array<i64: 1, 1000, 128>}, {transform_indices = @transform_1, window_bounds = array<i64: 1, 1000, 128>}, {transform_indices = @transform_2, window_bounds = array<i64: 1000, 128>}, {transform_indices = @transform_3, window_bounds = array<i64: 1000, 1>}, {pipeline_mode = #tpu.pipeline_mode<synchronous>, transform_indices = @transform_4, window_bounds = array<i64: 1, 128>}, {transform_indices = @transform_5, window_bounds = array<i64: 1000, 128>}]} {
    %get3A = arith.constant 0 : index
    %get3A_0 = arith.constant 0 : index
    %get3A_1 = arith.constant 0 : index
    %get3A_2 = vector.load %arg1[%get3A, %get3A_0, %get3A_1] : memref<1x1000x128xf32, #tpu.memory_space<vmem>>, vector<1x1000x128xf32>
    %get3A_3 = vector.shape_cast %get3A_2 : vector<1x1000x128xf32> to vector<1000x128xf32>
    %get3A_4 = arith.constant 0 : index
    %get3A_5 = arith.constant 0 : index
    %get3A_6 = arith.constant 0 : index
    %get3A_7 = vector.load %arg2[%get3A_4, %get3A_5, %get3A_6] : memref<1x1000x128xf32, #tpu.memory_space<vmem>>, vector<1x1000x128xf32>
    %get3A_8 = vector.shape_cast %get3A_7 : vector<1x1000x128xf32> to vector<1000x128xf32>
    %add3A = arith.addf %get3A_3, %get3A_8 : vector<1000x128xf32>
    %get3A_9 = arith.constant 0 : index
    %get3A_10 = arith.constant 0 : index
    %get3A_11 = vector.load %arg3[%get3A_9, %get3A_10] : memref<1000x128xf32, #tpu.memory_space<vmem>>, vector<1000x128xf32>
    %add3A_12 = arith.addf %add3A, %get3A_11 : vector<1000x128xf32>
    %get3A_13 = arith.constant 0 : index
    %get3A_14 = arith.constant 0 : index
    %get3A_15 = vector.load %arg4[%get3A_13, %get3A_14] : memref<1000x1xf32, #tpu.memory_space<vmem>>, vector<1000x1xf32>
    %mul3A = vector.broadcast %get3A_15 : vector<1000x1xf32> to vector<1000x128xf32>
    %mul3A_16 = arith.mulf %add3A_12, %mul3A : vector<1000x128xf32>
    %get3A_17 = arith.constant 0 : index
    %get3A_18 = arith.constant 0 : index
    %get3A_19 = vector.load %arg5[%get3A_17, %get3A_18] : memref<1x128xf32, #tpu.memory_space<vmem>>, vector<1x128xf32>
    %add3A_20 = vector.broadcast %get3A_19 : vector<1x128xf32> to vector<1000x128xf32>
    %add3A_21 = arith.addf %mul3A_16, %add3A_20 : vector<1000x128xf32>
    %swap3A = arith.constant 0 : index
    %swap3A_22 = arith.constant 0 : index
    %swap3A_23 = vector.load %arg6[%swap3A, %swap3A_22] : memref<1000x128xf32, #tpu.memory_space<vmem>>, vector<1000x128xf32>
    tpu.vector_store %arg6[%swap3A, %swap3A_22], %add3A_21 {strides = array<i32>} : memref<1000x128xf32, #tpu.memory_space<vmem>>, vector<1000x128xf32>,
    return
  }
  func.func @transform_0(%arg0: i32) -> (i32, i32, i32) {
    %c0_i32 = arith.constant 0 : i32
    %c0_i32_0 = arith.constant 0 : i32
    %c0_i32_1 = arith.constant 0 : i32
    return %c0_i32, %arg0, %c0_i32_0 : i32, i32, i32
  }
  func.func @transform_1(%arg0: i32) -> (i32, i32, i32) {
    %c1_i32 = arith.constant 1 : i32
    %c0_i32 = arith.constant 0 : i32
    %c0_i32_0 = arith.constant 0 : i32
    return %c1_i32, %arg0, %c0_i32 : i32, i32, i32
  }
  func.func @transform_2(%arg0: i32) -> (i32, i32) {
    %c0_i32 = arith.constant 0 : i32
    %c0_i32_0 = arith.constant 0 : i32
    return %arg0, %c0_i32 : i32, i32
  }
  func.func @transform_3(%arg0: i32) -> (i32, i32) {
    %c0_i32 = arith.constant 0 : i32
    %c0_i32_0 = arith.constant 0 : i32
    return %arg0, %c0_i32 : i32, i32
  }
  func.func @transform_4(%arg0: i32) -> (i32, i32) {
    %c0_i32 = arith.constant 0 : i32
    %c0_i32_0 = arith.constant 0 : i32
    %c0_i32_1 = arith.constant 0 : i32
    return %c0_i32, %c0_i32_0 : i32, i32
  }
  func.func @transform_5(%arg0: i32) -> (i32, i32) {
    %c0_i32 = arith.constant 0 : i32
    %c0_i32_0 = arith.constant 0 : i32
    return %arg0, %c0_i32 : i32, i32
  }
}

</mosaic_0001>

<sc_bundles>
// kernel: kernel.13.cloned.1.call-start
scs
__scs_entry_jumppad:
0x0: {  	(pc) =	sbr.rel $0x88, $3  }
0x1: {  	(tag) =	ssettag $0x0;
	lr =	simm.s32 $0x1  }
0x2: {  	[smem:$0x3F95] =	sst lr;
	_ =	strace $0xD0000000  }
0x3: {  	_ = 	snop  }
0x4: {  	_ = 	snop  }
0x5: {  	_ = 	snop  }
0x6: {  	_ = 	snop  }
0x7: {  	_ = 	snop  }
__scs_overlays_trampoline_lowered:
0x8: {  	[smem:$0x3FA4] =	sst s0  }
0x9: {  	[smem:$0x3FA5] =	sst s1  }
0xa: {  	[smem:$0x3FA6] =	sst s2  }
0xb: {  	[smem:$0x3FA7] =	sst s3  }
0xc: {  	[smem:$0x3FA8] =	sst s4  }
0xd: {  	[smem:$0x3FA9] =	sst s5  }
0xe: {  	[smem:$0x3FAA] =	sst s6  }
0xf: {  	[smem:$0x3FAB] =	sst s7  }
0x10: {  	[smem:$0x3FAC] =	sst s8  }
0x11: {  	[smem:$0x3FAD] =	sst s9;
	s0 =	simm.s32 @!p0 $0x0  }
0x12: {  	s1 =	sld [smem:$0x3F93];
	s0 =	simm.s32 @p0 $0x1  }
0x13: {  	[smem:$0x3FAE] =	sst s0;
	s0 =	simm.s32 @!p1 $0x0  }
0x14: {  	s2 =	sld [smem:$0x3F92];
	s0 =	simm.s32 @p1 $0x1  }
0x15: {  	[smem:$0x3FAF] =	sst s0;
	s0 =	simm.s32 @!p2 $0x0  }
0x16: {  	s3 =	sld [smem:$0x3FDB];
	s0 =	simm.s32 @p2 $0x1  }
0x17: {  	s4 =	simm.s32 $0x1BF5;
	[smem:$0x3FB1] =	sst s0  }
0x18: {  	s0 =	sld [smem:$0x3F94];
	_ =	swait.ge [sflag:s4], $0x0  }
0x19: {  	s7 =	sld [smem:$0x3F95]  }
0x1a: {  	s8 =	sadd.s32 $0xFFFFE003, lr  }
0x1b: {  	s9 =	sadd.s32 $0xFFFFFEF7, lr;
	s5 =	simm.s32 $0xFFFFFFFF;
	p2 =	slt.u32 s8, $0xFFFFF086  }
0x1c: {  	p1 =	slt.u32 s9, $0xF7A;
	s5 =	simm.s32 @!p2 $0x0  }
0x1d: {  	s5 =	simm.s32 @p1 $0x1;
	p0 =	seq.s32 s7, s2  }
0x1e: {  	s7 =	smul.u32 @!p0 $0xF7A, s2;
	p2 =	seq.s32 @!p0 s5, $0x0  }
0x1f: {  	s9 =	smul.u32 $0xF7A, s1;
	s8 =	simm.s32 @!p0 $0x1BF5;
	p2 =	por !p2, p0  }
0x20: {  	[sflag:s8] =	ssyncset.s32 @!p0 $0xFFFFF086;
	s6 =	sadd.s32 @!p0 s3, s7;
	s7 =	simm.s32 @!p0 $0x108  }
0x21: {  	s3 =	sadd.s32 s3, s9;
	s6 =	sadd.s32 @!p0 $0x88, s6;
	s7 =	simm.s32 @p2 $0x1082  }
0x22: {  	[simem:s7], [sflag:s8] =	dma.local @!p0 [hbm:s6], $0xF7A  }
0x23: {  	s9 =	sor.u32 $0xD0000000, s2;
	s6 =	simm.s32 $0x108;
	_ =	swait.ge @!p0 [sflag:s8], $0x0  }
0x24: {  	s3 =	sadd.s32 $0x88, s3;
	s6 =	simm.s32 @!p1 $0x1082;
	[sflag:s4] =	ssyncset.s32 $0xFFFFF086  }
0x25: {  	[simem:s6], [sflag:s4] =	dma.local [hbm:s3], $0xF7A  }
0x26: {  	[smem:$0x3F95] =	sst s1;
	(tag) =	ssettag s2;
	_ =	strace s9  }
0x27: {  	s1 =	sld [smem:$0x3FA5]  }
0x28: {  	s2 =	sld [smem:$0x3FA6]  }
0x29: {  	s4 =	sld [smem:$0x3FA8]  }
0x2a: {  	p0 =	seq.s32 s5, $0x0;
	s5 =	sld [smem:$0x3FA9]  }
0x2b: {  	s6 =	sld [smem:$0x3FAA]  }
0x2c: {  	s7 =	sld [smem:$0x3FAB]  }
0x2d: {  	s3 =	simm.s32 $0x108;
	s8 =	sld [smem:$0x3FAC]  }
0x2e: {  	s3 =	simm.s32 @!p0 $0x1082;
	s9 =	sld [smem:$0x3FAD]  }
0x2f: {  	lr =	sadd.s32 s0, s3;
	s0 =	sld [smem:$0x3FA4]  }
0x30: {  	s3 =	sld [smem:$0x3FA7]  }
0x31: {  	[smem:$0x3FB0] =	sst s10  }
0x32: {  	s10 =	sld [smem:$0x3FAE];
	_ =	sdelay $0x3  }
0x33: {  	p0 =	seq.s32 s10, $0x1;
	s10 =	sld [smem:$0x3FB0];
	_ =	sdelay $0x3  }
0x34: {  	[smem:$0x3FB0] =	sst s10  }
0x35: {  	s10 =	sld [smem:$0x3FAF];
	_ =	sdelay $0x3  }
0x36: {  	p1 =	seq.s32 s10, $0x1;
	s10 =	sld [smem:$0x3FB0];
	_ =	sdelay $0x3  }
0x37: {  	[smem:$0x3FB0] =	sst s10  }
0x38: {  	s10 =	sld [smem:$0x3FB1]  }
0x39: {  	_ = 	snop;
	(pc) =	sbr.ind lr, $3  }
0x3a: {  	_ = 	snop  }
0x3b: {  	_ = 	snop  }
0x3c: {  	p2 =	seq.s32 s10, $0x1;
	s10 =	sld [smem:$0x3FB0]  }
0x3d: {  	_ =	shalt  }
0x3e: {  	_ =	shalt  }
0x3f: {  	_ =	shalt  }
0x40: {  	_ =	shalt  }
0x41: {  	_ =	shalt  }
0x42: {  	_ =	shalt  }
0x43: {  	_ =	shalt  }
0x44: {  	_ =	shalt  }
0x45: {  	_ =	shalt  }
0x46: {  	_ =	shalt  }
0x47: {  	_ =	shalt  }
0x48: {  	_ =	shalt  }
0x49: {  	_ =	shalt  }
0x4a: {  	_ =	shalt  }
0x4b: {  	_ =	shalt  }
0x4c: {  	_ =	shalt  }
0x4d: {  	_ =	shalt  }
0x4e: {  	_ =	shalt  }
0x4f: {  	_ =	shalt  }
0x50: {  	_ =	shalt  }
0x51: {  	_ =	shalt  }
0x52: {  	_ =	shalt  }
0x53: {  	_ =	shalt  }
0x54: {  	_ =	shalt  }
0x55: {  	_ =	shalt  }
0x56: {  	_ =	shalt  }
0x57: {  	_ =	shalt  }
0x58: {  	_ =	shalt  }
0x59: {  	_ =	shalt  }
0x5a: {  	_ =	shalt  }
0x5b: {  	_ =	shalt  }
0x5c: {  	_ =	shalt  }
0x5d: {  	_ =	shalt  }
0x5e: {  	_ =	shalt  }
0x5f: {  	_ =	shalt  }
0x60: {  	_ =	shalt  }
0x61: {  	_ =	shalt  }
0x62: {  	_ =	shalt  }
0x63: {  	_ =	shalt  }
0x64: {  	_ =	shalt  }
0x65: {  	_ =	shalt  }
0x66: {  	_ =	shalt  }
0x67: {  	_ =	shalt  }
0x68: {  	_ =	shalt  }
0x69: {  	_ =	shalt  }
0x6a: {  	_ =	shalt  }
0x6b: {  	_ =	shalt  }
0x6c: {  	_ =	shalt  }
0x6d: {  	_ =	shalt  }
0x6e: {  	_ =	shalt  }
0x6f: {  	_ =	shalt  }
0x70: {  	_ =	shalt  }
0x71: {  	_ =	shalt  }
0x72: {  	_ =	shalt  }
0x73: {  	_ =	shalt  }
0x74: {  	_ =	shalt  }
0x75: {  	_ =	shalt  }
0x76: {  	_ =	shalt  }
0x77: {  	_ =	shalt  }
0x78: {  	_ =	shalt  }
0x79: {  	_ =	shalt  }
0x7a: {  	_ =	shalt  }
0x7b: {  	_ =	shalt  }
0x7c: {  	_ =	shalt  }
0x7d: {  	_ =	shalt  }
0x7e: {  	_ =	shalt  }
0x7f: {  	_ =	shalt  }
0x80: {  	_ =	shalt  }
0x81: {  	_ =	shalt  }
0x82: {  	_ =	shalt  }
0x83: {  	_ =	shalt  }
0x84: {  	_ =	shalt  }
0x85: {  	_ =	shalt  }
0x86: {  	_ =	shalt  }
0x87: {  	_ =	shalt  }
.Lfunc_end0:
.L_simem_size_0:
called_computation_lowered:
.L_overlay_start_0:
0x88: {  	s2 =	sld [smem:$0x3FD9]  }
0x89: {  	s3 =	sld [smem:$0x3FFE];
	_ =	sdelay $0x1  }
0x8a: {  	s1 =	srdreg.scid  }
0x8b: {  	s0 =	sand.u32 $0x1, s1  }
0x8c: {  	s17 =	sshll.u32 s0, $0xA;
	s2 =	sadd.s32 s3, s2  }
0x8d: {  	s2 =	sadd.s32 s2, s17  }
0x8e: {  	[smem:$0x3FBC] =	sst s2  }
0x8f: {  	_ = 	snop  }
0x90: {  	s2 =	sld [smem:$0x3FD0];
	(tm) =	ssettm $0x1  }
0x91: {  	s18 =	sld [smem:$0x3FFB];
	_ =	sdelay $0x3  }
0x92: {  	_ =	strace s18  }
0x93: {  	s3 =	sld [smem:$0x3FFC];
	_ =	sdelay $0x3  }
0x94: {  	_ =	strace s3  }
0x95: {  	s3 =	sld [smem:$0x3FFD];
	_ =	sdelay $0x3  }
0x96: {  	_ =	strace s3  }
0x97: {  	_ =	strace $0x8FFFFFFF  }
0x98: {  	s19 =	sld [smem:$0x3FDB];
	_ =	sdelay $0x1  }
0x99: {  	s4 =	simm.s32 $_scs_section_size  }
0x9a: {  	s5 =	simm.s32 $_size__tile_overlayer_lowered;
	s6 =	simm.s32 $_tile_overlayer_lowered  }
0x9b: {  	s22 =	simm.s32 $0x1BFF;
	s21 =	sshll.u32 s6, $0x1;
	s3 =	sadd.s32 s4, s19  }
0x9c: {  	s7 =	simm.s32 $0x0;
	s20 =	sshll.u32 s5, $0x1;
	s5 =	sadd.s32 s21, s3  }
0x9d: {  	[timem:s7], [sflag:s22] =	dma.local [hbm:s5], s20  }
0x9e: {  	_ =	swait.ge [sflag:s22], s20  }
0x9f: {  	s4 =	ssub.s32 $0x0, s20;
	[sflag:s22] =	ssyncset.done $0x0  }
0xa0: {  	[sflag:s22] =	ssyncadd.s32 s4;
	_ =	sdelay $0x1  }
0xa1: {  	s23 =	simm.s32 $0x1B8B  }
0xa2: {  	_ =	swait.ge [sflag:s23], $0x1  }
0xa3: {  	[sflag:s23] =	ssyncset.done $0x0  }
0xa4: {  	s25 =	simm.s32 $0x1B8E;
	s24 =	sld [smem:$0x3FFE];
	[sflag:s23] =	ssyncadd.s32 $0xFFFFFFFF  }
0xa5: {  	s26 =	simm.s32 $execute0_lowered;
	[smem:$0x3FD2] =	sst s25  }
0xa6: {  	s5 =	sshll.u32 s26, $0x1;
	_ =	strace $0x80000046;
	[dreg:$0x1] =	wrdreg $0xFFFFFFFF  }
0xa7: {  	s28 =	simm.s32 $_size_execute0_lowered;
	s3 =	sadd.s32 s3, s5;
	[dreg:$0x0] =	wrdreg $0x0  }
0xa8: {  	s5 =	sshll.u32 s28, $0x1;
	[dreg:$0x2] =	wrdreg s3  }
0xa9: {  	[dreg:$0x3] =	wrdreg s5  }
0xaa: {  	[dreg:$0x4] =	wrdreg $0xC0  }
0xab: {  	_ =	task [dreg:s7], $0x5FFFF  }
0xac: {  	[dreg:$0x1] =	wrdreg $0xFFFFFFFF  }
0xad: {  	[dreg:$0x0] =	wrdreg $0x60  }
0xae: {  	[dreg:$0x2] =	wrdreg s2  }
0xaf: {  	[dreg:$0x3] =	wrdreg s24  }
0xb0: {  	[dreg:$0x4] =	wrdreg $0x48000  }
0xb1: {  	[dreg:$0x5] =	wrdreg $0x9  }
0xb2: {  	_ =	task.clear_ibuf [dreg:s7], $0x6FFFF;
	_ =	strace $0x90000046  }
0xb3: {  	s29 =	simm.s32 $0x9;
	_ =	strace $0x80000048  }
0xb4: {  	_ =	swait.ge [sflag:s29], $0x1  }
0xb5: {  	[sflag:s29] =	ssyncadd.s32 $0xFFFFFFFF  }
0xb6: {  	_ =	strace $0x90000048  }
0xb7: {  	_ =	sfence  }
0xb8: {  	s30 =	sld [smem:$0x0];
	_ =	sdelay $0x2  }
0xb9: {  	s31 =	sshll.u32 s1, $0xD;
	s1 =	sshrl.u32 s1, $0x2  }
0xba: {  	s3 =	sand.u32 $0x4000, s31;
	s1 =	sadd.s32 s1, s30  }
0xbb: {  	s0 =	sor.u32 s3, s0;
	s1 =	sshll.u32 s1, $0x11  }
0xbc: {  	s0 =	sor.u32 s1, s0  }
0xbd: {  	s0 =	sadd.s32 $0x8F2B, s0  }
0xbe: {  	[sflag:s0] =	ssyncadd.remote.s32 $0x1  }
0xbf: {  	_ =	sfence.sel $0xFFFF  }
0xc0: {  	[dreg:$0x0] =	wrdreg $0xFFFFFFFF;
	(pc) =	sbr.abs _section_cstart, $3  }
0xc1: {  	[dreg:$0x1] =	wrdreg $0xFFFFFFFF  }
0xc2: {  	_ =	task.clear_ibuf [dreg:s7], $0x2FFFF;
	_ =	strace $0x9FFFFFFF  }
0xc3: {  	(tm) =	ssettm $0x7FFFFFFF  }
tec
execute0_lowered:
.L_overlay_start_1:
0x0: {  	(tag) =	ssettag $0x1  }
0x1: {  	s0 =	rddreg [dreg:$0x0]  }
0x2: {  	s3 =	rddreg [dreg:$0x1]  }
0x3: {  	s1 =	rddreg [dreg:$0x2];
	s2 =	simm.s32 $0x0;
	s4 =	srdreg.scid  }
0x4: {  	s10 =	stileid.u32;
	s17 =	simm.s32 $0x1;
	s18 =	simm.s32 $0x400  }
0x5: {  	s28 =	simm.s32 $0x380;
	s29 =	simm.s32 $0x480;
	s30 =	simm.s32 $0x500  }
0x6: {  	s31 =	simm.s32 $0x580;
	[smem:$0x7FF] =	sst s2;
	s4 =	sand.u32 $0x1, s4  }
0x7: {  	s5 =	sadd.s32 $0x3E00, s3;
	s7 =	smul.u32 $0x50000, s10;
	s8 =	sshll.u32 s10, $0x1  }
0x8: {  	s22 =	sshll.u32 s10, $0x6;
	_ =	strace $0x80000047;
	s6 =	smul.u32 $0x28000, s4  }
0x9: {  	[dreg:$0x4] =	wrdreg s5;
	s5 =	sadd.s32 $0x3600, s3;
	s19 =	ssub.s32 $0x2, s4  }
0xa: {  	s4 =	sor.u32 s4, s8;
	[dreg:$0x6] =	wrdreg s22;
	s11 =	sor.u32 $0x1C01, s22  }
0xb: {  	s22 =	simm.s32 $0x200;
	s9 =	sshrl.u32 s19, $0x1;
	s7 =	sshrl.u32 s7, $0x2  }
0xc: {  	s4 =	smul.u32 $0x500, s4;
	s3 =	sadd.s32 s6, s3;
	s20 =	ssub.s32 s19, s9  }
0xd: {  	s7 =	sadd.s32 s7, s1;
	s9 =	simm.s32 $0x800;
	s19 =	simm.s32 $0x80  }
0xe: {  	s13 =	sadd.s32 $0x4000, s7;
	s14 =	sadd.s32 $0x8000, s7;
	s15 =	sadd.s32 $0xC000, s7  }
0xf: {  	s16 =	sadd.s32 $0x10000, s7;
	s6 =	sadd.s32 s0, s4;
	s0 =	sadd.s32 $0x4600, s3  }
0x10: {  	s3 =	smul.u32 $0x2800, s10;
	s21 =	smax.u32 s20, $0x1;
	s10 =	simm.s32 $0x3  }
0x11: {  	s12 =	sshrl.u32 s7, $0x3;
	[dreg:$0x5] =	wrdreg s21;
	s23 =	sshrl.u32 s13, $0x3  }
0x12: {  	s20 =	simm.s32 $0x100;
	s24 =	sshrl.u32 s14, $0x3;
	[dreg:$0x7] =	wrdreg s23  }
0x13: {  	s4 =	simm.s32 $0x700;
	s25 =	sshrl.u32 s15, $0x3;
	[dreg:$0x8] =	wrdreg s24  }
0x14: {  	s7 =	simm.s32 $0x780;
	s26 =	sshrl.u32 s16, $0x3;
	[dreg:$0x9] =	wrdreg s25  }
0x15: {  	s21 =	simm.s32 $0x180;
	s13 =	simm.s32 $0x0;
	[dreg:$0xa] =	wrdreg s26  }
0x16: {  	s23 =	simm.s32 $0x280;
	s24 =	sadd.s32 s3, s0;
	s25 =	simm.s32 $0x300  }
0x17: {  	s26 =	simm.s32 $0x2;
	s0 =	simm.s32 $0x600;
	s3 =	simm.s32 $0x680  }
.LBB2_1:
0x18: {  	s8 =	rddreg [dreg:$0x4]  }
0x19: {  	[tilespmem:s9], [sflag:$0x3] =	stream.linear.gather [hbm4b:s8+s2], $0x4000, $0x38;
	[tilespmem:$0x18800] =	vst v63  }
0x1a: {  	_ =	swait.ge [sflag:s10], $0x4000  }
0x1b: {  	[sflag:s10] =	ssyncset.done $0x0  }
0x1c: {  	[sflag:s10] =	ssyncadd.s32 $0xFFFFC000  }
0x1d: {  	[spmem:s12], [sflag:s11] =	dma.local [hbm:s5], $0x800  }
0x1e: {  	s16 =	rddreg [dreg:$0x7]  }
0x1f: {  	[spmem:s16], [sflag:s11] =	dma.local [hbm:s5], $0x800  }
0x20: {  	s8 =	rddreg [dreg:$0x8]  }
0x21: {  	[spmem:s8], [sflag:s11] =	dma.local [hbm:s5], $0x800  }
0x22: {  	s8 =	rddreg [dreg:$0x9]  }
0x23: {  	[spmem:s8], [sflag:s11] =	dma.local [hbm:s5], $0x800  }
0x24: {  	s8 =	rddreg [dreg:$0xa]  }
0x25: {  	[spmem:s8], [sflag:s11] =	dma.local [hbm:s5], $0x800  }
0x26: {  	_ =	swait.ge [sflag:s17], $0x800  }
0x27: {  	[sflag:s17] =	ssyncset.done $0x0  }
0x28: {  	[sflag:s17] =	ssyncadd.s32 $0xFFFFF800  }
0x29: {  	_ =	swait.ge [sflag:s17], $0x800  }
0x2a: {  	[sflag:s17] =	ssyncset.done $0x0  }
0x2b: {  	[sflag:s17] =	ssyncadd.s32 $0xFFFFF800  }
0x2c: {  	_ =	swait.ge [sflag:s17], $0x800  }
0x2d: {  	[sflag:s17] =	ssyncset.done $0x0  }
0x2e: {  	[sflag:s17] =	ssyncadd.s32 $0xFFFFF800  }
0x2f: {  	_ =	swait.ge [sflag:s17], $0x800  }
0x30: {  	[sflag:s17] =	ssyncset.done $0x0  }
0x31: {  	[sflag:s17] =	ssyncadd.s32 $0xFFFFF800  }
0x32: {  	_ =	swait.ge [sflag:s17], $0x800  }
0x33: {  	[sflag:s17] =	ssyncset.done $0x0  }
0x34: {  	[sflag:s17] =	ssyncadd.s32 $0xFFFFF800  }
0x35: {  	[bflag:$0x0] =	sbarrier.arrive $0xFFFF  }
0x36: {  	[tilespmem:s2], [sflag:$0x3] =	stream.linear.gather [hbm4b:s6+s2], $0x400, $0x38;
	[tilespmem:$0x18800] =	vst v63  }
0x37: {  	_ =	swait.ge [sflag:s10], $0x400  }
0x38: {  	s14 =	sadd.s32 $0xFFFFFB00, s6;
	[sflag:s10] =	ssyncset.done $0x0  }
0x39: {  	s14 =	sadd.s32 $0x580, s14;
	[sflag:s10] =	ssyncadd.s32 $0xFFFFFC00  }
0x3a: {  	[tilespmem:s18], [sflag:$0x2] =	stream.linear.gather [hbm4b:s14+s2], $0x400, $0x38;
	[tilespmem:$0x18800] =	vst v63  }
0x3b: {  	_ = 	snop  }
0x3c: {  	[spmem:s1] =	stream.indirect.scatter.add.f32 [tilespmem:s9], [sflag:$0x3], $0x80, s2, s19, $0xb8;
	[tilespmem:$0x18800] =	vst v63  }
0x3d: {  	_ =	swait.ge [sflag:s10], $0x4000  }
0x3e: {  	[sflag:s10] =	ssyncset.done $0x0  }
0x3f: {  	[sflag:s10] =	ssyncadd.s32 $0xFFFFC000  }
0x40: {  	[spmem:s1] =	stream.indirect.scatter.add.f32 [tilespmem:s9], [sflag:$0x3], $0x80, s19, s19, $0xb8;
	[tilespmem:$0x18800] =	vst v63  }
0x41: {  	_ =	swait.ge [sflag:s10], $0x4000  }
0x42: {  	[sflag:s10] =	ssyncset.done $0x0  }
0x43: {  	[sflag:s10] =	ssyncadd.s32 $0xFFFFC000  }
0x44: {  	[spmem:s1] =	stream.indirect.scatter.add.f32 [tilespmem:s9], [sflag:$0x3], $0x80, s20, s19, $0xb8;
	[tilespmem:$0x18800] =	vst v63  }
0x45: {  	_ =	swait.ge [sflag:s10], $0x4000  }
0x46: {  	[sflag:s10] =	ssyncset.done $0x0  }
0x47: {  	[sflag:s10] =	ssyncadd.s32 $0xFFFFC000  }
0x48: {  	[spmem:s1] =	stream.indirect.scatter.add.f32 [tilespmem:s9], [sflag:$0x3], $0x80, s21, s19, $0xb8;
	[tilespmem:$0x18800] =	vst v63  }
0x49: {  	_ =	swait.ge [sflag:s10], $0x4000  }
0x4a: {  	[sflag:s10] =	ssyncset.done $0x0  }
0x4b: {  	[sflag:s10] =	ssyncadd.s32 $0xFFFFC000  }
0x4c: {  	[spmem:s1] =	stream.indirect.scatter.add.f32 [tilespmem:s9], [sflag:$0x3], $0x80, s22, s19, $0xb8;
	[tilespmem:$0x18800] =	vst v63  }
0x4d: {  	_ =	swait.ge [sflag:s10], $0x4000  }
0x4e: {  	[sflag:s10] =	ssyncset.done $0x0  }
0x4f: {  	[sflag:s10] =	ssyncadd.s32 $0xFFFFC000  }
0x50: {  	[spmem:s1] =	stream.indirect.scatter.add.f32 [tilespmem:s9], [sflag:$0x3], $0x80, s23, s19, $0xb8;
	[tilespmem:$0x18800] =	vst v63  }
0x51: {  	_ =	swait.ge [sflag:s10], $0x4000  }
0x52: {  	[sflag:s10] =	ssyncset.done $0x0  }
0x53: {  	[sflag:s10] =	ssyncadd.s32 $0xFFFFC000  }
0x54: {  	[spmem:s1] =	stream.indirect.scatter.add.f32 [tilespmem:s9], [sflag:$0x3], $0x80, s25, s19, $0xb8;
	[tilespmem:$0x18800] =	vst v63  }
0x55: {  	_ =	swait.ge [sflag:s10], $0x4000  }
0x56: {  	[sflag:s10] =	ssyncset.done $0x0  }
0x57: {  	[sflag:s10] =	ssyncadd.s32 $0xFFFFC000  }
0x58: {  	_ =	swait.ge [sflag:s26], $0x400  }
0x59: {  	[sflag:s26] =	ssyncset.done $0x0  }
0x5a: {  	[sflag:s26] =	ssyncadd.s32 $0xFFFFFC00  }
0x5b: {  	[spmem:s1] =	stream.indirect.scatter.add.f32 [tilespmem:s9], [sflag:$0x3], $0x80, s28, s19, $0xb8;
	[tilespmem:$0x18800] =	vst v63  }
0x5c: {  	p0 =	por $0x0, $0x0;
	_ =	swait.ge [sflag:s10], $0x4000  }
0x5d: {  	s14 =	sadd.s32 @!p0 $0xFFFFFB00, s6;
	[sflag:s10] =	ssyncset.done $0x0  }
0x5e: {  	s15 =	simm.s32 @!p0 $0x0;
	s14 =	sadd.s32 @!p0 $0x600, s14;
	[sflag:s10] =	ssyncadd.s32 $0xFFFFC000  }
0x5f: {  	[tilespmem:s15], [sflag:$0x1] =	stream.linear.gather @!p0 [hbm4b:s14+s15], $0x400, $0x38;
	[tilespmem:$0x18800] =	vst v63  }
0x60: {  	_ = 	snop  }
0x61: {  	[spmem:s1] =	stream.indirect.scatter.add.f32 [tilespmem:s9], [sflag:$0x3], $0x80, s18, s19, $0xb8;
	[tilespmem:$0x18800] =	vst v63  }
0x62: {  	_ =	swait.ge [sflag:s10], $0x4000  }
0x63: {  	[sflag:s10] =	ssyncset.done $0x0  }
0x64: {  	[sflag:s10] =	ssyncadd.s32 $0xFFFFC000  }
0x65: {  	[spmem:s1] =	stream.indirect.scatter.add.f32 [tilespmem:s9], [sflag:$0x3], $0x80, s29, s19, $0xb8;
	[tilespmem:$0x18800] =	vst v63  }
0x66: {  	_ =	swait.ge [sflag:s10], $0x4000  }
0x67: {  	[sflag:s10] =	ssyncset.done $0x0  }
0x68: {  	[sflag:s10] =	ssyncadd.s32 $0xFFFFC000  }
0x69: {  	[spmem:s1] =	stream.indirect.scatter.add.f32 [tilespmem:s9], [sflag:$0x3], $0x80, s30, s19, $0xb8;
	[tilespmem:$0x18800] =	vst v63  }
0x6a: {  	_ =	swait.ge [sflag:s10], $0x4000  }
0x6b: {  	[sflag:s10] =	ssyncset.done $0x0  }
0x6c: {  	[sflag:s10] =	ssyncadd.s32 $0xFFFFC000  }
0x6d: {  	[spmem:s1] =	stream.indirect.scatter.add.f32 [tilespmem:s9], [sflag:$0x3], $0x80, s31, s19, $0xb8;
	[tilespmem:$0x18800] =	vst v63  }
0x6e: {  	_ =	swait.ge [sflag:s10], $0x4000  }
0x6f: {  	[sflag:s10] =	ssyncset.done $0x0  }
0x70: {  	[sflag:s10] =	ssyncadd.s32 $0xFFFFC000  }
0x71: {  	[spmem:s1] =	stream.indirect.scatter.add.f32 [tilespmem:s9], [sflag:$0x3], $0x80, s0, s19, $0xb8;
	[tilespmem:$0x18800] =	vst v63  }
0x72: {  	_ =	swait.ge [sflag:s10], $0x4000  }
0x73: {  	[sflag:s10] =	ssyncset.done $0x0  }
0x74: {  	[sflag:s10] =	ssyncadd.s32 $0xFFFFC000  }
0x75: {  	[spmem:s1] =	stream.indirect.scatter.add.f32 [tilespmem:s9], [sflag:$0x3], $0x80, s3, s19, $0xb8;
	[tilespmem:$0x18800] =	vst v63  }
0x76: {  	_ =	swait.ge [sflag:s10], $0x4000  }
0x77: {  	[sflag:s10] =	ssyncset.done $0x0  }
0x78: {  	[sflag:s10] =	ssyncadd.s32 $0xFFFFC000  }
0x79: {  	[spmem:s1] =	stream.indirect.scatter.add.f32 [tilespmem:s9], [sflag:$0x3], $0x80, s4, s19, $0xb8;
	[tilespmem:$0x18800] =	vst v63  }
0x7a: {  	_ =	swait.ge [sflag:s10], $0x4000  }
0x7b: {  	[sflag:s10] =	ssyncset.done $0x0  }
0x7c: {  	s14 =	simm.s32 @!p0 $0x1;
	[sflag:s10] =	ssyncadd.s32 $0xFFFFC000  }
0x7d: {  	_ =	swait.ge @!p0 [sflag:s14], $0x400  }
0x7e: {  	[sflag:s14] =	ssyncset.done @!p0 $0x0  }
0x7f: {  	[sflag:s14] =	ssyncadd.s32 @!p0 $0xFFFFFC00  }
0x80: {  	[spmem:s1] =	stream.indirect.scatter.add.f32 [tilespmem:s9], [sflag:$0x3], $0x80, s7, s19, $0xb8;
	[tilespmem:$0x18800] =	vst v63  }
0x81: {  	s16 =	sadd.s32 $0xFFFFFC00, s6;
	_ =	swait.ge [sflag:s10], $0x4000  }
0x82: {  	s15 =	simm.s32 $0xFFFFFD00;
	s14 =	simm.s32 $0xFFFFFC00;
	[sflag:s10] =	ssyncset.done $0x0  }
.LBB2_2:
0x83: {  	s8 =	sadd.s32 $0x580, s16  }
0x84: {  	[sflag:s10] =	ssyncadd.s32 $0xFFFFC000;
	s16 =	smov.u32 s15;
	s15 =	sadd.s32 $0x100, s15  }
0x85: {  	[tilespmem:s18], [sflag:$0x2] =	stream.linear.gather [hbm4b:s8+s2], $0x400, $0x38;
	[tilespmem:$0x18800] =	vst v63  }
0x86: {  	p0 =	sne.s32 s15, $0x0  }
0x87: {  	[spmem:s1] =	stream.indirect.scatter.add.f32 [tilespmem:s9], [sflag:$0x3], $0x80, s2, s19, $0xb8;
	[tilespmem:$0x18800] =	vst v63  }
0x88: {  	_ =	swait.ge [sflag:s10], $0x4000  }
0x89: {  	[sflag:s10] =	ssyncset.done $0x0  }
0x8a: {  	[sflag:s10] =	ssyncadd.s32 $0xFFFFC000  }
0x8b: {  	[spmem:s1] =	stream.indirect.scatter.add.f32 [tilespmem:s9], [sflag:$0x3], $0x80, s19, s19, $0xb8;
	[tilespmem:$0x18800] =	vst v63  }
0x8c: {  	_ =	swait.ge [sflag:s10], $0x4000  }
0x8d: {  	[sflag:s10] =	ssyncset.done $0x0  }
0x8e: {  	[sflag:s10] =	ssyncadd.s32 $0xFFFFC000  }
0x8f: {  	[spmem:s1] =	stream.indirect.scatter.add.f32 [tilespmem:s9], [sflag:$0x3], $0x80, s20, s19, $0xb8;
	[tilespmem:$0x18800] =	vst v63  }
0x90: {  	_ =	swait.ge [sflag:s10], $0x4000  }
0x91: {  	[sflag:s10] =	ssyncset.done $0x0  }
0x92: {  	[sflag:s10] =	ssyncadd.s32 $0xFFFFC000  }
0x93: {  	[spmem:s1] =	stream.indirect.scatter.add.f32 [tilespmem:s9], [sflag:$0x3], $0x80, s21, s19, $0xb8;
	[tilespmem:$0x18800] =	vst v63  }
0x94: {  	_ =	swait.ge [sflag:s10], $0x4000  }
0x95: {  	[sflag:s10] =	ssyncset.done $0x0  }
0x96: {  	[sflag:s10] =	ssyncadd.s32 $0xFFFFC000  }
0x97: {  	[spmem:s1] =	stream.indirect.scatter.add.f32 [tilespmem:s9], [sflag:$0x3], $0x80, s22, s19, $0xb8;
	[tilespmem:$0x18800] =	vst v63  }
0x98: {  	_ =	swait.ge [sflag:s10], $0x4000  }
0x99: {  	[sflag:s10] =	ssyncset.done $0x0  }
0x9a: {  	[sflag:s10] =	ssyncadd.s32 $0xFFFFC000  }
0x9b: {  	[spmem:s1] =	stream.indirect.scatter.add.f32 [tilespmem:s9], [sflag:$0x3], $0x80, s23, s19, $0xb8;
	[tilespmem:$0x18800] =	vst v63  }
0x9c: {  	_ =	swait.ge [sflag:s10], $0x4000  }
0x9d: {  	[sflag:s10] =	ssyncset.done $0x0  }
0x9e: {  	[sflag:s10] =	ssyncadd.s32 $0xFFFFC000  }
0x9f: {  	[spmem:s1] =	stream.indirect.scatter.add.f32 [tilespmem:s9], [sflag:$0x3], $0x80, s25, s19, $0xb8;
	[tilespmem:$0x18800] =	vst v63  }
0xa0: {  	_ =	swait.ge [sflag:s10], $0x4000  }
0xa1: {  	[sflag:s10] =	ssyncset.done $0x0  }
0xa2: {  	[sflag:s10] =	ssyncadd.s32 $0xFFFFC000  }
0xa3: {  	_ =	swait.ge [sflag:s26], $0x400  }
0xa4: {  	[sflag:s26] =	ssyncset.done $0x0  }
0xa5: {  	[sflag:s26] =	ssyncadd.s32 $0xFFFFFC00  }
0xa6: {  	[spmem:s1] =	stream.indirect.scatter.add.f32 [tilespmem:s9], [sflag:$0x3], $0x80, s28, s19, $0xb8;
	[tilespmem:$0x18800] =	vst v63  }
0xa7: {  	p1 =	seq.s32 s14, $0xFFFFFF00;
	_ =	swait.ge [sflag:s10], $0x4000  }
0xa8: {  	s8 =	sadd.s32 @!p1 s14, s6;
	s14 =	smov.u32 s16;
	[sflag:s10] =	ssyncset.done $0x0  }
0xa9: {  	s16 =	simm.s32 @!p1 $0x0;
	s8 =	sadd.s32 @!p1 $0x600, s8;
	[sflag:s10] =	ssyncadd.s32 $0xFFFFC000  }
0xaa: {  	[tilespmem:s16], [sflag:$0x1] =	stream.linear.gather @!p1 [hbm4b:s8+s16], $0x400, $0x38;
	[tilespmem:$0x18800] =	vst v63  }
0xab: {  	_ = 	snop  }
0xac: {  	[spmem:s1] =	stream.indirect.scatter.add.f32 [tilespmem:s9], [sflag:$0x3], $0x80, s18, s19, $0xb8;
	[tilespmem:$0x18800] =	vst v63  }
0xad: {  	_ =	swait.ge [sflag:s10], $0x4000  }
0xae: {  	[sflag:s10] =	ssyncset.done $0x0  }
0xaf: {  	[sflag:s10] =	ssyncadd.s32 $0xFFFFC000  }
0xb0: {  	[spmem:s1] =	stream.indirect.scatter.add.f32 [tilespmem:s9], [sflag:$0x3], $0x80, s29, s19, $0xb8;
	[tilespmem:$0x18800] =	vst v63  }
0xb1: {  	_ =	swait.ge [sflag:s10], $0x4000  }
0xb2: {  	[sflag:s10] =	ssyncset.done $0x0  }
0xb3: {  	[sflag:s10] =	ssyncadd.s32 $0xFFFFC000  }
0xb4: {  	[spmem:s1] =	stream.indirect.scatter.add.f32 [tilespmem:s9], [sflag:$0x3], $0x80, s30, s19, $0xb8;
	[tilespmem:$0x18800] =	vst v63  }
0xb5: {  	_ =	swait.ge [sflag:s10], $0x4000  }
0xb6: {  	[sflag:s10] =	ssyncset.done $0x0  }
0xb7: {  	[sflag:s10] =	ssyncadd.s32 $0xFFFFC000  }
0xb8: {  	[spmem:s1] =	stream.indirect.scatter.add.f32 [tilespmem:s9], [sflag:$0x3], $0x80, s31, s19, $0xb8;
	[tilespmem:$0x18800] =	vst v63  }
0xb9: {  	_ =	swait.ge [sflag:s10], $0x4000  }
0xba: {  	[sflag:s10] =	ssyncset.done $0x0  }
0xbb: {  	[sflag:s10] =	ssyncadd.s32 $0xFFFFC000  }
0xbc: {  	[spmem:s1] =	stream.indirect.scatter.add.f32 [tilespmem:s9], [sflag:$0x3], $0x80, s0, s19, $0xb8;
	[tilespmem:$0x18800] =	vst v63  }
0xbd: {  	_ =	swait.ge [sflag:s10], $0x4000  }
0xbe: {  	[sflag:s10] =	ssyncset.done $0x0  }
0xbf: {  	[sflag:s10] =	ssyncadd.s32 $0xFFFFC000  }
0xc0: {  	[spmem:s1] =	stream.indirect.scatter.add.f32 [tilespmem:s9], [sflag:$0x3], $0x80, s3, s19, $0xb8;
	[tilespmem:$0x18800] =	vst v63  }
0xc1: {  	_ =	swait.ge [sflag:s10], $0x4000  }
0xc2: {  	[sflag:s10] =	ssyncset.done $0x0  }
0xc3: {  	[sflag:s10] =	ssyncadd.s32 $0xFFFFC000  }
0xc4: {  	[spmem:s1] =	stream.indirect.scatter.add.f32 [tilespmem:s9], [sflag:$0x3], $0x80, s4, s19, $0xb8;
	[tilespmem:$0x18800] =	vst v63  }
0xc5: {  	_ =	swait.ge [sflag:s10], $0x4000  }
0xc6: {  	[sflag:s10] =	ssyncset.done $0x0  }
0xc7: {  	s8 =	simm.s32 @!p1 $0x1;
	[sflag:s10] =	ssyncadd.s32 $0xFFFFC000  }
0xc8: {  	_ =	swait.ge @!p1 [sflag:s8], $0x400  }
.Ltmp0:
0xc9: {  	[sflag:s8] =	ssyncset.done @!p1 $0x0;
	(pc) =	sbr.rel @p0 .LBB2_2-.Ltmp0, $4  }
0xca: {  	[sflag:s8] =	ssyncadd.s32 @!p1 $0xFFFFFC00  }
0xcb: {  	[spmem:s1] =	stream.indirect.scatter.add.f32 [tilespmem:s9], [sflag:$0x3], $0x80, s7, s19, $0xb8;
	[tilespmem:$0x18800] =	vst v63  }
0xcc: {  	_ =	swait.ge [sflag:s10], $0x4000  }
0xcd: {  	s16 =	sadd.s32 s14, s6;
	[sflag:s10] =	ssyncset.done $0x0  }
0xce: {  	s8 =	sadd.s32 $0x580, s16;
	[sflag:s10] =	ssyncadd.s32 $0xFFFFC000  }
0xcf: {  	[tilespmem:s18], [sflag:$0x2] =	stream.linear.gather [hbm4b:s8+s2], $0x400, $0x38;
	[tilespmem:$0x18800] =	vst v63  }
0xd0: {  	_ = 	snop  }
0xd1: {  	[spmem:s1] =	stream.indirect.scatter.add.f32 [tilespmem:s9], [sflag:$0x3], $0x80, s2, s19, $0xb8;
	[tilespmem:$0x18800] =	vst v63  }
0xd2: {  	_ =	swait.ge [sflag:s10], $0x4000  }
0xd3: {  	[sflag:s10] =	ssyncset.done $0x0  }
0xd4: {  	[sflag:s10] =	ssyncadd.s32 $0xFFFFC000  }
0xd5: {  	[spmem:s1] =	stream.indirect.scatter.add.f32 [tilespmem:s9], [sflag:$0x3], $0x80, s19, s19, $0xb8;
	[tilespmem:$0x18800] =	vst v63  }
0xd6: {  	_ =	swait.ge [sflag:s10], $0x4000  }
0xd7: {  	[sflag:s10] =	ssyncset.done $0x0  }
0xd8: {  	[sflag:s10] =	ssyncadd.s32 $0xFFFFC000  }
0xd9: {  	[spmem:s1] =	stream.indirect.scatter.add.f32 [tilespmem:s9], [sflag:$0x3], $0x80, s20, s19, $0xb8;
	[tilespmem:$0x18800] =	vst v63  }
0xda: {  	_ =	swait.ge [sflag:s10], $0x4000  }
0xdb: {  	[sflag:s10] =	ssyncset.done $0x0  }
0xdc: {  	[sflag:s10] =	ssyncadd.s32 $0xFFFFC000  }
0xdd: {  	[spmem:s1] =	stream.indirect.scatter.add.f32 [tilespmem:s9], [sflag:$0x3], $0x80, s21, s19, $0xb8;
	[tilespmem:$0x18800] =	vst v63  }
0xde: {  	_ =	swait.ge [sflag:s10], $0x4000  }
0xdf: {  	[sflag:s10] =	ssyncset.done $0x0  }
0xe0: {  	[sflag:s10] =	ssyncadd.s32 $0xFFFFC000  }
0xe1: {  	[spmem:s1] =	stream.indirect.scatter.add.f32 [tilespmem:s9], [sflag:$0x3], $0x80, s22, s19, $0xb8;
	[tilespmem:$0x18800] =	vst v63  }
0xe2: {  	_ =	swait.ge [sflag:s10], $0x4000  }
0xe3: {  	[sflag:s10] =	ssyncset.done $0x0  }
0xe4: {  	[sflag:s10] =	ssyncadd.s32 $0xFFFFC000  }
0xe5: {  	[spmem:s1] =	stream.indirect.scatter.add.f32 [tilespmem:s9], [sflag:$0x3], $0x80, s23, s19, $0xb8;
	[tilespmem:$0x18800] =	vst v63  }
0xe6: {  	_ =	swait.ge [sflag:s10], $0x4000  }
0xe7: {  	[sflag:s10] =	ssyncset.done $0x0  }
0xe8: {  	[sflag:s10] =	ssyncadd.s32 $0xFFFFC000  }
0xe9: {  	[spmem:s1] =	stream.indirect.scatter.add.f32 [tilespmem:s9], [sflag:$0x3], $0x80, s25, s19, $0xb8;
	[tilespmem:$0x18800] =	vst v63  }
0xea: {  	_ =	swait.ge [sflag:s10], $0x4000  }
0xeb: {  	[sflag:s10] =	ssyncset.done $0x0  }
0xec: {  	[sflag:s10] =	ssyncadd.s32 $0xFFFFC000  }
0xed: {  	_ =	swait.ge [sflag:s26], $0x400  }
0xee: {  	[sflag:s26] =	ssyncset.done $0x0  }
0xef: {  	[sflag:s26] =	ssyncadd.s32 $0xFFFFFC00  }
0xf0: {  	[spmem:s1] =	stream.indirect.scatter.add.f32 [tilespmem:s9], [sflag:$0x3], $0x80, s28, s19, $0xb8;
	[tilespmem:$0x18800] =	vst v63  }
0xf1: {  	p0 =	seq.s32 s14, $0xFFFFFF00;
	_ =	swait.ge [sflag:s10], $0x4000  }
0xf2: {  	s8 =	sadd.s32 @!p0 s14, s6;
	[sflag:s10] =	ssyncset.done $0x0  }
0xf3: {  	s14 =	simm.s32 @!p0 $0x0;
	s8 =	sadd.s32 @!p0 $0x600, s8;
	[sflag:s10] =	ssyncadd.s32 $0xFFFFC000  }
0xf4: {  	[tilespmem:s14], [sflag:$0x1] =	stream.linear.gather @!p0 [hbm4b:s8+s14], $0x400, $0x38;
	[tilespmem:$0x18800] =	vst v63  }
0xf5: {  	_ = 	snop  }
0xf6: {  	[spmem:s1] =	stream.indirect.scatter.add.f32 [tilespmem:s9], [sflag:$0x3], $0x80, s18, s19, $0xb8;
	[tilespmem:$0x18800] =	vst v63  }
0xf7: {  	_ =	swait.ge [sflag:s10], $0x4000  }
0xf8: {  	[sflag:s10] =	ssyncset.done $0x0  }
0xf9: {  	[sflag:s10] =	ssyncadd.s32 $0xFFFFC000  }
0xfa: {  	[spmem:s1] =	stream.indirect.scatter.add.f32 [tilespmem:s9], [sflag:$0x3], $0x80, s29, s19, $0xb8;
	[tilespmem:$0x18800] =	vst v63  }
0xfb: {  	_ =	swait.ge [sflag:s10], $0x4000  }
0xfc: {  	[sflag:s10] =	ssyncset.done $0x0  }
0xfd: {  	[sflag:s10] =	ssyncadd.s32 $0xFFFFC000  }
0xfe: {  	[spmem:s1] =	stream.indirect.scatter.add.f32 [tilespmem:s9], [sflag:$0x3], $0x80, s30, s19, $0xb8;
	[tilespmem:$0x18800] =	vst v63  }
0xff: {  	_ =	swait.ge [sflag:s10], $0x4000  }
0x100: {  	[sflag:s10] =	ssyncset.done $0x0  }
0x101: {  	[sflag:s10] =	ssyncadd.s32 $0xFFFFC000  }
0x102: {  	[spmem:s1] =	stream.indirect.scatter.add.f32 [tilespmem:s9], [sflag:$0x3], $0x80, s31, s19, $0xb8;
	[tilespmem:$0x18800] =	vst v63  }
0x103: {  	_ =	swait.ge [sflag:s10], $0x4000  }
0x104: {  	[sflag:s10] =	ssyncset.done $0x0  }
0x105: {  	[sflag:s10] =	ssyncadd.s32 $0xFFFFC000  }
0x106: {  	[spmem:s1] =	stream.indirect.scatter.add.f32 [tilespmem:s9], [sflag:$0x3], $0x80, s0, s19, $0xb8;
	[tilespmem:$0x18800] =	vst v63  }
0x107: {  	_ =	swait.ge [sflag:s10], $0x4000  }
0x108: {  	[sflag:s10] =	ssyncset.done $0x0  }
0x109: {  	[sflag:s10] =	ssyncadd.s32 $0xFFFFC000  }
0x10a: {  	[spmem:s1] =	stream.indirect.scatter.add.f32 [tilespmem:s9], [sflag:$0x3], $0x80, s3, s19, $0xb8;
	[tilespmem:$0x18800] =	vst v63  }
0x10b: {  	_ =	swait.ge [sflag:s10], $0x4000  }
0x10c: {  	[sflag:s10] =	ssyncset.done $0x0  }
0x10d: {  	[sflag:s10] =	ssyncadd.s32 $0xFFFFC000  }
0x10e: {  	[spmem:s1] =	stream.indirect.scatter.add.f32 [tilespmem:s9], [sflag:$0x3], $0x80, s4, s19, $0xb8;
	[tilespmem:$0x18800] =	vst v63  }
0x10f: {  	_ =	swait.ge [sflag:s10], $0x4000  }
0x110: {  	[sflag:s10] =	ssyncset.done $0x0  }
0x111: {  	s8 =	simm.s32 @!p0 $0x1;
	[sflag:s10] =	ssyncadd.s32 $0xFFFFC000  }
0x112: {  	_ =	swait.ge @!p0 [sflag:s8], $0x400  }
0x113: {  	[sflag:s8] =	ssyncset.done @!p0 $0x0  }
0x114: {  	[sflag:s8] =	ssyncadd.s32 @!p0 $0xFFFFFC00  }
0x115: {  	[spmem:s1] =	stream.indirect.scatter.add.f32 [tilespmem:s9], [sflag:$0x3], $0x80, s7, s19, $0xb8;
	[tilespmem:$0x18800] =	vst v63  }
0x116: {  	_ =	swait.ge [sflag:s10], $0x4000  }
0x117: {  	[sflag:s10] =	ssyncset.done $0x0  }
0x118: {  	[sflag:s10] =	ssyncadd.s32 $0xFFFFC000  }
0x119: {  	[bflag:$0x0] =	sbarrier.arrive $0xFFFF  }
0x11a: {  	s15 =	rddreg [dreg:$0x6]  }
0x11b: {  	s8 =	sor.u32 $0x1C03, s15  }
0x11c: {  	[hbm:s24], [sflag:s8] =	dma.local [spmem:s12], $0x2800  }
0x11d: {  	_ =	swait.ge [sflag:s10], $0x2800  }
0x11e: {  	s13 =	sadd.s32 $0x1, s13;
	s16 =	rddreg [dreg:$0x5]  }
0x11f: {  	p0 =	sne.s32 s13, s16  }
.Ltmp1:
0x120: {  	_ = 	snop;
	(pc) =	sbr.rel @p0 .LBB2_1-.Ltmp1, $3  }
0x121: {  	_ =	sdelay $0x1  }
0x122: {  	[sflag:s10] =	ssyncset.done $0x0  }
0x123: {  	[sflag:s10] =	ssyncadd.s32 $0xFFFFD800  }
0x124: {  	_ =	sfence.sel $0x180000  }
0x125: {  	[bflag:$0x0] =	sbarrier.arrive $0xFFFF  }
0x126: {  	_ =	strace $0x90000047  }
0x127: {  	s0 =	stileid.u32;
	[bflag:$0x2] =	sbarrier.arrive $0xFFFF  }
0x128: {  	p0 =	sne.s32 s0, $0x0;
	s0 =	rddreg [dreg:$0x3]  }
0x129: {  	s0 =	sadd.s32 @!p0 $0x100000, s0  }
0x12a: {  	[sflag:s0] =	ssyncadd.tile.s32 @!p0 $0x1;
	_ =	shalt  }
.Lfunc_end2:
_tile_overlayer_lowered:
.L_overlay_start_2:
0x12b: {  	(tag) =	ssettag $0x2  }
0x12c: {  	s0 =	rddreg [dreg:$0x0];
	s2 =	stileid.u32  }
0x12d: {  	s1 =	rddreg [dreg:$0x1];
	p0 =	sne.s32 s2, $0x0  }
0x12e: {  	s3 =	rddreg [dreg:$0x2];
	[bflag:$0x3] =	sbarrier.arrive $0xFFFF;
	s2 =	simm.s32 @!p0 $0x1C03  }
0x12f: {  	[timem:s3], [sflag:s2] =	dma.local @!p0 [hbm:s0], s1  }
0x130: {  	s0 =	simm.s32 @!p0 $0x3  }
0x131: {  	_ =	swait.ge @!p0 [sflag:s0], s1  }
0x132: {  	s1 =	ssub.s32 @!p0 $0x0, s1;
	[sflag:s0] =	ssyncset.done @!p0 $0x0  }
0x133: {  	[sflag:s0] =	ssyncadd.s32 @!p0 s1  }
0x134: {  	[bflag:$0x3] =	sbarrier.arrive $0xFFFF  }
0x135: {  	_ =	shalt  }

// kernel: kernel.16.cloned.1.call-start
scs
__scs_entry_jumppad:
0x0: {  	(pc) =	sbr.rel $0x88, $3  }
0x1: {  	(tag) =	ssettag $0x0;
	lr =	simm.s32 $0x1  }
0x2: {  	[smem:$0x3F95] =	sst lr;
	_ =	strace $0xD0000000  }
0x3: {  	_ = 	snop  }
0x4: {  	_ = 	snop  }
0x5: {  	_ = 	snop  }
0x6: {  	_ = 	snop  }
0x7: {  	_ = 	snop  }
__scs_overlays_trampoline_lowered:
0x8: {  	[smem:$0x3FA4] =	sst s0  }
0x9: {  	[smem:$0x3FA5] =	sst s1  }
0xa: {  	[smem:$0x3FA6] =	sst s2  }
0xb: {  	[smem:$0x3FA7] =	sst s3  }
0xc: {  	[smem:$0x3FA8] =	sst s4  }
0xd: {  	[smem:$0x3FA9] =	sst s5  }
0xe: {  	[smem:$0x3FAA] =	sst s6  }
0xf: {  	[smem:$0x3FAB] =	sst s7  }
0x10: {  	[smem:$0x3FAC] =	sst s8  }
0x11: {  	[smem:$0x3FAD] =	sst s9;
	s0 =	simm.s32 @!p0 $0x0  }
0x12: {  	s1 =	sld [smem:$0x3F93];
	s0 =	simm.s32 @p0 $0x1  }
0x13: {  	[smem:$0x3FAE] =	sst s0;
	s0 =	simm.s32 @!p1 $0x0  }
0x14: {  	s2 =	sld [smem:$0x3F92];
	s0 =	simm.s32 @p1 $0x1  }
0x15: {  	[smem:$0x3FAF] =	sst s0;
	s0 =	simm.s32 @!p2 $0x0  }
0x16: {  	s3 =	sld [smem:$0x3FDB];
	s0 =	simm.s32 @p2 $0x1  }
0x17: {  	s4 =	simm.s32 $0x1BF5;
	[smem:$0x3FB1] =	sst s0  }
0x18: {  	s0 =	sld [smem:$0x3F94];
	_ =	swait.ge [sflag:s4], $0x0  }
0x19: {  	s7 =	sld [smem:$0x3F95]  }
0x1a: {  	s8 =	sadd.s32 $0xFFFFE003, lr  }
0x1b: {  	s9 =	sadd.s32 $0xFFFFFEF7, lr;
	s5 =	simm.s32 $0xFFFFFFFF;
	p2 =	slt.u32 s8, $0xFFFFF086  }
0x1c: {  	p1 =	slt.u32 s9, $0xF7A;
	s5 =	simm.s32 @!p2 $0x0  }
0x1d: {  	s5 =	simm.s32 @p1 $0x1;
	p0 =	seq.s32 s7, s2  }
0x1e: {  	s7 =	smul.u32 @!p0 $0xF7A, s2;
	p2 =	seq.s32 @!p0 s5, $0x0  }
0x1f: {  	s9 =	smul.u32 $0xF7A, s1;
	s8 =	simm.s32 @!p0 $0x1BF5;
	p2 =	por !p2, p0  }
0x20: {  	[sflag:s8] =	ssyncset.s32 @!p0 $0xFFFFF086;
	s6 =	sadd.s32 @!p0 s3, s7;
	s7 =	simm.s32 @!p0 $0x108  }
0x21: {  	s3 =	sadd.s32 s3, s9;
	s6 =	sadd.s32 @!p0 $0x88, s6;
	s7 =	simm.s32 @p2 $0x1082  }
0x22: {  	[simem:s7], [sflag:s8] =	dma.local @!p0 [hbm:s6], $0xF7A  }
0x23: {  	s9 =	sor.u32 $0xD0000000, s2;
	s6 =	simm.s32 $0x108;
	_ =	swait.ge @!p0 [sflag:s8], $0x0  }
0x24: {  	s3 =	sadd.s32 $0x88, s3;
	s6 =	simm.s32 @!p1 $0x1082;
	[sflag:s4] =	ssyncset.s32 $0xFFFFF086  }
0x25: {  	[simem:s6], [sflag:s4] =	dma.local [hbm:s3], $0xF7A  }
0x26: {  	[smem:$0x3F95] =	sst s1;
	(tag) =	ssettag s2;
	_ =	strace s9  }
0x27: {  	s1 =	sld [smem:$0x3FA5]  }
0x28: {  	s2 =	sld [smem:$0x3FA6]  }
0x29: {  	s4 =	sld [smem:$0x3FA8]  }
0x2a: {  	p0 =	seq.s32 s5, $0x0;
	s5 =	sld [smem:$0x3FA9]  }
0x2b: {  	s6 =	sld [smem:$0x3FAA]  }
0x2c: {  	s7 =	sld [smem:$0x3FAB]  }
0x2d: {  	s3 =	simm.s32 $0x108;
	s8 =	sld [smem:$0x3FAC]  }
0x2e: {  	s3 =	simm.s32 @!p0 $0x1082;
	s9 =	sld [smem:$0x3FAD]  }
0x2f: {  	lr =	sadd.s32 s0, s3;
	s0 =	sld [smem:$0x3FA4]  }
0x30: {  	s3 =	sld [smem:$0x3FA7]  }
0x31: {  	[smem:$0x3FB0] =	sst s10  }
0x32: {  	s10 =	sld [smem:$0x3FAE];
	_ =	sdelay $0x3  }
0x33: {  	p0 =	seq.s32 s10, $0x1;
	s10 =	sld [smem:$0x3FB0];
	_ =	sdelay $0x3  }
0x34: {  	[smem:$0x3FB0] =	sst s10  }
0x35: {  	s10 =	sld [smem:$0x3FAF];
	_ =	sdelay $0x3  }
0x36: {  	p1 =	seq.s32 s10, $0x1;
	s10 =	sld [smem:$0x3FB0];
	_ =	sdelay $0x3  }
0x37: {  	[smem:$0x3FB0] =	sst s10  }
0x38: {  	s10 =	sld [smem:$0x3FB1]  }
0x39: {  	_ = 	snop;
	(pc) =	sbr.ind lr, $3  }
0x3a: {  	_ = 	snop  }
0x3b: {  	_ = 	snop  }
0x3c: {  	p2 =	seq.s32 s10, $0x1;
	s10 =	sld [smem:$0x3FB0]  }
0x3d: {  	_ =	shalt  }
0x3e: {  	_ =	shalt  }
0x3f: {  	_ =	shalt  }
0x40: {  	_ =	shalt  }
0x41: {  	_ =	shalt  }
0x42: {  	_ =	shalt  }
0x43: {  	_ =	shalt  }
0x44: {  	_ =	shalt  }
0x45: {  	_ =	shalt  }
0x46: {  	_ =	shalt  }
0x47: {  	_ =	shalt  }
0x48: {  	_ =	shalt  }
0x49: {  	_ =	shalt  }
0x4a: {  	_ =	shalt  }
0x4b: {  	_ =	shalt  }
0x4c: {  	_ =	shalt  }
0x4d: {  	_ =	shalt  }
0x4e: {  	_ =	shalt  }
0x4f: {  	_ =	shalt  }
0x50: {  	_ =	shalt  }
0x51: {  	_ =	shalt  }
0x52: {  	_ =	shalt  }
0x53: {  	_ =	shalt  }
0x54: {  	_ =	shalt  }
0x55: {  	_ =	shalt  }
0x56: {  	_ =	shalt  }
0x57: {  	_ =	shalt  }
0x58: {  	_ =	shalt  }
0x59: {  	_ =	shalt  }
0x5a: {  	_ =	shalt  }
0x5b: {  	_ =	shalt  }
0x5c: {  	_ =	shalt  }
0x5d: {  	_ =	shalt  }
0x5e: {  	_ =	shalt  }
0x5f: {  	_ =	shalt  }
0x60: {  	_ =	shalt  }
0x61: {  	_ =	shalt  }
0x62: {  	_ =	shalt  }
0x63: {  	_ =	shalt  }
0x64: {  	_ =	shalt  }
0x65: {  	_ =	shalt  }
0x66: {  	_ =	shalt  }
0x67: {  	_ =	shalt  }
0x68: {  	_ =	shalt  }
0x69: {  	_ =	shalt  }
0x6a: {  	_ =	shalt  }
0x6b: {  	_ =	shalt  }
0x6c: {  	_ =	shalt  }
0x6d: {  	_ =	shalt  }
0x6e: {  	_ =	shalt  }
0x6f: {  	_ =	shalt  }
0x70: {  	_ =	shalt  }
0x71: {  	_ =	shalt  }
0x72: {  	_ =	shalt  }
0x73: {  	_ =	shalt  }
0x74: {  	_ =	shalt  }
0x75: {  	_ =	shalt  }
0x76: {  	_ =	shalt  }
0x77: {  	_ =	shalt  }
0x78: {  	_ =	shalt  }
0x79: {  	_ =	shalt  }
0x7a: {  	_ =	shalt  }
0x7b: {  	_ =	shalt  }
0x7c: {  	_ =	shalt  }
0x7d: {  	_ =	shalt  }
0x7e: {  	_ =	shalt  }
0x7f: {  	_ =	shalt  }
0x80: {  	_ =	shalt  }
0x81: {  	_ =	shalt  }
0x82: {  	_ =	shalt  }
0x83: {  	_ =	shalt  }
0x84: {  	_ =	shalt  }
0x85: {  	_ =	shalt  }
0x86: {  	_ =	shalt  }
0x87: {  	_ =	shalt  }
.Lfunc_end0:
.L_simem_size_0:
called_computation.1_lowered:
.L_overlay_start_0:
0x88: {  	s2 =	sld [smem:$0x3FD9]  }
0x89: {  	s3 =	sld [smem:$0x3FFE];
	_ =	sdelay $0x1  }
0x8a: {  	s1 =	srdreg.scid  }
0x8b: {  	s0 =	sand.u32 $0x1, s1  }
0x8c: {  	s17 =	sshll.u32 s0, $0xA;
	s2 =	sadd.s32 s3, s2  }
0x8d: {  	s2 =	sadd.s32 s2, s17  }
0x8e: {  	[smem:$0x3FBC] =	sst s2  }
0x8f: {  	_ = 	snop  }
0x90: {  	s2 =	sld [smem:$0x3FD0];
	(tm) =	ssettm $0x1  }
0x91: {  	s18 =	sld [smem:$0x3FFB];
	_ =	sdelay $0x3  }
0x92: {  	_ =	strace s18  }
0x93: {  	s3 =	sld [smem:$0x3FFC];
	_ =	sdelay $0x3  }
0x94: {  	_ =	strace s3  }
0x95: {  	s3 =	sld [smem:$0x3FFD];
	_ =	sdelay $0x3  }
0x96: {  	_ =	strace s3  }
0x97: {  	_ =	strace $0x8FFFFFFF  }
0x98: {  	s19 =	sld [smem:$0x3FDB];
	_ =	sdelay $0x1  }
0x99: {  	s4 =	simm.s32 $_scs_section_size  }
0x9a: {  	s5 =	simm.s32 $_size__tile_overlayer_lowered;
	s6 =	simm.s32 $_tile_overlayer_lowered  }
0x9b: {  	s22 =	simm.s32 $0x1BFF;
	s21 =	sshll.u32 s6, $0x1;
	s3 =	sadd.s32 s4, s19  }
0x9c: {  	s7 =	simm.s32 $0x0;
	s20 =	sshll.u32 s5, $0x1;
	s5 =	sadd.s32 s21, s3  }
0x9d: {  	[timem:s7], [sflag:s22] =	dma.local [hbm:s5], s20  }
0x9e: {  	_ =	swait.ge [sflag:s22], s20  }
0x9f: {  	s4 =	ssub.s32 $0x0, s20;
	[sflag:s22] =	ssyncset.done $0x0  }
0xa0: {  	[sflag:s22] =	ssyncadd.s32 s4;
	_ =	sdelay $0x1  }
0xa1: {  	s23 =	simm.s32 $0x1B8B  }
0xa2: {  	_ =	swait.ge [sflag:s23], $0x1  }
0xa3: {  	[sflag:s23] =	ssyncset.done $0x0  }
0xa4: {  	s25 =	simm.s32 $0x1B8E;
	s24 =	sld [smem:$0x3FFE];
	[sflag:s23] =	ssyncadd.s32 $0xFFFFFFFF  }
0xa5: {  	s26 =	simm.s32 $execute0_lowered;
	[smem:$0x3FD2] =	sst s25  }
0xa6: {  	s5 =	sshll.u32 s26, $0x1;
	_ =	strace $0x80000049;
	[dreg:$0x1] =	wrdreg $0xFFFFFFFF  }
0xa7: {  	s28 =	simm.s32 $_size_execute0_lowered;
	s3 =	sadd.s32 s3, s5;
	[dreg:$0x0] =	wrdreg $0x0  }
0xa8: {  	s5 =	sshll.u32 s28, $0x1;
	[dreg:$0x2] =	wrdreg s3  }
0xa9: {  	[dreg:$0x3] =	wrdreg s5  }
0xaa: {  	[dreg:$0x4] =	wrdreg $0xC0  }
0xab: {  	_ =	task [dreg:s7], $0x5FFFF  }
0xac: {  	[dreg:$0x1] =	wrdreg $0xFFFFFFFF  }
0xad: {  	[dreg:$0x0] =	wrdreg $0x60  }
0xae: {  	[dreg:$0x2] =	wrdreg s24  }
0xaf: {  	[dreg:$0x3] =	wrdreg s2  }
0xb0: {  	[dreg:$0x4] =	wrdreg $0x90000  }
0xb1: {  	[dreg:$0x5] =	wrdreg $0x9  }
0xb2: {  	_ =	task.clear_ibuf [dreg:s7], $0x6FFFF;
	_ =	strace $0x90000049  }
0xb3: {  	s29 =	simm.s32 $0x9;
	_ =	strace $0x8000004B  }
0xb4: {  	_ =	swait.ge [sflag:s29], $0x1  }
0xb5: {  	[sflag:s29] =	ssyncadd.s32 $0xFFFFFFFF  }
0xb6: {  	_ =	strace $0x9000004B  }
0xb7: {  	_ =	sfence  }
0xb8: {  	s30 =	sld [smem:$0x0];
	_ =	sdelay $0x2  }
0xb9: {  	s31 =	sshll.u32 s1, $0xD;
	s1 =	sshrl.u32 s1, $0x2  }
0xba: {  	s3 =	sand.u32 $0x4000, s31;
	s1 =	sadd.s32 s1, s30  }
0xbb: {  	s0 =	sor.u32 s3, s0;
	s1 =	sshll.u32 s1, $0x11  }
0xbc: {  	s0 =	sor.u32 s1, s0  }
0xbd: {  	s0 =	sadd.s32 $0x8F2B, s0  }
0xbe: {  	[sflag:s0] =	ssyncadd.remote.s32 $0x1  }
0xbf: {  	_ =	sfence.sel $0xFFFF  }
0xc0: {  	[dreg:$0x0] =	wrdreg $0xFFFFFFFF;
	(pc) =	sbr.abs _section_cstart, $3  }
0xc1: {  	[dreg:$0x1] =	wrdreg $0xFFFFFFFF  }
0xc2: {  	_ =	task.clear_ibuf [dreg:s7], $0x2FFFF;
	_ =	strace $0x9FFFFFFF  }
0xc3: {  	(tm) =	ssettm $0x7FFFFFFF  }
tec
execute0_lowered:
.L_overlay_start_1:
0x0: {  	(tag) =	ssettag $0x1  }
0x1: {  	s0 =	rddreg [dreg:$0x0]  }
0x2: {  	s1 =	rddreg [dreg:$0x1];
	s3 =	srdreg.scid  }
0x3: {  	s14 =	stileid.u32;
	s2 =	rddreg [dreg:$0x2]  }
0x4: {  	s19 =	simm.s32 $0x80;
	s20 =	simm.s32 $0x1000;
	s21 =	simm.s32 $0x5000  }
0x5: {  	s22 =	simm.s32 $0x800;
	s28 =	simm.s32 $0x2;
	s29 =	simm.s32 $0xD00  }
0x6: {  	s30 =	simm.s32 $0xA00;
	s31 =	simm.s32 $0xD80;
	s5 =	sand.u32 $0x1, s3  }
0x7: {  	s4 =	sshll.u32 s14, $0x1;
	s3 =	simm.s32 $0x0;
	s9 =	smul.u32 $0x50000, s14  }
0x8: {  	s10 =	sadd.s32 $0x3600, s0;
	s13 =	sshll.u32 s14, $0x6;
	s18 =	smul.u32 $0x2800, s14  }
0x9: {  	s14 =	simm.s32 $0xF80;
	s4 =	sor.u32 s5, s4;
	[smem:$0x7FF] =	sst s3  }
0xa: {  	s7 =	smul.u32 $0x28000, s5;
	s5 =	ssub.s32 $0x2, s5;
	s16 =	sor.u32 $0x1C03, s13  }
0xb: {  	s6 =	smul.u32 $0x500, s4;
	_ =	strace $0x8000004A;
	[dreg:$0x4] =	wrdreg s10  }
0xc: {  	s4 =	sadd.s32 $0x3E00, s0;
	s12 =	sshrl.u32 s5, $0x1;
	[dreg:$0x5] =	wrdreg s13  }
0xd: {  	s9 =	sshrl.u32 s9, $0x2;
	[dreg:$0x6] =	wrdreg s16;
	s16 =	simm.s32 $0x3  }
0xe: {  	s10 =	simm.s32 $0xE80;
	s5 =	ssub.s32 s5, s12;
	s15 =	sadd.s32 s9, s2  }
0xf: {  	s8 =	sadd.s32 s6, s0;
	s0 =	sadd.s32 s7, s0;
	s17 =	sadd.s32 $0x4000, s15  }
0x10: {  	s11 =	sadd.s32 $0x8000, s15;
	s12 =	sadd.s32 $0xC000, s15;
	s13 =	sadd.s32 $0x10000, s15  }
0x11: {  	s9 =	sadd.s32 s1, s6;
	s5 =	smax.u32 s5, $0x1;
	s15 =	sshrl.u32 s15, $0x3  }
0x12: {  	s1 =	simm.s32 $0xA80;
	s6 =	simm.s32 $0xB00;
	s7 =	simm.s32 $0x0  }
0x13: {  	s8 =	sadd.s32 $0x54600, s8;
	s0 =	sadd.s32 $0x5E600, s0;
	[dreg:$0x7] =	wrdreg s5  }
0x14: {  	s23 =	sshrl.u32 s17, $0x3;
	s24 =	sshrl.u32 s11, $0x3;
	[dreg:$0x8] =	wrdreg s15  }
0x15: {  	s25 =	sshrl.u32 s12, $0x3;
	s26 =	sshrl.u32 s13, $0x3;
	[dreg:$0x9] =	wrdreg s23  }
.Ltmp0:
0x16: {  	s17 =	simm.s32 $0x5;
	[dreg:$0xa] =	wrdreg s24;
	(pc) =	sbr.rel .LBB2_1-.Ltmp0, $4  }
0x17: {  	s12 =	simm.s32 $0xB80;
	s13 =	simm.s32 $0xF00;
	[dreg:$0xb] =	wrdreg s25  }
0x18: {  	[dreg:$0xc] =	wrdreg s26;
	s23 =	simm.s32 $0xC00;
	s0 =	sadd.s32 s18, s0  }
0x19: {  	s25 =	simm.s32 $0x1;
	s24 =	simm.s32 $0x4;
	s26 =	simm.s32 $0xC80  }
0x1a: {  	s18 =	simm.s32 $0x980;
	[dreg:$0xd] =	wrdreg s0;
	s0 =	simm.s32 $0xE00  }
.LBB2_4:
0x1b: {  	_ =	swait.ge [sflag:s28], $0x4000  }
0x1c: {  	[sflag:s28] =	ssyncset.done $0x0  }
0x1d: {  	[sflag:s28] =	ssyncadd.s32 $0xFFFFC000  }
0x1e: {  	[spmem:s2] =	stream.indirect.scatter.add.f32 [tilespmem:s21], [sflag:$0x5], $0x80, s14, s19, $0xb8;
	[tilespmem:$0x1D000] =	vst v63  }
0x1f: {  	_ =	swait.ge [sflag:s17], $0x4000  }
0x20: {  	[sflag:s17] =	ssyncset.done $0x0  }
0x21: {  	[sflag:s17] =	ssyncadd.s32 $0xFFFFC000  }
0x22: {  	[bflag:$0x0] =	sbarrier.arrive $0xFFFF  }
0x23: {  	s5 =	rddreg [dreg:$0x5]  }
0x24: {  	s15 =	rddreg [dreg:$0x8]  }
0x25: {  	s7 =	rddreg [dreg:$0xd];
	s5 =	sor.u32 $0x1C05, s5  }
0x26: {  	[hbm:s7], [sflag:s5] =	dma.local [spmem:s15], $0x2800  }
0x27: {  	_ =	swait.ge [sflag:s17], $0x2800  }
0x28: {  	s5 =	rddreg [dreg:$0xe]  }
0x29: {  	s11 =	rddreg [dreg:$0x7];
	s7 =	sadd.s32 $0x1, s5  }
0x2a: {  	p0 =	sne.s32 s7, s11  }
.Ltmp1:
0x2b: {  	_ = 	snop;
	(pc) =	sbr.rel @!p0 .LBB2_5-.Ltmp1, $3  }
0x2c: {  	_ =	sdelay $0x1  }
0x2d: {  	[sflag:s17] =	ssyncset.done $0x0  }
0x2e: {  	[sflag:s17] =	ssyncadd.s32 $0xFFFFD800  }
.LBB2_1:
0x2f: {  	[dreg:$0xe] =	wrdreg s7  }
0x30: {  	s5 =	rddreg [dreg:$0x4]  }
0x31: {  	s7 =	rddreg [dreg:$0x6]  }
0x32: {  	[spmem:s15], [sflag:s7] =	dma.local [hbm:s5], $0x800  }
0x33: {  	s11 =	rddreg [dreg:$0x9]  }
0x34: {  	[spmem:s11], [sflag:s7] =	dma.local [hbm:s5], $0x800  }
0x35: {  	s11 =	rddreg [dreg:$0xa]  }
0x36: {  	[spmem:s11], [sflag:s7] =	dma.local [hbm:s5], $0x800  }
0x37: {  	s11 =	rddreg [dreg:$0xb]  }
0x38: {  	[spmem:s11], [sflag:s7] =	dma.local [hbm:s5], $0x800  }
0x39: {  	s11 =	rddreg [dreg:$0xc]  }
0x3a: {  	[spmem:s11], [sflag:s7] =	dma.local [hbm:s5], $0x800  }
0x3b: {  	_ =	swait.ge [sflag:s16], $0x800  }
0x3c: {  	[sflag:s16] =	ssyncset.done $0x0  }
0x3d: {  	[sflag:s16] =	ssyncadd.s32 $0xFFFFF800  }
0x3e: {  	_ =	swait.ge [sflag:s16], $0x800  }
0x3f: {  	[sflag:s16] =	ssyncset.done $0x0  }
0x40: {  	[sflag:s16] =	ssyncadd.s32 $0xFFFFF800  }
0x41: {  	_ =	swait.ge [sflag:s16], $0x800  }
0x42: {  	[sflag:s16] =	ssyncset.done $0x0  }
0x43: {  	[sflag:s16] =	ssyncadd.s32 $0xFFFFF800  }
0x44: {  	_ =	swait.ge [sflag:s16], $0x800  }
0x45: {  	[sflag:s16] =	ssyncset.done $0x0  }
0x46: {  	[sflag:s16] =	ssyncadd.s32 $0xFFFFF800  }
0x47: {  	_ =	swait.ge [sflag:s16], $0x800  }
0x48: {  	[sflag:s16] =	ssyncset.done $0x0  }
0x49: {  	[sflag:s16] =	ssyncadd.s32 $0xFFFFF800  }
0x4a: {  	[bflag:$0x0] =	sbarrier.arrive $0xFFFF  }
0x4b: {  	[tilespmem:s3], [sflag:$0x5] =	stream.linear.gather [hbm4b:s8+s3], $0x400, $0x38;
	[tilespmem:$0x1D000] =	vst v63  }
0x4c: {  	_ =	swait.ge [sflag:s17], $0x400  }
0x4d: {  	[sflag:s17] =	ssyncset.done $0x0  }
0x4e: {  	s15 =	simm.s32 $0x400;
	[sflag:s17] =	ssyncadd.s32 $0xFFFFFC00  }
0x4f: {  	[tilespmem:s15], [sflag:$0x5] =	stream.linear.gather [hbm4b:s9+s3], $0x400, $0x38;
	[tilespmem:$0x1D000] =	vst v63  }
0x50: {  	_ =	swait.ge [sflag:s17], $0x400  }
0x51: {  	[sflag:s17] =	ssyncset.done $0x0  }
0x52: {  	[sflag:s17] =	ssyncadd.s32 $0xFFFFFC00  }
0x53: {  	[tilespmem:s20], [sflag:$0x1] =	stream.indirect.gather [hbm4b:s4+s19], $0x80, s3, s19, $0xb8;
	[tilespmem:$0x1D000] =	vst v63  }
0x54: {  	s15 =	simm.s32 $0xFFFFFC00  }
0x55: {  	[tilespmem:s21], [sflag:$0x2] =	stream.indirect.gather [hbm4b:s4+s19], $0x80, s19, s19, $0xb8;
	[tilespmem:$0x1D000] =	vst v63  }
.LBB2_2:
0x56: {  	s11 =	sadd.s32 s15, s8  }
0x57: {  	s7 =	sadd.s32 s15, s9;
	s11 =	sadd.s32 $0x480, s11  }
0x58: {  	[tilespmem:s22], [sflag:$0x4] =	stream.linear.gather [hbm4b:s11+s3], $0x400, $0x38;
	[tilespmem:$0x1D000] =	vst v63  }
0x59: {  	s11 =	sadd.s32 $0x480, s7  }
0x5a: {  	[tilespmem:s23], [sflag:$0x4] =	stream.linear.gather [hbm4b:s11+s3], $0x400, $0x38;
	[tilespmem:$0x1D000] =	vst v63  }
0x5b: {  	_ =	swait.ge [sflag:s25], $0x4000  }
0x5c: {  	[sflag:s25] =	ssyncset.done $0x0  }
0x5d: {  	s5 =	simm.s32 $0x400;
	[sflag:s25] =	ssyncadd.s32 $0xFFFFC000  }
0x5e: {  	[spmem:s2] =	stream.indirect.scatter.add.f32 [tilespmem:s20], [sflag:$0x5], $0x80, s5, s19, $0xb8;
	[tilespmem:$0x1D000] =	vst v63  }
0x5f: {  	_ =	swait.ge [sflag:s17], $0x4000  }
0x60: {  	[sflag:s17] =	ssyncset.done $0x0  }
0x61: {  	s11 =	simm.s32 $0x100;
	[sflag:s17] =	ssyncadd.s32 $0xFFFFC000  }
0x62: {  	[tilespmem:s20], [sflag:$0x1] =	stream.indirect.gather [hbm4b:s4+s19], $0x80, s11, s19, $0xb8;
	[tilespmem:$0x1D000] =	vst v63  }
0x63: {  	_ =	swait.ge [sflag:s28], $0x4000  }
0x64: {  	[sflag:s28] =	ssyncset.done $0x0  }
0x65: {  	s7 =	simm.s32 $0x480;
	[sflag:s28] =	ssyncadd.s32 $0xFFFFC000  }
0x66: {  	[spmem:s2] =	stream.indirect.scatter.add.f32 [tilespmem:s21], [sflag:$0x5], $0x80, s7, s19, $0xb8;
	[tilespmem:$0x1D000] =	vst v63  }
0x67: {  	_ =	swait.ge [sflag:s17], $0x4000  }
0x68: {  	[sflag:s17] =	ssyncset.done $0x0  }
0x69: {  	s11 =	simm.s32 $0x180;
	[sflag:s17] =	ssyncadd.s32 $0xFFFFC000  }
0x6a: {  	[tilespmem:s21], [sflag:$0x2] =	stream.indirect.gather [hbm4b:s4+s19], $0x80, s11, s19, $0xb8;
	[tilespmem:$0x1D000] =	vst v63  }
0x6b: {  	_ =	swait.ge [sflag:s25], $0x4000  }
0x6c: {  	[sflag:s25] =	ssyncset.done $0x0  }
0x6d: {  	s7 =	simm.s32 $0x500;
	[sflag:s25] =	ssyncadd.s32 $0xFFFFC000  }
0x6e: {  	[spmem:s2] =	stream.indirect.scatter.add.f32 [tilespmem:s20], [sflag:$0x5], $0x80, s7, s19, $0xb8;
	[tilespmem:$0x1D000] =	vst v63  }
0x6f: {  	_ =	swait.ge [sflag:s17], $0x4000  }
0x70: {  	[sflag:s17] =	ssyncset.done $0x0  }
0x71: {  	s11 =	simm.s32 $0x200;
	[sflag:s17] =	ssyncadd.s32 $0xFFFFC000  }
0x72: {  	[tilespmem:s20], [sflag:$0x1] =	stream.indirect.gather [hbm4b:s4+s19], $0x80, s11, s19, $0xb8;
	[tilespmem:$0x1D000] =	vst v63  }
0x73: {  	_ =	swait.ge [sflag:s28], $0x4000  }
0x74: {  	[sflag:s28] =	ssyncset.done $0x0  }
0x75: {  	s7 =	simm.s32 $0x580;
	[sflag:s28] =	ssyncadd.s32 $0xFFFFC000  }
0x76: {  	[spmem:s2] =	stream.indirect.scatter.add.f32 [tilespmem:s21], [sflag:$0x5], $0x80, s7, s19, $0xb8;
	[tilespmem:$0x1D000] =	vst v63  }
0x77: {  	_ =	swait.ge [sflag:s17], $0x4000  }
0x78: {  	[sflag:s17] =	ssyncset.done $0x0  }
0x79: {  	s11 =	simm.s32 $0x280;
	[sflag:s17] =	ssyncadd.s32 $0xFFFFC000  }
0x7a: {  	[tilespmem:s21], [sflag:$0x2] =	stream.indirect.gather [hbm4b:s4+s19], $0x80, s11, s19, $0xb8;
	[tilespmem:$0x1D000] =	vst v63  }
0x7b: {  	_ =	swait.ge [sflag:s25], $0x4000  }
0x7c: {  	[sflag:s25] =	ssyncset.done $0x0  }
0x7d: {  	s7 =	simm.s32 $0x600;
	[sflag:s25] =	ssyncadd.s32 $0xFFFFC000  }
0x7e: {  	[spmem:s2] =	stream.indirect.scatter.add.f32 [tilespmem:s20], [sflag:$0x5], $0x80, s7, s19, $0xb8;
	[tilespmem:$0x1D000] =	vst v63  }
0x7f: {  	_ =	swait.ge [sflag:s17], $0x4000  }
0x80: {  	[sflag:s17] =	ssyncset.done $0x0  }
0x81: {  	s11 =	simm.s32 $0x300;
	[sflag:s17] =	ssyncadd.s32 $0xFFFFC000  }
0x82: {  	[tilespmem:s20], [sflag:$0x1] =	stream.indirect.gather [hbm4b:s4+s19], $0x80, s11, s19, $0xb8;
	[tilespmem:$0x1D000] =	vst v63  }
0x83: {  	_ =	swait.ge [sflag:s28], $0x4000  }
0x84: {  	[sflag:s28] =	ssyncset.done $0x0  }
0x85: {  	s7 =	simm.s32 $0x680;
	[sflag:s28] =	ssyncadd.s32 $0xFFFFC000  }
0x86: {  	[spmem:s2] =	stream.indirect.scatter.add.f32 [tilespmem:s21], [sflag:$0x5], $0x80, s7, s19, $0xb8;
	[tilespmem:$0x1D000] =	vst v63  }
0x87: {  	_ =	swait.ge [sflag:s17], $0x4000  }
0x88: {  	[sflag:s17] =	ssyncset.done $0x0  }
0x89: {  	s11 =	simm.s32 $0x380;
	[sflag:s17] =	ssyncadd.s32 $0xFFFFC000  }
0x8a: {  	[tilespmem:s21], [sflag:$0x2] =	stream.indirect.gather [hbm4b:s4+s19], $0x80, s11, s19, $0xb8;
	[tilespmem:$0x1D000] =	vst v63  }
0x8b: {  	_ =	swait.ge [sflag:s25], $0x4000  }
0x8c: {  	[sflag:s25] =	ssyncset.done $0x0  }
0x8d: {  	s7 =	simm.s32 $0x700;
	[sflag:s25] =	ssyncadd.s32 $0xFFFFC000  }
0x8e: {  	[spmem:s2] =	stream.indirect.scatter.add.f32 [tilespmem:s20], [sflag:$0x5], $0x80, s7, s19, $0xb8;
	[tilespmem:$0x1D000] =	vst v63  }
0x8f: {  	_ =	swait.ge [sflag:s17], $0x4000  }
0x90: {  	[sflag:s17] =	ssyncset.done $0x0  }
0x91: {  	[sflag:s17] =	ssyncadd.s32 $0xFFFFC000  }
0x92: {  	_ =	swait.ge [sflag:s24], $0x400  }
0x93: {  	[sflag:s24] =	ssyncset.done $0x0  }
0x94: {  	[sflag:s24] =	ssyncadd.s32 $0xFFFFFC00  }
0x95: {  	_ =	swait.ge [sflag:s24], $0x400  }
0x96: {  	[sflag:s24] =	ssyncset.done $0x0  }
0x97: {  	[sflag:s24] =	ssyncadd.s32 $0xFFFFFC00  }
0x98: {  	[tilespmem:s20], [sflag:$0x1] =	stream.indirect.gather [hbm4b:s4+s19], $0x80, s22, s19, $0xb8;
	[tilespmem:$0x1D000] =	vst v63  }
0x99: {  	_ =	swait.ge [sflag:s28], $0x4000  }
0x9a: {  	[sflag:s28] =	ssyncset.done $0x0  }
0x9b: {  	s11 =	simm.s32 $0x780;
	[sflag:s28] =	ssyncadd.s32 $0xFFFFC000  }
0x9c: {  	[spmem:s2] =	stream.indirect.scatter.add.f32 [tilespmem:s21], [sflag:$0x5], $0x80, s11, s19, $0xb8;
	[tilespmem:$0x1D000] =	vst v63  }
0x9d: {  	_ =	swait.ge [sflag:s17], $0x4000  }
0x9e: {  	p0 =	seq.s32 s15, $0x0;
	[sflag:s17] =	ssyncset.done $0x0  }
0x9f: {  	s7 =	simm.s32 $0x880;
	s11 =	sadd.s32 @!p0 s15, s8;
	[sflag:s17] =	ssyncadd.s32 $0xFFFFC000  }
0xa0: {  	[tilespmem:s21], [sflag:$0x2] =	stream.indirect.gather [hbm4b:s4+s19], $0x80, s7, s19, $0xb8;
	[tilespmem:$0x1D000] =	vst v63  }
0xa1: {  	s5 =	simm.s32 @!p0 $0x0;
	s11 =	sadd.s32 @!p0 $0x500, s11  }
0xa2: {  	[tilespmem:s5], [sflag:$0x3] =	stream.linear.gather @!p0 [hbm4b:s11+s5], $0x400, $0x38;
	[tilespmem:$0x1D000] =	vst v63  }
0xa3: {  	s11 =	sadd.s32 @!p0 s15, s9  }
0xa4: {  	s7 =	simm.s32 @!p0 $0x400;
	s11 =	sadd.s32 @!p0 $0x500, s11  }
0xa5: {  	[tilespmem:s7], [sflag:$0x3] =	stream.linear.gather @!p0 [hbm4b:s11+s5], $0x400, $0x38;
	[tilespmem:$0x1D000] =	vst v63  }
0xa6: {  	_ =	swait.ge [sflag:s25], $0x4000  }
0xa7: {  	[sflag:s25] =	ssyncset.done $0x0  }
0xa8: {  	[sflag:s25] =	ssyncadd.s32 $0xFFFFC000  }
0xa9: {  	[spmem:s2] =	stream.indirect.scatter.add.f32 [tilespmem:s20], [sflag:$0x5], $0x80, s23, s19, $0xb8;
	[tilespmem:$0x1D000] =	vst v63  }
0xaa: {  	_ =	swait.ge [sflag:s17], $0x4000  }
0xab: {  	[sflag:s17] =	ssyncset.done $0x0  }
0xac: {  	s11 =	simm.s32 $0x900;
	[sflag:s17] =	ssyncadd.s32 $0xFFFFC000  }
0xad: {  	[tilespmem:s20], [sflag:$0x1] =	stream.indirect.gather [hbm4b:s4+s19], $0x80, s11, s19, $0xb8;
	[tilespmem:$0x1D000] =	vst v63  }
0xae: {  	_ =	swait.ge [sflag:s28], $0x4000  }
0xaf: {  	[sflag:s28] =	ssyncset.done $0x0  }
0xb0: {  	[sflag:s28] =	ssyncadd.s32 $0xFFFFC000  }
0xb1: {  	[spmem:s2] =	stream.indirect.scatter.add.f32 [tilespmem:s21], [sflag:$0x5], $0x80, s26, s19, $0xb8;
	[tilespmem:$0x1D000] =	vst v63  }
0xb2: {  	_ =	swait.ge [sflag:s17], $0x4000  }
0xb3: {  	[sflag:s17] =	ssyncset.done $0x0  }
0xb4: {  	[sflag:s17] =	ssyncadd.s32 $0xFFFFC000  }
0xb5: {  	[tilespmem:s21], [sflag:$0x2] =	stream.indirect.gather [hbm4b:s4+s19], $0x80, s18, s19, $0xb8;
	[tilespmem:$0x1D000] =	vst v63  }
0xb6: {  	_ =	swait.ge [sflag:s25], $0x4000  }
0xb7: {  	[sflag:s25] =	ssyncset.done $0x0  }
0xb8: {  	[sflag:s25] =	ssyncadd.s32 $0xFFFFC000  }
0xb9: {  	[spmem:s2] =	stream.indirect.scatter.add.f32 [tilespmem:s20], [sflag:$0x5], $0x80, s29, s19, $0xb8;
	[tilespmem:$0x1D000] =	vst v63  }
0xba: {  	_ =	swait.ge [sflag:s17], $0x4000  }
0xbb: {  	[sflag:s17] =	ssyncset.done $0x0  }
0xbc: {  	[sflag:s17] =	ssyncadd.s32 $0xFFFFC000  }
0xbd: {  	[tilespmem:s20], [sflag:$0x1] =	stream.indirect.gather [hbm4b:s4+s19], $0x80, s30, s19, $0xb8;
	[tilespmem:$0x1D000] =	vst v63  }
0xbe: {  	_ =	swait.ge [sflag:s28], $0x4000  }
0xbf: {  	[sflag:s28] =	ssyncset.done $0x0  }
0xc0: {  	[sflag:s28] =	ssyncadd.s32 $0xFFFFC000  }
0xc1: {  	[spmem:s2] =	stream.indirect.scatter.add.f32 [tilespmem:s21], [sflag:$0x5], $0x80, s31, s19, $0xb8;
	[tilespmem:$0x1D000] =	vst v63  }
0xc2: {  	_ =	swait.ge [sflag:s17], $0x4000  }
0xc3: {  	[sflag:s17] =	ssyncset.done $0x0  }
0xc4: {  	[sflag:s17] =	ssyncadd.s32 $0xFFFFC000  }
0xc5: {  	[tilespmem:s21], [sflag:$0x2] =	stream.indirect.gather [hbm4b:s4+s19], $0x80, s1, s19, $0xb8;
	[tilespmem:$0x1D000] =	vst v63  }
0xc6: {  	_ =	swait.ge [sflag:s25], $0x4000  }
0xc7: {  	[sflag:s25] =	ssyncset.done $0x0  }
0xc8: {  	[sflag:s25] =	ssyncadd.s32 $0xFFFFC000  }
0xc9: {  	[spmem:s2] =	stream.indirect.scatter.add.f32 [tilespmem:s20], [sflag:$0x5], $0x80, s0, s19, $0xb8;
	[tilespmem:$0x1D000] =	vst v63  }
0xca: {  	_ =	swait.ge [sflag:s17], $0x4000  }
0xcb: {  	[sflag:s17] =	ssyncset.done $0x0  }
0xcc: {  	[sflag:s17] =	ssyncadd.s32 $0xFFFFC000  }
0xcd: {  	[tilespmem:s20], [sflag:$0x1] =	stream.indirect.gather [hbm4b:s4+s19], $0x80, s6, s19, $0xb8;
	[tilespmem:$0x1D000] =	vst v63  }
0xce: {  	_ =	swait.ge [sflag:s28], $0x4000  }
0xcf: {  	[sflag:s28] =	ssyncset.done $0x0  }
0xd0: {  	[sflag:s28] =	ssyncadd.s32 $0xFFFFC000  }
0xd1: {  	[spmem:s2] =	stream.indirect.scatter.add.f32 [tilespmem:s21], [sflag:$0x5], $0x80, s10, s19, $0xb8;
	[tilespmem:$0x1D000] =	vst v63  }
0xd2: {  	_ =	swait.ge [sflag:s17], $0x4000  }
0xd3: {  	[sflag:s17] =	ssyncset.done $0x0  }
0xd4: {  	[sflag:s17] =	ssyncadd.s32 $0xFFFFC000  }
0xd5: {  	[tilespmem:s21], [sflag:$0x2] =	stream.indirect.gather [hbm4b:s4+s19], $0x80, s12, s19, $0xb8;
	[tilespmem:$0x1D000] =	vst v63  }
0xd6: {  	_ =	swait.ge [sflag:s25], $0x4000  }
0xd7: {  	[sflag:s25] =	ssyncset.done $0x0  }
.Ltmp2:
0xd8: {  	[sflag:s25] =	ssyncadd.s32 $0xFFFFC000;
	(pc) =	sbr.rel @p0 .LBB2_4-.Ltmp2, $4  }
0xd9: {  	[spmem:s2] =	stream.indirect.scatter.add.f32 [tilespmem:s20], [sflag:$0x5], $0x80, s13, s19, $0xb8;
	[tilespmem:$0x1D000] =	vst v63  }
0xda: {  	_ =	swait.ge [sflag:s17], $0x4000  }
0xdb: {  	[sflag:s17] =	ssyncset.done $0x0  }
0xdc: {  	[sflag:s17] =	ssyncadd.s32 $0xFFFFC000  }
0xdd: {  	_ =	swait.ge [sflag:s16], $0x400  }
0xde: {  	[sflag:s16] =	ssyncset.done $0x0  }
0xdf: {  	[sflag:s16] =	ssyncadd.s32 $0xFFFFFC00  }
0xe0: {  	_ =	swait.ge [sflag:s16], $0x400  }
0xe1: {  	[sflag:s16] =	ssyncset.done $0x0  }
0xe2: {  	[sflag:s16] =	ssyncadd.s32 $0xFFFFFC00  }
0xe3: {  	[tilespmem:s20], [sflag:$0x1] =	stream.indirect.gather [hbm4b:s4+s19], $0x80, s3, s19, $0xb8;
	[tilespmem:$0x1D000] =	vst v63  }
0xe4: {  	_ =	swait.ge [sflag:s28], $0x4000  }
0xe5: {  	[sflag:s28] =	ssyncset.done $0x0  }
0xe6: {  	[sflag:s28] =	ssyncadd.s32 $0xFFFFC000  }
0xe7: {  	[spmem:s2] =	stream.indirect.scatter.add.f32 [tilespmem:s21], [sflag:$0x5], $0x80, s14, s19, $0xb8;
	[tilespmem:$0x1D000] =	vst v63  }
.Ltmp3:
0xe8: {  	_ = 	snop;
	(pc) =	sbr.rel .LBB2_2-.Ltmp3, $4  }
0xe9: {  	_ =	swait.ge [sflag:s17], $0x4000  }
0xea: {  	[sflag:s17] =	ssyncset.done $0x0  }
0xeb: {  	s15 =	sadd.s32 $0x100, s15;
	[sflag:s17] =	ssyncadd.s32 $0xFFFFC000  }
0xec: {  	[tilespmem:s21], [sflag:$0x2] =	stream.indirect.gather [hbm4b:s4+s19], $0x80, s19, s19, $0xb8;
	[tilespmem:$0x1D000] =	vst v63  }
.LBB2_5:
0xed: {  	_ =	sfence.sel $0x180000  }
0xee: {  	[bflag:$0x0] =	sbarrier.arrive $0xFFFF  }
0xef: {  	_ =	strace $0x9000004A  }
0xf0: {  	s0 =	stileid.u32;
	[bflag:$0x2] =	sbarrier.arrive $0xFFFF  }
0xf1: {  	p0 =	sne.s32 s0, $0x0;
	s0 =	rddreg [dreg:$0x3]  }
0xf2: {  	s0 =	sadd.s32 @!p0 $0x100000, s0  }
0xf3: {  	[sflag:s0] =	ssyncadd.tile.s32 @!p0 $0x1;
	_ =	shalt  }
.Lfunc_end2:
_tile_overlayer_lowered:
.L_overlay_start_2:
0xf4: {  	(tag) =	ssettag $0x2  }
0xf5: {  	s0 =	rddreg [dreg:$0x0];
	s2 =	stileid.u32  }
0xf6: {  	s1 =	rddreg [dreg:$0x1];
	p0 =	sne.s32 s2, $0x0  }
0xf7: {  	s3 =	rddreg [dreg:$0x2];
	[bflag:$0x3] =	sbarrier.arrive $0xFFFF;
	s2 =	simm.s32 @!p0 $0x1C05  }
0xf8: {  	[timem:s3], [sflag:s2] =	dma.local @!p0 [hbm:s0], s1  }
0xf9: {  	s0 =	simm.s32 @!p0 $0x5  }
0xfa: {  	_ =	swait.ge @!p0 [sflag:s0], s1  }
0xfb: {  	s1 =	ssub.s32 @!p0 $0x0, s1;
	[sflag:s0] =	ssyncset.done @!p0 $0x0  }
0xfc: {  	[sflag:s0] =	ssyncadd.s32 @!p0 s1  }
0xfd: {  	[bflag:$0x3] =	sbarrier.arrive $0xFFFF  }
0xfe: {  	_ =	shalt  }

// kernel: kernel.19.cloned.1.call-start
scs
__scs_entry_jumppad:
0x0: {  	(pc) =	sbr.rel $0x88, $3  }
0x1: {  	(tag) =	ssettag $0x0;
	lr =	simm.s32 $0x1  }
0x2: {  	[smem:$0x3F95] =	sst lr;
	_ =	strace $0xD0000000  }
0x3: {  	_ = 	snop  }
0x4: {  	_ = 	snop  }
0x5: {  	_ = 	snop  }
0x6: {  	_ = 	snop  }
0x7: {  	_ = 	snop  }
__scs_overlays_trampoline_lowered:
0x8: {  	[smem:$0x3FA4] =	sst s0  }
0x9: {  	[smem:$0x3FA5] =	sst s1  }
0xa: {  	[smem:$0x3FA6] =	sst s2  }
0xb: {  	[smem:$0x3FA7] =	sst s3  }
0xc: {  	[smem:$0x3FA8] =	sst s4  }
0xd: {  	[smem:$0x3FA9] =	sst s5  }
0xe: {  	[smem:$0x3FAA] =	sst s6  }
0xf: {  	[smem:$0x3FAB] =	sst s7  }
0x10: {  	[smem:$0x3FAC] =	sst s8  }
0x11: {  	[smem:$0x3FAD] =	sst s9;
	s0 =	simm.s32 @!p0 $0x0  }
0x12: {  	s1 =	sld [smem:$0x3F93];
	s0 =	simm.s32 @p0 $0x1  }
0x13: {  	[smem:$0x3FAE] =	sst s0;
	s0 =	simm.s32 @!p1 $0x0  }
0x14: {  	s2 =	sld [smem:$0x3F92];
	s0 =	simm.s32 @p1 $0x1  }
0x15: {  	[smem:$0x3FAF] =	sst s0;
	s0 =	simm.s32 @!p2 $0x0  }
0x16: {  	s3 =	sld [smem:$0x3FDB];
	s0 =	simm.s32 @p2 $0x1  }
0x17: {  	s4 =	simm.s32 $0x1BF5;
	[smem:$0x3FB1] =	sst s0  }
0x18: {  	s0 =	sld [smem:$0x3F94];
	_ =	swait.ge [sflag:s4], $0x0  }
0x19: {  	s7 =	sld [smem:$0x3F95]  }
0x1a: {  	s8 =	sadd.s32 $0xFFFFE003, lr  }
0x1b: {  	s9 =	sadd.s32 $0xFFFFFEF7, lr;
	s5 =	simm.s32 $0xFFFFFFFF;
	p2 =	slt.u32 s8, $0xFFFFF086  }
0x1c: {  	p1 =	slt.u32 s9, $0xF7A;
	s5 =	simm.s32 @!p2 $0x0  }
0x1d: {  	s5 =	simm.s32 @p1 $0x1;
	p0 =	seq.s32 s7, s2  }
0x1e: {  	s7 =	smul.u32 @!p0 $0xF7A, s2;
	p2 =	seq.s32 @!p0 s5, $0x0  }
0x1f: {  	s9 =	smul.u32 $0xF7A, s1;
	s8 =	simm.s32 @!p0 $0x1BF5;
	p2 =	por !p2, p0  }
0x20: {  	[sflag:s8] =	ssyncset.s32 @!p0 $0xFFFFF086;
	s6 =	sadd.s32 @!p0 s3, s7;
	s7 =	simm.s32 @!p0 $0x108  }
0x21: {  	s3 =	sadd.s32 s3, s9;
	s6 =	sadd.s32 @!p0 $0x88, s6;
	s7 =	simm.s32 @p2 $0x1082  }
0x22: {  	[simem:s7], [sflag:s8] =	dma.local @!p0 [hbm:s6], $0xF7A  }
0x23: {  	s9 =	sor.u32 $0xD0000000, s2;
	s6 =	simm.s32 $0x108;
	_ =	swait.ge @!p0 [sflag:s8], $0x0  }
0x24: {  	s3 =	sadd.s32 $0x88, s3;
	s6 =	simm.s32 @!p1 $0x1082;
	[sflag:s4] =	ssyncset.s32 $0xFFFFF086  }
0x25: {  	[simem:s6], [sflag:s4] =	dma.local [hbm:s3], $0xF7A  }
0x26: {  	[smem:$0x3F95] =	sst s1;
	(tag) =	ssettag s2;
	_ =	strace s9  }
0x27: {  	s1 =	sld [smem:$0x3FA5]  }
0x28: {  	s2 =	sld [smem:$0x3FA6]  }
0x29: {  	s4 =	sld [smem:$0x3FA8]  }
0x2a: {  	p0 =	seq.s32 s5, $0x0;
	s5 =	sld [smem:$0x3FA9]  }
0x2b: {  	s6 =	sld [smem:$0x3FAA]  }
0x2c: {  	s7 =	sld [smem:$0x3FAB]  }
0x2d: {  	s3 =	simm.s32 $0x108;
	s8 =	sld [smem:$0x3FAC]  }
0x2e: {  	s3 =	simm.s32 @!p0 $0x1082;
	s9 =	sld [smem:$0x3FAD]  }
0x2f: {  	lr =	sadd.s32 s0, s3;
	s0 =	sld [smem:$0x3FA4]  }
0x30: {  	s3 =	sld [smem:$0x3FA7]  }
0x31: {  	[smem:$0x3FB0] =	sst s10  }
0x32: {  	s10 =	sld [smem:$0x3FAE];
	_ =	sdelay $0x3  }
0x33: {  	p0 =	seq.s32 s10, $0x1;
	s10 =	sld [smem:$0x3FB0];
	_ =	sdelay $0x3  }
0x34: {  	[smem:$0x3FB0] =	sst s10  }
0x35: {  	s10 =	sld [smem:$0x3FAF];
	_ =	sdelay $0x3  }
0x36: {  	p1 =	seq.s32 s10, $0x1;
	s10 =	sld [smem:$0x3FB0];
	_ =	sdelay $0x3  }
0x37: {  	[smem:$0x3FB0] =	sst s10  }
0x38: {  	s10 =	sld [smem:$0x3FB1]  }
0x39: {  	_ = 	snop;
	(pc) =	sbr.ind lr, $3  }
0x3a: {  	_ = 	snop  }
0x3b: {  	_ = 	snop  }
0x3c: {  	p2 =	seq.s32 s10, $0x1;
	s10 =	sld [smem:$0x3FB0]  }
0x3d: {  	_ =	shalt  }
0x3e: {  	_ =	shalt  }
0x3f: {  	_ =	shalt  }
0x40: {  	_ =	shalt  }
0x41: {  	_ =	shalt  }
0x42: {  	_ =	shalt  }
0x43: {  	_ =	shalt  }
0x44: {  	_ =	shalt  }
0x45: {  	_ =	shalt  }
0x46: {  	_ =	shalt  }
0x47: {  	_ =	shalt  }
0x48: {  	_ =	shalt  }
0x49: {  	_ =	shalt  }
0x4a: {  	_ =	shalt  }
0x4b: {  	_ =	shalt  }
0x4c: {  	_ =	shalt  }
0x4d: {  	_ =	shalt  }
0x4e: {  	_ =	shalt  }
0x4f: {  	_ =	shalt  }
0x50: {  	_ =	shalt  }
0x51: {  	_ =	shalt  }
0x52: {  	_ =	shalt  }
0x53: {  	_ =	shalt  }
0x54: {  	_ =	shalt  }
0x55: {  	_ =	shalt  }
0x56: {  	_ =	shalt  }
0x57: {  	_ =	shalt  }
0x58: {  	_ =	shalt  }
0x59: {  	_ =	shalt  }
0x5a: {  	_ =	shalt  }
0x5b: {  	_ =	shalt  }
0x5c: {  	_ =	shalt  }
0x5d: {  	_ =	shalt  }
0x5e: {  	_ =	shalt  }
0x5f: {  	_ =	shalt  }
0x60: {  	_ =	shalt  }
0x61: {  	_ =	shalt  }
0x62: {  	_ =	shalt  }
0x63: {  	_ =	shalt  }
0x64: {  	_ =	shalt  }
0x65: {  	_ =	shalt  }
0x66: {  	_ =	shalt  }
0x67: {  	_ =	shalt  }
0x68: {  	_ =	shalt  }
0x69: {  	_ =	shalt  }
0x6a: {  	_ =	shalt  }
0x6b: {  	_ =	shalt  }
0x6c: {  	_ =	shalt  }
0x6d: {  	_ =	shalt  }
0x6e: {  	_ =	shalt  }
0x6f: {  	_ =	shalt  }
0x70: {  	_ =	shalt  }
0x71: {  	_ =	shalt  }
0x72: {  	_ =	shalt  }
0x73: {  	_ =	shalt  }
0x74: {  	_ =	shalt  }
0x75: {  	_ =	shalt  }
0x76: {  	_ =	shalt  }
0x77: {  	_ =	shalt  }
0x78: {  	_ =	shalt  }
0x79: {  	_ =	shalt  }
0x7a: {  	_ =	shalt  }
0x7b: {  	_ =	shalt  }
0x7c: {  	_ =	shalt  }
0x7d: {  	_ =	shalt  }
0x7e: {  	_ =	shalt  }
0x7f: {  	_ =	shalt  }
0x80: {  	_ =	shalt  }
0x81: {  	_ =	shalt  }
0x82: {  	_ =	shalt  }
0x83: {  	_ =	shalt  }
0x84: {  	_ =	shalt  }
0x85: {  	_ =	shalt  }
0x86: {  	_ =	shalt  }
0x87: {  	_ =	shalt  }
.Lfunc_end0:
.L_simem_size_0:
called_computation.2_lowered:
.L_overlay_start_0:
0x88: {  	s2 =	sld [smem:$0x3FD9]  }
0x89: {  	s3 =	sld [smem:$0x3FFE];
	_ =	sdelay $0x1  }
0x8a: {  	s1 =	srdreg.scid  }
0x8b: {  	s0 =	sand.u32 $0x1, s1  }
0x8c: {  	s17 =	sshll.u32 s0, $0xA;
	s2 =	sadd.s32 s3, s2  }
0x8d: {  	s2 =	sadd.s32 s2, s17  }
0x8e: {  	[smem:$0x3FBC] =	sst s2  }
0x8f: {  	_ = 	snop  }
0x90: {  	s2 =	sld [smem:$0x3FD0];
	(tm) =	ssettm $0x1  }
0x91: {  	s18 =	sld [smem:$0x3FFB];
	_ =	sdelay $0x3  }
0x92: {  	_ =	strace s18  }
0x93: {  	s3 =	sld [smem:$0x3FFC];
	_ =	sdelay $0x3  }
0x94: {  	_ =	strace s3  }
0x95: {  	s3 =	sld [smem:$0x3FFD];
	_ =	sdelay $0x3  }
0x96: {  	_ =	strace s3  }
0x97: {  	_ =	strace $0x8FFFFFFF  }
0x98: {  	s19 =	sld [smem:$0x3FDB];
	_ =	sdelay $0x1  }
0x99: {  	s4 =	simm.s32 $_scs_section_size  }
0x9a: {  	s5 =	simm.s32 $_size__tile_overlayer_lowered;
	s6 =	simm.s32 $_tile_overlayer_lowered  }
0x9b: {  	s22 =	simm.s32 $0x1BFF;
	s21 =	sshll.u32 s6, $0x1;
	s3 =	sadd.s32 s4, s19  }
0x9c: {  	s7 =	simm.s32 $0x0;
	s20 =	sshll.u32 s5, $0x1;
	s5 =	sadd.s32 s21, s3  }
0x9d: {  	[timem:s7], [sflag:s22] =	dma.local [hbm:s5], s20  }
0x9e: {  	_ =	swait.ge [sflag:s22], s20  }
0x9f: {  	s4 =	ssub.s32 $0x0, s20;
	[sflag:s22] =	ssyncset.done $0x0  }
0xa0: {  	[sflag:s22] =	ssyncadd.s32 s4;
	_ =	sdelay $0x1  }
0xa1: {  	s23 =	simm.s32 $0x1B8B  }
0xa2: {  	_ =	swait.ge [sflag:s23], $0x1  }
0xa3: {  	[sflag:s23] =	ssyncset.done $0x0  }
0xa4: {  	s25 =	simm.s32 $0x1B8E;
	s24 =	sld [smem:$0x3FFE];
	[sflag:s23] =	ssyncadd.s32 $0xFFFFFFFF  }
0xa5: {  	s26 =	simm.s32 $execute0_lowered;
	[smem:$0x3FD2] =	sst s25  }
0xa6: {  	s5 =	sshll.u32 s26, $0x1;
	_ =	strace $0x8000004C;
	[dreg:$0x1] =	wrdreg $0xFFFFFFFF  }
0xa7: {  	s28 =	simm.s32 $_size_execute0_lowered;
	s3 =	sadd.s32 s3, s5;
	[dreg:$0x0] =	wrdreg $0x0  }
0xa8: {  	s5 =	sshll.u32 s28, $0x1;
	[dreg:$0x2] =	wrdreg s3  }
0xa9: {  	[dreg:$0x3] =	wrdreg s5  }
0xaa: {  	[dreg:$0x4] =	wrdreg $0xC0  }
0xab: {  	_ =	task [dreg:s7], $0x5FFFF  }
0xac: {  	[dreg:$0x1] =	wrdreg $0xFFFFFFFF  }
0xad: {  	[dreg:$0x0] =	wrdreg $0x60  }
0xae: {  	[dreg:$0x2] =	wrdreg s24  }
0xaf: {  	[dreg:$0x3] =	wrdreg s2  }
0xb0: {  	[dreg:$0x4] =	wrdreg $0x90000  }
0xb1: {  	[dreg:$0x5] =	wrdreg $0x9  }
0xb2: {  	_ =	task.clear_ibuf [dreg:s7], $0x6FFFF;
	_ =	strace $0x9000004C  }
0xb3: {  	s29 =	simm.s32 $0x9;
	_ =	strace $0x8000004E  }
0xb4: {  	_ =	swait.ge [sflag:s29], $0x1  }
0xb5: {  	[sflag:s29] =	ssyncadd.s32 $0xFFFFFFFF  }
0xb6: {  	_ =	strace $0x9000004E  }
0xb7: {  	_ =	sfence  }
0xb8: {  	s30 =	sld [smem:$0x0];
	_ =	sdelay $0x2  }
0xb9: {  	s31 =	sshll.u32 s1, $0xD;
	s1 =	sshrl.u32 s1, $0x2  }
0xba: {  	s3 =	sand.u32 $0x4000, s31;
	s1 =	sadd.s32 s1, s30  }
0xbb: {  	s0 =	sor.u32 s3, s0;
	s1 =	sshll.u32 s1, $0x11  }
0xbc: {  	s0 =	sor.u32 s1, s0  }
0xbd: {  	s0 =	sadd.s32 $0x8F2B, s0  }
0xbe: {  	[sflag:s0] =	ssyncadd.remote.s32 $0x1  }
0xbf: {  	_ =	sfence.sel $0xFFFF  }
0xc0: {  	[dreg:$0x0] =	wrdreg $0xFFFFFFFF;
	(pc) =	sbr.abs _section_cstart, $3  }
0xc1: {  	[dreg:$0x1] =	wrdreg $0xFFFFFFFF  }
0xc2: {  	_ =	task.clear_ibuf [dreg:s7], $0x2FFFF;
	_ =	strace $0x9FFFFFFF  }
0xc3: {  	(tm) =	ssettm $0x7FFFFFFF  }
tec
execute0_lowered:
.L_overlay_start_1:
0x0: {  	(tag) =	ssettag $0x1  }
0x1: {  	s0 =	rddreg [dreg:$0x0]  }
0x2: {  	s1 =	rddreg [dreg:$0x1];
	s3 =	srdreg.scid  }
0x3: {  	s14 =	stileid.u32;
	s2 =	rddreg [dreg:$0x2]  }
0x4: {  	s19 =	simm.s32 $0x80;
	s20 =	simm.s32 $0x1000;
	s21 =	simm.s32 $0x5000  }
0x5: {  	s22 =	simm.s32 $0x800;
	s28 =	simm.s32 $0x2;
	s29 =	simm.s32 $0xD00  }
0x6: {  	s30 =	simm.s32 $0xA00;
	s31 =	simm.s32 $0xD80;
	s5 =	sand.u32 $0x1, s3  }
0x7: {  	s4 =	sshll.u32 s14, $0x1;
	s3 =	simm.s32 $0x0;
	s9 =	smul.u32 $0x50000, s14  }
0x8: {  	s10 =	sadd.s32 $0x3600, s0;
	s13 =	sshll.u32 s14, $0x6;
	s18 =	smul.u32 $0x2800, s14  }
0x9: {  	s14 =	simm.s32 $0xF80;
	s4 =	sor.u32 s5, s4;
	[smem:$0x7FF] =	sst s3  }
0xa: {  	s7 =	smul.u32 $0x28000, s5;
	s5 =	ssub.s32 $0x2, s5;
	s16 =	sor.u32 $0x1C03, s13  }
0xb: {  	s6 =	smul.u32 $0x500, s4;
	_ =	strace $0x8000004D;
	[dreg:$0x4] =	wrdreg s10  }
0xc: {  	s4 =	sadd.s32 $0x3E00, s0;
	s12 =	sshrl.u32 s5, $0x1;
	[dreg:$0x5] =	wrdreg s13  }
0xd: {  	s9 =	sshrl.u32 s9, $0x2;
	[dreg:$0x6] =	wrdreg s16;
	s16 =	simm.s32 $0x3  }
0xe: {  	s10 =	simm.s32 $0xE80;
	s5 =	ssub.s32 s5, s12;
	s15 =	sadd.s32 s9, s2  }
0xf: {  	s8 =	sadd.s32 s6, s0;
	s0 =	sadd.s32 s7, s0;
	s17 =	sadd.s32 $0x4000, s15  }
0x10: {  	s11 =	sadd.s32 $0x8000, s15;
	s12 =	sadd.s32 $0xC000, s15;
	s13 =	sadd.s32 $0x10000, s15  }
0x11: {  	s9 =	sadd.s32 s1, s6;
	s5 =	smax.u32 s5, $0x1;
	s15 =	sshrl.u32 s15, $0x3  }
0x12: {  	s1 =	simm.s32 $0xA80;
	s6 =	simm.s32 $0xB00;
	s7 =	simm.s32 $0x0  }
0x13: {  	s8 =	sadd.s32 $0x54600, s8;
	s0 =	sadd.s32 $0x5E600, s0;
	[dreg:$0x7] =	wrdreg s5  }
0x14: {  	s23 =	sshrl.u32 s17, $0x3;
	s24 =	sshrl.u32 s11, $0x3;
	[dreg:$0x8] =	wrdreg s15  }
0x15: {  	s25 =	sshrl.u32 s12, $0x3;
	s26 =	sshrl.u32 s13, $0x3;
	[dreg:$0x9] =	wrdreg s23  }
.Ltmp0:
0x16: {  	s17 =	simm.s32 $0x5;
	[dreg:$0xa] =	wrdreg s24;
	(pc) =	sbr.rel .LBB2_1-.Ltmp0, $4  }
0x17: {  	s12 =	simm.s32 $0xB80;
	s13 =	simm.s32 $0xF00;
	[dreg:$0xb] =	wrdreg s25  }
0x18: {  	[dreg:$0xc] =	wrdreg s26;
	s23 =	simm.s32 $0xC00;
	s0 =	sadd.s32 s18, s0  }
0x19: {  	s25 =	simm.s32 $0x1;
	s24 =	simm.s32 $0x4;
	s26 =	simm.s32 $0xC80  }
0x1a: {  	s18 =	simm.s32 $0x980;
	[dreg:$0xd] =	wrdreg s0;
	s0 =	simm.s32 $0xE00  }
.LBB2_4:
0x1b: {  	_ =	swait.ge [sflag:s28], $0x4000  }
0x1c: {  	[sflag:s28] =	ssyncset.done $0x0  }
0x1d: {  	[sflag:s28] =	ssyncadd.s32 $0xFFFFC000  }
0x1e: {  	[spmem:s2] =	stream.indirect.scatter.add.f32 [tilespmem:s21], [sflag:$0x5], $0x80, s14, s19, $0xb8;
	[tilespmem:$0x1D000] =	vst v63  }
0x1f: {  	_ =	swait.ge [sflag:s17], $0x4000  }
0x20: {  	[sflag:s17] =	ssyncset.done $0x0  }
0x21: {  	[sflag:s17] =	ssyncadd.s32 $0xFFFFC000  }
0x22: {  	[bflag:$0x0] =	sbarrier.arrive $0xFFFF  }
0x23: {  	s5 =	rddreg [dreg:$0x5]  }
0x24: {  	s15 =	rddreg [dreg:$0x8]  }
0x25: {  	s7 =	rddreg [dreg:$0xd];
	s5 =	sor.u32 $0x1C05, s5  }
0x26: {  	[hbm:s7], [sflag:s5] =	dma.local [spmem:s15], $0x2800  }
0x27: {  	_ =	swait.ge [sflag:s17], $0x2800  }
0x28: {  	s5 =	rddreg [dreg:$0xe]  }
0x29: {  	s11 =	rddreg [dreg:$0x7];
	s7 =	sadd.s32 $0x1, s5  }
0x2a: {  	p0 =	sne.s32 s7, s11  }
.Ltmp1:
0x2b: {  	_ = 	snop;
	(pc) =	sbr.rel @!p0 .LBB2_5-.Ltmp1, $3  }
0x2c: {  	_ =	sdelay $0x1  }
0x2d: {  	[sflag:s17] =	ssyncset.done $0x0  }
0x2e: {  	[sflag:s17] =	ssyncadd.s32 $0xFFFFD800  }
.LBB2_1:
0x2f: {  	[dreg:$0xe] =	wrdreg s7  }
0x30: {  	s5 =	rddreg [dreg:$0x4]  }
0x31: {  	s7 =	rddreg [dreg:$0x6]  }
0x32: {  	[spmem:s15], [sflag:s7] =	dma.local [hbm:s5], $0x800  }
0x33: {  	s11 =	rddreg [dreg:$0x9]  }
0x34: {  	[spmem:s11], [sflag:s7] =	dma.local [hbm:s5], $0x800  }
0x35: {  	s11 =	rddreg [dreg:$0xa]  }
0x36: {  	[spmem:s11], [sflag:s7] =	dma.local [hbm:s5], $0x800  }
0x37: {  	s11 =	rddreg [dreg:$0xb]  }
0x38: {  	[spmem:s11], [sflag:s7] =	dma.local [hbm:s5], $0x800  }
0x39: {  	s11 =	rddreg [dreg:$0xc]  }
0x3a: {  	[spmem:s11], [sflag:s7] =	dma.local [hbm:s5], $0x800  }
0x3b: {  	_ =	swait.ge [sflag:s16], $0x800  }
0x3c: {  	[sflag:s16] =	ssyncset.done $0x0  }
0x3d: {  	[sflag:s16] =	ssyncadd.s32 $0xFFFFF800  }
0x3e: {  	_ =	swait.ge [sflag:s16], $0x800  }
0x3f: {  	[sflag:s16] =	ssyncset.done $0x0  }
0x40: {  	[sflag:s16] =	ssyncadd.s32 $0xFFFFF800  }
0x41: {  	_ =	swait.ge [sflag:s16], $0x800  }
0x42: {  	[sflag:s16] =	ssyncset.done $0x0  }
0x43: {  	[sflag:s16] =	ssyncadd.s32 $0xFFFFF800  }
0x44: {  	_ =	swait.ge [sflag:s16], $0x800  }
0x45: {  	[sflag:s16] =	ssyncset.done $0x0  }
0x46: {  	[sflag:s16] =	ssyncadd.s32 $0xFFFFF800  }
0x47: {  	_ =	swait.ge [sflag:s16], $0x800  }
0x48: {  	[sflag:s16] =	ssyncset.done $0x0  }
0x49: {  	[sflag:s16] =	ssyncadd.s32 $0xFFFFF800  }
0x4a: {  	[bflag:$0x0] =	sbarrier.arrive $0xFFFF  }
0x4b: {  	[tilespmem:s3], [sflag:$0x5] =	stream.linear.gather [hbm4b:s8+s3], $0x400, $0x38;
	[tilespmem:$0x1D000] =	vst v63  }
0x4c: {  	_ =	swait.ge [sflag:s17], $0x400  }
0x4d: {  	[sflag:s17] =	ssyncset.done $0x0  }
0x4e: {  	s15 =	simm.s32 $0x400;
	[sflag:s17] =	ssyncadd.s32 $0xFFFFFC00  }
0x4f: {  	[tilespmem:s15], [sflag:$0x5] =	stream.linear.gather [hbm4b:s9+s3], $0x400, $0x38;
	[tilespmem:$0x1D000] =	vst v63  }
0x50: {  	_ =	swait.ge [sflag:s17], $0x400  }
0x51: {  	[sflag:s17] =	ssyncset.done $0x0  }
0x52: {  	[sflag:s17] =	ssyncadd.s32 $0xFFFFFC00  }
0x53: {  	[tilespmem:s20], [sflag:$0x1] =	stream.indirect.gather [hbm4b:s4+s19], $0x80, s3, s19, $0xb8;
	[tilespmem:$0x1D000] =	vst v63  }
0x54: {  	s15 =	simm.s32 $0xFFFFFC00  }
0x55: {  	[tilespmem:s21], [sflag:$0x2] =	stream.indirect.gather [hbm4b:s4+s19], $0x80, s19, s19, $0xb8;
	[tilespmem:$0x1D000] =	vst v63  }
.LBB2_2:
0x56: {  	s11 =	sadd.s32 s15, s8  }
0x57: {  	s7 =	sadd.s32 s15, s9;
	s11 =	sadd.s32 $0x480, s11  }
0x58: {  	[tilespmem:s22], [sflag:$0x4] =	stream.linear.gather [hbm4b:s11+s3], $0x400, $0x38;
	[tilespmem:$0x1D000] =	vst v63  }
0x59: {  	s11 =	sadd.s32 $0x480, s7  }
0x5a: {  	[tilespmem:s23], [sflag:$0x4] =	stream.linear.gather [hbm4b:s11+s3], $0x400, $0x38;
	[tilespmem:$0x1D000] =	vst v63  }
0x5b: {  	_ =	swait.ge [sflag:s25], $0x4000  }
0x5c: {  	[sflag:s25] =	ssyncset.done $0x0  }
0x5d: {  	s5 =	simm.s32 $0x400;
	[sflag:s25] =	ssyncadd.s32 $0xFFFFC000  }
0x5e: {  	[spmem:s2] =	stream.indirect.scatter.add.f32 [tilespmem:s20], [sflag:$0x5], $0x80, s5, s19, $0xb8;
	[tilespmem:$0x1D000] =	vst v63  }
0x5f: {  	_ =	swait.ge [sflag:s17], $0x4000  }
0x60: {  	[sflag:s17] =	ssyncset.done $0x0  }
0x61: {  	s11 =	simm.s32 $0x100;
	[sflag:s17] =	ssyncadd.s32 $0xFFFFC000  }
0x62: {  	[tilespmem:s20], [sflag:$0x1] =	stream.indirect.gather [hbm4b:s4+s19], $0x80, s11, s19, $0xb8;
	[tilespmem:$0x1D000] =	vst v63  }
0x63: {  	_ =	swait.ge [sflag:s28], $0x4000  }
0x64: {  	[sflag:s28] =	ssyncset.done $0x0  }
0x65: {  	s7 =	simm.s32 $0x480;
	[sflag:s28] =	ssyncadd.s32 $0xFFFFC000  }
0x66: {  	[spmem:s2] =	stream.indirect.scatter.add.f32 [tilespmem:s21], [sflag:$0x5], $0x80, s7, s19, $0xb8;
	[tilespmem:$0x1D000] =	vst v63  }
0x67: {  	_ =	swait.ge [sflag:s17], $0x4000  }
0x68: {  	[sflag:s17] =	ssyncset.done $0x0  }
0x69: {  	s11 =	simm.s32 $0x180;
	[sflag:s17] =	ssyncadd.s32 $0xFFFFC000  }
0x6a: {  	[tilespmem:s21], [sflag:$0x2] =	stream.indirect.gather [hbm4b:s4+s19], $0x80, s11, s19, $0xb8;
	[tilespmem:$0x1D000] =	vst v63  }
0x6b: {  	_ =	swait.ge [sflag:s25], $0x4000  }
0x6c: {  	[sflag:s25] =	ssyncset.done $0x0  }
0x6d: {  	s7 =	simm.s32 $0x500;
	[sflag:s25] =	ssyncadd.s32 $0xFFFFC000  }
0x6e: {  	[spmem:s2] =	stream.indirect.scatter.add.f32 [tilespmem:s20], [sflag:$0x5], $0x80, s7, s19, $0xb8;
	[tilespmem:$0x1D000] =	vst v63  }
0x6f: {  	_ =	swait.ge [sflag:s17], $0x4000  }
0x70: {  	[sflag:s17] =	ssyncset.done $0x0  }
0x71: {  	s11 =	simm.s32 $0x200;
	[sflag:s17] =	ssyncadd.s32 $0xFFFFC000  }
0x72: {  	[tilespmem:s20], [sflag:$0x1] =	stream.indirect.gather [hbm4b:s4+s19], $0x80, s11, s19, $0xb8;
	[tilespmem:$0x1D000] =	vst v63  }
0x73: {  	_ =	swait.ge [sflag:s28], $0x4000  }
0x74: {  	[sflag:s28] =	ssyncset.done $0x0  }
0x75: {  	s7 =	simm.s32 $0x580;
	[sflag:s28] =	ssyncadd.s32 $0xFFFFC000  }
0x76: {  	[spmem:s2] =	stream.indirect.scatter.add.f32 [tilespmem:s21], [sflag:$0x5], $0x80, s7, s19, $0xb8;
	[tilespmem:$0x1D000] =	vst v63  }
0x77: {  	_ =	swait.ge [sflag:s17], $0x4000  }
0x78: {  	[sflag:s17] =	ssyncset.done $0x0  }
0x79: {  	s11 =	simm.s32 $0x280;
	[sflag:s17] =	ssyncadd.s32 $0xFFFFC000  }
0x7a: {  	[tilespmem:s21], [sflag:$0x2] =	stream.indirect.gather [hbm4b:s4+s19], $0x80, s11, s19, $0xb8;
	[tilespmem:$0x1D000] =	vst v63  }
0x7b: {  	_ =	swait.ge [sflag:s25], $0x4000  }
0x7c: {  	[sflag:s25] =	ssyncset.done $0x0  }
0x7d: {  	s7 =	simm.s32 $0x600;
	[sflag:s25] =	ssyncadd.s32 $0xFFFFC000  }
0x7e: {  	[spmem:s2] =	stream.indirect.scatter.add.f32 [tilespmem:s20], [sflag:$0x5], $0x80, s7, s19, $0xb8;
	[tilespmem:$0x1D000] =	vst v63  }
0x7f: {  	_ =	swait.ge [sflag:s17], $0x4000  }
0x80: {  	[sflag:s17] =	ssyncset.done $0x0  }
0x81: {  	s11 =	simm.s32 $0x300;
	[sflag:s17] =	ssyncadd.s32 $0xFFFFC000  }
0x82: {  	[tilespmem:s20], [sflag:$0x1] =	stream.indirect.gather [hbm4b:s4+s19], $0x80, s11, s19, $0xb8;
	[tilespmem:$0x1D000] =	vst v63  }
0x83: {  	_ =	swait.ge [sflag:s28], $0x4000  }
0x84: {  	[sflag:s28] =	ssyncset.done $0x0  }
0x85: {  	s7 =	simm.s32 $0x680;
	[sflag:s28] =	ssyncadd.s32 $0xFFFFC000  }
0x86: {  	[spmem:s2] =	stream.indirect.scatter.add.f32 [tilespmem:s21], [sflag:$0x5], $0x80, s7, s19, $0xb8;
	[tilespmem:$0x1D000] =	vst v63  }
0x87: {  	_ =	swait.ge [sflag:s17], $0x4000  }
0x88: {  	[sflag:s17] =	ssyncset.done $0x0  }
0x89: {  	s11 =	simm.s32 $0x380;
	[sflag:s17] =	ssyncadd.s32 $0xFFFFC000  }
0x8a: {  	[tilespmem:s21], [sflag:$0x2] =	stream.indirect.gather [hbm4b:s4+s19], $0x80, s11, s19, $0xb8;
	[tilespmem:$0x1D000] =	vst v63  }
0x8b: {  	_ =	swait.ge [sflag:s25], $0x4000  }
0x8c: {  	[sflag:s25] =	ssyncset.done $0x0  }
0x8d: {  	s7 =	simm.s32 $0x700;
	[sflag:s25] =	ssyncadd.s32 $0xFFFFC000  }
0x8e: {  	[spmem:s2] =	stream.indirect.scatter.add.f32 [tilespmem:s20], [sflag:$0x5], $0x80, s7, s19, $0xb8;
	[tilespmem:$0x1D000] =	vst v63  }
0x8f: {  	_ =	swait.ge [sflag:s17], $0x4000  }
0x90: {  	[sflag:s17] =	ssyncset.done $0x0  }
0x91: {  	[sflag:s17] =	ssyncadd.s32 $0xFFFFC000  }
0x92: {  	_ =	swait.ge [sflag:s24], $0x400  }
0x93: {  	[sflag:s24] =	ssyncset.done $0x0  }
0x94: {  	[sflag:s24] =	ssyncadd.s32 $0xFFFFFC00  }
0x95: {  	_ =	swait.ge [sflag:s24], $0x400  }
0x96: {  	[sflag:s24] =	ssyncset.done $0x0  }
0x97: {  	[sflag:s24] =	ssyncadd.s32 $0xFFFFFC00  }
0x98: {  	[tilespmem:s20], [sflag:$0x1] =	stream.indirect.gather [hbm4b:s4+s19], $0x80, s22, s19, $0xb8;
	[tilespmem:$0x1D000] =	vst v63  }
0x99: {  	_ =	swait.ge [sflag:s28], $0x4000  }
0x9a: {  	[sflag:s28] =	ssyncset.done $0x0  }
0x9b: {  	s11 =	simm.s32 $0x780;
	[sflag:s28] =	ssyncadd.s32 $0xFFFFC000  }
0x9c: {  	[spmem:s2] =	stream.indirect.scatter.add.f32 [tilespmem:s21], [sflag:$0x5], $0x80, s11, s19, $0xb8;
	[tilespmem:$0x1D000] =	vst v63  }
0x9d: {  	_ =	swait.ge [sflag:s17], $0x4000  }
0x9e: {  	p0 =	seq.s32 s15, $0x0;
	[sflag:s17] =	ssyncset.done $0x0  }
0x9f: {  	s7 =	simm.s32 $0x880;
	s11 =	sadd.s32 @!p0 s15, s8;
	[sflag:s17] =	ssyncadd.s32 $0xFFFFC000  }
0xa0: {  	[tilespmem:s21], [sflag:$0x2] =	stream.indirect.gather [hbm4b:s4+s19], $0x80, s7, s19, $0xb8;
	[tilespmem:$0x1D000] =	vst v63  }
0xa1: {  	s5 =	simm.s32 @!p0 $0x0;
	s11 =	sadd.s32 @!p0 $0x500, s11  }
0xa2: {  	[tilespmem:s5], [sflag:$0x3] =	stream.linear.gather @!p0 [hbm4b:s11+s5], $0x400, $0x38;
	[tilespmem:$0x1D000] =	vst v63  }
0xa3: {  	s11 =	sadd.s32 @!p0 s15, s9  }
0xa4: {  	s7 =	simm.s32 @!p0 $0x400;
	s11 =	sadd.s32 @!p0 $0x500, s11  }
0xa5: {  	[tilespmem:s7], [sflag:$0x3] =	stream.linear.gather @!p0 [hbm4b:s11+s5], $0x400, $0x38;
	[tilespmem:$0x1D000] =	vst v63  }
0xa6: {  	_ =	swait.ge [sflag:s25], $0x4000  }
0xa7: {  	[sflag:s25] =	ssyncset.done $0x0  }
0xa8: {  	[sflag:s25] =	ssyncadd.s32 $0xFFFFC000  }
0xa9: {  	[spmem:s2] =	stream.indirect.scatter.add.f32 [tilespmem:s20], [sflag:$0x5], $0x80, s23, s19, $0xb8;
	[tilespmem:$0x1D000] =	vst v63  }
0xaa: {  	_ =	swait.ge [sflag:s17], $0x4000  }
0xab: {  	[sflag:s17] =	ssyncset.done $0x0  }
0xac: {  	s11 =	simm.s32 $0x900;
	[sflag:s17] =	ssyncadd.s32 $0xFFFFC000  }
0xad: {  	[tilespmem:s20], [sflag:$0x1] =	stream.indirect.gather [hbm4b:s4+s19], $0x80, s11, s19, $0xb8;
	[tilespmem:$0x1D000] =	vst v63  }
0xae: {  	_ =	swait.ge [sflag:s28], $0x4000  }
0xaf: {  	[sflag:s28] =	ssyncset.done $0x0  }
0xb0: {  	[sflag:s28] =	ssyncadd.s32 $0xFFFFC000  }
0xb1: {  	[spmem:s2] =	stream.indirect.scatter.add.f32 [tilespmem:s21], [sflag:$0x5], $0x80, s26, s19, $0xb8;
	[tilespmem:$0x1D000] =	vst v63  }
0xb2: {  	_ =	swait.ge [sflag:s17], $0x4000  }
0xb3: {  	[sflag:s17] =	ssyncset.done $0x0  }
0xb4: {  	[sflag:s17] =	ssyncadd.s32 $0xFFFFC000  }
0xb5: {  	[tilespmem:s21], [sflag:$0x2] =	stream.indirect.gather [hbm4b:s4+s19], $0x80, s18, s19, $0xb8;
	[tilespmem:$0x1D000] =	vst v63  }
0xb6: {  	_ =	swait.ge [sflag:s25], $0x4000  }
0xb7: {  	[sflag:s25] =	ssyncset.done $0x0  }
0xb8: {  	[sflag:s25] =	ssyncadd.s32 $0xFFFFC000  }
0xb9: {  	[spmem:s2] =	stream.indirect.scatter.add.f32 [tilespmem:s20], [sflag:$0x5], $0x80, s29, s19, $0xb8;
	[tilespmem:$0x1D000] =	vst v63  }
0xba: {  	_ =	swait.ge [sflag:s17], $0x4000  }
0xbb: {  	[sflag:s17] =	ssyncset.done $0x0  }
0xbc: {  	[sflag:s17] =	ssyncadd.s32 $0xFFFFC000  }
0xbd: {  	[tilespmem:s20], [sflag:$0x1] =	stream.indirect.gather [hbm4b:s4+s19], $0x80, s30, s19, $0xb8;
	[tilespmem:$0x1D000] =	vst v63  }
0xbe: {  	_ =	swait.ge [sflag:s28], $0x4000  }
0xbf: {  	[sflag:s28] =	ssyncset.done $0x0  }
0xc0: {  	[sflag:s28] =	ssyncadd.s32 $0xFFFFC000  }
0xc1: {  	[spmem:s2] =	stream.indirect.scatter.add.f32 [tilespmem:s21], [sflag:$0x5], $0x80, s31, s19, $0xb8;
	[tilespmem:$0x1D000] =	vst v63  }
0xc2: {  	_ =	swait.ge [sflag:s17], $0x4000  }
0xc3: {  	[sflag:s17] =	ssyncset.done $0x0  }
0xc4: {  	[sflag:s17] =	ssyncadd.s32 $0xFFFFC000  }
0xc5: {  	[tilespmem:s21], [sflag:$0x2] =	stream.indirect.gather [hbm4b:s4+s19], $0x80, s1, s19, $0xb8;
	[tilespmem:$0x1D000] =	vst v63  }
0xc6: {  	_ =	swait.ge [sflag:s25], $0x4000  }
0xc7: {  	[sflag:s25] =	ssyncset.done $0x0  }
0xc8: {  	[sflag:s25] =	ssyncadd.s32 $0xFFFFC000  }
0xc9: {  	[spmem:s2] =	stream.indirect.scatter.add.f32 [tilespmem:s20], [sflag:$0x5], $0x80, s0, s19, $0xb8;
	[tilespmem:$0x1D000] =	vst v63  }
0xca: {  	_ =	swait.ge [sflag:s17], $0x4000  }
0xcb: {  	[sflag:s17] =	ssyncset.done $0x0  }
0xcc: {  	[sflag:s17] =	ssyncadd.s32 $0xFFFFC000  }
0xcd: {  	[tilespmem:s20], [sflag:$0x1] =	stream.indirect.gather [hbm4b:s4+s19], $0x80, s6, s19, $0xb8;
	[tilespmem:$0x1D000] =	vst v63  }
0xce: {  	_ =	swait.ge [sflag:s28], $0x4000  }
0xcf: {  	[sflag:s28] =	ssyncset.done $0x0  }
0xd0: {  	[sflag:s28] =	ssyncadd.s32 $0xFFFFC000  }
0xd1: {  	[spmem:s2] =	stream.indirect.scatter.add.f32 [tilespmem:s21], [sflag:$0x5], $0x80, s10, s19, $0xb8;
	[tilespmem:$0x1D000] =	vst v63  }
0xd2: {  	_ =	swait.ge [sflag:s17], $0x4000  }
0xd3: {  	[sflag:s17] =	ssyncset.done $0x0  }
0xd4: {  	[sflag:s17] =	ssyncadd.s32 $0xFFFFC000  }
0xd5: {  	[tilespmem:s21], [sflag:$0x2] =	stream.indirect.gather [hbm4b:s4+s19], $0x80, s12, s19, $0xb8;
	[tilespmem:$0x1D000] =	vst v63  }
0xd6: {  	_ =	swait.ge [sflag:s25], $0x4000  }
0xd7: {  	[sflag:s25] =	ssyncset.done $0x0  }
.Ltmp2:
0xd8: {  	[sflag:s25] =	ssyncadd.s32 $0xFFFFC000;
	(pc) =	sbr.rel @p0 .LBB2_4-.Ltmp2, $4  }
0xd9: {  	[spmem:s2] =	stream.indirect.scatter.add.f32 [tilespmem:s20], [sflag:$0x5], $0x80, s13, s19, $0xb8;
	[tilespmem:$0x1D000] =	vst v63  }
0xda: {  	_ =	swait.ge [sflag:s17], $0x4000  }
0xdb: {  	[sflag:s17] =	ssyncset.done $0x0  }
0xdc: {  	[sflag:s17] =	ssyncadd.s32 $0xFFFFC000  }
0xdd: {  	_ =	swait.ge [sflag:s16], $0x400  }
0xde: {  	[sflag:s16] =	ssyncset.done $0x0  }
0xdf: {  	[sflag:s16] =	ssyncadd.s32 $0xFFFFFC00  }
0xe0: {  	_ =	swait.ge [sflag:s16], $0x400  }
0xe1: {  	[sflag:s16] =	ssyncset.done $0x0  }
0xe2: {  	[sflag:s16] =	ssyncadd.s32 $0xFFFFFC00  }
0xe3: {  	[tilespmem:s20], [sflag:$0x1] =	stream.indirect.gather [hbm4b:s4+s19], $0x80, s3, s19, $0xb8;
	[tilespmem:$0x1D000] =	vst v63  }
0xe4: {  	_ =	swait.ge [sflag:s28], $0x4000  }
0xe5: {  	[sflag:s28] =	ssyncset.done $0x0  }
0xe6: {  	[sflag:s28] =	ssyncadd.s32 $0xFFFFC000  }
0xe7: {  	[spmem:s2] =	stream.indirect.scatter.add.f32 [tilespmem:s21], [sflag:$0x5], $0x80, s14, s19, $0xb8;
	[tilespmem:$0x1D000] =	vst v63  }
.Ltmp3:
0xe8: {  	_ = 	snop;
	(pc) =	sbr.rel .LBB2_2-.Ltmp3, $4  }
0xe9: {  	_ =	swait.ge [sflag:s17], $0x4000  }
0xea: {  	[sflag:s17] =	ssyncset.done $0x0  }
0xeb: {  	s15 =	sadd.s32 $0x100, s15;
	[sflag:s17] =	ssyncadd.s32 $0xFFFFC000  }
0xec: {  	[tilespmem:s21], [sflag:$0x2] =	stream.indirect.gather [hbm4b:s4+s19], $0x80, s19, s19, $0xb8;
	[tilespmem:$0x1D000] =	vst v63  }
.LBB2_5:
0xed: {  	_ =	sfence.sel $0x180000  }
0xee: {  	[bflag:$0x0] =	sbarrier.arrive $0xFFFF  }
0xef: {  	_ =	strace $0x9000004D  }
0xf0: {  	s0 =	stileid.u32;
	[bflag:$0x2] =	sbarrier.arrive $0xFFFF  }
0xf1: {  	p0 =	sne.s32 s0, $0x0;
	s0 =	rddreg [dreg:$0x3]  }
0xf2: {  	s0 =	sadd.s32 @!p0 $0x100000, s0  }
0xf3: {  	[sflag:s0] =	ssyncadd.tile.s32 @!p0 $0x1;
	_ =	shalt  }
.Lfunc_end2:
_tile_overlayer_lowered:
.L_overlay_start_2:
0xf4: {  	(tag) =	ssettag $0x2  }
0xf5: {  	s0 =	rddreg [dreg:$0x0];
	s2 =	stileid.u32  }
0xf6: {  	s1 =	rddreg [dreg:$0x1];
	p0 =	sne.s32 s2, $0x0  }
0xf7: {  	s3 =	rddreg [dreg:$0x2];
	[bflag:$0x3] =	sbarrier.arrive $0xFFFF;
	s2 =	simm.s32 @!p0 $0x1C05  }
0xf8: {  	[timem:s3], [sflag:s2] =	dma.local @!p0 [hbm:s0], s1  }
0xf9: {  	s0 =	simm.s32 @!p0 $0x5  }
0xfa: {  	_ =	swait.ge @!p0 [sflag:s0], s1  }
0xfb: {  	s1 =	ssub.s32 @!p0 $0x0, s1;
	[sflag:s0] =	ssyncset.done @!p0 $0x0  }
0xfc: {  	[sflag:s0] =	ssyncadd.s32 @!p0 s1  }
0xfd: {  	[bflag:$0x3] =	sbarrier.arrive $0xFFFF  }
0xfe: {  	_ =	shalt  }

// kernel: kernel.22.cloned.1.call-start
scs
__scs_entry_jumppad:
0x0: {  	(pc) =	sbr.rel $0x88, $3  }
0x1: {  	(tag) =	ssettag $0x0;
	lr =	simm.s32 $0x1  }
0x2: {  	[smem:$0x3F95] =	sst lr;
	_ =	strace $0xD0000000  }
0x3: {  	_ = 	snop  }
0x4: {  	_ = 	snop  }
0x5: {  	_ = 	snop  }
0x6: {  	_ = 	snop  }
0x7: {  	_ = 	snop  }
__scs_overlays_trampoline_lowered:
0x8: {  	[smem:$0x3FA4] =	sst s0  }
0x9: {  	[smem:$0x3FA5] =	sst s1  }
0xa: {  	[smem:$0x3FA6] =	sst s2  }
0xb: {  	[smem:$0x3FA7] =	sst s3  }
0xc: {  	[smem:$0x3FA8] =	sst s4  }
0xd: {  	[smem:$0x3FA9] =	sst s5  }
0xe: {  	[smem:$0x3FAA] =	sst s6  }
0xf: {  	[smem:$0x3FAB] =	sst s7  }
0x10: {  	[smem:$0x3FAC] =	sst s8  }
0x11: {  	[smem:$0x3FAD] =	sst s9;
	s0 =	simm.s32 @!p0 $0x0  }
0x12: {  	s1 =	sld [smem:$0x3F93];
	s0 =	simm.s32 @p0 $0x1  }
0x13: {  	[smem:$0x3FAE] =	sst s0;
	s0 =	simm.s32 @!p1 $0x0  }
0x14: {  	s2 =	sld [smem:$0x3F92];
	s0 =	simm.s32 @p1 $0x1  }
0x15: {  	[smem:$0x3FAF] =	sst s0;
	s0 =	simm.s32 @!p2 $0x0  }
0x16: {  	s3 =	sld [smem:$0x3FDB];
	s0 =	simm.s32 @p2 $0x1  }
0x17: {  	s4 =	simm.s32 $0x1BF5;
	[smem:$0x3FB1] =	sst s0  }
0x18: {  	s0 =	sld [smem:$0x3F94];
	_ =	swait.ge [sflag:s4], $0x0  }
0x19: {  	s7 =	sld [smem:$0x3F95]  }
0x1a: {  	s8 =	sadd.s32 $0xFFFFE003, lr  }
0x1b: {  	s9 =	sadd.s32 $0xFFFFFEF7, lr;
	s5 =	simm.s32 $0xFFFFFFFF;
	p2 =	slt.u32 s8, $0xFFFFF086  }
0x1c: {  	p1 =	slt.u32 s9, $0xF7A;
	s5 =	simm.s32 @!p2 $0x0  }
0x1d: {  	s5 =	simm.s32 @p1 $0x1;
	p0 =	seq.s32 s7, s2  }
0x1e: {  	s7 =	smul.u32 @!p0 $0xF7A, s2;
	p2 =	seq.s32 @!p0 s5, $0x0  }
0x1f: {  	s9 =	smul.u32 $0xF7A, s1;
	s8 =	simm.s32 @!p0 $0x1BF5;
	p2 =	por !p2, p0  }
0x20: {  	[sflag:s8] =	ssyncset.s32 @!p0 $0xFFFFF086;
	s6 =	sadd.s32 @!p0 s3, s7;
	s7 =	simm.s32 @!p0 $0x108  }
0x21: {  	s3 =	sadd.s32 s3, s9;
	s6 =	sadd.s32 @!p0 $0x88, s6;
	s7 =	simm.s32 @p2 $0x1082  }
0x22: {  	[simem:s7], [sflag:s8] =	dma.local @!p0 [hbm:s6], $0xF7A  }
0x23: {  	s9 =	sor.u32 $0xD0000000, s2;
	s6 =	simm.s32 $0x108;
	_ =	swait.ge @!p0 [sflag:s8], $0x0  }
0x24: {  	s3 =	sadd.s32 $0x88, s3;
	s6 =	simm.s32 @!p1 $0x1082;
	[sflag:s4] =	ssyncset.s32 $0xFFFFF086  }
0x25: {  	[simem:s6], [sflag:s4] =	dma.local [hbm:s3], $0xF7A  }
0x26: {  	[smem:$0x3F95] =	sst s1;
	(tag) =	ssettag s2;
	_ =	strace s9  }
0x27: {  	s1 =	sld [smem:$0x3FA5]  }
0x28: {  	s2 =	sld [smem:$0x3FA6]  }
0x29: {  	s4 =	sld [smem:$0x3FA8]  }
0x2a: {  	p0 =	seq.s32 s5, $0x0;
	s5 =	sld [smem:$0x3FA9]  }
0x2b: {  	s6 =	sld [smem:$0x3FAA]  }
0x2c: {  	s7 =	sld [smem:$0x3FAB]  }
0x2d: {  	s3 =	simm.s32 $0x108;
	s8 =	sld [smem:$0x3FAC]  }
0x2e: {  	s3 =	simm.s32 @!p0 $0x1082;
	s9 =	sld [smem:$0x3FAD]  }
0x2f: {  	lr =	sadd.s32 s0, s3;
	s0 =	sld [smem:$0x3FA4]  }
0x30: {  	s3 =	sld [smem:$0x3FA7]  }
0x31: {  	[smem:$0x3FB0] =	sst s10  }
0x32: {  	s10 =	sld [smem:$0x3FAE];
	_ =	sdelay $0x3  }
0x33: {  	p0 =	seq.s32 s10, $0x1;
	s10 =	sld [smem:$0x3FB0];
	_ =	sdelay $0x3  }
0x34: {  	[smem:$0x3FB0] =	sst s10  }
0x35: {  	s10 =	sld [smem:$0x3FAF];
	_ =	sdelay $0x3  }
0x36: {  	p1 =	seq.s32 s10, $0x1;
	s10 =	sld [smem:$0x3FB0];
	_ =	sdelay $0x3  }
0x37: {  	[smem:$0x3FB0] =	sst s10  }
0x38: {  	s10 =	sld [smem:$0x3FB1]  }
0x39: {  	_ = 	snop;
	(pc) =	sbr.ind lr, $3  }
0x3a: {  	_ = 	snop  }
0x3b: {  	_ = 	snop  }
0x3c: {  	p2 =	seq.s32 s10, $0x1;
	s10 =	sld [smem:$0x3FB0]  }
0x3d: {  	_ =	shalt  }
0x3e: {  	_ =	shalt  }
0x3f: {  	_ =	shalt  }
0x40: {  	_ =	shalt  }
0x41: {  	_ =	shalt  }
0x42: {  	_ =	shalt  }
0x43: {  	_ =	shalt  }
0x44: {  	_ =	shalt  }
0x45: {  	_ =	shalt  }
0x46: {  	_ =	shalt  }
0x47: {  	_ =	shalt  }
0x48: {  	_ =	shalt  }
0x49: {  	_ =	shalt  }
0x4a: {  	_ =	shalt  }
0x4b: {  	_ =	shalt  }
0x4c: {  	_ =	shalt  }
0x4d: {  	_ =	shalt  }
0x4e: {  	_ =	shalt  }
0x4f: {  	_ =	shalt  }
0x50: {  	_ =	shalt  }
0x51: {  	_ =	shalt  }
0x52: {  	_ =	shalt  }
0x53: {  	_ =	shalt  }
0x54: {  	_ =	shalt  }
0x55: {  	_ =	shalt  }
0x56: {  	_ =	shalt  }
0x57: {  	_ =	shalt  }
0x58: {  	_ =	shalt  }
0x59: {  	_ =	shalt  }
0x5a: {  	_ =	shalt  }
0x5b: {  	_ =	shalt  }
0x5c: {  	_ =	shalt  }
0x5d: {  	_ =	shalt  }
0x5e: {  	_ =	shalt  }
0x5f: {  	_ =	shalt  }
0x60: {  	_ =	shalt  }
0x61: {  	_ =	shalt  }
0x62: {  	_ =	shalt  }
0x63: {  	_ =	shalt  }
0x64: {  	_ =	shalt  }
0x65: {  	_ =	shalt  }
0x66: {  	_ =	shalt  }
0x67: {  	_ =	shalt  }
0x68: {  	_ =	shalt  }
0x69: {  	_ =	shalt  }
0x6a: {  	_ =	shalt  }
0x6b: {  	_ =	shalt  }
0x6c: {  	_ =	shalt  }
0x6d: {  	_ =	shalt  }
0x6e: {  	_ =	shalt  }
0x6f: {  	_ =	shalt  }
0x70: {  	_ =	shalt  }
0x71: {  	_ =	shalt  }
0x72: {  	_ =	shalt  }
0x73: {  	_ =	shalt  }
0x74: {  	_ =	shalt  }
0x75: {  	_ =	shalt  }
0x76: {  	_ =	shalt  }
0x77: {  	_ =	shalt  }
0x78: {  	_ =	shalt  }
0x79: {  	_ =	shalt  }
0x7a: {  	_ =	shalt  }
0x7b: {  	_ =	shalt  }
0x7c: {  	_ =	shalt  }
0x7d: {  	_ =	shalt  }
0x7e: {  	_ =	shalt  }
0x7f: {  	_ =	shalt  }
0x80: {  	_ =	shalt  }
0x81: {  	_ =	shalt  }
0x82: {  	_ =	shalt  }
0x83: {  	_ =	shalt  }
0x84: {  	_ =	shalt  }
0x85: {  	_ =	shalt  }
0x86: {  	_ =	shalt  }
0x87: {  	_ =	shalt  }
.Lfunc_end0:
.L_simem_size_0:
called_computation.3_lowered:
.L_overlay_start_0:
0x88: {  	s2 =	sld [smem:$0x3FD9]  }
0x89: {  	s3 =	sld [smem:$0x3FFE];
	_ =	sdelay $0x1  }
0x8a: {  	s1 =	srdreg.scid  }
0x8b: {  	s0 =	sand.u32 $0x1, s1  }
0x8c: {  	s17 =	sshll.u32 s0, $0xA;
	s2 =	sadd.s32 s3, s2  }
0x8d: {  	s2 =	sadd.s32 s2, s17  }
0x8e: {  	[smem:$0x3FBC] =	sst s2  }
0x8f: {  	_ = 	snop  }
0x90: {  	s2 =	sld [smem:$0x3FD0];
	(tm) =	ssettm $0x1  }
0x91: {  	s18 =	sld [smem:$0x3FFB];
	_ =	sdelay $0x3  }
0x92: {  	_ =	strace s18  }
0x93: {  	s3 =	sld [smem:$0x3FFC];
	_ =	sdelay $0x3  }
0x94: {  	_ =	strace s3  }
0x95: {  	s3 =	sld [smem:$0x3FFD];
	_ =	sdelay $0x3  }
0x96: {  	_ =	strace s3  }
0x97: {  	_ =	strace $0x8FFFFFFF  }
0x98: {  	s19 =	sld [smem:$0x3FDB];
	_ =	sdelay $0x1  }
0x99: {  	s4 =	simm.s32 $_scs_section_size  }
0x9a: {  	s5 =	simm.s32 $_size__tile_overlayer_lowered;
	s6 =	simm.s32 $_tile_overlayer_lowered  }
0x9b: {  	s22 =	simm.s32 $0x1BFF;
	s21 =	sshll.u32 s6, $0x1;
	s3 =	sadd.s32 s4, s19  }
0x9c: {  	s7 =	simm.s32 $0x0;
	s20 =	sshll.u32 s5, $0x1;
	s5 =	sadd.s32 s21, s3  }
0x9d: {  	[timem:s7], [sflag:s22] =	dma.local [hbm:s5], s20  }
0x9e: {  	_ =	swait.ge [sflag:s22], s20  }
0x9f: {  	s4 =	ssub.s32 $0x0, s20;
	[sflag:s22] =	ssyncset.done $0x0  }
0xa0: {  	[sflag:s22] =	ssyncadd.s32 s4;
	_ =	sdelay $0x1  }
0xa1: {  	s23 =	simm.s32 $0x1B8B  }
0xa2: {  	_ =	swait.ge [sflag:s23], $0x1  }
0xa3: {  	[sflag:s23] =	ssyncset.done $0x0  }
0xa4: {  	s25 =	simm.s32 $0x1B8E;
	s24 =	sld [smem:$0x3FFE];
	[sflag:s23] =	ssyncadd.s32 $0xFFFFFFFF  }
0xa5: {  	s26 =	simm.s32 $execute0_lowered;
	[smem:$0x3FD2] =	sst s25  }
0xa6: {  	s5 =	sshll.u32 s26, $0x1;
	_ =	strace $0x8000004F;
	[dreg:$0x1] =	wrdreg $0xFFFFFFFF  }
0xa7: {  	s28 =	simm.s32 $_size_execute0_lowered;
	s3 =	sadd.s32 s3, s5;
	[dreg:$0x0] =	wrdreg $0x0  }
0xa8: {  	s5 =	sshll.u32 s28, $0x1;
	[dreg:$0x2] =	wrdreg s3  }
0xa9: {  	[dreg:$0x3] =	wrdreg s5  }
0xaa: {  	[dreg:$0x4] =	wrdreg $0xC0  }
0xab: {  	_ =	task [dreg:s7], $0x5FFFF  }
0xac: {  	[dreg:$0x1] =	wrdreg $0xFFFFFFFF  }
0xad: {  	[dreg:$0x0] =	wrdreg $0x60  }
0xae: {  	[dreg:$0x2] =	wrdreg s24  }
0xaf: {  	[dreg:$0x3] =	wrdreg s2  }
0xb0: {  	[dreg:$0x4] =	wrdreg $0x90000  }
0xb1: {  	[dreg:$0x5] =	wrdreg $0x9  }
0xb2: {  	_ =	task.clear_ibuf [dreg:s7], $0x6FFFF;
	_ =	strace $0x9000004F  }
0xb3: {  	s29 =	simm.s32 $0x9;
	_ =	strace $0x80000051  }
0xb4: {  	_ =	swait.ge [sflag:s29], $0x1  }
0xb5: {  	[sflag:s29] =	ssyncadd.s32 $0xFFFFFFFF  }
0xb6: {  	_ =	strace $0x90000051  }
0xb7: {  	_ =	sfence  }
0xb8: {  	s30 =	sld [smem:$0x0];
	_ =	sdelay $0x2  }
0xb9: {  	s31 =	sshll.u32 s1, $0xD;
	s1 =	sshrl.u32 s1, $0x2  }
0xba: {  	s3 =	sand.u32 $0x4000, s31;
	s1 =	sadd.s32 s1, s30  }
0xbb: {  	s0 =	sor.u32 s3, s0;
	s1 =	sshll.u32 s1, $0x11  }
0xbc: {  	s0 =	sor.u32 s1, s0  }
0xbd: {  	s0 =	sadd.s32 $0x8F2B, s0  }
0xbe: {  	[sflag:s0] =	ssyncadd.remote.s32 $0x1  }
0xbf: {  	_ =	sfence.sel $0xFFFF  }
0xc0: {  	[dreg:$0x0] =	wrdreg $0xFFFFFFFF;
	(pc) =	sbr.abs _section_cstart, $3  }
0xc1: {  	[dreg:$0x1] =	wrdreg $0xFFFFFFFF  }
0xc2: {  	_ =	task.clear_ibuf [dreg:s7], $0x2FFFF;
	_ =	strace $0x9FFFFFFF  }
0xc3: {  	(tm) =	ssettm $0x7FFFFFFF  }
tec
execute0_lowered:
.L_overlay_start_1:
0x0: {  	(tag) =	ssettag $0x1  }
0x1: {  	s0 =	rddreg [dreg:$0x0]  }
0x2: {  	s1 =	rddreg [dreg:$0x1];
	s3 =	srdreg.scid  }
0x3: {  	s14 =	stileid.u32;
	s2 =	rddreg [dreg:$0x2]  }
0x4: {  	s19 =	simm.s32 $0x80;
	s20 =	simm.s32 $0x1000;
	s21 =	simm.s32 $0x5000  }
0x5: {  	s22 =	simm.s32 $0x800;
	s28 =	simm.s32 $0x2;
	s29 =	simm.s32 $0xD00  }
0x6: {  	s30 =	simm.s32 $0xA00;
	s31 =	simm.s32 $0xD80;
	s5 =	sand.u32 $0x1, s3  }
0x7: {  	s4 =	sshll.u32 s14, $0x1;
	s3 =	simm.s32 $0x0;
	s9 =	smul.u32 $0x50000, s14  }
0x8: {  	s10 =	sadd.s32 $0x3600, s0;
	s13 =	sshll.u32 s14, $0x6;
	s18 =	smul.u32 $0x2800, s14  }
0x9: {  	s14 =	simm.s32 $0xF80;
	s4 =	sor.u32 s5, s4;
	[smem:$0x7FF] =	sst s3  }
0xa: {  	s7 =	smul.u32 $0x28000, s5;
	s5 =	ssub.s32 $0x2, s5;
	s16 =	sor.u32 $0x1C03, s13  }
0xb: {  	s6 =	smul.u32 $0x500, s4;
	_ =	strace $0x80000050;
	[dreg:$0x4] =	wrdreg s10  }
0xc: {  	s4 =	sadd.s32 $0x3E00, s0;
	s12 =	sshrl.u32 s5, $0x1;
	[dreg:$0x5] =	wrdreg s13  }
0xd: {  	s9 =	sshrl.u32 s9, $0x2;
	[dreg:$0x6] =	wrdreg s16;
	s16 =	simm.s32 $0x3  }
0xe: {  	s10 =	simm.s32 $0xE80;
	s5 =	ssub.s32 s5, s12;
	s15 =	sadd.s32 s9, s2  }
0xf: {  	s8 =	sadd.s32 s6, s0;
	s0 =	sadd.s32 s7, s0;
	s17 =	sadd.s32 $0x4000, s15  }
0x10: {  	s11 =	sadd.s32 $0x8000, s15;
	s12 =	sadd.s32 $0xC000, s15;
	s13 =	sadd.s32 $0x10000, s15  }
0x11: {  	s9 =	sadd.s32 s1, s6;
	s5 =	smax.u32 s5, $0x1;
	s15 =	sshrl.u32 s15, $0x3  }
0x12: {  	s1 =	simm.s32 $0xA80;
	s6 =	simm.s32 $0xB00;
	s7 =	simm.s32 $0x0  }
0x13: {  	s8 =	sadd.s32 $0x54600, s8;
	s0 =	sadd.s32 $0x5E600, s0;
	[dreg:$0x7] =	wrdreg s5  }
0x14: {  	s23 =	sshrl.u32 s17, $0x3;
	s24 =	sshrl.u32 s11, $0x3;
	[dreg:$0x8] =	wrdreg s15  }
0x15: {  	s25 =	sshrl.u32 s12, $0x3;
	s26 =	sshrl.u32 s13, $0x3;
	[dreg:$0x9] =	wrdreg s23  }
.Ltmp0:
0x16: {  	s17 =	simm.s32 $0x5;
	[dreg:$0xa] =	wrdreg s24;
	(pc) =	sbr.rel .LBB2_1-.Ltmp0, $4  }
0x17: {  	s12 =	simm.s32 $0xB80;
	s13 =	simm.s32 $0xF00;
	[dreg:$0xb] =	wrdreg s25  }
0x18: {  	[dreg:$0xc] =	wrdreg s26;
	s23 =	simm.s32 $0xC00;
	s0 =	sadd.s32 s18, s0  }
0x19: {  	s25 =	simm.s32 $0x1;
	s24 =	simm.s32 $0x4;
	s26 =	simm.s32 $0xC80  }
0x1a: {  	s18 =	simm.s32 $0x980;
	[dreg:$0xd] =	wrdreg s0;
	s0 =	simm.s32 $0xE00  }
.LBB2_4:
0x1b: {  	_ =	swait.ge [sflag:s28], $0x4000  }
0x1c: {  	[sflag:s28] =	ssyncset.done $0x0  }
0x1d: {  	[sflag:s28] =	ssyncadd.s32 $0xFFFFC000  }
0x1e: {  	[spmem:s2] =	stream.indirect.scatter.add.f32 [tilespmem:s21], [sflag:$0x5], $0x80, s14, s19, $0xb8;
	[tilespmem:$0x1D000] =	vst v63  }
0x1f: {  	_ =	swait.ge [sflag:s17], $0x4000  }
0x20: {  	[sflag:s17] =	ssyncset.done $0x0  }
0x21: {  	[sflag:s17] =	ssyncadd.s32 $0xFFFFC000  }
0x22: {  	[bflag:$0x0] =	sbarrier.arrive $0xFFFF  }
0x23: {  	s5 =	rddreg [dreg:$0x5]  }
0x24: {  	s15 =	rddreg [dreg:$0x8]  }
0x25: {  	s7 =	rddreg [dreg:$0xd];
	s5 =	sor.u32 $0x1C05, s5  }
0x26: {  	[hbm:s7], [sflag:s5] =	dma.local [spmem:s15], $0x2800  }
0x27: {  	_ =	swait.ge [sflag:s17], $0x2800  }
0x28: {  	s5 =	rddreg [dreg:$0xe]  }
0x29: {  	s11 =	rddreg [dreg:$0x7];
	s7 =	sadd.s32 $0x1, s5  }
0x2a: {  	p0 =	sne.s32 s7, s11  }
.Ltmp1:
0x2b: {  	_ = 	snop;
	(pc) =	sbr.rel @!p0 .LBB2_5-.Ltmp1, $3  }
0x2c: {  	_ =	sdelay $0x1  }
0x2d: {  	[sflag:s17] =	ssyncset.done $0x0  }
0x2e: {  	[sflag:s17] =	ssyncadd.s32 $0xFFFFD800  }
.LBB2_1:
0x2f: {  	[dreg:$0xe] =	wrdreg s7  }
0x30: {  	s5 =	rddreg [dreg:$0x4]  }
0x31: {  	s7 =	rddreg [dreg:$0x6]  }
0x32: {  	[spmem:s15], [sflag:s7] =	dma.local [hbm:s5], $0x800  }
0x33: {  	s11 =	rddreg [dreg:$0x9]  }
0x34: {  	[spmem:s11], [sflag:s7] =	dma.local [hbm:s5], $0x800  }
0x35: {  	s11 =	rddreg [dreg:$0xa]  }
0x36: {  	[spmem:s11], [sflag:s7] =	dma.local [hbm:s5], $0x800  }
0x37: {  	s11 =	rddreg [dreg:$0xb]  }
0x38: {  	[spmem:s11], [sflag:s7] =	dma.local [hbm:s5], $0x800  }
0x39: {  	s11 =	rddreg [dreg:$0xc]  }
0x3a: {  	[spmem:s11], [sflag:s7] =	dma.local [hbm:s5], $0x800  }
0x3b: {  	_ =	swait.ge [sflag:s16], $0x800  }
0x3c: {  	[sflag:s16] =	ssyncset.done $0x0  }
0x3d: {  	[sflag:s16] =	ssyncadd.s32 $0xFFFFF800  }
0x3e: {  	_ =	swait.ge [sflag:s16], $0x800  }
0x3f: {  	[sflag:s16] =	ssyncset.done $0x0  }
0x40: {  	[sflag:s16] =	ssyncadd.s32 $0xFFFFF800  }
0x41: {  	_ =	swait.ge [sflag:s16], $0x800  }
0x42: {  	[sflag:s16] =	ssyncset.done $0x0  }
0x43: {  	[sflag:s16] =	ssyncadd.s32 $0xFFFFF800  }
0x44: {  	_ =	swait.ge [sflag:s16], $0x800  }
0x45: {  	[sflag:s16] =	ssyncset.done $0x0  }
0x46: {  	[sflag:s16] =	ssyncadd.s32 $0xFFFFF800  }
0x47: {  	_ =	swait.ge [sflag:s16], $0x800  }
0x48: {  	[sflag:s16] =	ssyncset.done $0x0  }
0x49: {  	[sflag:s16] =	ssyncadd.s32 $0xFFFFF800  }
0x4a: {  	[bflag:$0x0] =	sbarrier.arrive $0xFFFF  }
0x4b: {  	[tilespmem:s3], [sflag:$0x5] =	stream.linear.gather [hbm4b:s8+s3], $0x400, $0x38;
	[tilespmem:$0x1D000] =	vst v63  }
0x4c: {  	_ =	swait.ge [sflag:s17], $0x400  }
0x4d: {  	[sflag:s17] =	ssyncset.done $0x0  }
0x4e: {  	s15 =	simm.s32 $0x400;
	[sflag:s17] =	ssyncadd.s32 $0xFFFFFC00  }
0x4f: {  	[tilespmem:s15], [sflag:$0x5] =	stream.linear.gather [hbm4b:s9+s3], $0x400, $0x38;
	[tilespmem:$0x1D000] =	vst v63  }
0x50: {  	_ =	swait.ge [sflag:s17], $0x400  }
0x51: {  	[sflag:s17] =	ssyncset.done $0x0  }
0x52: {  	[sflag:s17] =	ssyncadd.s32 $0xFFFFFC00  }
0x53: {  	[tilespmem:s20], [sflag:$0x1] =	stream.indirect.gather [hbm4b:s4+s19], $0x80, s3, s19, $0xb8;
	[tilespmem:$0x1D000] =	vst v63  }
0x54: {  	s15 =	simm.s32 $0xFFFFFC00  }
0x55: {  	[tilespmem:s21], [sflag:$0x2] =	stream.indirect.gather [hbm4b:s4+s19], $0x80, s19, s19, $0xb8;
	[tilespmem:$0x1D000] =	vst v63  }
.LBB2_2:
0x56: {  	s11 =	sadd.s32 s15, s8  }
0x57: {  	s7 =	sadd.s32 s15, s9;
	s11 =	sadd.s32 $0x480, s11  }
0x58: {  	[tilespmem:s22], [sflag:$0x4] =	stream.linear.gather [hbm4b:s11+s3], $0x400, $0x38;
	[tilespmem:$0x1D000] =	vst v63  }
0x59: {  	s11 =	sadd.s32 $0x480, s7  }
0x5a: {  	[tilespmem:s23], [sflag:$0x4] =	stream.linear.gather [hbm4b:s11+s3], $0x400, $0x38;
	[tilespmem:$0x1D000] =	vst v63  }
0x5b: {  	_ =	swait.ge [sflag:s25], $0x4000  }
0x5c: {  	[sflag:s25] =	ssyncset.done $0x0  }
0x5d: {  	s5 =	simm.s32 $0x400;
	[sflag:s25] =	ssyncadd.s32 $0xFFFFC000  }
0x5e: {  	[spmem:s2] =	stream.indirect.scatter.add.f32 [tilespmem:s20], [sflag:$0x5], $0x80, s5, s19, $0xb8;
	[tilespmem:$0x1D000] =	vst v63  }
0x5f: {  	_ =	swait.ge [sflag:s17], $0x4000  }
0x60: {  	[sflag:s17] =	ssyncset.done $0x0  }
0x61: {  	s11 =	simm.s32 $0x100;
	[sflag:s17] =	ssyncadd.s32 $0xFFFFC000  }
0x62: {  	[tilespmem:s20], [sflag:$0x1] =	stream.indirect.gather [hbm4b:s4+s19], $0x80, s11, s19, $0xb8;
	[tilespmem:$0x1D000] =	vst v63  }
0x63: {  	_ =	swait.ge [sflag:s28], $0x4000  }
0x64: {  	[sflag:s28] =	ssyncset.done $0x0  }
0x65: {  	s7 =	simm.s32 $0x480;
	[sflag:s28] =	ssyncadd.s32 $0xFFFFC000  }
0x66: {  	[spmem:s2] =	stream.indirect.scatter.add.f32 [tilespmem:s21], [sflag:$0x5], $0x80, s7, s19, $0xb8;
	[tilespmem:$0x1D000] =	vst v63  }
0x67: {  	_ =	swait.ge [sflag:s17], $0x4000  }
0x68: {  	[sflag:s17] =	ssyncset.done $0x0  }
0x69: {  	s11 =	simm.s32 $0x180;
	[sflag:s17] =	ssyncadd.s32 $0xFFFFC000  }
0x6a: {  	[tilespmem:s21], [sflag:$0x2] =	stream.indirect.gather [hbm4b:s4+s19], $0x80, s11, s19, $0xb8;
	[tilespmem:$0x1D000] =	vst v63  }
0x6b: {  	_ =	swait.ge [sflag:s25], $0x4000  }
0x6c: {  	[sflag:s25] =	ssyncset.done $0x0  }
0x6d: {  	s7 =	simm.s32 $0x500;
	[sflag:s25] =	ssyncadd.s32 $0xFFFFC000  }
0x6e: {  	[spmem:s2] =	stream.indirect.scatter.add.f32 [tilespmem:s20], [sflag:$0x5], $0x80, s7, s19, $0xb8;
	[tilespmem:$0x1D000] =	vst v63  }
0x6f: {  	_ =	swait.ge [sflag:s17], $0x4000  }
0x70: {  	[sflag:s17] =	ssyncset.done $0x0  }
0x71: {  	s11 =	simm.s32 $0x200;
	[sflag:s17] =	ssyncadd.s32 $0xFFFFC000  }
0x72: {  	[tilespmem:s20], [sflag:$0x1] =	stream.indirect.gather [hbm4b:s4+s19], $0x80, s11, s19, $0xb8;
	[tilespmem:$0x1D000] =	vst v63  }
0x73: {  	_ =	swait.ge [sflag:s28], $0x4000  }
0x74: {  	[sflag:s28] =	ssyncset.done $0x0  }
0x75: {  	s7 =	simm.s32 $0x580;
	[sflag:s28] =	ssyncadd.s32 $0xFFFFC000  }
0x76: {  	[spmem:s2] =	stream.indirect.scatter.add.f32 [tilespmem:s21], [sflag:$0x5], $0x80, s7, s19, $0xb8;
	[tilespmem:$0x1D000] =	vst v63  }
0x77: {  	_ =	swait.ge [sflag:s17], $0x4000  }
0x78: {  	[sflag:s17] =	ssyncset.done $0x0  }
0x79: {  	s11 =	simm.s32 $0x280;
	[sflag:s17] =	ssyncadd.s32 $0xFFFFC000  }
0x7a: {  	[tilespmem:s21], [sflag:$0x2] =	stream.indirect.gather [hbm4b:s4+s19], $0x80, s11, s19, $0xb8;
	[tilespmem:$0x1D000] =	vst v63  }
0x7b: {  	_ =	swait.ge [sflag:s25], $0x4000  }
0x7c: {  	[sflag:s25] =	ssyncset.done $0x0  }
0x7d: {  	s7 =	simm.s32 $0x600;
	[sflag:s25] =	ssyncadd.s32 $0xFFFFC000  }
0x7e: {  	[spmem:s2] =	stream.indirect.scatter.add.f32 [tilespmem:s20], [sflag:$0x5], $0x80, s7, s19, $0xb8;
	[tilespmem:$0x1D000] =	vst v63  }
0x7f: {  	_ =	swait.ge [sflag:s17], $0x4000  }
0x80: {  	[sflag:s17] =	ssyncset.done $0x0  }
0x81: {  	s11 =	simm.s32 $0x300;
	[sflag:s17] =	ssyncadd.s32 $0xFFFFC000  }
0x82: {  	[tilespmem:s20], [sflag:$0x1] =	stream.indirect.gather [hbm4b:s4+s19], $0x80, s11, s19, $0xb8;
	[tilespmem:$0x1D000] =	vst v63  }
0x83: {  	_ =	swait.ge [sflag:s28], $0x4000  }
0x84: {  	[sflag:s28] =	ssyncset.done $0x0  }
0x85: {  	s7 =	simm.s32 $0x680;
	[sflag:s28] =	ssyncadd.s32 $0xFFFFC000  }
0x86: {  	[spmem:s2] =	stream.indirect.scatter.add.f32 [tilespmem:s21], [sflag:$0x5], $0x80, s7, s19, $0xb8;
	[tilespmem:$0x1D000] =	vst v63  }
0x87: {  	_ =	swait.ge [sflag:s17], $0x4000  }
0x88: {  	[sflag:s17] =	ssyncset.done $0x0  }
0x89: {  	s11 =	simm.s32 $0x380;
	[sflag:s17] =	ssyncadd.s32 $0xFFFFC000  }
0x8a: {  	[tilespmem:s21], [sflag:$0x2] =	stream.indirect.gather [hbm4b:s4+s19], $0x80, s11, s19, $0xb8;
	[tilespmem:$0x1D000] =	vst v63  }
0x8b: {  	_ =	swait.ge [sflag:s25], $0x4000  }
0x8c: {  	[sflag:s25] =	ssyncset.done $0x0  }
0x8d: {  	s7 =	simm.s32 $0x700;
	[sflag:s25] =	ssyncadd.s32 $0xFFFFC000  }
0x8e: {  	[spmem:s2] =	stream.indirect.scatter.add.f32 [tilespmem:s20], [sflag:$0x5], $0x80, s7, s19, $0xb8;
	[tilespmem:$0x1D000] =	vst v63  }
0x8f: {  	_ =	swait.ge [sflag:s17], $0x4000  }
0x90: {  	[sflag:s17] =	ssyncset.done $0x0  }
0x91: {  	[sflag:s17] =	ssyncadd.s32 $0xFFFFC000  }
0x92: {  	_ =	swait.ge [sflag:s24], $0x400  }
0x93: {  	[sflag:s24] =	ssyncset.done $0x0  }
0x94: {  	[sflag:s24] =	ssyncadd.s32 $0xFFFFFC00  }
0x95: {  	_ =	swait.ge [sflag:s24], $0x400  }
0x96: {  	[sflag:s24] =	ssyncset.done $0x0  }
0x97: {  	[sflag:s24] =	ssyncadd.s32 $0xFFFFFC00  }
0x98: {  	[tilespmem:s20], [sflag:$0x1] =	stream.indirect.gather [hbm4b:s4+s19], $0x80, s22, s19, $0xb8;
	[tilespmem:$0x1D000] =	vst v63  }
0x99: {  	_ =	swait.ge [sflag:s28], $0x4000  }
0x9a: {  	[sflag:s28] =	ssyncset.done $0x0  }
0x9b: {  	s11 =	simm.s32 $0x780;
	[sflag:s28] =	ssyncadd.s32 $0xFFFFC000  }
0x9c: {  	[spmem:s2] =	stream.indirect.scatter.add.f32 [tilespmem:s21], [sflag:$0x5], $0x80, s11, s19, $0xb8;
	[tilespmem:$0x1D000] =	vst v63  }
0x9d: {  	_ =	swait.ge [sflag:s17], $0x4000  }
0x9e: {  	p0 =	seq.s32 s15, $0x0;
	[sflag:s17] =	ssyncset.done $0x0  }
0x9f: {  	s7 =	simm.s32 $0x880;
	s11 =	sadd.s32 @!p0 s15, s8;
	[sflag:s17] =	ssyncadd.s32 $0xFFFFC000  }
0xa0: {  	[tilespmem:s21], [sflag:$0x2] =	stream.indirect.gather [hbm4b:s4+s19], $0x80, s7, s19, $0xb8;
	[tilespmem:$0x1D000] =	vst v63  }
0xa1: {  	s5 =	simm.s32 @!p0 $0x0;
	s11 =	sadd.s32 @!p0 $0x500, s11  }
0xa2: {  	[tilespmem:s5], [sflag:$0x3] =	stream.linear.gather @!p0 [hbm4b:s11+s5], $0x400, $0x38;
	[tilespmem:$0x1D000] =	vst v63  }
0xa3: {  	s11 =	sadd.s32 @!p0 s15, s9  }
0xa4: {  	s7 =	simm.s32 @!p0 $0x400;
	s11 =	sadd.s32 @!p0 $0x500, s11  }
0xa5: {  	[tilespmem:s7], [sflag:$0x3] =	stream.linear.gather @!p0 [hbm4b:s11+s5], $0x400, $0x38;
	[tilespmem:$0x1D000] =	vst v63  }
0xa6: {  	_ =	swait.ge [sflag:s25], $0x4000  }
0xa7: {  	[sflag:s25] =	ssyncset.done $0x0  }
0xa8: {  	[sflag:s25] =	ssyncadd.s32 $0xFFFFC000  }
0xa9: {  	[spmem:s2] =	stream.indirect.scatter.add.f32 [tilespmem:s20], [sflag:$0x5], $0x80, s23, s19, $0xb8;
	[tilespmem:$0x1D000] =	vst v63  }
0xaa: {  	_ =	swait.ge [sflag:s17], $0x4000  }
0xab: {  	[sflag:s17] =	ssyncset.done $0x0  }
0xac: {  	s11 =	simm.s32 $0x900;
	[sflag:s17] =	ssyncadd.s32 $0xFFFFC000  }
0xad: {  	[tilespmem:s20], [sflag:$0x1] =	stream.indirect.gather [hbm4b:s4+s19], $0x80, s11, s19, $0xb8;
	[tilespmem:$0x1D000] =	vst v63  }
0xae: {  	_ =	swait.ge [sflag:s28], $0x4000  }
0xaf: {  	[sflag:s28] =	ssyncset.done $0x0  }
0xb0: {  	[sflag:s28] =	ssyncadd.s32 $0xFFFFC000  }
0xb1: {  	[spmem:s2] =	stream.indirect.scatter.add.f32 [tilespmem:s21], [sflag:$0x5], $0x80, s26, s19, $0xb8;
	[tilespmem:$0x1D000] =	vst v63  }
0xb2: {  	_ =	swait.ge [sflag:s17], $0x4000  }
0xb3: {  	[sflag:s17] =	ssyncset.done $0x0  }
0xb4: {  	[sflag:s17] =	ssyncadd.s32 $0xFFFFC000  }
0xb5: {  	[tilespmem:s21], [sflag:$0x2] =	stream.indirect.gather [hbm4b:s4+s19], $0x80, s18, s19, $0xb8;
	[tilespmem:$0x1D000] =	vst v63  }
0xb6: {  	_ =	swait.ge [sflag:s25], $0x4000  }
0xb7: {  	[sflag:s25] =	ssyncset.done $0x0  }
0xb8: {  	[sflag:s25] =	ssyncadd.s32 $0xFFFFC000  }
0xb9: {  	[spmem:s2] =	stream.indirect.scatter.add.f32 [tilespmem:s20], [sflag:$0x5], $0x80, s29, s19, $0xb8;
	[tilespmem:$0x1D000] =	vst v63  }
0xba: {  	_ =	swait.ge [sflag:s17], $0x4000  }
0xbb: {  	[sflag:s17] =	ssyncset.done $0x0  }
0xbc: {  	[sflag:s17] =	ssyncadd.s32 $0xFFFFC000  }
0xbd: {  	[tilespmem:s20], [sflag:$0x1] =	stream.indirect.gather [hbm4b:s4+s19], $0x80, s30, s19, $0xb8;
	[tilespmem:$0x1D000] =	vst v63  }
0xbe: {  	_ =	swait.ge [sflag:s28], $0x4000  }
0xbf: {  	[sflag:s28] =	ssyncset.done $0x0  }
0xc0: {  	[sflag:s28] =	ssyncadd.s32 $0xFFFFC000  }
0xc1: {  	[spmem:s2] =	stream.indirect.scatter.add.f32 [tilespmem:s21], [sflag:$0x5], $0x80, s31, s19, $0xb8;
	[tilespmem:$0x1D000] =	vst v63  }
0xc2: {  	_ =	swait.ge [sflag:s17], $0x4000  }
0xc3: {  	[sflag:s17] =	ssyncset.done $0x0  }
0xc4: {  	[sflag:s17] =	ssyncadd.s32 $0xFFFFC000  }
0xc5: {  	[tilespmem:s21], [sflag:$0x2] =	stream.indirect.gather [hbm4b:s4+s19], $0x80, s1, s19, $0xb8;
	[tilespmem:$0x1D000] =	vst v63  }
0xc6: {  	_ =	swait.ge [sflag:s25], $0x4000  }
0xc7: {  	[sflag:s25] =	ssyncset.done $0x0  }
0xc8: {  	[sflag:s25] =	ssyncadd.s32 $0xFFFFC000  }
0xc9: {  	[spmem:s2] =	stream.indirect.scatter.add.f32 [tilespmem:s20], [sflag:$0x5], $0x80, s0, s19, $0xb8;
	[tilespmem:$0x1D000] =	vst v63  }
0xca: {  	_ =	swait.ge [sflag:s17], $0x4000  }
0xcb: {  	[sflag:s17] =	ssyncset.done $0x0  }
0xcc: {  	[sflag:s17] =	ssyncadd.s32 $0xFFFFC000  }
0xcd: {  	[tilespmem:s20], [sflag:$0x1] =	stream.indirect.gather [hbm4b:s4+s19], $0x80, s6, s19, $0xb8;
	[tilespmem:$0x1D000] =	vst v63  }
0xce: {  	_ =	swait.ge [sflag:s28], $0x4000  }
0xcf: {  	[sflag:s28] =	ssyncset.done $0x0  }
0xd0: {  	[sflag:s28] =	ssyncadd.s32 $0xFFFFC000  }
0xd1: {  	[spmem:s2] =	stream.indirect.scatter.add.f32 [tilespmem:s21], [sflag:$0x5], $0x80, s10, s19, $0xb8;
	[tilespmem:$0x1D000] =	vst v63  }
0xd2: {  	_ =	swait.ge [sflag:s17], $0x4000  }
0xd3: {  	[sflag:s17] =	ssyncset.done $0x0  }
0xd4: {  	[sflag:s17] =	ssyncadd.s32 $0xFFFFC000  }
0xd5: {  	[tilespmem:s21], [sflag:$0x2] =	stream.indirect.gather [hbm4b:s4+s19], $0x80, s12, s19, $0xb8;
	[tilespmem:$0x1D000] =	vst v63  }
0xd6: {  	_ =	swait.ge [sflag:s25], $0x4000  }
0xd7: {  	[sflag:s25] =	ssyncset.done $0x0  }
.Ltmp2:
0xd8: {  	[sflag:s25] =	ssyncadd.s32 $0xFFFFC000;
	(pc) =	sbr.rel @p0 .LBB2_4-.Ltmp2, $4  }
0xd9: {  	[spmem:s2] =	stream.indirect.scatter.add.f32 [tilespmem:s20], [sflag:$0x5], $0x80, s13, s19, $0xb8;
	[tilespmem:$0x1D000] =	vst v63  }
0xda: {  	_ =	swait.ge [sflag:s17], $0x4000  }
0xdb: {  	[sflag:s17] =	ssyncset.done $0x0  }
0xdc: {  	[sflag:s17] =	ssyncadd.s32 $0xFFFFC000  }
0xdd: {  	_ =	swait.ge [sflag:s16], $0x400  }
0xde: {  	[sflag:s16] =	ssyncset.done $0x0  }
0xdf: {  	[sflag:s16] =	ssyncadd.s32 $0xFFFFFC00  }
0xe0: {  	_ =	swait.ge [sflag:s16], $0x400  }
0xe1: {  	[sflag:s16] =	ssyncset.done $0x0  }
0xe2: {  	[sflag:s16] =	ssyncadd.s32 $0xFFFFFC00  }
0xe3: {  	[tilespmem:s20], [sflag:$0x1] =	stream.indirect.gather [hbm4b:s4+s19], $0x80, s3, s19, $0xb8;
	[tilespmem:$0x1D000] =	vst v63  }
0xe4: {  	_ =	swait.ge [sflag:s28], $0x4000  }
0xe5: {  	[sflag:s28] =	ssyncset.done $0x0  }
0xe6: {  	[sflag:s28] =	ssyncadd.s32 $0xFFFFC000  }
0xe7: {  	[spmem:s2] =	stream.indirect.scatter.add.f32 [tilespmem:s21], [sflag:$0x5], $0x80, s14, s19, $0xb8;
	[tilespmem:$0x1D000] =	vst v63  }
.Ltmp3:
0xe8: {  	_ = 	snop;
	(pc) =	sbr.rel .LBB2_2-.Ltmp3, $4  }
0xe9: {  	_ =	swait.ge [sflag:s17], $0x4000  }
0xea: {  	[sflag:s17] =	ssyncset.done $0x0  }
0xeb: {  	s15 =	sadd.s32 $0x100, s15;
	[sflag:s17] =	ssyncadd.s32 $0xFFFFC000  }
0xec: {  	[tilespmem:s21], [sflag:$0x2] =	stream.indirect.gather [hbm4b:s4+s19], $0x80, s19, s19, $0xb8;
	[tilespmem:$0x1D000] =	vst v63  }
.LBB2_5:
0xed: {  	_ =	sfence.sel $0x180000  }
0xee: {  	[bflag:$0x0] =	sbarrier.arrive $0xFFFF  }
0xef: {  	_ =	strace $0x90000050  }
0xf0: {  	s0 =	stileid.u32;
	[bflag:$0x2] =	sbarrier.arrive $0xFFFF  }
0xf1: {  	p0 =	sne.s32 s0, $0x0;
	s0 =	rddreg [dreg:$0x3]  }
0xf2: {  	s0 =	sadd.s32 @!p0 $0x100000, s0  }
0xf3: {  	[sflag:s0] =	ssyncadd.tile.s32 @!p0 $0x1;
	_ =	shalt  }
.Lfunc_end2:
_tile_overlayer_lowered:
.L_overlay_start_2:
0xf4: {  	(tag) =	ssettag $0x2  }
0xf5: {  	s0 =	rddreg [dreg:$0x0];
	s2 =	stileid.u32  }
0xf6: {  	s1 =	rddreg [dreg:$0x1];
	p0 =	sne.s32 s2, $0x0  }
0xf7: {  	s3 =	rddreg [dreg:$0x2];
	[bflag:$0x3] =	sbarrier.arrive $0xFFFF;
	s2 =	simm.s32 @!p0 $0x1C05  }
0xf8: {  	[timem:s3], [sflag:s2] =	dma.local @!p0 [hbm:s0], s1  }
0xf9: {  	s0 =	simm.s32 @!p0 $0x5  }
0xfa: {  	_ =	swait.ge @!p0 [sflag:s0], s1  }
0xfb: {  	s1 =	ssub.s32 @!p0 $0x0, s1;
	[sflag:s0] =	ssyncset.done @!p0 $0x0  }
0xfc: {  	[sflag:s0] =	ssyncadd.s32 @!p0 s1  }
0xfd: {  	[bflag:$0x3] =	sbarrier.arrive $0xFFFF  }
0xfe: {  	_ =	shalt  }

</sc_bundles>
